<compile_context>
chip_gen: v7x
topology: tpu7x:2x2x1
jax: 0.10.2.dev20260603
libtpu: 0.0.44.dev20260713+nightly
codegen_flags: <defaults>
</compile_context>

<pallas_src>
import functools

import jax
import jax.numpy as jnp
from jax import lax
from jax.experimental import pallas as pl
from jax.experimental.pallas import tpu as pltpu
from jax.experimental.pallas import tpu_sc as plsc

_B = 4096
_T = 200
_D = 32
_BLK = 128
_TT = 8
_NCH = _T // _TT


_V = 1000000
_NBLK = _V // 128
_VTAIL = _V - _NBLK * 128


def _make_shuffle(NC: int, NS: int):
    NW = NC * NS
    PER_W = _NBLK // NW + 1

    mesh = plsc.VectorSubcoreMesh(core_axis_name="c", subcore_axis_name="s")

    @functools.partial(
        pl.kernel,
        mesh=mesh,
        compiler_params=pltpu.CompilerParams(use_tc_tiling_on_sc=True,
                                             needs_layout_passes=False),
        out_type=jax.ShapeDtypeStruct((_NBLK + 1, 32, 128), jnp.float32),
        scratch_types=[
            pltpu.VMEM((6, 32, 128), jnp.float32),
            pltpu.SemaphoreType.DMA((6,)),
            pltpu.SemaphoreType.DMA((6,)),
        ],
    )
    def sk(tT_hbm, tbig_hbm, vbuf, s_i, s_o):
        wid = lax.axis_index("s") * NC + lax.axis_index("c")

        def blk_of(i):
            return wid + NW * i

        def in_cp(i, b):
            return pltpu.make_async_copy(
                tT_hbm.at[:, pl.ds(blk_of(i) * 128, 128)], vbuf.at[b],
                s_i.at[b])

        def out_cp(i, b):
            return pltpu.make_async_copy(
                vbuf.at[b], tbig_hbm.at[blk_of(i)], s_o.at[b])

        for j in range(3):
            @pl.when(blk_of(j) < _NBLK)
            def _():
                in_cp(j, j).start()

        def body(i, carry):
            b = i % 6

            @pl.when(jnp.logical_and(i >= 3, blk_of(i - 3) < _NBLK))
            def _():
                out_cp(i - 3, (i - 3) % 6).wait()

            @pl.when(blk_of(i + 3) < _NBLK)
            def _():
                in_cp(i + 3, (i + 3) % 6).start()

            @pl.when(blk_of(i) < _NBLK)
            def _():
                in_cp(i, b).wait()
                out_cp(i, b).start()

            return carry

        lax.fori_loop(0, PER_W, body, 0)
        for i in (PER_W - 3, PER_W - 2, PER_W - 1):
            @pl.when(blk_of(i) < _NBLK)
            def _():
                out_cp(i, i % 6).wait()

    return sk


def _make_untile(NC: int, NS: int):
    NW = NC * NS
    PER_W = _NBLK // NW + 1

    mesh = plsc.VectorSubcoreMesh(core_axis_name="c", subcore_axis_name="s")

    @functools.partial(
        pl.kernel,
        mesh=mesh,
        compiler_params=pltpu.CompilerParams(use_tc_tiling_on_sc=False,
                                             needs_layout_passes=False),
        out_type=jax.ShapeDtypeStruct((_V // 4, 128), jnp.float32),
        scratch_types=[
            pltpu.VMEM((3, 32, 129), jnp.float32),
            pltpu.VMEM((3, 32, 128), jnp.float32),
            pltpu.SemaphoreType.DMA((3,)),
            pltpu.SemaphoreType.DMA((3,)),
        ],
    )
    def tk(tbig_hbm, ttail_hbm, tlin_hbm, sbuf, obuf, s_i, s_o):
        wid = lax.axis_index("s") * NC + lax.axis_index("c")
        lane = lax.iota(jnp.int32, 16)

        def blk_of(i):
            return wid + NW * i

        def in_cp(i, b):
            return pltpu.make_async_copy(
                tbig_hbm.at[blk_of(i)], sbuf.at[b, :, pl.ds(0, 128)],
                s_i.at[b])

        def out_cp(i, b):
            return pltpu.make_async_copy(
                obuf.at[b], tlin_hbm.at[pl.ds(blk_of(i) * 32, 32), :],
                s_o.at[b])

        def repack(b_in, b_out):
            sb = sbuf.at[b_in]

            @plsc.parallel_loop(0, 32 * 8, unroll=8)
            def _(kk):
                r = kk >> 3
                h = kk & 7
                rows = lane + (h & 1) * 16
                col = jnp.zeros((16,), jnp.int32) + (4 * r + (h >> 1))
                v = plsc.load_gather(sb, [rows, col])
                obuf[b_out, r, pl.ds(h * 16, 16)] = v

        for j in range(2):
            @pl.when(blk_of(j) < _NBLK)
            def _():
                in_cp(j, j).start()

        def body(i, carry):
            b = i % 3

            @pl.when(blk_of(i + 2) < _NBLK)
            def _():
                in_cp(i + 2, (i + 2) % 3).start()

            @pl.when(blk_of(i) < _NBLK)
            def _():
                in_cp(i, b).wait()

                @pl.when(i >= 3)
                def _():
                    out_cp(i - 3, i % 3).wait()

                repack(b, i % 3)
                out_cp(i, i % 3).start()

            return carry

        lax.fori_loop(0, PER_W, body, 0)
        for i in (PER_W - 4, PER_W - 3, PER_W - 2, PER_W - 1):
            @pl.when(jnp.logical_and(blk_of(i) < _NBLK,
                                     blk_of(i + 3) >= _NBLK))
            def _():
                out_cp(i, i % 3).wait()

        @pl.when(wid == NW - 1)
        def _():
            pltpu.sync_copy(ttail_hbm, obuf.at[0, pl.ds(0, 16), :])
            pltpu.sync_copy(obuf.at[0, pl.ds(0, 16), :],
                            tlin_hbm.at[pl.ds(_NBLK * 32, 16), :])

    return tk


def _make_kernel(NC: int, NS: int):
    NW = NC * NS
    assert _B // NW == _BLK

    mesh = plsc.VectorSubcoreMesh(core_axis_name="c", subcore_axis_name="s")

    @functools.partial(
        pl.kernel,
        mesh=mesh,
        compiler_params=pltpu.CompilerParams(use_tc_tiling_on_sc=False,
                                             needs_layout_passes=False),
        out_type=jax.ShapeDtypeStruct((_T, _D // 8, _B // _BLK, 8, _BLK),
                                      jnp.float32),
        scratch_types=[
            pltpu.VMEM((3, _BLK, _TT), jnp.int32),
            pltpu.VMEM((3, _TT * _BLK), jnp.int32),
            pltpu.VMEM((3, _TT * _BLK, _D), jnp.float32),
            pltpu.VMEM((4, _D // 8, 8, _BLK + 1), jnp.float32),
            pltpu.SemaphoreType.DMA((3,)),
            pltpu.SemaphoreType.DMA((4,)),
        ],
    )
    def k(x_hbm, table_hbm, out_hbm, idxc, sl, gbuf, obuf, s_g, s_o):
        wid = lax.axis_index("s") * NC + lax.axis_index("c")
        lane = lax.iota(jnp.int32, 16)

        def prep_chunk(c, b):
            pltpu.sync_copy(
                x_hbm.at[pl.ds(wid * _BLK, _BLK), pl.ds(c * _TT, _TT)],
                idxc.at[b])

            @plsc.parallel_loop(0, _TT * 8, unroll=8)
            def _(kk):
                bi = lane + (kk & 7) * 16
                tv = jnp.zeros((16,), jnp.int32) + (kk >> 3)
                v = plsc.load_gather(idxc.at[b], [bi, tv])
                sl[b, pl.ds(kk * 16, 16)] = v

        def start_gather(b):
            return pltpu.async_copy(
                table_hbm.at[sl.at[b]], gbuf.at[b], s_g.at[b])

        def wait_gather(b):
            pltpu.make_async_copy(
                table_hbm.at[sl.at[b]], gbuf.at[b], s_g.at[b]).wait()

        g0 = lane >> 3
        di0 = lane & 7
        g1 = g0 + 2

        def repack_store(c, b):
            for tt in range(_TT):
                t = c * _TT + tt
                p = tt % 4

                @pl.when(c * _TT + tt >= 4)
                def _():
                    pltpu.make_async_copy(
                        obuf.at[p, :, :, pl.ds(0, _BLK)],
                        out_hbm.at[t, :, wid, :, :], s_o.at[p]).wait()

                ob = obuf.at[p]

                @plsc.parallel_loop(0, _BLK, unroll=8)
                def _(bi):
                    row = tt * _BLK + bi
                    bv = jnp.zeros((16,), jnp.int32) + bi
                    v0 = gbuf[b, row, pl.ds(0, 16)]
                    v1 = gbuf[b, row, pl.ds(16, 16)]
                    plsc.store_scatter(ob, [g0, di0, bv], v0)
                    plsc.store_scatter(ob, [g1, di0, bv], v1)

                pltpu.async_copy(
                    obuf.at[p, :, :, pl.ds(0, _BLK)],
                    out_hbm.at[t, :, wid, :, :], s_o.at[p])

        prep_chunk(0, 0)
        start_gather(0)
        prep_chunk(1, 1)
        start_gather(1)

        def body(c, carry):
            b = c % 3
            b2 = (c + 2) % 3
            wait_gather(b)

            @pl.when(c + 2 < _NCH)
            def _():
                prep_chunk(c + 2, b2)
                start_gather(b2)

            repack_store(c, b)
            return carry

        lax.fori_loop(0, _NCH, body, 0)
        for t in (_T - 4, _T - 3, _T - 2, _T - 1):
            pltpu.make_async_copy(
                obuf.at[t % 4, :, :, pl.ds(0, _BLK)],
                out_hbm.at[t, :, wid, :, :], s_o.at[t % 4]).wait()

    return k


def kernel(x, table):
    info = plsc.get_sparse_core_info()
    sk = _make_shuffle(info.num_cores, info.num_subcores)
    tk = _make_untile(info.num_cores, info.num_subcores)
    k = _make_kernel(info.num_cores, info.num_subcores)
    tbig = sk(table.T)
    ttail = table[_NBLK * 128:].reshape(16, 128)
    tlin = tk(tbig, ttail).reshape(_V, _D)
    out5 = k(x, tlin)
    return out5.transpose((2, 4, 0, 1, 3)).reshape(_B, _T, _D)

# --- scband reference (transcript-rebuilt; emitter-appended) ---
"""Pipeline reference for scband-token-embedding-14559939134126 (READ-ONLY COPY).

The authoritative reference and input builder live on the scoring server;
editing this copy changes nothing except your own understanding.
"""

import jax, jax.numpy as jnp
import numpy as np

VOCAB = 1000000
DIM = 32

def setup_inputs(seed: int = 0) -> dict:
    key = jax.random.key(seed)
    k1, k2 = jax.random.split(key)
    x = jax.random.randint(k1, (4096, 200), 0, VOCAB, dtype=jnp.int64 if jax.config.read('jax_enable_x64') else jnp.int32)
    table = jax.random.normal(k2, (VOCAB, DIM), dtype=jnp.float32)
    return {"x": x, "table": table}

def reference(x, table):
    # nn.Embedding forward: gather rows of the embedding table
    return jnp.take(table, x, axis=0)

if __name__ == "__main__":
    import jax
    _d = setup_inputs()
    print(jax.jit(kernel)(*tuple(_d.values())))

</pallas_src>

<mosaic_0001>
#map = affine_map<(d0, d1) -> (0, 0, 0)>
#map1 = affine_map<(d0, d1) -> (0, 0)>
module attributes {stable_mosaic.version = 14 : i64} {
  func.func @tk(%arg0: i32, %arg1: i32, %arg2: memref<7813x32x128xf32, #tpu.memory_space<hbm>>, %arg3: memref<16x128xf32, #tpu.memory_space<hbm>>, %arg4: memref<250000x128xf32, #tpu.memory_space<hbm>>, %arg5: memref<3x32x129xf32, #tpu.memory_space<vmem>>, %arg6: memref<3x32x128xf32, #tpu.memory_space<vmem>>, %arg7: memref<3x!tpu.dma_semaphore, #tpu.memory_space<semaphore_mem>>, %arg8: memref<3x!tpu.dma_semaphore, #tpu.memory_space<semaphore_mem>>) attributes {dimension_semantics = [#tpu.dimension_semantics<core_parallel>, #tpu.dimension_semantics<subcore_parallel>], iteration_bounds = array<i64: 2, 16>, scalar_prefetch = 0 : i64, scratch_operands = 4 : i64, tpu.core_type = #tpu.core_type<sc_vector_subcore>, window_params = [{transform_indices = #map}, {transform_indices = #map1}, {transform_indices = #map1}]} {
    %mul3A = arith.constant 2 : i32
    %mul3A_0 = arith.muli %arg1, %mul3A : i32
    %add3A = arith.addi %mul3A_0, %arg0 : i32
    %iota3A = tpu.iota {dimensions = array<i32: 0>} : vector<16xi32>
    %add3A_1 = arith.constant 0 : i32
    %add3A_2 = arith.addi %add3A, %add3A_1 : i32
    %lt3A = arith.constant 7812 : i32
    %lt3A_3 = arith.cmpi slt, %add3A_2, %lt3A : i32
    %convert_element_type3A = arith.extui %lt3A_3 : i1 to i32
    %cond3A = arith.constant 0 : i32
    %cond3A_4 = arith.cmpi ne, %convert_element_type3A, %cond3A : i32
    scf.if %cond3A_4 {
      %add3A_67 = arith.constant 0 : i32
      %add3A_68 = arith.addi %add3A, %add3A_67 : i32
      %dma_start3A = arith.constant 0 : i32
      %dma_start3A_69 = arith.constant 0 : i32
      %dma_start3A_70 = arith.constant 0 : i32
      %dma_start3A_71 = arith.constant 0 : i32
      %dma_start3A_72 = tpu.memref_slice %arg5[%dma_start3A, %dma_start3A_70, %dma_start3A_71] : memref<3x32x129xf32, #tpu.memory_space<vmem>> -> memref<1x32x128xf32, #tpu.memory_space<vmem>>
      %dma_start3A_73 = tpu.memref_squeeze %dma_start3A_72 : memref<1x32x128xf32, #tpu.memory_space<vmem>> -> memref<32x128xf32, #tpu.memory_space<vmem>>
      %dma_start3A_74 = arith.constant 0 : i32
      %dma_start3A_75 = arith.constant 0 : i32
      %dma_start3A_76 = tpu.memref_slice %arg2[%add3A_68, %dma_start3A_74, %dma_start3A_75] : memref<7813x32x128xf32, #tpu.memory_space<hbm>> -> memref<1x32x128xf32, #tpu.memory_space<hbm>>
      %dma_start3A_77 = tpu.memref_squeeze %dma_start3A_76 : memref<1x32x128xf32, #tpu.memory_space<hbm>> -> memref<32x128xf32, #tpu.memory_space<hbm>>
      %dma_start3A_78 = tpu.memref_slice %arg7[%dma_start3A_69] : memref<3x!tpu.dma_semaphore, #tpu.memory_space<semaphore_mem>> -> memref<1x!tpu.dma_semaphore, #tpu.memory_space<semaphore_mem>>
      %dma_start3A_79 = tpu.memref_squeeze %dma_start3A_78 : memref<1x!tpu.dma_semaphore, #tpu.memory_space<semaphore_mem>> -> memref<!tpu.dma_semaphore, #tpu.memory_space<semaphore_mem>>
      %dma_start3A_80 = arith.constant 0 : i32
      %dma_start3A_81 = arith.constant 0 : i32
      %dma_start3A_82 = tpu.memref_slice %arg5[%dma_start3A, %dma_start3A_80, %dma_start3A_81] : memref<3x32x129xf32, #tpu.memory_space<vmem>> -> memref<1x32x128xf32, #tpu.memory_space<vmem>>
      %dma_start3A_83 = tpu.memref_squeeze %dma_start3A_82 : memref<1x32x128xf32, #tpu.memory_space<vmem>> -> memref<32x128xf32, #tpu.memory_space<vmem>>
      %dma_start3A_84 = arith.constant 0 : i32
      %dma_start3A_85 = arith.constant 0 : i32
      %dma_start3A_86 = tpu.memref_slice %arg2[%add3A_68, %dma_start3A_84, %dma_start3A_85] : memref<7813x32x128xf32, #tpu.memory_space<hbm>> -> memref<1x32x128xf32, #tpu.memory_space<hbm>>
      %dma_start3A_87 = tpu.memref_squeeze %dma_start3A_86 : memref<1x32x128xf32, #tpu.memory_space<hbm>> -> memref<32x128xf32, #tpu.memory_space<hbm>>
      tpu.enqueue_dma source(%dma_start3A_87 : memref<32x128xf32, #tpu.memory_space<hbm>>) target(%dma_start3A_83 : memref<32x128xf32, #tpu.memory_space<vmem>>) target_semaphore(%dma_start3A_79 : memref<!tpu.dma_semaphore, #tpu.memory_space<semaphore_mem>>)
    } else {
    }
    %add3A_5 = arith.constant 32 : i32
    %add3A_6 = arith.addi %add3A, %add3A_5 : i32
    %lt3A_7 = arith.constant 7812 : i32
    %lt3A_8 = arith.cmpi slt, %add3A_6, %lt3A_7 : i32
    %convert_element_type3A_9 = arith.extui %lt3A_8 : i1 to i32
    %cond3A_10 = arith.constant 0 : i32
    %cond3A_11 = arith.cmpi ne, %convert_element_type3A_9, %cond3A_10 : i32
    scf.if %cond3A_11 {
      %add3A_67 = arith.constant 32 : i32
      %add3A_68 = arith.addi %add3A, %add3A_67 : i32
      %dma_start3A = arith.constant 1 : i32
      %dma_start3A_69 = arith.constant 1 : i32
      %dma_start3A_70 = arith.constant 0 : i32
      %dma_start3A_71 = arith.constant 0 : i32
      %dma_start3A_72 = tpu.memref_slice %arg5[%dma_start3A, %dma_start3A_70, %dma_start3A_71] : memref<3x32x129xf32, #tpu.memory_space<vmem>> -> memref<1x32x128xf32, #tpu.memory_space<vmem>>
      %dma_start3A_73 = tpu.memref_squeeze %dma_start3A_72 : memref<1x32x128xf32, #tpu.memory_space<vmem>> -> memref<32x128xf32, #tpu.memory_space<vmem>>
      %dma_start3A_74 = arith.constant 0 : i32
      %dma_start3A_75 = arith.constant 0 : i32
      %dma_start3A_76 = tpu.memref_slice %arg2[%add3A_68, %dma_start3A_74, %dma_start3A_75] : memref<7813x32x128xf32, #tpu.memory_space<hbm>> -> memref<1x32x128xf32, #tpu.memory_space<hbm>>
      %dma_start3A_77 = tpu.memref_squeeze %dma_start3A_76 : memref<1x32x128xf32, #tpu.memory_space<hbm>> -> memref<32x128xf32, #tpu.memory_space<hbm>>
      %dma_start3A_78 = tpu.memref_slice %arg7[%dma_start3A_69] : memref<3x!tpu.dma_semaphore, #tpu.memory_space<semaphore_mem>> -> memref<1x!tpu.dma_semaphore, #tpu.memory_space<semaphore_mem>>
      %dma_start3A_79 = tpu.memref_squeeze %dma_start3A_78 : memref<1x!tpu.dma_semaphore, #tpu.memory_space<semaphore_mem>> -> memref<!tpu.dma_semaphore, #tpu.memory_space<semaphore_mem>>
      %dma_start3A_80 = arith.constant 0 : i32
      %dma_start3A_81 = arith.constant 0 : i32
      %dma_start3A_82 = tpu.memref_slice %arg5[%dma_start3A, %dma_start3A_80, %dma_start3A_81] : memref<3x32x129xf32, #tpu.memory_space<vmem>> -> memref<1x32x128xf32, #tpu.memory_space<vmem>>
      %dma_start3A_83 = tpu.memref_squeeze %dma_start3A_82 : memref<1x32x128xf32, #tpu.memory_space<vmem>> -> memref<32x128xf32, #tpu.memory_space<vmem>>
      %dma_start3A_84 = arith.constant 0 : i32
      %dma_start3A_85 = arith.constant 0 : i32
      %dma_start3A_86 = tpu.memref_slice %arg2[%add3A_68, %dma_start3A_84, %dma_start3A_85] : memref<7813x32x128xf32, #tpu.memory_space<hbm>> -> memref<1x32x128xf32, #tpu.memory_space<hbm>>
      %dma_start3A_87 = tpu.memref_squeeze %dma_start3A_86 : memref<1x32x128xf32, #tpu.memory_space<hbm>> -> memref<32x128xf32, #tpu.memory_space<hbm>>
      tpu.enqueue_dma source(%dma_start3A_87 : memref<32x128xf32, #tpu.memory_space<hbm>>) target(%dma_start3A_83 : memref<32x128xf32, #tpu.memory_space<vmem>>) target_semaphore(%dma_start3A_79 : memref<!tpu.dma_semaphore, #tpu.memory_space<semaphore_mem>>)
    } else {
    }
    %scan3A = arith.constant 0 : i32
    %scan3A_12 = arith.constant 0 : i32
    %scan3A_13 = arith.constant 245 : i32
    %scan3A_14 = arith.addi %scan3A_12, %scan3A_13 : i32
    %scan3A_15 = arith.constant 1 : i32
    scf.for %scan3A_67 = %scan3A_12 to %scan3A_14 step %scan3A_15  : i32 {
      %jit3A = arith.constant 3 : i32
      %eq3A_68 = arith.constant 0 : i32
      %eq3A_69 = arith.cmpi eq, %jit3A, %eq3A_68 : i32
      %jit3A_70 = arith.constant 1 : i32
      %select_n3A = arith.select %eq3A_69, %jit3A_70, %jit3A : i32
      %rem3A = arith.remsi %scan3A_67, %select_n3A : i32
      %ne3A = arith.constant 0 : i32
      %ne3A_71 = arith.cmpi ne, %rem3A, %ne3A : i32
      %lt3A_72 = arith.constant 0 : i32
      %lt3A_73 = arith.cmpi slt, %rem3A, %lt3A_72 : i32
      %lt3A_74 = arith.constant 0 : i32
      %lt3A_75 = arith.cmpi slt, %select_n3A, %lt3A_74 : i32
      %ne3A_76 = arith.xori %lt3A_73, %lt3A_75 : i1
      %and3A_77 = arith.andi %ne3A_76, %ne3A_71 : i1
      %add3A_78 = arith.addi %rem3A, %select_n3A : i32
      %select_n3A_79 = arith.select %and3A_77, %add3A_78, %rem3A : i32
      %add3A_80 = arith.constant 2 : i32
      %add3A_81 = arith.addi %scan3A_67, %add3A_80 : i32
      %mul3A_82 = arith.constant 32 : i32
      %mul3A_83 = arith.muli %mul3A_82, %add3A_81 : i32
      %add3A_84 = arith.addi %add3A, %mul3A_83 : i32
      %lt3A_85 = arith.constant 7812 : i32
      %lt3A_86 = arith.cmpi slt, %add3A_84, %lt3A_85 : i32
      %convert_element_type3A_87 = arith.extui %lt3A_86 : i1 to i32
      %cond3A_88 = arith.constant 0 : i32
      %cond3A_89 = arith.cmpi ne, %convert_element_type3A_87, %cond3A_88 : i32
      scf.if %cond3A_89 {
        %add3A_98 = arith.constant 2 : i32
        %add3A_99 = arith.addi %scan3A_67, %add3A_98 : i32
        %add3A_100 = arith.constant 2 : i32
        %add3A_101 = arith.addi %scan3A_67, %add3A_100 : i32
        %jit3A_102 = arith.constant 3 : i32
        %eq3A_103 = arith.constant 0 : i32
        %eq3A_104 = arith.cmpi eq, %jit3A_102, %eq3A_103 : i32
        %jit3A_105 = arith.constant 1 : i32
        %select_n3A_106 = arith.select %eq3A_104, %jit3A_105, %jit3A_102 : i32
        %rem3A_107 = arith.remsi %add3A_101, %select_n3A_106 : i32
        %ne3A_108 = arith.constant 0 : i32
        %ne3A_109 = arith.cmpi ne, %rem3A_107, %ne3A_108 : i32
        %lt3A_110 = arith.constant 0 : i32
        %lt3A_111 = arith.cmpi slt, %rem3A_107, %lt3A_110 : i32
        %lt3A_112 = arith.constant 0 : i32
        %lt3A_113 = arith.cmpi slt, %select_n3A_106, %lt3A_112 : i32
        %ne3A_114 = arith.xori %lt3A_111, %lt3A_113 : i1
        %and3A_115 = arith.andi %ne3A_114, %ne3A_109 : i1
        %add3A_116 = arith.addi %rem3A_107, %select_n3A_106 : i32
        %select_n3A_117 = arith.select %and3A_115, %add3A_116, %rem3A_107 : i32
        %mul3A_118 = arith.constant 32 : i32
        %mul3A_119 = arith.muli %mul3A_118, %add3A_99 : i32
        %add3A_120 = arith.addi %add3A, %mul3A_119 : i32
        %dma_start3A = arith.constant 0 : i32
        %dma_start3A_121 = arith.constant 0 : i32
        %dma_start3A_122 = tpu.memref_slice %arg5[%select_n3A_117, %dma_start3A, %dma_start3A_121] : memref<3x32x129xf32, #tpu.memory_space<vmem>> -> memref<1x32x128xf32, #tpu.memory_space<vmem>>
        %dma_start3A_123 = tpu.memref_squeeze %dma_start3A_122 : memref<1x32x128xf32, #tpu.memory_space<vmem>> -> memref<32x128xf32, #tpu.memory_space<vmem>>
        %dma_start3A_124 = arith.constant 0 : i32
        %dma_start3A_125 = arith.constant 0 : i32
        %dma_start3A_126 = tpu.memref_slice %arg2[%add3A_120, %dma_start3A_124, %dma_start3A_125] : memref<7813x32x128xf32, #tpu.memory_space<hbm>> -> memref<1x32x128xf32, #tpu.memory_space<hbm>>
        %dma_start3A_127 = tpu.memref_squeeze %dma_start3A_126 : memref<1x32x128xf32, #tpu.memory_space<hbm>> -> memref<32x128xf32, #tpu.memory_space<hbm>>
        %dma_start3A_128 = tpu.memref_slice %arg7[%select_n3A_117] : memref<3x!tpu.dma_semaphore, #tpu.memory_space<semaphore_mem>> -> memref<1x!tpu.dma_semaphore, #tpu.memory_space<semaphore_mem>>
        %dma_start3A_129 = tpu.memref_squeeze %dma_start3A_128 : memref<1x!tpu.dma_semaphore, #tpu.memory_space<semaphore_mem>> -> memref<!tpu.dma_semaphore, #tpu.memory_space<semaphore_mem>>
        %dma_start3A_130 = arith.constant 0 : i32
        %dma_start3A_131 = arith.constant 0 : i32
        %dma_start3A_132 = tpu.memref_slice %arg5[%select_n3A_117, %dma_start3A_130, %dma_start3A_131] : memref<3x32x129xf32, #tpu.memory_space<vmem>> -> memref<1x32x128xf32, #tpu.memory_space<vmem>>
        %dma_start3A_133 = tpu.memref_squeeze %dma_start3A_132 : memref<1x32x128xf32, #tpu.memory_space<vmem>> -> memref<32x128xf32, #tpu.memory_space<vmem>>
        %dma_start3A_134 = arith.constant 0 : i32
        %dma_start3A_135 = arith.constant 0 : i32
        %dma_start3A_136 = tpu.memref_slice %arg2[%add3A_120, %dma_start3A_134, %dma_start3A_135] : memref<7813x32x128xf32, #tpu.memory_space<hbm>> -> memref<1x32x128xf32, #tpu.memory_space<hbm>>
        %dma_start3A_137 = tpu.memref_squeeze %dma_start3A_136 : memref<1x32x128xf32, #tpu.memory_space<hbm>> -> memref<32x128xf32, #tpu.memory_space<hbm>>
        tpu.enqueue_dma source(%dma_start3A_137 : memref<32x128xf32, #tpu.memory_space<hbm>>) target(%dma_start3A_133 : memref<32x128xf32, #tpu.memory_space<vmem>>) target_semaphore(%dma_start3A_129 : memref<!tpu.dma_semaphore, #tpu.memory_space<semaphore_mem>>)
      } else {
      }
      %mul3A_90 = arith.constant 32 : i32
      %mul3A_91 = arith.muli %mul3A_90, %scan3A_67 : i32
      %add3A_92 = arith.addi %add3A, %mul3A_91 : i32
      %lt3A_93 = arith.constant 7812 : i32
      %lt3A_94 = arith.cmpi slt, %add3A_92, %lt3A_93 : i32
      %convert_element_type3A_95 = arith.extui %lt3A_94 : i1 to i32
      %cond3A_96 = arith.constant 0 : i32
      %cond3A_97 = arith.cmpi ne, %convert_element_type3A_95, %cond3A_96 : i32
      scf.if %cond3A_97 {
        %mul3A_98 = arith.constant 32 : i32
        %mul3A_99 = arith.muli %mul3A_98, %scan3A_67 : i32
        %add3A_100 = arith.addi %add3A, %mul3A_99 : i32
        %dma_wait3A = arith.constant 0 : i32
        %dma_wait3A_101 = arith.constant 0 : i32
        %dma_wait3A_102 = tpu.memref_slice %arg5[%select_n3A_79, %dma_wait3A, %dma_wait3A_101] : memref<3x32x129xf32, #tpu.memory_space<vmem>> -> memref<1x32x128xf32, #tpu.memory_space<vmem>>
        %dma_wait3A_103 = tpu.memref_squeeze %dma_wait3A_102 : memref<1x32x128xf32, #tpu.memory_space<vmem>> -> memref<32x128xf32, #tpu.memory_space<vmem>>
        %dma_wait3A_104 = arith.constant 0 : i32
        %dma_wait3A_105 = arith.constant 0 : i32
        %dma_wait3A_106 = tpu.memref_slice %arg2[%add3A_100, %dma_wait3A_104, %dma_wait3A_105] : memref<7813x32x128xf32, #tpu.memory_space<hbm>> -> memref<1x32x128xf32, #tpu.memory_space<hbm>>
        %dma_wait3A_107 = tpu.memref_squeeze %dma_wait3A_106 : memref<1x32x128xf32, #tpu.memory_space<hbm>> -> memref<32x128xf32, #tpu.memory_space<hbm>>
        %dma_wait3A_108 = tpu.memref_slice %arg7[%select_n3A_79] : memref<3x!tpu.dma_semaphore, #tpu.memory_space<semaphore_mem>> -> memref<1x!tpu.dma_semaphore, #tpu.memory_space<semaphore_mem>>
        %dma_wait3A_109 = tpu.memref_squeeze %dma_wait3A_108 : memref<1x!tpu.dma_semaphore, #tpu.memory_space<semaphore_mem>> -> memref<!tpu.dma_semaphore, #tpu.memory_space<semaphore_mem>>
        %dma_wait3A_110 = arith.constant 0 : i32
        %dma_wait3A_111 = arith.constant 0 : i32
        %dma_wait3A_112 = tpu.memref_slice %arg5[%select_n3A_79, %dma_wait3A_110, %dma_wait3A_111] : memref<3x32x129xf32, #tpu.memory_space<vmem>> -> memref<1x32x128xf32, #tpu.memory_space<vmem>>
        %dma_wait3A_113 = tpu.memref_squeeze %dma_wait3A_112 : memref<1x32x128xf32, #tpu.memory_space<vmem>> -> memref<32x128xf32, #tpu.memory_space<vmem>>
        %dma_wait3A_114 = arith.constant 0 : i32
        %dma_wait3A_115 = arith.constant 0 : i32
        %dma_wait3A_116 = tpu.memref_slice %arg2[%add3A_100, %dma_wait3A_114, %dma_wait3A_115] : memref<7813x32x128xf32, #tpu.memory_space<hbm>> -> memref<1x32x128xf32, #tpu.memory_space<hbm>>
        %dma_wait3A_117 = tpu.memref_squeeze %dma_wait3A_116 : memref<1x32x128xf32, #tpu.memory_space<hbm>> -> memref<32x128xf32, #tpu.memory_space<hbm>>
        tpu.wait_dma2 semaphore(%dma_wait3A_109 : memref<!tpu.dma_semaphore, #tpu.memory_space<semaphore_mem>>) src(%dma_wait3A_117 : memref<32x128xf32, #tpu.memory_space<hbm>>) dst(%dma_wait3A_113 : memref<32x128xf32, #tpu.memory_space<vmem>>)
        %ge3A_118 = arith.constant 3 : i32
        %ge3A_119 = arith.cmpi sge, %scan3A_67, %ge3A_118 : i32
        %convert_element_type3A_120 = arith.extui %ge3A_119 : i1 to i32
        %cond3A_121 = arith.constant 0 : i32
        %cond3A_122 = arith.cmpi ne, %convert_element_type3A_120, %cond3A_121 : i32
        scf.if %cond3A_122 {
          %sub3A = arith.constant 3 : i32
          %sub3A_175 = arith.subi %scan3A_67, %sub3A : i32
          %jit3A_176 = arith.constant 3 : i32
          %eq3A_177 = arith.constant 0 : i32
          %eq3A_178 = arith.cmpi eq, %jit3A_176, %eq3A_177 : i32
          %jit3A_179 = arith.constant 1 : i32
          %select_n3A_180 = arith.select %eq3A_178, %jit3A_179, %jit3A_176 : i32
          %rem3A_181 = arith.remsi %scan3A_67, %select_n3A_180 : i32
          %ne3A_182 = arith.constant 0 : i32
          %ne3A_183 = arith.cmpi ne, %rem3A_181, %ne3A_182 : i32
          %lt3A_184 = arith.constant 0 : i32
          %lt3A_185 = arith.cmpi slt, %rem3A_181, %lt3A_184 : i32
          %lt3A_186 = arith.constant 0 : i32
          %lt3A_187 = arith.cmpi slt, %select_n3A_180, %lt3A_186 : i32
          %ne3A_188 = arith.xori %lt3A_185, %lt3A_187 : i1
          %and3A_189 = arith.andi %ne3A_188, %ne3A_183 : i1
          %add3A_190 = arith.addi %rem3A_181, %select_n3A_180 : i32
          %select_n3A_191 = arith.select %and3A_189, %add3A_190, %rem3A_181 : i32
          %mul3A_192 = arith.constant 32 : i32
          %mul3A_193 = arith.muli %mul3A_192, %sub3A_175 : i32
          %add3A_194 = arith.addi %add3A, %mul3A_193 : i32
          %mul3A_195 = arith.constant 32 : i32
          %mul3A_196 = arith.muli %add3A_194, %mul3A_195 : i32
          %dma_wait3A_197 = arith.constant 0 : i32
          %dma_wait3A_198 = arith.constant 0 : i32
          %dma_wait3A_199 = tpu.memref_slice %arg6[%select_n3A_191, %dma_wait3A_197, %dma_wait3A_198] : memref<3x32x128xf32, #tpu.memory_space<vmem>> -> memref<1x32x128xf32, #tpu.memory_space<vmem>>
          %dma_wait3A_200 = tpu.memref_squeeze %dma_wait3A_199 : memref<1x32x128xf32, #tpu.memory_space<vmem>> -> memref<32x128xf32, #tpu.memory_space<vmem>>
          %dma_wait3A_201 = arith.constant 0 : i32
          %dma_wait3A_202 = tpu.memref_slice %arg4[%mul3A_196, %dma_wait3A_201] : memref<250000x128xf32, #tpu.memory_space<hbm>> -> memref<32x128xf32, #tpu.memory_space<hbm>>
          %dma_wait3A_203 = tpu.memref_slice %arg8[%select_n3A_191] : memref<3x!tpu.dma_semaphore, #tpu.memory_space<semaphore_mem>> -> memref<1x!tpu.dma_semaphore, #tpu.memory_space<semaphore_mem>>
          %dma_wait3A_204 = tpu.memref_squeeze %dma_wait3A_203 : memref<1x!tpu.dma_semaphore, #tpu.memory_space<semaphore_mem>> -> memref<!tpu.dma_semaphore, #tpu.memory_space<semaphore_mem>>
          %dma_wait3A_205 = arith.constant 0 : i32
          %dma_wait3A_206 = tpu.memref_slice %arg4[%mul3A_196, %dma_wait3A_205] : memref<250000x128xf32, #tpu.memory_space<hbm>> -> memref<32x128xf32, #tpu.memory_space<hbm>>
          %dma_wait3A_207 = arith.constant 0 : i32
          %dma_wait3A_208 = arith.constant 0 : i32
          %dma_wait3A_209 = tpu.memref_slice %arg6[%select_n3A_191, %dma_wait3A_207, %dma_wait3A_208] : memref<3x32x128xf32, #tpu.memory_space<vmem>> -> memref<1x32x128xf32, #tpu.memory_space<vmem>>
          %dma_wait3A_210 = tpu.memref_squeeze %dma_wait3A_209 : memref<1x32x128xf32, #tpu.memory_space<vmem>> -> memref<32x128xf32, #tpu.memory_space<vmem>>
          tpu.wait_dma2 semaphore(%dma_wait3A_204 : memref<!tpu.dma_semaphore, #tpu.memory_space<semaphore_mem>>) src(%dma_wait3A_210 : memref<32x128xf32, #tpu.memory_space<vmem>>) dst(%dma_wait3A_206 : memref<32x128xf32, #tpu.memory_space<hbm>>)
        } else {
        }
        %jit3A_123 = arith.constant 3 : i32
        %eq3A_124 = arith.constant 0 : i32
        %eq3A_125 = arith.cmpi eq, %jit3A_123, %eq3A_124 : i32
        %jit3A_126 = arith.constant 1 : i32
        %select_n3A_127 = arith.select %eq3A_125, %jit3A_126, %jit3A_123 : i32
        %rem3A_128 = arith.remsi %scan3A_67, %select_n3A_127 : i32
        %ne3A_129 = arith.constant 0 : i32
        %ne3A_130 = arith.cmpi ne, %rem3A_128, %ne3A_129 : i32
        %lt3A_131 = arith.constant 0 : i32
        %lt3A_132 = arith.cmpi slt, %rem3A_128, %lt3A_131 : i32
        %lt3A_133 = arith.constant 0 : i32
        %lt3A_134 = arith.cmpi slt, %select_n3A_127, %lt3A_133 : i32
        %ne3A_135 = arith.xori %lt3A_132, %lt3A_134 : i1
        %and3A_136 = arith.andi %ne3A_135, %ne3A_130 : i1
        %add3A_137 = arith.addi %rem3A_128, %select_n3A_127 : i32
        %select_n3A_138 = arith.select %and3A_136, %add3A_137, %rem3A_128 : i32
        %parallel_loop3A = arith.constant 0 : i32
        %parallel_loop3A_139 = arith.constant 256 : i32
        %parallel_loop3A_140 = arith.constant 1 : i32
        scf.for %parallel_loop3A_175 = %parallel_loop3A to %parallel_loop3A_139 step %parallel_loop3A_140  : i32 {
          %parallel_loop3A_176 = arith.constant 3 : i32
          %parallel_loop3A_177 = arith.shrsi %parallel_loop3A_175, %parallel_loop3A_176 : i32
          %parallel_loop3A_178 = arith.constant 7 : i32
          %parallel_loop3A_179 = arith.andi %parallel_loop3A_175, %parallel_loop3A_178 : i32
          %parallel_loop3A_180 = arith.constant 1 : i32
          %parallel_loop3A_181 = arith.andi %parallel_loop3A_179, %parallel_loop3A_180 : i32
          %parallel_loop3A_182 = arith.constant 16 : i32
          %parallel_loop3A_183 = arith.muli %parallel_loop3A_181, %parallel_loop3A_182 : i32
          %parallel_loop3A_184 = vector.broadcast %parallel_loop3A_183 : i32 to vector<16xi32>
          %parallel_loop3A_185 = arith.addi %iota3A, %parallel_loop3A_184 : vector<16xi32>
          %parallel_loop3A_186 = arith.constant 0 : i32
          %parallel_loop3A_187 = vector.broadcast %parallel_loop3A_186 : i32 to vector<16xi32>
          %parallel_loop3A_188 = arith.constant 4 : i32
          %parallel_loop3A_189 = arith.muli %parallel_loop3A_188, %parallel_loop3A_177 : i32
          %parallel_loop3A_190 = arith.constant 1 : i32
          %parallel_loop3A_191 = arith.shrsi %parallel_loop3A_179, %parallel_loop3A_190 : i32
          %parallel_loop3A_192 = arith.addi %parallel_loop3A_189, %parallel_loop3A_191 : i32
          %parallel_loop3A_193 = vector.broadcast %parallel_loop3A_192 : i32 to vector<16xi32>
          %parallel_loop3A_194 = arith.addi %parallel_loop3A_187, %parallel_loop3A_193 : vector<16xi32>
          %parallel_loop3A_195 = arith.constant 0 : i32
          %parallel_loop3A_196 = arith.constant 0 : i32
          %parallel_loop3A_197 = tpu.memref_slice %arg5[%select_n3A_79, %parallel_loop3A_195, %parallel_loop3A_196] : memref<3x32x129xf32, #tpu.memory_space<vmem>> -> memref<1x32x129xf32, #tpu.memory_space<vmem>>
          %parallel_loop3A_198 = tpu.memref_squeeze %parallel_loop3A_197 : memref<1x32x129xf32, #tpu.memory_space<vmem>> -> memref<32x129xf32, #tpu.memory_space<vmem>>
          %parallel_loop3A_199 = tpu.vector_load_idx %parallel_loop3A_198[%parallel_loop3A_185, %parallel_loop3A_194] : memref<32x129xf32, #tpu.memory_space<vmem>>[vector<16xi32>, vector<16xi32>], vector<16xf32>,
          %parallel_loop3A_200 = arith.constant 16 : i32
          %parallel_loop3A_201 = arith.muli %parallel_loop3A_179, %parallel_loop3A_200 : i32
          %parallel_loop3A_202 = arith.index_cast %select_n3A_138 : i32 to index
          %parallel_loop3A_203 = arith.index_cast %parallel_loop3A_177 : i32 to index
          %parallel_loop3A_204 = arith.index_cast %parallel_loop3A_201 : i32 to index
          %parallel_loop3A_205 = tpu.vector_load %arg6[%parallel_loop3A_202, %parallel_loop3A_203, %parallel_loop3A_204] {strides = array<i32>} : memref<3x32x128xf32, #tpu.memory_space<vmem>>, vector<16xf32>,
          tpu.vector_store %arg6[%parallel_loop3A_202, %parallel_loop3A_203, %parallel_loop3A_204], %parallel_loop3A_199 {strides = array<i32>} : memref<3x32x128xf32, #tpu.memory_space<vmem>>, vector<16xf32>,
        } {sc.loop_unroll_factor = 8 : i64, sc.parallel_access}
        %jit3A_141 = arith.constant 3 : i32
        %eq3A_142 = arith.constant 0 : i32
        %eq3A_143 = arith.cmpi eq, %jit3A_141, %eq3A_142 : i32
        %jit3A_144 = arith.constant 1 : i32
        %select_n3A_145 = arith.select %eq3A_143, %jit3A_144, %jit3A_141 : i32
        %rem3A_146 = arith.remsi %scan3A_67, %select_n3A_145 : i32
        %ne3A_147 = arith.constant 0 : i32
        %ne3A_148 = arith.cmpi ne, %rem3A_146, %ne3A_147 : i32
        %lt3A_149 = arith.constant 0 : i32
        %lt3A_150 = arith.cmpi slt, %rem3A_146, %lt3A_149 : i32
        %lt3A_151 = arith.constant 0 : i32
        %lt3A_152 = arith.cmpi slt, %select_n3A_145, %lt3A_151 : i32
        %ne3A_153 = arith.xori %lt3A_150, %lt3A_152 : i1
        %and3A_154 = arith.andi %ne3A_153, %ne3A_148 : i1
        %add3A_155 = arith.addi %rem3A_146, %select_n3A_145 : i32
        %select_n3A_156 = arith.select %and3A_154, %add3A_155, %rem3A_146 : i32
        %mul3A_157 = arith.constant 32 : i32
        %mul3A_158 = arith.muli %mul3A_157, %scan3A_67 : i32
        %add3A_159 = arith.addi %add3A, %mul3A_158 : i32
        %mul3A_160 = arith.constant 32 : i32
        %mul3A_161 = arith.muli %add3A_159, %mul3A_160 : i32
        %dma_start3A = arith.constant 0 : i32
        %dma_start3A_162 = arith.constant 0 : i32
        %dma_start3A_163 = tpu.memref_slice %arg6[%select_n3A_156, %dma_start3A, %dma_start3A_162] : memref<3x32x128xf32, #tpu.memory_space<vmem>> -> memref<1x32x128xf32, #tpu.memory_space<vmem>>
        %dma_start3A_164 = tpu.memref_squeeze %dma_start3A_163 : memref<1x32x128xf32, #tpu.memory_space<vmem>> -> memref<32x128xf32, #tpu.memory_space<vmem>>
        %dma_start3A_165 = arith.constant 0 : i32
        %dma_start3A_166 = tpu.memref_slice %arg4[%mul3A_161, %dma_start3A_165] : memref<250000x128xf32, #tpu.memory_space<hbm>> -> memref<32x128xf32, #tpu.memory_space<hbm>>
        %dma_start3A_167 = tpu.memref_slice %arg8[%select_n3A_156] : memref<3x!tpu.dma_semaphore, #tpu.memory_space<semaphore_mem>> -> memref<1x!tpu.dma_semaphore, #tpu.memory_space<semaphore_mem>>
        %dma_start3A_168 = tpu.memref_squeeze %dma_start3A_167 : memref<1x!tpu.dma_semaphore, #tpu.memory_space<semaphore_mem>> -> memref<!tpu.dma_semaphore, #tpu.memory_space<semaphore_mem>>
        %dma_start3A_169 = arith.constant 0 : i32
        %dma_start3A_170 = tpu.memref_slice %arg4[%mul3A_161, %dma_start3A_169] : memref<250000x128xf32, #tpu.memory_space<hbm>> -> memref<32x128xf32, #tpu.memory_space<hbm>>
        %dma_start3A_171 = arith.constant 0 : i32
        %dma_start3A_172 = arith.constant 0 : i32
        %dma_start3A_173 = tpu.memref_slice %arg6[%select_n3A_156, %dma_start3A_171, %dma_start3A_172] : memref<3x32x128xf32, #tpu.memory_space<vmem>> -> memref<1x32x128xf32, #tpu.memory_space<vmem>>
        %dma_start3A_174 = tpu.memref_squeeze %dma_start3A_173 : memref<1x32x128xf32, #tpu.memory_space<vmem>> -> memref<32x128xf32, #tpu.memory_space<vmem>>
        tpu.enqueue_dma source(%dma_start3A_174 : memref<32x128xf32, #tpu.memory_space<vmem>>) target(%dma_start3A_170 : memref<32x128xf32, #tpu.memory_space<hbm>>) target_semaphore(%dma_start3A_168 : memref<!tpu.dma_semaphore, #tpu.memory_space<semaphore_mem>>)
      } else {
      }
    }
    %scan3A_16 = arith.constant 245 : i32
    %add3A_17 = arith.constant 7712 : i32
    %add3A_18 = arith.addi %add3A, %add3A_17 : i32
    %lt3A_19 = arith.constant 7812 : i32
    %lt3A_20 = arith.cmpi slt, %add3A_18, %lt3A_19 : i32
    %add3A_21 = arith.constant 7808 : i32
    %add3A_22 = arith.addi %add3A, %add3A_21 : i32
    %ge3A = arith.constant 7812 : i32
    %ge3A_23 = arith.cmpi sge, %add3A_22, %ge3A : i32
    %and3A = arith.andi %lt3A_20, %ge3A_23 : i1
    %convert_element_type3A_24 = arith.extui %and3A : i1 to i32
    %cond3A_25 = arith.constant 0 : i32
    %cond3A_26 = arith.cmpi ne, %convert_element_type3A_24, %cond3A_25 : i32
    scf.if %cond3A_26 {
      %add3A_67 = arith.constant 7712 : i32
      %add3A_68 = arith.addi %add3A, %add3A_67 : i32
      %mul3A_69 = arith.constant 32 : i32
      %mul3A_70 = arith.muli %add3A_68, %mul3A_69 : i32
      %dma_wait3A = arith.constant 1 : i32
      %dma_wait3A_71 = arith.constant 1 : i32
      %dma_wait3A_72 = arith.constant 0 : i32
      %dma_wait3A_73 = arith.constant 0 : i32
      %dma_wait3A_74 = tpu.memref_slice %arg6[%dma_wait3A, %dma_wait3A_72, %dma_wait3A_73] : memref<3x32x128xf32, #tpu.memory_space<vmem>> -> memref<1x32x128xf32, #tpu.memory_space<vmem>>
      %dma_wait3A_75 = tpu.memref_squeeze %dma_wait3A_74 : memref<1x32x128xf32, #tpu.memory_space<vmem>> -> memref<32x128xf32, #tpu.memory_space<vmem>>
      %dma_wait3A_76 = arith.constant 0 : i32
      %dma_wait3A_77 = tpu.memref_slice %arg4[%mul3A_70, %dma_wait3A_76] : memref<250000x128xf32, #tpu.memory_space<hbm>> -> memref<32x128xf32, #tpu.memory_space<hbm>>
      %dma_wait3A_78 = tpu.memref_slice %arg8[%dma_wait3A_71] : memref<3x!tpu.dma_semaphore, #tpu.memory_space<semaphore_mem>> -> memref<1x!tpu.dma_semaphore, #tpu.memory_space<semaphore_mem>>
      %dma_wait3A_79 = tpu.memref_squeeze %dma_wait3A_78 : memref<1x!tpu.dma_semaphore, #tpu.memory_space<semaphore_mem>> -> memref<!tpu.dma_semaphore, #tpu.memory_space<semaphore_mem>>
      %dma_wait3A_80 = arith.constant 0 : i32
      %dma_wait3A_81 = tpu.memref_slice %arg4[%mul3A_70, %dma_wait3A_80] : memref<250000x128xf32, #tpu.memory_space<hbm>> -> memref<32x128xf32, #tpu.memory_space<hbm>>
      %dma_wait3A_82 = arith.constant 0 : i32
      %dma_wait3A_83 = arith.constant 0 : i32
      %dma_wait3A_84 = tpu.memref_slice %arg6[%dma_wait3A, %dma_wait3A_82, %dma_wait3A_83] : memref<3x32x128xf32, #tpu.memory_space<vmem>> -> memref<1x32x128xf32, #tpu.memory_space<vmem>>
      %dma_wait3A_85 = tpu.memref_squeeze %dma_wait3A_84 : memref<1x32x128xf32, #tpu.memory_space<vmem>> -> memref<32x128xf32, #tpu.memory_space<vmem>>
      tpu.wait_dma2 semaphore(%dma_wait3A_79 : memref<!tpu.dma_semaphore, #tpu.memory_space<semaphore_mem>>) src(%dma_wait3A_85 : memref<32x128xf32, #tpu.memory_space<vmem>>) dst(%dma_wait3A_81 : memref<32x128xf32, #tpu.memory_space<hbm>>)
    } else {
    }
    %add3A_27 = arith.constant 7744 : i32
    %add3A_28 = arith.addi %add3A, %add3A_27 : i32
    %lt3A_29 = arith.constant 7812 : i32
    %lt3A_30 = arith.cmpi slt, %add3A_28, %lt3A_29 : i32
    %add3A_31 = arith.constant 7840 : i32
    %add3A_32 = arith.addi %add3A, %add3A_31 : i32
    %ge3A_33 = arith.constant 7812 : i32
    %ge3A_34 = arith.cmpi sge, %add3A_32, %ge3A_33 : i32
    %and3A_35 = arith.andi %lt3A_30, %ge3A_34 : i1
    %convert_element_type3A_36 = arith.extui %and3A_35 : i1 to i32
    %cond3A_37 = arith.constant 0 : i32
    %cond3A_38 = arith.cmpi ne, %convert_element_type3A_36, %cond3A_37 : i32
    scf.if %cond3A_38 {
      %add3A_67 = arith.constant 7744 : i32
      %add3A_68 = arith.addi %add3A, %add3A_67 : i32
      %mul3A_69 = arith.constant 32 : i32
      %mul3A_70 = arith.muli %add3A_68, %mul3A_69 : i32
      %dma_wait3A = arith.constant 2 : i32
      %dma_wait3A_71 = arith.constant 2 : i32
      %dma_wait3A_72 = arith.constant 0 : i32
      %dma_wait3A_73 = arith.constant 0 : i32
      %dma_wait3A_74 = tpu.memref_slice %arg6[%dma_wait3A, %dma_wait3A_72, %dma_wait3A_73] : memref<3x32x128xf32, #tpu.memory_space<vmem>> -> memref<1x32x128xf32, #tpu.memory_space<vmem>>
      %dma_wait3A_75 = tpu.memref_squeeze %dma_wait3A_74 : memref<1x32x128xf32, #tpu.memory_space<vmem>> -> memref<32x128xf32, #tpu.memory_space<vmem>>
      %dma_wait3A_76 = arith.constant 0 : i32
      %dma_wait3A_77 = tpu.memref_slice %arg4[%mul3A_70, %dma_wait3A_76] : memref<250000x128xf32, #tpu.memory_space<hbm>> -> memref<32x128xf32, #tpu.memory_space<hbm>>
      %dma_wait3A_78 = tpu.memref_slice %arg8[%dma_wait3A_71] : memref<3x!tpu.dma_semaphore, #tpu.memory_space<semaphore_mem>> -> memref<1x!tpu.dma_semaphore, #tpu.memory_space<semaphore_mem>>
      %dma_wait3A_79 = tpu.memref_squeeze %dma_wait3A_78 : memref<1x!tpu.dma_semaphore, #tpu.memory_space<semaphore_mem>> -> memref<!tpu.dma_semaphore, #tpu.memory_space<semaphore_mem>>
      %dma_wait3A_80 = arith.constant 0 : i32
      %dma_wait3A_81 = tpu.memref_slice %arg4[%mul3A_70, %dma_wait3A_80] : memref<250000x128xf32, #tpu.memory_space<hbm>> -> memref<32x128xf32, #tpu.memory_space<hbm>>
      %dma_wait3A_82 = arith.constant 0 : i32
      %dma_wait3A_83 = arith.constant 0 : i32
      %dma_wait3A_84 = tpu.memref_slice %arg6[%dma_wait3A, %dma_wait3A_82, %dma_wait3A_83] : memref<3x32x128xf32, #tpu.memory_space<vmem>> -> memref<1x32x128xf32, #tpu.memory_space<vmem>>
      %dma_wait3A_85 = tpu.memref_squeeze %dma_wait3A_84 : memref<1x32x128xf32, #tpu.memory_space<vmem>> -> memref<32x128xf32, #tpu.memory_space<vmem>>
      tpu.wait_dma2 semaphore(%dma_wait3A_79 : memref<!tpu.dma_semaphore, #tpu.memory_space<semaphore_mem>>) src(%dma_wait3A_85 : memref<32x128xf32, #tpu.memory_space<vmem>>) dst(%dma_wait3A_81 : memref<32x128xf32, #tpu.memory_space<hbm>>)
    } else {
    }
    %add3A_39 = arith.constant 7776 : i32
    %add3A_40 = arith.addi %add3A, %add3A_39 : i32
    %lt3A_41 = arith.constant 7812 : i32
    %lt3A_42 = arith.cmpi slt, %add3A_40, %lt3A_41 : i32
    %add3A_43 = arith.constant 7872 : i32
    %add3A_44 = arith.addi %add3A, %add3A_43 : i32
    %ge3A_45 = arith.constant 7812 : i32
    %ge3A_46 = arith.cmpi sge, %add3A_44, %ge3A_45 : i32
    %and3A_47 = arith.andi %lt3A_42, %ge3A_46 : i1
    %convert_element_type3A_48 = arith.extui %and3A_47 : i1 to i32
    %cond3A_49 = arith.constant 0 : i32
    %cond3A_50 = arith.cmpi ne, %convert_element_type3A_48, %cond3A_49 : i32
    scf.if %cond3A_50 {
      %add3A_67 = arith.constant 7776 : i32
      %add3A_68 = arith.addi %add3A, %add3A_67 : i32
      %mul3A_69 = arith.constant 32 : i32
      %mul3A_70 = arith.muli %add3A_68, %mul3A_69 : i32
      %dma_wait3A = arith.constant 0 : i32
      %dma_wait3A_71 = arith.constant 0 : i32
      %dma_wait3A_72 = arith.constant 0 : i32
      %dma_wait3A_73 = arith.constant 0 : i32
      %dma_wait3A_74 = tpu.memref_slice %arg6[%dma_wait3A, %dma_wait3A_72, %dma_wait3A_73] : memref<3x32x128xf32, #tpu.memory_space<vmem>> -> memref<1x32x128xf32, #tpu.memory_space<vmem>>
      %dma_wait3A_75 = tpu.memref_squeeze %dma_wait3A_74 : memref<1x32x128xf32, #tpu.memory_space<vmem>> -> memref<32x128xf32, #tpu.memory_space<vmem>>
      %dma_wait3A_76 = arith.constant 0 : i32
      %dma_wait3A_77 = tpu.memref_slice %arg4[%mul3A_70, %dma_wait3A_76] : memref<250000x128xf32, #tpu.memory_space<hbm>> -> memref<32x128xf32, #tpu.memory_space<hbm>>
      %dma_wait3A_78 = tpu.memref_slice %arg8[%dma_wait3A_71] : memref<3x!tpu.dma_semaphore, #tpu.memory_space<semaphore_mem>> -> memref<1x!tpu.dma_semaphore, #tpu.memory_space<semaphore_mem>>
      %dma_wait3A_79 = tpu.memref_squeeze %dma_wait3A_78 : memref<1x!tpu.dma_semaphore, #tpu.memory_space<semaphore_mem>> -> memref<!tpu.dma_semaphore, #tpu.memory_space<semaphore_mem>>
      %dma_wait3A_80 = arith.constant 0 : i32
      %dma_wait3A_81 = tpu.memref_slice %arg4[%mul3A_70, %dma_wait3A_80] : memref<250000x128xf32, #tpu.memory_space<hbm>> -> memref<32x128xf32, #tpu.memory_space<hbm>>
      %dma_wait3A_82 = arith.constant 0 : i32
      %dma_wait3A_83 = arith.constant 0 : i32
      %dma_wait3A_84 = tpu.memref_slice %arg6[%dma_wait3A, %dma_wait3A_82, %dma_wait3A_83] : memref<3x32x128xf32, #tpu.memory_space<vmem>> -> memref<1x32x128xf32, #tpu.memory_space<vmem>>
      %dma_wait3A_85 = tpu.memref_squeeze %dma_wait3A_84 : memref<1x32x128xf32, #tpu.memory_space<vmem>> -> memref<32x128xf32, #tpu.memory_space<vmem>>
      tpu.wait_dma2 semaphore(%dma_wait3A_79 : memref<!tpu.dma_semaphore, #tpu.memory_space<semaphore_mem>>) src(%dma_wait3A_85 : memref<32x128xf32, #tpu.memory_space<vmem>>) dst(%dma_wait3A_81 : memref<32x128xf32, #tpu.memory_space<hbm>>)
    } else {
    }
    %add3A_51 = arith.constant 7808 : i32
    %add3A_52 = arith.addi %add3A, %add3A_51 : i32
    %lt3A_53 = arith.constant 7812 : i32
    %lt3A_54 = arith.cmpi slt, %add3A_52, %lt3A_53 : i32
    %add3A_55 = arith.constant 7904 : i32
    %add3A_56 = arith.addi %add3A, %add3A_55 : i32
    %ge3A_57 = arith.constant 7812 : i32
    %ge3A_58 = arith.cmpi sge, %add3A_56, %ge3A_57 : i32
    %and3A_59 = arith.andi %lt3A_54, %ge3A_58 : i1
    %convert_element_type3A_60 = arith.extui %and3A_59 : i1 to i32
    %cond3A_61 = arith.constant 0 : i32
    %cond3A_62 = arith.cmpi ne, %convert_element_type3A_60, %cond3A_61 : i32
    scf.if %cond3A_62 {
      %add3A_67 = arith.constant 7808 : i32
      %add3A_68 = arith.addi %add3A, %add3A_67 : i32
      %mul3A_69 = arith.constant 32 : i32
      %mul3A_70 = arith.muli %add3A_68, %mul3A_69 : i32
      %dma_wait3A = arith.constant 1 : i32
      %dma_wait3A_71 = arith.constant 1 : i32
      %dma_wait3A_72 = arith.constant 0 : i32
      %dma_wait3A_73 = arith.constant 0 : i32
      %dma_wait3A_74 = tpu.memref_slice %arg6[%dma_wait3A, %dma_wait3A_72, %dma_wait3A_73] : memref<3x32x128xf32, #tpu.memory_space<vmem>> -> memref<1x32x128xf32, #tpu.memory_space<vmem>>
      %dma_wait3A_75 = tpu.memref_squeeze %dma_wait3A_74 : memref<1x32x128xf32, #tpu.memory_space<vmem>> -> memref<32x128xf32, #tpu.memory_space<vmem>>
      %dma_wait3A_76 = arith.constant 0 : i32
      %dma_wait3A_77 = tpu.memref_slice %arg4[%mul3A_70, %dma_wait3A_76] : memref<250000x128xf32, #tpu.memory_space<hbm>> -> memref<32x128xf32, #tpu.memory_space<hbm>>
      %dma_wait3A_78 = tpu.memref_slice %arg8[%dma_wait3A_71] : memref<3x!tpu.dma_semaphore, #tpu.memory_space<semaphore_mem>> -> memref<1x!tpu.dma_semaphore, #tpu.memory_space<semaphore_mem>>
      %dma_wait3A_79 = tpu.memref_squeeze %dma_wait3A_78 : memref<1x!tpu.dma_semaphore, #tpu.memory_space<semaphore_mem>> -> memref<!tpu.dma_semaphore, #tpu.memory_space<semaphore_mem>>
      %dma_wait3A_80 = arith.constant 0 : i32
      %dma_wait3A_81 = tpu.memref_slice %arg4[%mul3A_70, %dma_wait3A_80] : memref<250000x128xf32, #tpu.memory_space<hbm>> -> memref<32x128xf32, #tpu.memory_space<hbm>>
      %dma_wait3A_82 = arith.constant 0 : i32
      %dma_wait3A_83 = arith.constant 0 : i32
      %dma_wait3A_84 = tpu.memref_slice %arg6[%dma_wait3A, %dma_wait3A_82, %dma_wait3A_83] : memref<3x32x128xf32, #tpu.memory_space<vmem>> -> memref<1x32x128xf32, #tpu.memory_space<vmem>>
      %dma_wait3A_85 = tpu.memref_squeeze %dma_wait3A_84 : memref<1x32x128xf32, #tpu.memory_space<vmem>> -> memref<32x128xf32, #tpu.memory_space<vmem>>
      tpu.wait_dma2 semaphore(%dma_wait3A_79 : memref<!tpu.dma_semaphore, #tpu.memory_space<semaphore_mem>>) src(%dma_wait3A_85 : memref<32x128xf32, #tpu.memory_space<vmem>>) dst(%dma_wait3A_81 : memref<32x128xf32, #tpu.memory_space<hbm>>)
    } else {
    }
    %eq3A = arith.constant 31 : i32
    %eq3A_63 = arith.cmpi eq, %add3A, %eq3A : i32
    %convert_element_type3A_64 = arith.extui %eq3A_63 : i1 to i32
    %cond3A_65 = arith.constant 0 : i32
    %cond3A_66 = arith.cmpi ne, %convert_element_type3A_64, %cond3A_65 : i32
    scf.if %cond3A_66 {
      %run_scoped3A = arith.constant 0 : i32
      "tpu.region"() ({
        %run_scoped3A_68 = tpu.sem_alloc : memref<!tpu.dma_semaphore, #tpu.memory_space<semaphore_mem>>
        %dma_start3A = arith.constant 0 : i32
        %dma_start3A_69 = arith.constant 0 : i32
        %dma_start3A_70 = tpu.memref_slice %arg6[%run_scoped3A, %dma_start3A, %dma_start3A_69] : memref<3x32x128xf32, #tpu.memory_space<vmem>> -> memref<1x16x128xf32, #tpu.memory_space<vmem>>
        %dma_start3A_71 = tpu.memref_squeeze %dma_start3A_70 : memref<1x16x128xf32, #tpu.memory_space<vmem>> -> memref<16x128xf32, #tpu.memory_space<vmem>>
        %dma_start3A_72 = arith.constant 0 : i32
        %dma_start3A_73 = arith.constant 0 : i32
        %dma_start3A_74 = tpu.memref_slice %arg6[%run_scoped3A, %dma_start3A_72, %dma_start3A_73] : memref<3x32x128xf32, #tpu.memory_space<vmem>> -> memref<1x16x128xf32, #tpu.memory_space<vmem>>
        %dma_start3A_75 = tpu.memref_squeeze %dma_start3A_74 : memref<1x16x128xf32, #tpu.memory_space<vmem>> -> memref<16x128xf32, #tpu.memory_space<vmem>>
        tpu.enqueue_dma source(%arg3 : memref<16x128xf32, #tpu.memory_space<hbm>>) target(%dma_start3A_75 : memref<16x128xf32, #tpu.memory_space<vmem>>) target_semaphore(%run_scoped3A_68 : memref<!tpu.dma_semaphore, #tpu.memory_space<semaphore_mem>>)
        %dma_wait3A = arith.constant 0 : i32
        %dma_wait3A_76 = arith.constant 0 : i32
        %dma_wait3A_77 = tpu.memref_slice %arg6[%run_scoped3A, %dma_wait3A, %dma_wait3A_76] : memref<3x32x128xf32, #tpu.memory_space<vmem>> -> memref<1x16x128xf32, #tpu.memory_space<vmem>>
        %dma_wait3A_78 = tpu.memref_squeeze %dma_wait3A_77 : memref<1x16x128xf32, #tpu.memory_space<vmem>> -> memref<16x128xf32, #tpu.memory_space<vmem>>
        %dma_wait3A_79 = arith.constant 0 : i32
        %dma_wait3A_80 = arith.constant 0 : i32
        %dma_wait3A_81 = tpu.memref_slice %arg6[%run_scoped3A, %dma_wait3A_79, %dma_wait3A_80] : memref<3x32x128xf32, #tpu.memory_space<vmem>> -> memref<1x16x128xf32, #tpu.memory_space<vmem>>
        %dma_wait3A_82 = tpu.memref_squeeze %dma_wait3A_81 : memref<1x16x128xf32, #tpu.memory_space<vmem>> -> memref<16x128xf32, #tpu.memory_space<vmem>>
        tpu.wait_dma2 semaphore(%run_scoped3A_68 : memref<!tpu.dma_semaphore, #tpu.memory_space<semaphore_mem>>) src(%arg3 : memref<16x128xf32, #tpu.memory_space<hbm>>) dst(%dma_wait3A_82 : memref<16x128xf32, #tpu.memory_space<vmem>>)
        tpu.yield
      }) : () -> ()
      %run_scoped3A_67 = arith.constant 0 : i32
      "tpu.region"() ({
        %run_scoped3A_68 = tpu.sem_alloc : memref<!tpu.dma_semaphore, #tpu.memory_space<semaphore_mem>>
        %dma_start3A = arith.constant 0 : i32
        %dma_start3A_69 = arith.constant 0 : i32
        %dma_start3A_70 = tpu.memref_slice %arg6[%run_scoped3A_67, %dma_start3A, %dma_start3A_69] : memref<3x32x128xf32, #tpu.memory_space<vmem>> -> memref<1x16x128xf32, #tpu.memory_space<vmem>>
        %dma_start3A_71 = tpu.memref_squeeze %dma_start3A_70 : memref<1x16x128xf32, #tpu.memory_space<vmem>> -> memref<16x128xf32, #tpu.memory_space<vmem>>
        %dma_start3A_72 = arith.constant 249984 : i32
        %dma_start3A_73 = arith.constant 0 : i32
        %dma_start3A_74 = tpu.memref_slice %arg4[%dma_start3A_72, %dma_start3A_73] : memref<250000x128xf32, #tpu.memory_space<hbm>> -> memref<16x128xf32, #tpu.memory_space<hbm>>
        %dma_start3A_75 = arith.constant 249984 : i32
        %dma_start3A_76 = arith.constant 0 : i32
        %dma_start3A_77 = tpu.memref_slice %arg4[%dma_start3A_75, %dma_start3A_76] : memref<250000x128xf32, #tpu.memory_space<hbm>> -> memref<16x128xf32, #tpu.memory_space<hbm>>
        %dma_start3A_78 = arith.constant 0 : i32
        %dma_start3A_79 = arith.constant 0 : i32
        %dma_start3A_80 = tpu.memref_slice %arg6[%run_scoped3A_67, %dma_start3A_78, %dma_start3A_79] : memref<3x32x128xf32, #tpu.memory_space<vmem>> -> memref<1x16x128xf32, #tpu.memory_space<vmem>>
        %dma_start3A_81 = tpu.memref_squeeze %dma_start3A_80 : memref<1x16x128xf32, #tpu.memory_space<vmem>> -> memref<16x128xf32, #tpu.memory_space<vmem>>
        tpu.enqueue_dma source(%dma_start3A_81 : memref<16x128xf32, #tpu.memory_space<vmem>>) target(%dma_start3A_77 : memref<16x128xf32, #tpu.memory_space<hbm>>) target_semaphore(%run_scoped3A_68 : memref<!tpu.dma_semaphore, #tpu.memory_space<semaphore_mem>>)
        %dma_wait3A = arith.constant 0 : i32
        %dma_wait3A_82 = arith.constant 0 : i32
        %dma_wait3A_83 = tpu.memref_slice %arg6[%run_scoped3A_67, %dma_wait3A, %dma_wait3A_82] : memref<3x32x128xf32, #tpu.memory_space<vmem>> -> memref<1x16x128xf32, #tpu.memory_space<vmem>>
        %dma_wait3A_84 = tpu.memref_squeeze %dma_wait3A_83 : memref<1x16x128xf32, #tpu.memory_space<vmem>> -> memref<16x128xf32, #tpu.memory_space<vmem>>
        %dma_wait3A_85 = arith.constant 249984 : i32
        %dma_wait3A_86 = arith.constant 0 : i32
        %dma_wait3A_87 = tpu.memref_slice %arg4[%dma_wait3A_85, %dma_wait3A_86] : memref<250000x128xf32, #tpu.memory_space<hbm>> -> memref<16x128xf32, #tpu.memory_space<hbm>>
        %dma_wait3A_88 = arith.constant 249984 : i32
        %dma_wait3A_89 = arith.constant 0 : i32
        %dma_wait3A_90 = tpu.memref_slice %arg4[%dma_wait3A_88, %dma_wait3A_89] : memref<250000x128xf32, #tpu.memory_space<hbm>> -> memref<16x128xf32, #tpu.memory_space<hbm>>
        %dma_wait3A_91 = arith.constant 0 : i32
        %dma_wait3A_92 = arith.constant 0 : i32
        %dma_wait3A_93 = tpu.memref_slice %arg6[%run_scoped3A_67, %dma_wait3A_91, %dma_wait3A_92] : memref<3x32x128xf32, #tpu.memory_space<vmem>> -> memref<1x16x128xf32, #tpu.memory_space<vmem>>
        %dma_wait3A_94 = tpu.memref_squeeze %dma_wait3A_93 : memref<1x16x128xf32, #tpu.memory_space<vmem>> -> memref<16x128xf32, #tpu.memory_space<vmem>>
        tpu.wait_dma2 semaphore(%run_scoped3A_68 : memref<!tpu.dma_semaphore, #tpu.memory_space<semaphore_mem>>) src(%dma_wait3A_94 : memref<16x128xf32, #tpu.memory_space<vmem>>) dst(%dma_wait3A_90 : memref<16x128xf32, #tpu.memory_space<hbm>>)
        tpu.yield
      }) : () -> ()
    } else {
    }
    return
  }
}

#map = affine_map<(d0, d1) -> (0, 0)>
#map1 = affine_map<(d0, d1) -> (0, 0, 0)>
module attributes {stable_mosaic.version = 14 : i64} {
  func.func @sk(%arg0: i32, %arg1: i32, %arg2: memref<32x1000000xf32, #tpu.memory_space<hbm>>, %arg3: memref<7813x32x128xf32, #tpu.memory_space<hbm>>, %arg4: memref<6x32x128xf32, #tpu.memory_space<vmem>>, %arg5: memref<6x!tpu.dma_semaphore, #tpu.memory_space<semaphore_mem>>, %arg6: memref<6x!tpu.dma_semaphore, #tpu.memory_space<semaphore_mem>>) attributes {dimension_semantics = [#tpu.dimension_semantics<core_parallel>, #tpu.dimension_semantics<subcore_parallel>], iteration_bounds = array<i64: 2, 16>, scalar_prefetch = 0 : i64, scratch_operands = 3 : i64, tpu.core_type = #tpu.core_type<sc_vector_subcore>, window_params = [{transform_indices = #map}, {transform_indices = #map1}]} {
    %mul3A = arith.constant 2 : i32
    %mul3A_0 = arith.muli %arg1, %mul3A : i32
    %add3A = arith.addi %mul3A_0, %arg0 : i32
    %add3A_1 = arith.constant 0 : i32
    %add3A_2 = arith.addi %add3A, %add3A_1 : i32
    %lt3A = arith.constant 7812 : i32
    %lt3A_3 = arith.cmpi slt, %add3A_2, %lt3A : i32
    %convert_element_type3A = arith.extui %lt3A_3 : i1 to i32
    %cond3A = arith.constant 0 : i32
    %cond3A_4 = arith.cmpi ne, %convert_element_type3A, %cond3A : i32
    scf.if %cond3A_4 {
      %add3A_45 = arith.constant 0 : i32
      %add3A_46 = arith.addi %add3A, %add3A_45 : i32
      %mul3A_47 = arith.constant 128 : i32
      %mul3A_48 = arith.muli %add3A_46, %mul3A_47 : i32
      %dma_start3A = arith.constant 0 : i32
      %dma_start3A_49 = arith.constant 0 : i32
      %dma_start3A_50 = arith.constant 0 : i32
      %dma_start3A_51 = arith.constant 0 : i32
      %dma_start3A_52 = tpu.memref_slice %arg4[%dma_start3A, %dma_start3A_50, %dma_start3A_51] : memref<6x32x128xf32, #tpu.memory_space<vmem>> -> memref<1x32x128xf32, #tpu.memory_space<vmem>>
      %dma_start3A_53 = tpu.memref_squeeze %dma_start3A_52 : memref<1x32x128xf32, #tpu.memory_space<vmem>> -> memref<32x128xf32, #tpu.memory_space<vmem>>
      %dma_start3A_54 = arith.constant 0 : i32
      %dma_start3A_55 = tpu.memref_slice %arg2[%dma_start3A_54, %mul3A_48] : memref<32x1000000xf32, #tpu.memory_space<hbm>> -> memref<32x128xf32, #tpu.memory_space<hbm>>
      %dma_start3A_56 = tpu.memref_slice %arg5[%dma_start3A_49] : memref<6x!tpu.dma_semaphore, #tpu.memory_space<semaphore_mem>> -> memref<1x!tpu.dma_semaphore, #tpu.memory_space<semaphore_mem>>
      %dma_start3A_57 = tpu.memref_squeeze %dma_start3A_56 : memref<1x!tpu.dma_semaphore, #tpu.memory_space<semaphore_mem>> -> memref<!tpu.dma_semaphore, #tpu.memory_space<semaphore_mem>>
      %dma_start3A_58 = arith.constant 0 : i32
      %dma_start3A_59 = arith.constant 0 : i32
      %dma_start3A_60 = tpu.memref_slice %arg4[%dma_start3A, %dma_start3A_58, %dma_start3A_59] : memref<6x32x128xf32, #tpu.memory_space<vmem>> -> memref<1x32x128xf32, #tpu.memory_space<vmem>>
      %dma_start3A_61 = tpu.memref_squeeze %dma_start3A_60 : memref<1x32x128xf32, #tpu.memory_space<vmem>> -> memref<32x128xf32, #tpu.memory_space<vmem>>
      %dma_start3A_62 = arith.constant 0 : i32
      %dma_start3A_63 = tpu.memref_slice %arg2[%dma_start3A_62, %mul3A_48] : memref<32x1000000xf32, #tpu.memory_space<hbm>> -> memref<32x128xf32, #tpu.memory_space<hbm>>
      tpu.enqueue_dma source(%dma_start3A_63 : memref<32x128xf32, #tpu.memory_space<hbm>>) target(%dma_start3A_61 : memref<32x128xf32, #tpu.memory_space<vmem>>) target_semaphore(%dma_start3A_57 : memref<!tpu.dma_semaphore, #tpu.memory_space<semaphore_mem>>)
    } else {
    }
    %add3A_5 = arith.constant 32 : i32
    %add3A_6 = arith.addi %add3A, %add3A_5 : i32
    %lt3A_7 = arith.constant 7812 : i32
    %lt3A_8 = arith.cmpi slt, %add3A_6, %lt3A_7 : i32
    %convert_element_type3A_9 = arith.extui %lt3A_8 : i1 to i32
    %cond3A_10 = arith.constant 0 : i32
    %cond3A_11 = arith.cmpi ne, %convert_element_type3A_9, %cond3A_10 : i32
    scf.if %cond3A_11 {
      %add3A_45 = arith.constant 32 : i32
      %add3A_46 = arith.addi %add3A, %add3A_45 : i32
      %mul3A_47 = arith.constant 128 : i32
      %mul3A_48 = arith.muli %add3A_46, %mul3A_47 : i32
      %dma_start3A = arith.constant 1 : i32
      %dma_start3A_49 = arith.constant 1 : i32
      %dma_start3A_50 = arith.constant 0 : i32
      %dma_start3A_51 = arith.constant 0 : i32
      %dma_start3A_52 = tpu.memref_slice %arg4[%dma_start3A, %dma_start3A_50, %dma_start3A_51] : memref<6x32x128xf32, #tpu.memory_space<vmem>> -> memref<1x32x128xf32, #tpu.memory_space<vmem>>
      %dma_start3A_53 = tpu.memref_squeeze %dma_start3A_52 : memref<1x32x128xf32, #tpu.memory_space<vmem>> -> memref<32x128xf32, #tpu.memory_space<vmem>>
      %dma_start3A_54 = arith.constant 0 : i32
      %dma_start3A_55 = tpu.memref_slice %arg2[%dma_start3A_54, %mul3A_48] : memref<32x1000000xf32, #tpu.memory_space<hbm>> -> memref<32x128xf32, #tpu.memory_space<hbm>>
      %dma_start3A_56 = tpu.memref_slice %arg5[%dma_start3A_49] : memref<6x!tpu.dma_semaphore, #tpu.memory_space<semaphore_mem>> -> memref<1x!tpu.dma_semaphore, #tpu.memory_space<semaphore_mem>>
      %dma_start3A_57 = tpu.memref_squeeze %dma_start3A_56 : memref<1x!tpu.dma_semaphore, #tpu.memory_space<semaphore_mem>> -> memref<!tpu.dma_semaphore, #tpu.memory_space<semaphore_mem>>
      %dma_start3A_58 = arith.constant 0 : i32
      %dma_start3A_59 = arith.constant 0 : i32
      %dma_start3A_60 = tpu.memref_slice %arg4[%dma_start3A, %dma_start3A_58, %dma_start3A_59] : memref<6x32x128xf32, #tpu.memory_space<vmem>> -> memref<1x32x128xf32, #tpu.memory_space<vmem>>
      %dma_start3A_61 = tpu.memref_squeeze %dma_start3A_60 : memref<1x32x128xf32, #tpu.memory_space<vmem>> -> memref<32x128xf32, #tpu.memory_space<vmem>>
      %dma_start3A_62 = arith.constant 0 : i32
      %dma_start3A_63 = tpu.memref_slice %arg2[%dma_start3A_62, %mul3A_48] : memref<32x1000000xf32, #tpu.memory_space<hbm>> -> memref<32x128xf32, #tpu.memory_space<hbm>>
      tpu.enqueue_dma source(%dma_start3A_63 : memref<32x128xf32, #tpu.memory_space<hbm>>) target(%dma_start3A_61 : memref<32x128xf32, #tpu.memory_space<vmem>>) target_semaphore(%dma_start3A_57 : memref<!tpu.dma_semaphore, #tpu.memory_space<semaphore_mem>>)
    } else {
    }
    %add3A_12 = arith.constant 64 : i32
    %add3A_13 = arith.addi %add3A, %add3A_12 : i32
    %lt3A_14 = arith.constant 7812 : i32
    %lt3A_15 = arith.cmpi slt, %add3A_13, %lt3A_14 : i32
    %convert_element_type3A_16 = arith.extui %lt3A_15 : i1 to i32
    %cond3A_17 = arith.constant 0 : i32
    %cond3A_18 = arith.cmpi ne, %convert_element_type3A_16, %cond3A_17 : i32
    scf.if %cond3A_18 {
      %add3A_45 = arith.constant 64 : i32
      %add3A_46 = arith.addi %add3A, %add3A_45 : i32
      %mul3A_47 = arith.constant 128 : i32
      %mul3A_48 = arith.muli %add3A_46, %mul3A_47 : i32
      %dma_start3A = arith.constant 2 : i32
      %dma_start3A_49 = arith.constant 2 : i32
      %dma_start3A_50 = arith.constant 0 : i32
      %dma_start3A_51 = arith.constant 0 : i32
      %dma_start3A_52 = tpu.memref_slice %arg4[%dma_start3A, %dma_start3A_50, %dma_start3A_51] : memref<6x32x128xf32, #tpu.memory_space<vmem>> -> memref<1x32x128xf32, #tpu.memory_space<vmem>>
      %dma_start3A_53 = tpu.memref_squeeze %dma_start3A_52 : memref<1x32x128xf32, #tpu.memory_space<vmem>> -> memref<32x128xf32, #tpu.memory_space<vmem>>
      %dma_start3A_54 = arith.constant 0 : i32
      %dma_start3A_55 = tpu.memref_slice %arg2[%dma_start3A_54, %mul3A_48] : memref<32x1000000xf32, #tpu.memory_space<hbm>> -> memref<32x128xf32, #tpu.memory_space<hbm>>
      %dma_start3A_56 = tpu.memref_slice %arg5[%dma_start3A_49] : memref<6x!tpu.dma_semaphore, #tpu.memory_space<semaphore_mem>> -> memref<1x!tpu.dma_semaphore, #tpu.memory_space<semaphore_mem>>
      %dma_start3A_57 = tpu.memref_squeeze %dma_start3A_56 : memref<1x!tpu.dma_semaphore, #tpu.memory_space<semaphore_mem>> -> memref<!tpu.dma_semaphore, #tpu.memory_space<semaphore_mem>>
      %dma_start3A_58 = arith.constant 0 : i32
      %dma_start3A_59 = arith.constant 0 : i32
      %dma_start3A_60 = tpu.memref_slice %arg4[%dma_start3A, %dma_start3A_58, %dma_start3A_59] : memref<6x32x128xf32, #tpu.memory_space<vmem>> -> memref<1x32x128xf32, #tpu.memory_space<vmem>>
      %dma_start3A_61 = tpu.memref_squeeze %dma_start3A_60 : memref<1x32x128xf32, #tpu.memory_space<vmem>> -> memref<32x128xf32, #tpu.memory_space<vmem>>
      %dma_start3A_62 = arith.constant 0 : i32
      %dma_start3A_63 = tpu.memref_slice %arg2[%dma_start3A_62, %mul3A_48] : memref<32x1000000xf32, #tpu.memory_space<hbm>> -> memref<32x128xf32, #tpu.memory_space<hbm>>
      tpu.enqueue_dma source(%dma_start3A_63 : memref<32x128xf32, #tpu.memory_space<hbm>>) target(%dma_start3A_61 : memref<32x128xf32, #tpu.memory_space<vmem>>) target_semaphore(%dma_start3A_57 : memref<!tpu.dma_semaphore, #tpu.memory_space<semaphore_mem>>)
    } else {
    }
    %scan3A = arith.constant 0 : i32
    %scan3A_19 = arith.constant 0 : i32
    %scan3A_20 = arith.constant 245 : i32
    %scan3A_21 = arith.addi %scan3A_19, %scan3A_20 : i32
    %scan3A_22 = arith.constant 1 : i32
    scf.for %scan3A_45 = %scan3A_19 to %scan3A_21 step %scan3A_22  : i32 {
      %jit3A = arith.constant 6 : i32
      %eq3A = arith.constant 0 : i32
      %eq3A_46 = arith.cmpi eq, %jit3A, %eq3A : i32
      %jit3A_47 = arith.constant 1 : i32
      %select_n3A = arith.select %eq3A_46, %jit3A_47, %jit3A : i32
      %rem3A = arith.remsi %scan3A_45, %select_n3A : i32
      %ne3A = arith.constant 0 : i32
      %ne3A_48 = arith.cmpi ne, %rem3A, %ne3A : i32
      %lt3A_49 = arith.constant 0 : i32
      %lt3A_50 = arith.cmpi slt, %rem3A, %lt3A_49 : i32
      %lt3A_51 = arith.constant 0 : i32
      %lt3A_52 = arith.cmpi slt, %select_n3A, %lt3A_51 : i32
      %ne3A_53 = arith.xori %lt3A_50, %lt3A_52 : i1
      %and3A = arith.andi %ne3A_53, %ne3A_48 : i1
      %add3A_54 = arith.addi %rem3A, %select_n3A : i32
      %select_n3A_55 = arith.select %and3A, %add3A_54, %rem3A : i32
      %ge3A = arith.constant 3 : i32
      %ge3A_56 = arith.cmpi sge, %scan3A_45, %ge3A : i32
      %sub3A = arith.constant 3 : i32
      %sub3A_57 = arith.subi %scan3A_45, %sub3A : i32
      %mul3A_58 = arith.constant 32 : i32
      %mul3A_59 = arith.muli %mul3A_58, %sub3A_57 : i32
      %add3A_60 = arith.addi %add3A, %mul3A_59 : i32
      %lt3A_61 = arith.constant 7812 : i32
      %lt3A_62 = arith.cmpi slt, %add3A_60, %lt3A_61 : i32
      %and3A_63 = arith.andi %ge3A_56, %lt3A_62 : i1
      %convert_element_type3A_64 = arith.extui %and3A_63 : i1 to i32
      %cond3A_65 = arith.constant 0 : i32
      %cond3A_66 = arith.cmpi ne, %convert_element_type3A_64, %cond3A_65 : i32
      scf.if %cond3A_66 {
        %sub3A_85 = arith.constant 3 : i32
        %sub3A_86 = arith.subi %scan3A_45, %sub3A_85 : i32
        %sub3A_87 = arith.constant 3 : i32
        %sub3A_88 = arith.subi %scan3A_45, %sub3A_87 : i32
        %jit3A_89 = arith.constant 6 : i32
        %eq3A_90 = arith.constant 0 : i32
        %eq3A_91 = arith.cmpi eq, %jit3A_89, %eq3A_90 : i32
        %jit3A_92 = arith.constant 1 : i32
        %select_n3A_93 = arith.select %eq3A_91, %jit3A_92, %jit3A_89 : i32
        %rem3A_94 = arith.remsi %sub3A_88, %select_n3A_93 : i32
        %ne3A_95 = arith.constant 0 : i32
        %ne3A_96 = arith.cmpi ne, %rem3A_94, %ne3A_95 : i32
        %lt3A_97 = arith.constant 0 : i32
        %lt3A_98 = arith.cmpi slt, %rem3A_94, %lt3A_97 : i32
        %lt3A_99 = arith.constant 0 : i32
        %lt3A_100 = arith.cmpi slt, %select_n3A_93, %lt3A_99 : i32
        %ne3A_101 = arith.xori %lt3A_98, %lt3A_100 : i1
        %and3A_102 = arith.andi %ne3A_101, %ne3A_96 : i1
        %add3A_103 = arith.addi %rem3A_94, %select_n3A_93 : i32
        %select_n3A_104 = arith.select %and3A_102, %add3A_103, %rem3A_94 : i32
        %mul3A_105 = arith.constant 32 : i32
        %mul3A_106 = arith.muli %mul3A_105, %sub3A_86 : i32
        %add3A_107 = arith.addi %add3A, %mul3A_106 : i32
        %dma_wait3A = arith.constant 0 : i32
        %dma_wait3A_108 = arith.constant 0 : i32
        %dma_wait3A_109 = tpu.memref_slice %arg4[%select_n3A_104, %dma_wait3A, %dma_wait3A_108] : memref<6x32x128xf32, #tpu.memory_space<vmem>> -> memref<1x32x128xf32, #tpu.memory_space<vmem>>
        %dma_wait3A_110 = tpu.memref_squeeze %dma_wait3A_109 : memref<1x32x128xf32, #tpu.memory_space<vmem>> -> memref<32x128xf32, #tpu.memory_space<vmem>>
        %dma_wait3A_111 = arith.constant 0 : i32
        %dma_wait3A_112 = arith.constant 0 : i32
        %dma_wait3A_113 = tpu.memref_slice %arg3[%add3A_107, %dma_wait3A_111, %dma_wait3A_112] : memref<7813x32x128xf32, #tpu.memory_space<hbm>> -> memref<1x32x128xf32, #tpu.memory_space<hbm>>
        %dma_wait3A_114 = tpu.memref_squeeze %dma_wait3A_113 : memref<1x32x128xf32, #tpu.memory_space<hbm>> -> memref<32x128xf32, #tpu.memory_space<hbm>>
        %dma_wait3A_115 = tpu.memref_slice %arg6[%select_n3A_104] : memref<6x!tpu.dma_semaphore, #tpu.memory_space<semaphore_mem>> -> memref<1x!tpu.dma_semaphore, #tpu.memory_space<semaphore_mem>>
        %dma_wait3A_116 = tpu.memref_squeeze %dma_wait3A_115 : memref<1x!tpu.dma_semaphore, #tpu.memory_space<semaphore_mem>> -> memref<!tpu.dma_semaphore, #tpu.memory_space<semaphore_mem>>
        %dma_wait3A_117 = arith.constant 0 : i32
        %dma_wait3A_118 = arith.constant 0 : i32
        %dma_wait3A_119 = tpu.memref_slice %arg3[%add3A_107, %dma_wait3A_117, %dma_wait3A_118] : memref<7813x32x128xf32, #tpu.memory_space<hbm>> -> memref<1x32x128xf32, #tpu.memory_space<hbm>>
        %dma_wait3A_120 = tpu.memref_squeeze %dma_wait3A_119 : memref<1x32x128xf32, #tpu.memory_space<hbm>> -> memref<32x128xf32, #tpu.memory_space<hbm>>
        %dma_wait3A_121 = arith.constant 0 : i32
        %dma_wait3A_122 = arith.constant 0 : i32
        %dma_wait3A_123 = tpu.memref_slice %arg4[%select_n3A_104, %dma_wait3A_121, %dma_wait3A_122] : memref<6x32x128xf32, #tpu.memory_space<vmem>> -> memref<1x32x128xf32, #tpu.memory_space<vmem>>
        %dma_wait3A_124 = tpu.memref_squeeze %dma_wait3A_123 : memref<1x32x128xf32, #tpu.memory_space<vmem>> -> memref<32x128xf32, #tpu.memory_space<vmem>>
        tpu.wait_dma2 semaphore(%dma_wait3A_116 : memref<!tpu.dma_semaphore, #tpu.memory_space<semaphore_mem>>) src(%dma_wait3A_124 : memref<32x128xf32, #tpu.memory_space<vmem>>) dst(%dma_wait3A_120 : memref<32x128xf32, #tpu.memory_space<hbm>>)
      } else {
      }
      %add3A_67 = arith.constant 3 : i32
      %add3A_68 = arith.addi %scan3A_45, %add3A_67 : i32
      %mul3A_69 = arith.constant 32 : i32
      %mul3A_70 = arith.muli %mul3A_69, %add3A_68 : i32
      %add3A_71 = arith.addi %add3A, %mul3A_70 : i32
      %lt3A_72 = arith.constant 7812 : i32
      %lt3A_73 = arith.cmpi slt, %add3A_71, %lt3A_72 : i32
      %convert_element_type3A_74 = arith.extui %lt3A_73 : i1 to i32
      %cond3A_75 = arith.constant 0 : i32
      %cond3A_76 = arith.cmpi ne, %convert_element_type3A_74, %cond3A_75 : i32
      scf.if %cond3A_76 {
        %add3A_85 = arith.constant 3 : i32
        %add3A_86 = arith.addi %scan3A_45, %add3A_85 : i32
        %add3A_87 = arith.constant 3 : i32
        %add3A_88 = arith.addi %scan3A_45, %add3A_87 : i32
        %jit3A_89 = arith.constant 6 : i32
        %eq3A_90 = arith.constant 0 : i32
        %eq3A_91 = arith.cmpi eq, %jit3A_89, %eq3A_90 : i32
        %jit3A_92 = arith.constant 1 : i32
        %select_n3A_93 = arith.select %eq3A_91, %jit3A_92, %jit3A_89 : i32
        %rem3A_94 = arith.remsi %add3A_88, %select_n3A_93 : i32
        %ne3A_95 = arith.constant 0 : i32
        %ne3A_96 = arith.cmpi ne, %rem3A_94, %ne3A_95 : i32
        %lt3A_97 = arith.constant 0 : i32
        %lt3A_98 = arith.cmpi slt, %rem3A_94, %lt3A_97 : i32
        %lt3A_99 = arith.constant 0 : i32
        %lt3A_100 = arith.cmpi slt, %select_n3A_93, %lt3A_99 : i32
        %ne3A_101 = arith.xori %lt3A_98, %lt3A_100 : i1
        %and3A_102 = arith.andi %ne3A_101, %ne3A_96 : i1
        %add3A_103 = arith.addi %rem3A_94, %select_n3A_93 : i32
        %select_n3A_104 = arith.select %and3A_102, %add3A_103, %rem3A_94 : i32
        %mul3A_105 = arith.constant 32 : i32
        %mul3A_106 = arith.muli %mul3A_105, %add3A_86 : i32
        %add3A_107 = arith.addi %add3A, %mul3A_106 : i32
        %mul3A_108 = arith.constant 128 : i32
        %mul3A_109 = arith.muli %add3A_107, %mul3A_108 : i32
        %dma_start3A = arith.constant 0 : i32
        %dma_start3A_110 = arith.constant 0 : i32
        %dma_start3A_111 = tpu.memref_slice %arg4[%select_n3A_104, %dma_start3A, %dma_start3A_110] : memref<6x32x128xf32, #tpu.memory_space<vmem>> -> memref<1x32x128xf32, #tpu.memory_space<vmem>>
        %dma_start3A_112 = tpu.memref_squeeze %dma_start3A_111 : memref<1x32x128xf32, #tpu.memory_space<vmem>> -> memref<32x128xf32, #tpu.memory_space<vmem>>
        %dma_start3A_113 = arith.constant 0 : i32
        %dma_start3A_114 = tpu.memref_slice %arg2[%dma_start3A_113, %mul3A_109] : memref<32x1000000xf32, #tpu.memory_space<hbm>> -> memref<32x128xf32, #tpu.memory_space<hbm>>
        %dma_start3A_115 = tpu.memref_slice %arg5[%select_n3A_104] : memref<6x!tpu.dma_semaphore, #tpu.memory_space<semaphore_mem>> -> memref<1x!tpu.dma_semaphore, #tpu.memory_space<semaphore_mem>>
        %dma_start3A_116 = tpu.memref_squeeze %dma_start3A_115 : memref<1x!tpu.dma_semaphore, #tpu.memory_space<semaphore_mem>> -> memref<!tpu.dma_semaphore, #tpu.memory_space<semaphore_mem>>
        %dma_start3A_117 = arith.constant 0 : i32
        %dma_start3A_118 = arith.constant 0 : i32
        %dma_start3A_119 = tpu.memref_slice %arg4[%select_n3A_104, %dma_start3A_117, %dma_start3A_118] : memref<6x32x128xf32, #tpu.memory_space<vmem>> -> memref<1x32x128xf32, #tpu.memory_space<vmem>>
        %dma_start3A_120 = tpu.memref_squeeze %dma_start3A_119 : memref<1x32x128xf32, #tpu.memory_space<vmem>> -> memref<32x128xf32, #tpu.memory_space<vmem>>
        %dma_start3A_121 = arith.constant 0 : i32
        %dma_start3A_122 = tpu.memref_slice %arg2[%dma_start3A_121, %mul3A_109] : memref<32x1000000xf32, #tpu.memory_space<hbm>> -> memref<32x128xf32, #tpu.memory_space<hbm>>
        tpu.enqueue_dma source(%dma_start3A_122 : memref<32x128xf32, #tpu.memory_space<hbm>>) target(%dma_start3A_120 : memref<32x128xf32, #tpu.memory_space<vmem>>) target_semaphore(%dma_start3A_116 : memref<!tpu.dma_semaphore, #tpu.memory_space<semaphore_mem>>)
      } else {
      }
      %mul3A_77 = arith.constant 32 : i32
      %mul3A_78 = arith.muli %mul3A_77, %scan3A_45 : i32
      %add3A_79 = arith.addi %add3A, %mul3A_78 : i32
      %lt3A_80 = arith.constant 7812 : i32
      %lt3A_81 = arith.cmpi slt, %add3A_79, %lt3A_80 : i32
      %convert_element_type3A_82 = arith.extui %lt3A_81 : i1 to i32
      %cond3A_83 = arith.constant 0 : i32
      %cond3A_84 = arith.cmpi ne, %convert_element_type3A_82, %cond3A_83 : i32
      scf.if %cond3A_84 {
        %mul3A_85 = arith.constant 32 : i32
        %mul3A_86 = arith.muli %mul3A_85, %scan3A_45 : i32
        %add3A_87 = arith.addi %add3A, %mul3A_86 : i32
        %mul3A_88 = arith.constant 128 : i32
        %mul3A_89 = arith.muli %add3A_87, %mul3A_88 : i32
        %dma_wait3A = arith.constant 0 : i32
        %dma_wait3A_90 = arith.constant 0 : i32
        %dma_wait3A_91 = tpu.memref_slice %arg4[%select_n3A_55, %dma_wait3A, %dma_wait3A_90] : memref<6x32x128xf32, #tpu.memory_space<vmem>> -> memref<1x32x128xf32, #tpu.memory_space<vmem>>
        %dma_wait3A_92 = tpu.memref_squeeze %dma_wait3A_91 : memref<1x32x128xf32, #tpu.memory_space<vmem>> -> memref<32x128xf32, #tpu.memory_space<vmem>>
        %dma_wait3A_93 = arith.constant 0 : i32
        %dma_wait3A_94 = tpu.memref_slice %arg2[%dma_wait3A_93, %mul3A_89] : memref<32x1000000xf32, #tpu.memory_space<hbm>> -> memref<32x128xf32, #tpu.memory_space<hbm>>
        %dma_wait3A_95 = tpu.memref_slice %arg5[%select_n3A_55] : memref<6x!tpu.dma_semaphore, #tpu.memory_space<semaphore_mem>> -> memref<1x!tpu.dma_semaphore, #tpu.memory_space<semaphore_mem>>
        %dma_wait3A_96 = tpu.memref_squeeze %dma_wait3A_95 : memref<1x!tpu.dma_semaphore, #tpu.memory_space<semaphore_mem>> -> memref<!tpu.dma_semaphore, #tpu.memory_space<semaphore_mem>>
        %dma_wait3A_97 = arith.constant 0 : i32
        %dma_wait3A_98 = arith.constant 0 : i32
        %dma_wait3A_99 = tpu.memref_slice %arg4[%select_n3A_55, %dma_wait3A_97, %dma_wait3A_98] : memref<6x32x128xf32, #tpu.memory_space<vmem>> -> memref<1x32x128xf32, #tpu.memory_space<vmem>>
        %dma_wait3A_100 = tpu.memref_squeeze %dma_wait3A_99 : memref<1x32x128xf32, #tpu.memory_space<vmem>> -> memref<32x128xf32, #tpu.memory_space<vmem>>
        %dma_wait3A_101 = arith.constant 0 : i32
        %dma_wait3A_102 = tpu.memref_slice %arg2[%dma_wait3A_101, %mul3A_89] : memref<32x1000000xf32, #tpu.memory_space<hbm>> -> memref<32x128xf32, #tpu.memory_space<hbm>>
        tpu.wait_dma2 semaphore(%dma_wait3A_96 : memref<!tpu.dma_semaphore, #tpu.memory_space<semaphore_mem>>) src(%dma_wait3A_102 : memref<32x128xf32, #tpu.memory_space<hbm>>) dst(%dma_wait3A_100 : memref<32x128xf32, #tpu.memory_space<vmem>>)
        %mul3A_103 = arith.constant 32 : i32
        %mul3A_104 = arith.muli %mul3A_103, %scan3A_45 : i32
        %add3A_105 = arith.addi %add3A, %mul3A_104 : i32
        %dma_start3A = arith.constant 0 : i32
        %dma_start3A_106 = arith.constant 0 : i32
        %dma_start3A_107 = tpu.memref_slice %arg4[%select_n3A_55, %dma_start3A, %dma_start3A_106] : memref<6x32x128xf32, #tpu.memory_space<vmem>> -> memref<1x32x128xf32, #tpu.memory_space<vmem>>
        %dma_start3A_108 = tpu.memref_squeeze %dma_start3A_107 : memref<1x32x128xf32, #tpu.memory_space<vmem>> -> memref<32x128xf32, #tpu.memory_space<vmem>>
        %dma_start3A_109 = arith.constant 0 : i32
        %dma_start3A_110 = arith.constant 0 : i32
        %dma_start3A_111 = tpu.memref_slice %arg3[%add3A_105, %dma_start3A_109, %dma_start3A_110] : memref<7813x32x128xf32, #tpu.memory_space<hbm>> -> memref<1x32x128xf32, #tpu.memory_space<hbm>>
        %dma_start3A_112 = tpu.memref_squeeze %dma_start3A_111 : memref<1x32x128xf32, #tpu.memory_space<hbm>> -> memref<32x128xf32, #tpu.memory_space<hbm>>
        %dma_start3A_113 = tpu.memref_slice %arg6[%select_n3A_55] : memref<6x!tpu.dma_semaphore, #tpu.memory_space<semaphore_mem>> -> memref<1x!tpu.dma_semaphore, #tpu.memory_space<semaphore_mem>>
        %dma_start3A_114 = tpu.memref_squeeze %dma_start3A_113 : memref<1x!tpu.dma_semaphore, #tpu.memory_space<semaphore_mem>> -> memref<!tpu.dma_semaphore, #tpu.memory_space<semaphore_mem>>
        %dma_start3A_115 = arith.constant 0 : i32
        %dma_start3A_116 = arith.constant 0 : i32
        %dma_start3A_117 = tpu.memref_slice %arg3[%add3A_105, %dma_start3A_115, %dma_start3A_116] : memref<7813x32x128xf32, #tpu.memory_space<hbm>> -> memref<1x32x128xf32, #tpu.memory_space<hbm>>
        %dma_start3A_118 = tpu.memref_squeeze %dma_start3A_117 : memref<1x32x128xf32, #tpu.memory_space<hbm>> -> memref<32x128xf32, #tpu.memory_space<hbm>>
        %dma_start3A_119 = arith.constant 0 : i32
        %dma_start3A_120 = arith.constant 0 : i32
        %dma_start3A_121 = tpu.memref_slice %arg4[%select_n3A_55, %dma_start3A_119, %dma_start3A_120] : memref<6x32x128xf32, #tpu.memory_space<vmem>> -> memref<1x32x128xf32, #tpu.memory_space<vmem>>
        %dma_start3A_122 = tpu.memref_squeeze %dma_start3A_121 : memref<1x32x128xf32, #tpu.memory_space<vmem>> -> memref<32x128xf32, #tpu.memory_space<vmem>>
        tpu.enqueue_dma source(%dma_start3A_122 : memref<32x128xf32, #tpu.memory_space<vmem>>) target(%dma_start3A_118 : memref<32x128xf32, #tpu.memory_space<hbm>>) target_semaphore(%dma_start3A_114 : memref<!tpu.dma_semaphore, #tpu.memory_space<semaphore_mem>>)
      } else {
      }
    }
    %scan3A_23 = arith.constant 245 : i32
    %add3A_24 = arith.constant 7744 : i32
    %add3A_25 = arith.addi %add3A, %add3A_24 : i32
    %lt3A_26 = arith.constant 7812 : i32
    %lt3A_27 = arith.cmpi slt, %add3A_25, %lt3A_26 : i32
    %convert_element_type3A_28 = arith.extui %lt3A_27 : i1 to i32
    %cond3A_29 = arith.constant 0 : i32
    %cond3A_30 = arith.cmpi ne, %convert_element_type3A_28, %cond3A_29 : i32
    scf.if %cond3A_30 {
      %add3A_45 = arith.constant 7744 : i32
      %add3A_46 = arith.addi %add3A, %add3A_45 : i32
      %dma_wait3A = arith.constant 2 : i32
      %dma_wait3A_47 = arith.constant 2 : i32
      %dma_wait3A_48 = arith.constant 0 : i32
      %dma_wait3A_49 = arith.constant 0 : i32
      %dma_wait3A_50 = tpu.memref_slice %arg4[%dma_wait3A, %dma_wait3A_48, %dma_wait3A_49] : memref<6x32x128xf32, #tpu.memory_space<vmem>> -> memref<1x32x128xf32, #tpu.memory_space<vmem>>
      %dma_wait3A_51 = tpu.memref_squeeze %dma_wait3A_50 : memref<1x32x128xf32, #tpu.memory_space<vmem>> -> memref<32x128xf32, #tpu.memory_space<vmem>>
      %dma_wait3A_52 = arith.constant 0 : i32
      %dma_wait3A_53 = arith.constant 0 : i32
      %dma_wait3A_54 = tpu.memref_slice %arg3[%add3A_46, %dma_wait3A_52, %dma_wait3A_53] : memref<7813x32x128xf32, #tpu.memory_space<hbm>> -> memref<1x32x128xf32, #tpu.memory_space<hbm>>
      %dma_wait3A_55 = tpu.memref_squeeze %dma_wait3A_54 : memref<1x32x128xf32, #tpu.memory_space<hbm>> -> memref<32x128xf32, #tpu.memory_space<hbm>>
      %dma_wait3A_56 = tpu.memref_slice %arg6[%dma_wait3A_47] : memref<6x!tpu.dma_semaphore, #tpu.memory_space<semaphore_mem>> -> memref<1x!tpu.dma_semaphore, #tpu.memory_space<semaphore_mem>>
      %dma_wait3A_57 = tpu.memref_squeeze %dma_wait3A_56 : memref<1x!tpu.dma_semaphore, #tpu.memory_space<semaphore_mem>> -> memref<!tpu.dma_semaphore, #tpu.memory_space<semaphore_mem>>
      %dma_wait3A_58 = arith.constant 0 : i32
      %dma_wait3A_59 = arith.constant 0 : i32
      %dma_wait3A_60 = tpu.memref_slice %arg3[%add3A_46, %dma_wait3A_58, %dma_wait3A_59] : memref<7813x32x128xf32, #tpu.memory_space<hbm>> -> memref<1x32x128xf32, #tpu.memory_space<hbm>>
      %dma_wait3A_61 = tpu.memref_squeeze %dma_wait3A_60 : memref<1x32x128xf32, #tpu.memory_space<hbm>> -> memref<32x128xf32, #tpu.memory_space<hbm>>
      %dma_wait3A_62 = arith.constant 0 : i32
      %dma_wait3A_63 = arith.constant 0 : i32
      %dma_wait3A_64 = tpu.memref_slice %arg4[%dma_wait3A, %dma_wait3A_62, %dma_wait3A_63] : memref<6x32x128xf32, #tpu.memory_space<vmem>> -> memref<1x32x128xf32, #tpu.memory_space<vmem>>
      %dma_wait3A_65 = tpu.memref_squeeze %dma_wait3A_64 : memref<1x32x128xf32, #tpu.memory_space<vmem>> -> memref<32x128xf32, #tpu.memory_space<vmem>>
      tpu.wait_dma2 semaphore(%dma_wait3A_57 : memref<!tpu.dma_semaphore, #tpu.memory_space<semaphore_mem>>) src(%dma_wait3A_65 : memref<32x128xf32, #tpu.memory_space<vmem>>) dst(%dma_wait3A_61 : memref<32x128xf32, #tpu.memory_space<hbm>>)
    } else {
    }
    %add3A_31 = arith.constant 7776 : i32
    %add3A_32 = arith.addi %add3A, %add3A_31 : i32
    %lt3A_33 = arith.constant 7812 : i32
    %lt3A_34 = arith.cmpi slt, %add3A_32, %lt3A_33 : i32
    %convert_element_type3A_35 = arith.extui %lt3A_34 : i1 to i32
    %cond3A_36 = arith.constant 0 : i32
    %cond3A_37 = arith.cmpi ne, %convert_element_type3A_35, %cond3A_36 : i32
    scf.if %cond3A_37 {
      %add3A_45 = arith.constant 7776 : i32
      %add3A_46 = arith.addi %add3A, %add3A_45 : i32
      %dma_wait3A = arith.constant 3 : i32
      %dma_wait3A_47 = arith.constant 3 : i32
      %dma_wait3A_48 = arith.constant 0 : i32
      %dma_wait3A_49 = arith.constant 0 : i32
      %dma_wait3A_50 = tpu.memref_slice %arg4[%dma_wait3A, %dma_wait3A_48, %dma_wait3A_49] : memref<6x32x128xf32, #tpu.memory_space<vmem>> -> memref<1x32x128xf32, #tpu.memory_space<vmem>>
      %dma_wait3A_51 = tpu.memref_squeeze %dma_wait3A_50 : memref<1x32x128xf32, #tpu.memory_space<vmem>> -> memref<32x128xf32, #tpu.memory_space<vmem>>
      %dma_wait3A_52 = arith.constant 0 : i32
      %dma_wait3A_53 = arith.constant 0 : i32
      %dma_wait3A_54 = tpu.memref_slice %arg3[%add3A_46, %dma_wait3A_52, %dma_wait3A_53] : memref<7813x32x128xf32, #tpu.memory_space<hbm>> -> memref<1x32x128xf32, #tpu.memory_space<hbm>>
      %dma_wait3A_55 = tpu.memref_squeeze %dma_wait3A_54 : memref<1x32x128xf32, #tpu.memory_space<hbm>> -> memref<32x128xf32, #tpu.memory_space<hbm>>
      %dma_wait3A_56 = tpu.memref_slice %arg6[%dma_wait3A_47] : memref<6x!tpu.dma_semaphore, #tpu.memory_space<semaphore_mem>> -> memref<1x!tpu.dma_semaphore, #tpu.memory_space<semaphore_mem>>
      %dma_wait3A_57 = tpu.memref_squeeze %dma_wait3A_56 : memref<1x!tpu.dma_semaphore, #tpu.memory_space<semaphore_mem>> -> memref<!tpu.dma_semaphore, #tpu.memory_space<semaphore_mem>>
      %dma_wait3A_58 = arith.constant 0 : i32
      %dma_wait3A_59 = arith.constant 0 : i32
      %dma_wait3A_60 = tpu.memref_slice %arg3[%add3A_46, %dma_wait3A_58, %dma_wait3A_59] : memref<7813x32x128xf32, #tpu.memory_space<hbm>> -> memref<1x32x128xf32, #tpu.memory_space<hbm>>
      %dma_wait3A_61 = tpu.memref_squeeze %dma_wait3A_60 : memref<1x32x128xf32, #tpu.memory_space<hbm>> -> memref<32x128xf32, #tpu.memory_space<hbm>>
      %dma_wait3A_62 = arith.constant 0 : i32
      %dma_wait3A_63 = arith.constant 0 : i32
      %dma_wait3A_64 = tpu.memref_slice %arg4[%dma_wait3A, %dma_wait3A_62, %dma_wait3A_63] : memref<6x32x128xf32, #tpu.memory_space<vmem>> -> memref<1x32x128xf32, #tpu.memory_space<vmem>>
      %dma_wait3A_65 = tpu.memref_squeeze %dma_wait3A_64 : memref<1x32x128xf32, #tpu.memory_space<vmem>> -> memref<32x128xf32, #tpu.memory_space<vmem>>
      tpu.wait_dma2 semaphore(%dma_wait3A_57 : memref<!tpu.dma_semaphore, #tpu.memory_space<semaphore_mem>>) src(%dma_wait3A_65 : memref<32x128xf32, #tpu.memory_space<vmem>>) dst(%dma_wait3A_61 : memref<32x128xf32, #tpu.memory_space<hbm>>)
    } else {
    }
    %add3A_38 = arith.constant 7808 : i32
    %add3A_39 = arith.addi %add3A, %add3A_38 : i32
    %lt3A_40 = arith.constant 7812 : i32
    %lt3A_41 = arith.cmpi slt, %add3A_39, %lt3A_40 : i32
    %convert_element_type3A_42 = arith.extui %lt3A_41 : i1 to i32
    %cond3A_43 = arith.constant 0 : i32
    %cond3A_44 = arith.cmpi ne, %convert_element_type3A_42, %cond3A_43 : i32
    scf.if %cond3A_44 {
      %add3A_45 = arith.constant 7808 : i32
      %add3A_46 = arith.addi %add3A, %add3A_45 : i32
      %dma_wait3A = arith.constant 4 : i32
      %dma_wait3A_47 = arith.constant 4 : i32
      %dma_wait3A_48 = arith.constant 0 : i32
      %dma_wait3A_49 = arith.constant 0 : i32
      %dma_wait3A_50 = tpu.memref_slice %arg4[%dma_wait3A, %dma_wait3A_48, %dma_wait3A_49] : memref<6x32x128xf32, #tpu.memory_space<vmem>> -> memref<1x32x128xf32, #tpu.memory_space<vmem>>
      %dma_wait3A_51 = tpu.memref_squeeze %dma_wait3A_50 : memref<1x32x128xf32, #tpu.memory_space<vmem>> -> memref<32x128xf32, #tpu.memory_space<vmem>>
      %dma_wait3A_52 = arith.constant 0 : i32
      %dma_wait3A_53 = arith.constant 0 : i32
      %dma_wait3A_54 = tpu.memref_slice %arg3[%add3A_46, %dma_wait3A_52, %dma_wait3A_53] : memref<7813x32x128xf32, #tpu.memory_space<hbm>> -> memref<1x32x128xf32, #tpu.memory_space<hbm>>
      %dma_wait3A_55 = tpu.memref_squeeze %dma_wait3A_54 : memref<1x32x128xf32, #tpu.memory_space<hbm>> -> memref<32x128xf32, #tpu.memory_space<hbm>>
      %dma_wait3A_56 = tpu.memref_slice %arg6[%dma_wait3A_47] : memref<6x!tpu.dma_semaphore, #tpu.memory_space<semaphore_mem>> -> memref<1x!tpu.dma_semaphore, #tpu.memory_space<semaphore_mem>>
      %dma_wait3A_57 = tpu.memref_squeeze %dma_wait3A_56 : memref<1x!tpu.dma_semaphore, #tpu.memory_space<semaphore_mem>> -> memref<!tpu.dma_semaphore, #tpu.memory_space<semaphore_mem>>
      %dma_wait3A_58 = arith.constant 0 : i32
      %dma_wait3A_59 = arith.constant 0 : i32
      %dma_wait3A_60 = tpu.memref_slice %arg3[%add3A_46, %dma_wait3A_58, %dma_wait3A_59] : memref<7813x32x128xf32, #tpu.memory_space<hbm>> -> memref<1x32x128xf32, #tpu.memory_space<hbm>>
      %dma_wait3A_61 = tpu.memref_squeeze %dma_wait3A_60 : memref<1x32x128xf32, #tpu.memory_space<hbm>> -> memref<32x128xf32, #tpu.memory_space<hbm>>
      %dma_wait3A_62 = arith.constant 0 : i32
      %dma_wait3A_63 = arith.constant 0 : i32
      %dma_wait3A_64 = tpu.memref_slice %arg4[%dma_wait3A, %dma_wait3A_62, %dma_wait3A_63] : memref<6x32x128xf32, #tpu.memory_space<vmem>> -> memref<1x32x128xf32, #tpu.memory_space<vmem>>
      %dma_wait3A_65 = tpu.memref_squeeze %dma_wait3A_64 : memref<1x32x128xf32, #tpu.memory_space<vmem>> -> memref<32x128xf32, #tpu.memory_space<vmem>>
      tpu.wait_dma2 semaphore(%dma_wait3A_57 : memref<!tpu.dma_semaphore, #tpu.memory_space<semaphore_mem>>) src(%dma_wait3A_65 : memref<32x128xf32, #tpu.memory_space<vmem>>) dst(%dma_wait3A_61 : memref<32x128xf32, #tpu.memory_space<hbm>>)
    } else {
    }
    return
  }
}

#map = affine_map<(d0, d1) -> (0, 0)>
#map1 = affine_map<(d0, d1) -> (0, 0, 0, 0, 0)>
module attributes {stable_mosaic.version = 14 : i64} {
  func.func @k(%arg0: i32, %arg1: i32, %arg2: memref<4096x200xi32, #tpu.memory_space<hbm>>, %arg3: memref<1000000x32xf32, #tpu.memory_space<hbm>>, %arg4: memref<200x4x32x8x128xf32, #tpu.memory_space<hbm>>, %arg5: memref<3x128x8xi32, #tpu.memory_space<vmem>>, %arg6: memref<3x1024xi32, #tpu.memory_space<vmem>>, %arg7: memref<3x1024x32xf32, #tpu.memory_space<vmem>>, %arg8: memref<4x4x8x129xf32, #tpu.memory_space<vmem>>, %arg9: memref<3x!tpu.dma_semaphore, #tpu.memory_space<semaphore_mem>>, %arg10: memref<4x!tpu.dma_semaphore, #tpu.memory_space<semaphore_mem>>) attributes {dimension_semantics = [#tpu.dimension_semantics<core_parallel>, #tpu.dimension_semantics<subcore_parallel>], iteration_bounds = array<i64: 2, 16>, scalar_prefetch = 0 : i64, scratch_operands = 6 : i64, tpu.core_type = #tpu.core_type<sc_vector_subcore>, window_params = [{transform_indices = #map}, {transform_indices = #map}, {transform_indices = #map1}]} {
    %mul3A = arith.constant 2 : i32
    %mul3A_0 = arith.muli %arg1, %mul3A : i32
    %add3A = arith.addi %mul3A_0, %arg0 : i32
    %iota3A = tpu.iota {dimensions = array<i32: 0>} : vector<16xi32>
    %shift_right_arithmetic3A = arith.constant 3 : i32
    %shift_right_arithmetic3A_1 = vector.broadcast %shift_right_arithmetic3A : i32 to vector<16xi32>
    %shift_right_arithmetic3A_2 = arith.shrsi %iota3A, %shift_right_arithmetic3A_1 : vector<16xi32>
    %and3A = arith.constant 7 : i32
    %and3A_3 = vector.broadcast %and3A : i32 to vector<16xi32>
    %and3A_4 = arith.andi %iota3A, %and3A_3 : vector<16xi32>
    %add3A_5 = arith.constant 2 : i32
    %add3A_6 = vector.broadcast %add3A_5 : i32 to vector<16xi32>
    %add3A_7 = arith.addi %shift_right_arithmetic3A_2, %add3A_6 : vector<16xi32>
    %mul3A_8 = arith.constant 128 : i32
    %mul3A_9 = arith.muli %add3A, %mul3A_8 : i32
    %run_scoped3A = arith.constant 0 : i32
    "tpu.region"() ({
      %run_scoped3A_151 = tpu.sem_alloc : memref<!tpu.dma_semaphore, #tpu.memory_space<semaphore_mem>>
      %dma_start3A_152 = arith.constant 0 : i32
      %dma_start3A_153 = arith.constant 0 : i32
      %dma_start3A_154 = tpu.memref_slice %arg5[%run_scoped3A, %dma_start3A_152, %dma_start3A_153] : memref<3x128x8xi32, #tpu.memory_space<vmem>> -> memref<1x128x8xi32, #tpu.memory_space<vmem>>
      %dma_start3A_155 = tpu.memref_squeeze %dma_start3A_154 : memref<1x128x8xi32, #tpu.memory_space<vmem>> -> memref<128x8xi32, #tpu.memory_space<vmem>>
      %dma_start3A_156 = arith.constant 0 : i32
      %dma_start3A_157 = tpu.memref_slice %arg2[%mul3A_9, %dma_start3A_156] : memref<4096x200xi32, #tpu.memory_space<hbm>> -> memref<128x8xi32, #tpu.memory_space<hbm>>
      %dma_start3A_158 = arith.constant 0 : i32
      %dma_start3A_159 = arith.constant 0 : i32
      %dma_start3A_160 = tpu.memref_slice %arg5[%run_scoped3A, %dma_start3A_158, %dma_start3A_159] : memref<3x128x8xi32, #tpu.memory_space<vmem>> -> memref<1x128x8xi32, #tpu.memory_space<vmem>>
      %dma_start3A_161 = tpu.memref_squeeze %dma_start3A_160 : memref<1x128x8xi32, #tpu.memory_space<vmem>> -> memref<128x8xi32, #tpu.memory_space<vmem>>
      %dma_start3A_162 = arith.constant 0 : i32
      %dma_start3A_163 = tpu.memref_slice %arg2[%mul3A_9, %dma_start3A_162] : memref<4096x200xi32, #tpu.memory_space<hbm>> -> memref<128x8xi32, #tpu.memory_space<hbm>>
      tpu.enqueue_dma source(%dma_start3A_163 : memref<128x8xi32, #tpu.memory_space<hbm>>) target(%dma_start3A_161 : memref<128x8xi32, #tpu.memory_space<vmem>>) target_semaphore(%run_scoped3A_151 : memref<!tpu.dma_semaphore, #tpu.memory_space<semaphore_mem>>)
      %dma_wait3A_164 = arith.constant 0 : i32
      %dma_wait3A_165 = arith.constant 0 : i32
      %dma_wait3A_166 = tpu.memref_slice %arg5[%run_scoped3A, %dma_wait3A_164, %dma_wait3A_165] : memref<3x128x8xi32, #tpu.memory_space<vmem>> -> memref<1x128x8xi32, #tpu.memory_space<vmem>>
      %dma_wait3A_167 = tpu.memref_squeeze %dma_wait3A_166 : memref<1x128x8xi32, #tpu.memory_space<vmem>> -> memref<128x8xi32, #tpu.memory_space<vmem>>
      %dma_wait3A_168 = arith.constant 0 : i32
      %dma_wait3A_169 = tpu.memref_slice %arg2[%mul3A_9, %dma_wait3A_168] : memref<4096x200xi32, #tpu.memory_space<hbm>> -> memref<128x8xi32, #tpu.memory_space<hbm>>
      %dma_wait3A_170 = arith.constant 0 : i32
      %dma_wait3A_171 = arith.constant 0 : i32
      %dma_wait3A_172 = tpu.memref_slice %arg5[%run_scoped3A, %dma_wait3A_170, %dma_wait3A_171] : memref<3x128x8xi32, #tpu.memory_space<vmem>> -> memref<1x128x8xi32, #tpu.memory_space<vmem>>
      %dma_wait3A_173 = tpu.memref_squeeze %dma_wait3A_172 : memref<1x128x8xi32, #tpu.memory_space<vmem>> -> memref<128x8xi32, #tpu.memory_space<vmem>>
      %dma_wait3A_174 = arith.constant 0 : i32
      %dma_wait3A_175 = tpu.memref_slice %arg2[%mul3A_9, %dma_wait3A_174] : memref<4096x200xi32, #tpu.memory_space<hbm>> -> memref<128x8xi32, #tpu.memory_space<hbm>>
      tpu.wait_dma2 semaphore(%run_scoped3A_151 : memref<!tpu.dma_semaphore, #tpu.memory_space<semaphore_mem>>) src(%dma_wait3A_175 : memref<128x8xi32, #tpu.memory_space<hbm>>) dst(%dma_wait3A_173 : memref<128x8xi32, #tpu.memory_space<vmem>>)
      tpu.yield
    }) : () -> ()
    %parallel_loop3A = arith.constant 0 : i32
    %parallel_loop3A_10 = arith.constant 64 : i32
    %parallel_loop3A_11 = arith.constant 1 : i32
    scf.for %parallel_loop3A_151 = %parallel_loop3A to %parallel_loop3A_10 step %parallel_loop3A_11  : i32 {
      %parallel_loop3A_152 = arith.constant 7 : i32
      %parallel_loop3A_153 = arith.andi %parallel_loop3A_151, %parallel_loop3A_152 : i32
      %parallel_loop3A_154 = arith.constant 16 : i32
      %parallel_loop3A_155 = arith.muli %parallel_loop3A_153, %parallel_loop3A_154 : i32
      %parallel_loop3A_156 = vector.broadcast %parallel_loop3A_155 : i32 to vector<16xi32>
      %parallel_loop3A_157 = arith.addi %iota3A, %parallel_loop3A_156 : vector<16xi32>
      %parallel_loop3A_158 = arith.constant 0 : i32
      %parallel_loop3A_159 = vector.broadcast %parallel_loop3A_158 : i32 to vector<16xi32>
      %parallel_loop3A_160 = arith.constant 3 : i32
      %parallel_loop3A_161 = arith.shrsi %parallel_loop3A_151, %parallel_loop3A_160 : i32
      %parallel_loop3A_162 = vector.broadcast %parallel_loop3A_161 : i32 to vector<16xi32>
      %parallel_loop3A_163 = arith.addi %parallel_loop3A_159, %parallel_loop3A_162 : vector<16xi32>
      %parallel_loop3A_164 = arith.constant 0 : i32
      %parallel_loop3A_165 = arith.constant 0 : i32
      %parallel_loop3A_166 = arith.constant 0 : i32
      %parallel_loop3A_167 = tpu.memref_slice %arg5[%parallel_loop3A_164, %parallel_loop3A_165, %parallel_loop3A_166] : memref<3x128x8xi32, #tpu.memory_space<vmem>> -> memref<1x128x8xi32, #tpu.memory_space<vmem>>
      %parallel_loop3A_168 = tpu.memref_squeeze %parallel_loop3A_167 : memref<1x128x8xi32, #tpu.memory_space<vmem>> -> memref<128x8xi32, #tpu.memory_space<vmem>>
      %parallel_loop3A_169 = tpu.vector_load_idx %parallel_loop3A_168[%parallel_loop3A_157, %parallel_loop3A_163] : memref<128x8xi32, #tpu.memory_space<vmem>>[vector<16xi32>, vector<16xi32>], vector<16xi32>,
      %parallel_loop3A_170 = arith.constant 16 : i32
      %parallel_loop3A_171 = arith.muli %parallel_loop3A_151, %parallel_loop3A_170 : i32
      %parallel_loop3A_172 = arith.constant 0 : i32
      %parallel_loop3A_173 = arith.index_cast %parallel_loop3A_172 : i32 to index
      %parallel_loop3A_174 = arith.index_cast %parallel_loop3A_171 : i32 to index
      %parallel_loop3A_175 = tpu.vector_load %arg6[%parallel_loop3A_173, %parallel_loop3A_174] {strides = array<i32>} : memref<3x1024xi32, #tpu.memory_space<vmem>>, vector<16xi32>,
      tpu.vector_store %arg6[%parallel_loop3A_173, %parallel_loop3A_174], %parallel_loop3A_169 {strides = array<i32>} : memref<3x1024xi32, #tpu.memory_space<vmem>>, vector<16xi32>,
    } {sc.loop_unroll_factor = 8 : i64, sc.parallel_access}
    %dma_start3A = arith.constant 0 : i32
    %dma_start3A_12 = arith.constant 0 : i32
    %dma_start3A_13 = arith.constant 0 : i32
    %dma_start3A_14 = arith.constant 0 : i32
    %dma_start3A_15 = arith.constant 0 : i32
    %dma_start3A_16 = tpu.memref_slice %arg7[%dma_start3A_12, %dma_start3A_14, %dma_start3A_15] : memref<3x1024x32xf32, #tpu.memory_space<vmem>> -> memref<1x1024x32xf32, #tpu.memory_space<vmem>>
    %dma_start3A_17 = tpu.memref_squeeze %dma_start3A_16 : memref<1x1024x32xf32, #tpu.memory_space<vmem>> -> memref<1024x32xf32, #tpu.memory_space<vmem>>
    %dma_start3A_18 = arith.constant 0 : i32
    %dma_start3A_19 = tpu.memref_slice %arg6[%dma_start3A, %dma_start3A_18] : memref<3x1024xi32, #tpu.memory_space<vmem>> -> memref<1x1024xi32, #tpu.memory_space<vmem>>
    %dma_start3A_20 = tpu.memref_squeeze %dma_start3A_19 : memref<1x1024xi32, #tpu.memory_space<vmem>> -> memref<1024xi32, #tpu.memory_space<vmem>>
    %dma_start3A_21 = arith.constant 0 : i32
    %dma_start3A_22 = arith.constant 0 : i32
    %dma_start3A_23 = tpu.memref_slice %arg3[%dma_start3A_21, %dma_start3A_22] : memref<1000000x32xf32, #tpu.memory_space<hbm>> -> memref<1000000x32xf32, #tpu.memory_space<hbm>>
    %dma_start3A_24 = tpu.memref_slice %arg9[%dma_start3A_13] : memref<3x!tpu.dma_semaphore, #tpu.memory_space<semaphore_mem>> -> memref<1x!tpu.dma_semaphore, #tpu.memory_space<semaphore_mem>>
    %dma_start3A_25 = tpu.memref_squeeze %dma_start3A_24 : memref<1x!tpu.dma_semaphore, #tpu.memory_space<semaphore_mem>> -> memref<!tpu.dma_semaphore, #tpu.memory_space<semaphore_mem>>
    tpu.enqueue_indirect_dma source(%dma_start3A_23 : memref<1000000x32xf32, #tpu.memory_space<hbm>>) target(%dma_start3A_17 : memref<1024x32xf32, #tpu.memory_space<vmem>>) offsets(%dma_start3A_20 : memref<1024xi32, #tpu.memory_space<vmem>>) semaphore(%dma_start3A_25 : memref<!tpu.dma_semaphore, #tpu.memory_space<semaphore_mem>>)
    %mul3A_26 = arith.constant 128 : i32
    %mul3A_27 = arith.muli %add3A, %mul3A_26 : i32
    %run_scoped3A_28 = arith.constant 1 : i32
    "tpu.region"() ({
      %run_scoped3A_151 = tpu.sem_alloc : memref<!tpu.dma_semaphore, #tpu.memory_space<semaphore_mem>>
      %dma_start3A_152 = arith.constant 0 : i32
      %dma_start3A_153 = arith.constant 0 : i32
      %dma_start3A_154 = tpu.memref_slice %arg5[%run_scoped3A_28, %dma_start3A_152, %dma_start3A_153] : memref<3x128x8xi32, #tpu.memory_space<vmem>> -> memref<1x128x8xi32, #tpu.memory_space<vmem>>
      %dma_start3A_155 = tpu.memref_squeeze %dma_start3A_154 : memref<1x128x8xi32, #tpu.memory_space<vmem>> -> memref<128x8xi32, #tpu.memory_space<vmem>>
      %dma_start3A_156 = arith.constant 8 : i32
      %dma_start3A_157 = tpu.memref_slice %arg2[%mul3A_27, %dma_start3A_156] : memref<4096x200xi32, #tpu.memory_space<hbm>> -> memref<128x8xi32, #tpu.memory_space<hbm>>
      %dma_start3A_158 = arith.constant 0 : i32
      %dma_start3A_159 = arith.constant 0 : i32
      %dma_start3A_160 = tpu.memref_slice %arg5[%run_scoped3A_28, %dma_start3A_158, %dma_start3A_159] : memref<3x128x8xi32, #tpu.memory_space<vmem>> -> memref<1x128x8xi32, #tpu.memory_space<vmem>>
      %dma_start3A_161 = tpu.memref_squeeze %dma_start3A_160 : memref<1x128x8xi32, #tpu.memory_space<vmem>> -> memref<128x8xi32, #tpu.memory_space<vmem>>
      %dma_start3A_162 = arith.constant 8 : i32
      %dma_start3A_163 = tpu.memref_slice %arg2[%mul3A_27, %dma_start3A_162] : memref<4096x200xi32, #tpu.memory_space<hbm>> -> memref<128x8xi32, #tpu.memory_space<hbm>>
      tpu.enqueue_dma source(%dma_start3A_163 : memref<128x8xi32, #tpu.memory_space<hbm>>) target(%dma_start3A_161 : memref<128x8xi32, #tpu.memory_space<vmem>>) target_semaphore(%run_scoped3A_151 : memref<!tpu.dma_semaphore, #tpu.memory_space<semaphore_mem>>)
      %dma_wait3A_164 = arith.constant 0 : i32
      %dma_wait3A_165 = arith.constant 0 : i32
      %dma_wait3A_166 = tpu.memref_slice %arg5[%run_scoped3A_28, %dma_wait3A_164, %dma_wait3A_165] : memref<3x128x8xi32, #tpu.memory_space<vmem>> -> memref<1x128x8xi32, #tpu.memory_space<vmem>>
      %dma_wait3A_167 = tpu.memref_squeeze %dma_wait3A_166 : memref<1x128x8xi32, #tpu.memory_space<vmem>> -> memref<128x8xi32, #tpu.memory_space<vmem>>
      %dma_wait3A_168 = arith.constant 8 : i32
      %dma_wait3A_169 = tpu.memref_slice %arg2[%mul3A_27, %dma_wait3A_168] : memref<4096x200xi32, #tpu.memory_space<hbm>> -> memref<128x8xi32, #tpu.memory_space<hbm>>
      %dma_wait3A_170 = arith.constant 0 : i32
      %dma_wait3A_171 = arith.constant 0 : i32
      %dma_wait3A_172 = tpu.memref_slice %arg5[%run_scoped3A_28, %dma_wait3A_170, %dma_wait3A_171] : memref<3x128x8xi32, #tpu.memory_space<vmem>> -> memref<1x128x8xi32, #tpu.memory_space<vmem>>
      %dma_wait3A_173 = tpu.memref_squeeze %dma_wait3A_172 : memref<1x128x8xi32, #tpu.memory_space<vmem>> -> memref<128x8xi32, #tpu.memory_space<vmem>>
      %dma_wait3A_174 = arith.constant 8 : i32
      %dma_wait3A_175 = tpu.memref_slice %arg2[%mul3A_27, %dma_wait3A_174] : memref<4096x200xi32, #tpu.memory_space<hbm>> -> memref<128x8xi32, #tpu.memory_space<hbm>>
      tpu.wait_dma2 semaphore(%run_scoped3A_151 : memref<!tpu.dma_semaphore, #tpu.memory_space<semaphore_mem>>) src(%dma_wait3A_175 : memref<128x8xi32, #tpu.memory_space<hbm>>) dst(%dma_wait3A_173 : memref<128x8xi32, #tpu.memory_space<vmem>>)
      tpu.yield
    }) : () -> ()
    %parallel_loop3A_29 = arith.constant 0 : i32
    %parallel_loop3A_30 = arith.constant 64 : i32
    %parallel_loop3A_31 = arith.constant 1 : i32
    scf.for %parallel_loop3A_151 = %parallel_loop3A_29 to %parallel_loop3A_30 step %parallel_loop3A_31  : i32 {
      %parallel_loop3A_152 = arith.constant 7 : i32
      %parallel_loop3A_153 = arith.andi %parallel_loop3A_151, %parallel_loop3A_152 : i32
      %parallel_loop3A_154 = arith.constant 16 : i32
      %parallel_loop3A_155 = arith.muli %parallel_loop3A_153, %parallel_loop3A_154 : i32
      %parallel_loop3A_156 = vector.broadcast %parallel_loop3A_155 : i32 to vector<16xi32>
      %parallel_loop3A_157 = arith.addi %iota3A, %parallel_loop3A_156 : vector<16xi32>
      %parallel_loop3A_158 = arith.constant 0 : i32
      %parallel_loop3A_159 = vector.broadcast %parallel_loop3A_158 : i32 to vector<16xi32>
      %parallel_loop3A_160 = arith.constant 3 : i32
      %parallel_loop3A_161 = arith.shrsi %parallel_loop3A_151, %parallel_loop3A_160 : i32
      %parallel_loop3A_162 = vector.broadcast %parallel_loop3A_161 : i32 to vector<16xi32>
      %parallel_loop3A_163 = arith.addi %parallel_loop3A_159, %parallel_loop3A_162 : vector<16xi32>
      %parallel_loop3A_164 = arith.constant 1 : i32
      %parallel_loop3A_165 = arith.constant 0 : i32
      %parallel_loop3A_166 = arith.constant 0 : i32
      %parallel_loop3A_167 = tpu.memref_slice %arg5[%parallel_loop3A_164, %parallel_loop3A_165, %parallel_loop3A_166] : memref<3x128x8xi32, #tpu.memory_space<vmem>> -> memref<1x128x8xi32, #tpu.memory_space<vmem>>
      %parallel_loop3A_168 = tpu.memref_squeeze %parallel_loop3A_167 : memref<1x128x8xi32, #tpu.memory_space<vmem>> -> memref<128x8xi32, #tpu.memory_space<vmem>>
      %parallel_loop3A_169 = tpu.vector_load_idx %parallel_loop3A_168[%parallel_loop3A_157, %parallel_loop3A_163] : memref<128x8xi32, #tpu.memory_space<vmem>>[vector<16xi32>, vector<16xi32>], vector<16xi32>,
      %parallel_loop3A_170 = arith.constant 16 : i32
      %parallel_loop3A_171 = arith.muli %parallel_loop3A_151, %parallel_loop3A_170 : i32
      %parallel_loop3A_172 = arith.constant 1 : i32
      %parallel_loop3A_173 = arith.index_cast %parallel_loop3A_172 : i32 to index
      %parallel_loop3A_174 = arith.index_cast %parallel_loop3A_171 : i32 to index
      %parallel_loop3A_175 = tpu.vector_load %arg6[%parallel_loop3A_173, %parallel_loop3A_174] {strides = array<i32>} : memref<3x1024xi32, #tpu.memory_space<vmem>>, vector<16xi32>,
      tpu.vector_store %arg6[%parallel_loop3A_173, %parallel_loop3A_174], %parallel_loop3A_169 {strides = array<i32>} : memref<3x1024xi32, #tpu.memory_space<vmem>>, vector<16xi32>,
    } {sc.loop_unroll_factor = 8 : i64, sc.parallel_access}
    %dma_start3A_32 = arith.constant 1 : i32
    %dma_start3A_33 = arith.constant 1 : i32
    %dma_start3A_34 = arith.constant 1 : i32
    %dma_start3A_35 = arith.constant 0 : i32
    %dma_start3A_36 = arith.constant 0 : i32
    %dma_start3A_37 = tpu.memref_slice %arg7[%dma_start3A_33, %dma_start3A_35, %dma_start3A_36] : memref<3x1024x32xf32, #tpu.memory_space<vmem>> -> memref<1x1024x32xf32, #tpu.memory_space<vmem>>
    %dma_start3A_38 = tpu.memref_squeeze %dma_start3A_37 : memref<1x1024x32xf32, #tpu.memory_space<vmem>> -> memref<1024x32xf32, #tpu.memory_space<vmem>>
    %dma_start3A_39 = arith.constant 0 : i32
    %dma_start3A_40 = tpu.memref_slice %arg6[%dma_start3A_32, %dma_start3A_39] : memref<3x1024xi32, #tpu.memory_space<vmem>> -> memref<1x1024xi32, #tpu.memory_space<vmem>>
    %dma_start3A_41 = tpu.memref_squeeze %dma_start3A_40 : memref<1x1024xi32, #tpu.memory_space<vmem>> -> memref<1024xi32, #tpu.memory_space<vmem>>
    %dma_start3A_42 = arith.constant 0 : i32
    %dma_start3A_43 = arith.constant 0 : i32
    %dma_start3A_44 = tpu.memref_slice %arg3[%dma_start3A_42, %dma_start3A_43] : memref<1000000x32xf32, #tpu.memory_space<hbm>> -> memref<1000000x32xf32, #tpu.memory_space<hbm>>
    %dma_start3A_45 = tpu.memref_slice %arg9[%dma_start3A_34] : memref<3x!tpu.dma_semaphore, #tpu.memory_space<semaphore_mem>> -> memref<1x!tpu.dma_semaphore, #tpu.memory_space<semaphore_mem>>
    %dma_start3A_46 = tpu.memref_squeeze %dma_start3A_45 : memref<1x!tpu.dma_semaphore, #tpu.memory_space<semaphore_mem>> -> memref<!tpu.dma_semaphore, #tpu.memory_space<semaphore_mem>>
    tpu.enqueue_indirect_dma source(%dma_start3A_44 : memref<1000000x32xf32, #tpu.memory_space<hbm>>) target(%dma_start3A_38 : memref<1024x32xf32, #tpu.memory_space<vmem>>) offsets(%dma_start3A_41 : memref<1024xi32, #tpu.memory_space<vmem>>) semaphore(%dma_start3A_46 : memref<!tpu.dma_semaphore, #tpu.memory_space<semaphore_mem>>)
    %scan3A = arith.constant 0 : i32
    %scan3A_47 = arith.constant 0 : i32
    %scan3A_48 = arith.constant 25 : i32
    %scan3A_49 = arith.addi %scan3A_47, %scan3A_48 : i32
    %scan3A_50 = arith.constant 1 : i32
    scf.for %scan3A_151 = %scan3A_47 to %scan3A_49 step %scan3A_50  : i32 {
      %jit3A = arith.constant 3 : i32
      %eq3A = arith.constant 0 : i32
      %eq3A_152 = arith.cmpi eq, %jit3A, %eq3A : i32
      %jit3A_153 = arith.constant 1 : i32
      %select_n3A = arith.select %eq3A_152, %jit3A_153, %jit3A : i32
      %rem3A = arith.remsi %scan3A_151, %select_n3A : i32
      %ne3A = arith.constant 0 : i32
      %ne3A_154 = arith.cmpi ne, %rem3A, %ne3A : i32
      %lt3A = arith.constant 0 : i32
      %lt3A_155 = arith.cmpi slt, %rem3A, %lt3A : i32
      %lt3A_156 = arith.constant 0 : i32
      %lt3A_157 = arith.cmpi slt, %select_n3A, %lt3A_156 : i32
      %ne3A_158 = arith.xori %lt3A_155, %lt3A_157 : i1
      %and3A_159 = arith.andi %ne3A_158, %ne3A_154 : i1
      %add3A_160 = arith.addi %rem3A, %select_n3A : i32
      %select_n3A_161 = arith.select %and3A_159, %add3A_160, %rem3A : i32
      %add3A_162 = arith.constant 2 : i32
      %add3A_163 = arith.addi %scan3A_151, %add3A_162 : i32
      %jit3A_164 = arith.constant 3 : i32
      %eq3A_165 = arith.constant 0 : i32
      %eq3A_166 = arith.cmpi eq, %jit3A_164, %eq3A_165 : i32
      %jit3A_167 = arith.constant 1 : i32
      %select_n3A_168 = arith.select %eq3A_166, %jit3A_167, %jit3A_164 : i32
      %rem3A_169 = arith.remsi %add3A_163, %select_n3A_168 : i32
      %ne3A_170 = arith.constant 0 : i32
      %ne3A_171 = arith.cmpi ne, %rem3A_169, %ne3A_170 : i32
      %lt3A_172 = arith.constant 0 : i32
      %lt3A_173 = arith.cmpi slt, %rem3A_169, %lt3A_172 : i32
      %lt3A_174 = arith.constant 0 : i32
      %lt3A_175 = arith.cmpi slt, %select_n3A_168, %lt3A_174 : i32
      %ne3A_176 = arith.xori %lt3A_173, %lt3A_175 : i1
      %and3A_177 = arith.andi %ne3A_176, %ne3A_171 : i1
      %add3A_178 = arith.addi %rem3A_169, %select_n3A_168 : i32
      %select_n3A_179 = arith.select %and3A_177, %add3A_178, %rem3A_169 : i32
      %dma_wait3A_180 = arith.constant 0 : i32
      %dma_wait3A_181 = arith.constant 0 : i32
      %dma_wait3A_182 = tpu.memref_slice %arg7[%select_n3A_161, %dma_wait3A_180, %dma_wait3A_181] : memref<3x1024x32xf32, #tpu.memory_space<vmem>> -> memref<1x1024x32xf32, #tpu.memory_space<vmem>>
      %dma_wait3A_183 = tpu.memref_squeeze %dma_wait3A_182 : memref<1x1024x32xf32, #tpu.memory_space<vmem>> -> memref<1024x32xf32, #tpu.memory_space<vmem>>
      %dma_wait3A_184 = arith.constant 0 : i32
      %dma_wait3A_185 = tpu.memref_slice %arg6[%select_n3A_161, %dma_wait3A_184] : memref<3x1024xi32, #tpu.memory_space<vmem>> -> memref<1x1024xi32, #tpu.memory_space<vmem>>
      %dma_wait3A_186 = tpu.memref_squeeze %dma_wait3A_185 : memref<1x1024xi32, #tpu.memory_space<vmem>> -> memref<1024xi32, #tpu.memory_space<vmem>>
      %dma_wait3A_187 = arith.constant 0 : i32
      %dma_wait3A_188 = arith.constant 0 : i32
      %dma_wait3A_189 = tpu.memref_slice %arg3[%dma_wait3A_187, %dma_wait3A_188] : memref<1000000x32xf32, #tpu.memory_space<hbm>> -> memref<1000000x32xf32, #tpu.memory_space<hbm>>
      %dma_wait3A_190 = tpu.memref_slice %arg9[%select_n3A_161] : memref<3x!tpu.dma_semaphore, #tpu.memory_space<semaphore_mem>> -> memref<1x!tpu.dma_semaphore, #tpu.memory_space<semaphore_mem>>
      %dma_wait3A_191 = tpu.memref_squeeze %dma_wait3A_190 : memref<1x!tpu.dma_semaphore, #tpu.memory_space<semaphore_mem>> -> memref<!tpu.dma_semaphore, #tpu.memory_space<semaphore_mem>>
      tpu.wait_indirect_dma semaphore(%dma_wait3A_191 : memref<!tpu.dma_semaphore, #tpu.memory_space<semaphore_mem>>) src(%dma_wait3A_189 : memref<1000000x32xf32, #tpu.memory_space<hbm>>) dst(%dma_wait3A_183 : memref<1024x32xf32, #tpu.memory_space<vmem>>)
      %add3A_192 = arith.constant 2 : i32
      %add3A_193 = arith.addi %scan3A_151, %add3A_192 : i32
      %lt3A_194 = arith.constant 25 : i32
      %lt3A_195 = arith.cmpi slt, %add3A_193, %lt3A_194 : i32
      %convert_element_type3A = arith.extui %lt3A_195 : i1 to i32
      %cond3A = arith.constant 0 : i32
      %cond3A_196 = arith.cmpi ne, %convert_element_type3A, %cond3A : i32
      scf.if %cond3A_196 {
        %add3A_524 = arith.constant 2 : i32
        %add3A_525 = arith.addi %scan3A_151, %add3A_524 : i32
        %mul3A_526 = arith.constant 128 : i32
        %mul3A_527 = arith.muli %add3A, %mul3A_526 : i32
        %mul3A_528 = arith.constant 8 : i32
        %mul3A_529 = arith.muli %add3A_525, %mul3A_528 : i32
        "tpu.region"() ({
          %run_scoped3A_545 = tpu.sem_alloc : memref<!tpu.dma_semaphore, #tpu.memory_space<semaphore_mem>>
          %dma_start3A_546 = arith.constant 0 : i32
          %dma_start3A_547 = arith.constant 0 : i32
          %dma_start3A_548 = tpu.memref_slice %arg5[%select_n3A_179, %dma_start3A_546, %dma_start3A_547] : memref<3x128x8xi32, #tpu.memory_space<vmem>> -> memref<1x128x8xi32, #tpu.memory_space<vmem>>
          %dma_start3A_549 = tpu.memref_squeeze %dma_start3A_548 : memref<1x128x8xi32, #tpu.memory_space<vmem>> -> memref<128x8xi32, #tpu.memory_space<vmem>>
          %dma_start3A_550 = tpu.memref_slice %arg2[%mul3A_527, %mul3A_529] : memref<4096x200xi32, #tpu.memory_space<hbm>> -> memref<128x8xi32, #tpu.memory_space<hbm>>
          %dma_start3A_551 = arith.constant 0 : i32
          %dma_start3A_552 = arith.constant 0 : i32
          %dma_start3A_553 = tpu.memref_slice %arg5[%select_n3A_179, %dma_start3A_551, %dma_start3A_552] : memref<3x128x8xi32, #tpu.memory_space<vmem>> -> memref<1x128x8xi32, #tpu.memory_space<vmem>>
          %dma_start3A_554 = tpu.memref_squeeze %dma_start3A_553 : memref<1x128x8xi32, #tpu.memory_space<vmem>> -> memref<128x8xi32, #tpu.memory_space<vmem>>
          %dma_start3A_555 = tpu.memref_slice %arg2[%mul3A_527, %mul3A_529] : memref<4096x200xi32, #tpu.memory_space<hbm>> -> memref<128x8xi32, #tpu.memory_space<hbm>>
          tpu.enqueue_dma source(%dma_start3A_555 : memref<128x8xi32, #tpu.memory_space<hbm>>) target(%dma_start3A_554 : memref<128x8xi32, #tpu.memory_space<vmem>>) target_semaphore(%run_scoped3A_545 : memref<!tpu.dma_semaphore, #tpu.memory_space<semaphore_mem>>)
          %dma_wait3A_556 = arith.constant 0 : i32
          %dma_wait3A_557 = arith.constant 0 : i32
          %dma_wait3A_558 = tpu.memref_slice %arg5[%select_n3A_179, %dma_wait3A_556, %dma_wait3A_557] : memref<3x128x8xi32, #tpu.memory_space<vmem>> -> memref<1x128x8xi32, #tpu.memory_space<vmem>>
          %dma_wait3A_559 = tpu.memref_squeeze %dma_wait3A_558 : memref<1x128x8xi32, #tpu.memory_space<vmem>> -> memref<128x8xi32, #tpu.memory_space<vmem>>
          %dma_wait3A_560 = tpu.memref_slice %arg2[%mul3A_527, %mul3A_529] : memref<4096x200xi32, #tpu.memory_space<hbm>> -> memref<128x8xi32, #tpu.memory_space<hbm>>
          %dma_wait3A_561 = arith.constant 0 : i32
          %dma_wait3A_562 = arith.constant 0 : i32
          %dma_wait3A_563 = tpu.memref_slice %arg5[%select_n3A_179, %dma_wait3A_561, %dma_wait3A_562] : memref<3x128x8xi32, #tpu.memory_space<vmem>> -> memref<1x128x8xi32, #tpu.memory_space<vmem>>
          %dma_wait3A_564 = tpu.memref_squeeze %dma_wait3A_563 : memref<1x128x8xi32, #tpu.memory_space<vmem>> -> memref<128x8xi32, #tpu.memory_space<vmem>>
          %dma_wait3A_565 = tpu.memref_slice %arg2[%mul3A_527, %mul3A_529] : memref<4096x200xi32, #tpu.memory_space<hbm>> -> memref<128x8xi32, #tpu.memory_space<hbm>>
          tpu.wait_dma2 semaphore(%run_scoped3A_545 : memref<!tpu.dma_semaphore, #tpu.memory_space<semaphore_mem>>) src(%dma_wait3A_565 : memref<128x8xi32, #tpu.memory_space<hbm>>) dst(%dma_wait3A_564 : memref<128x8xi32, #tpu.memory_space<vmem>>)
          tpu.yield
        }) : () -> ()
        %parallel_loop3A_530 = arith.constant 0 : i32
        %parallel_loop3A_531 = arith.constant 64 : i32
        %parallel_loop3A_532 = arith.constant 1 : i32
        scf.for %parallel_loop3A_545 = %parallel_loop3A_530 to %parallel_loop3A_531 step %parallel_loop3A_532  : i32 {
          %parallel_loop3A_546 = arith.constant 7 : i32
          %parallel_loop3A_547 = arith.andi %parallel_loop3A_545, %parallel_loop3A_546 : i32
          %parallel_loop3A_548 = arith.constant 16 : i32
          %parallel_loop3A_549 = arith.muli %parallel_loop3A_547, %parallel_loop3A_548 : i32
          %parallel_loop3A_550 = vector.broadcast %parallel_loop3A_549 : i32 to vector<16xi32>
          %parallel_loop3A_551 = arith.addi %iota3A, %parallel_loop3A_550 : vector<16xi32>
          %parallel_loop3A_552 = arith.constant 0 : i32
          %parallel_loop3A_553 = vector.broadcast %parallel_loop3A_552 : i32 to vector<16xi32>
          %parallel_loop3A_554 = arith.constant 3 : i32
          %parallel_loop3A_555 = arith.shrsi %parallel_loop3A_545, %parallel_loop3A_554 : i32
          %parallel_loop3A_556 = vector.broadcast %parallel_loop3A_555 : i32 to vector<16xi32>
          %parallel_loop3A_557 = arith.addi %parallel_loop3A_553, %parallel_loop3A_556 : vector<16xi32>
          %parallel_loop3A_558 = arith.constant 0 : i32
          %parallel_loop3A_559 = arith.constant 0 : i32
          %parallel_loop3A_560 = tpu.memref_slice %arg5[%select_n3A_179, %parallel_loop3A_558, %parallel_loop3A_559] : memref<3x128x8xi32, #tpu.memory_space<vmem>> -> memref<1x128x8xi32, #tpu.memory_space<vmem>>
          %parallel_loop3A_561 = tpu.memref_squeeze %parallel_loop3A_560 : memref<1x128x8xi32, #tpu.memory_space<vmem>> -> memref<128x8xi32, #tpu.memory_space<vmem>>
          %parallel_loop3A_562 = tpu.vector_load_idx %parallel_loop3A_561[%parallel_loop3A_551, %parallel_loop3A_557] : memref<128x8xi32, #tpu.memory_space<vmem>>[vector<16xi32>, vector<16xi32>], vector<16xi32>,
          %parallel_loop3A_563 = arith.constant 16 : i32
          %parallel_loop3A_564 = arith.muli %parallel_loop3A_545, %parallel_loop3A_563 : i32
          %parallel_loop3A_565 = arith.index_cast %select_n3A_179 : i32 to index
          %parallel_loop3A_566 = arith.index_cast %parallel_loop3A_564 : i32 to index
          %parallel_loop3A_567 = tpu.vector_load %arg6[%parallel_loop3A_565, %parallel_loop3A_566] {strides = array<i32>} : memref<3x1024xi32, #tpu.memory_space<vmem>>, vector<16xi32>,
          tpu.vector_store %arg6[%parallel_loop3A_565, %parallel_loop3A_566], %parallel_loop3A_562 {strides = array<i32>} : memref<3x1024xi32, #tpu.memory_space<vmem>>, vector<16xi32>,
        } {sc.loop_unroll_factor = 8 : i64, sc.parallel_access}
        %dma_start3A_533 = arith.constant 0 : i32
        %dma_start3A_534 = arith.constant 0 : i32
        %dma_start3A_535 = tpu.memref_slice %arg7[%select_n3A_179, %dma_start3A_533, %dma_start3A_534] : memref<3x1024x32xf32, #tpu.memory_space<vmem>> -> memref<1x1024x32xf32, #tpu.memory_space<vmem>>
        %dma_start3A_536 = tpu.memref_squeeze %dma_start3A_535 : memref<1x1024x32xf32, #tpu.memory_space<vmem>> -> memref<1024x32xf32, #tpu.memory_space<vmem>>
        %dma_start3A_537 = arith.constant 0 : i32
        %dma_start3A_538 = tpu.memref_slice %arg6[%select_n3A_179, %dma_start3A_537] : memref<3x1024xi32, #tpu.memory_space<vmem>> -> memref<1x1024xi32, #tpu.memory_space<vmem>>
        %dma_start3A_539 = tpu.memref_squeeze %dma_start3A_538 : memref<1x1024xi32, #tpu.memory_space<vmem>> -> memref<1024xi32, #tpu.memory_space<vmem>>
        %dma_start3A_540 = arith.constant 0 : i32
        %dma_start3A_541 = arith.constant 0 : i32
        %dma_start3A_542 = tpu.memref_slice %arg3[%dma_start3A_540, %dma_start3A_541] : memref<1000000x32xf32, #tpu.memory_space<hbm>> -> memref<1000000x32xf32, #tpu.memory_space<hbm>>
        %dma_start3A_543 = tpu.memref_slice %arg9[%select_n3A_179] : memref<3x!tpu.dma_semaphore, #tpu.memory_space<semaphore_mem>> -> memref<1x!tpu.dma_semaphore, #tpu.memory_space<semaphore_mem>>
        %dma_start3A_544 = tpu.memref_squeeze %dma_start3A_543 : memref<1x!tpu.dma_semaphore, #tpu.memory_space<semaphore_mem>> -> memref<!tpu.dma_semaphore, #tpu.memory_space<semaphore_mem>>
        tpu.enqueue_indirect_dma source(%dma_start3A_542 : memref<1000000x32xf32, #tpu.memory_space<hbm>>) target(%dma_start3A_536 : memref<1024x32xf32, #tpu.memory_space<vmem>>) offsets(%dma_start3A_539 : memref<1024xi32, #tpu.memory_space<vmem>>) semaphore(%dma_start3A_544 : memref<!tpu.dma_semaphore, #tpu.memory_space<semaphore_mem>>)
      } else {
      }
      %mul3A_197 = arith.constant 8 : i32
      %mul3A_198 = arith.muli %scan3A_151, %mul3A_197 : i32
      %add3A_199 = arith.constant 0 : i32
      %add3A_200 = arith.addi %mul3A_198, %add3A_199 : i32
      %mul3A_201 = arith.constant 8 : i32
      %mul3A_202 = arith.muli %scan3A_151, %mul3A_201 : i32
      %add3A_203 = arith.constant 0 : i32
      %add3A_204 = arith.addi %mul3A_202, %add3A_203 : i32
      %ge3A = arith.constant 4 : i32
      %ge3A_205 = arith.cmpi sge, %add3A_204, %ge3A : i32
      %convert_element_type3A_206 = arith.extui %ge3A_205 : i1 to i32
      %cond3A_207 = arith.constant 0 : i32
      %cond3A_208 = arith.cmpi ne, %convert_element_type3A_206, %cond3A_207 : i32
      scf.if %cond3A_208 {
        %dma_wait3A_524 = arith.constant 0 : i32
        %dma_wait3A_525 = arith.constant 0 : i32
        %dma_wait3A_526 = arith.constant 0 : i32
        %dma_wait3A_527 = arith.constant 0 : i32
        %dma_wait3A_528 = arith.constant 0 : i32
        %dma_wait3A_529 = tpu.memref_slice %arg8[%dma_wait3A_524, %dma_wait3A_526, %dma_wait3A_527, %dma_wait3A_528] : memref<4x4x8x129xf32, #tpu.memory_space<vmem>> -> memref<1x4x8x128xf32, #tpu.memory_space<vmem>>
        %dma_wait3A_530 = tpu.memref_squeeze %dma_wait3A_529 : memref<1x4x8x128xf32, #tpu.memory_space<vmem>> -> memref<4x8x128xf32, #tpu.memory_space<vmem>>
        %dma_wait3A_531 = arith.constant 0 : i32
        %dma_wait3A_532 = arith.constant 0 : i32
        %dma_wait3A_533 = arith.constant 0 : i32
        %dma_wait3A_534 = tpu.memref_slice %arg4[%add3A_200, %dma_wait3A_531, %add3A, %dma_wait3A_532, %dma_wait3A_533] : memref<200x4x32x8x128xf32, #tpu.memory_space<hbm>> -> memref<1x4x1x8x128xf32, #tpu.memory_space<hbm>>
        %dma_wait3A_535 = tpu.memref_squeeze %dma_wait3A_534 : memref<1x4x1x8x128xf32, #tpu.memory_space<hbm>> -> memref<4x8x128xf32, #tpu.memory_space<hbm>>
        %dma_wait3A_536 = tpu.memref_slice %arg10[%dma_wait3A_525] : memref<4x!tpu.dma_semaphore, #tpu.memory_space<semaphore_mem>> -> memref<1x!tpu.dma_semaphore, #tpu.memory_space<semaphore_mem>>
        %dma_wait3A_537 = tpu.memref_squeeze %dma_wait3A_536 : memref<1x!tpu.dma_semaphore, #tpu.memory_space<semaphore_mem>> -> memref<!tpu.dma_semaphore, #tpu.memory_space<semaphore_mem>>
        %dma_wait3A_538 = arith.constant 0 : i32
        %dma_wait3A_539 = arith.constant 0 : i32
        %dma_wait3A_540 = arith.constant 0 : i32
        %dma_wait3A_541 = tpu.memref_slice %arg4[%add3A_200, %dma_wait3A_538, %add3A, %dma_wait3A_539, %dma_wait3A_540] : memref<200x4x32x8x128xf32, #tpu.memory_space<hbm>> -> memref<1x4x1x8x128xf32, #tpu.memory_space<hbm>>
        %dma_wait3A_542 = tpu.memref_squeeze %dma_wait3A_541 : memref<1x4x1x8x128xf32, #tpu.memory_space<hbm>> -> memref<4x8x128xf32, #tpu.memory_space<hbm>>
        %dma_wait3A_543 = arith.constant 0 : i32
        %dma_wait3A_544 = arith.constant 0 : i32
        %dma_wait3A_545 = arith.constant 0 : i32
        %dma_wait3A_546 = tpu.memref_slice %arg8[%dma_wait3A_524, %dma_wait3A_543, %dma_wait3A_544, %dma_wait3A_545] : memref<4x4x8x129xf32, #tpu.memory_space<vmem>> -> memref<1x4x8x128xf32, #tpu.memory_space<vmem>>
        %dma_wait3A_547 = tpu.memref_squeeze %dma_wait3A_546 : memref<1x4x8x128xf32, #tpu.memory_space<vmem>> -> memref<4x8x128xf32, #tpu.memory_space<vmem>>
        tpu.wait_dma2 semaphore(%dma_wait3A_537 : memref<!tpu.dma_semaphore, #tpu.memory_space<semaphore_mem>>) src(%dma_wait3A_547 : memref<4x8x128xf32, #tpu.memory_space<vmem>>) dst(%dma_wait3A_542 : memref<4x8x128xf32, #tpu.memory_space<hbm>>)
      } else {
      }
      %parallel_loop3A_209 = arith.constant 0 : i32
      %parallel_loop3A_210 = arith.constant 128 : i32
      %parallel_loop3A_211 = arith.constant 1 : i32
      %parallel_loop3A_212 = arith.constant 0 : i32
      scf.for %parallel_loop3A_524 = %parallel_loop3A_209 to %parallel_loop3A_210 step %parallel_loop3A_211  : i32 {
        %parallel_loop3A_525 = arith.constant 0 : i32
        %parallel_loop3A_526 = arith.addi %parallel_loop3A_525, %parallel_loop3A_524 : i32
        %parallel_loop3A_527 = arith.constant 0 : i32
        %parallel_loop3A_528 = vector.broadcast %parallel_loop3A_527 : i32 to vector<16xi32>
        %parallel_loop3A_529 = vector.broadcast %parallel_loop3A_524 : i32 to vector<16xi32>
        %parallel_loop3A_530 = arith.addi %parallel_loop3A_528, %parallel_loop3A_529 : vector<16xi32>
        %parallel_loop3A_531 = arith.index_cast %select_n3A_161 : i32 to index
        %parallel_loop3A_532 = arith.index_cast %parallel_loop3A_526 : i32 to index
        %parallel_loop3A_533 = arith.constant 0 : index
        %parallel_loop3A_534 = tpu.vector_load %arg7[%parallel_loop3A_531, %parallel_loop3A_532, %parallel_loop3A_533] {strides = array<i32>} : memref<3x1024x32xf32, #tpu.memory_space<vmem>>, vector<16xf32>,
        %parallel_loop3A_535 = arith.index_cast %select_n3A_161 : i32 to index
        %parallel_loop3A_536 = arith.index_cast %parallel_loop3A_526 : i32 to index
        %parallel_loop3A_537 = arith.constant 16 : index
        %parallel_loop3A_538 = tpu.vector_load %arg7[%parallel_loop3A_535, %parallel_loop3A_536, %parallel_loop3A_537] {strides = array<i32>} : memref<3x1024x32xf32, #tpu.memory_space<vmem>>, vector<16xf32>,
        %parallel_loop3A_539 = arith.constant 0 : i32
        %parallel_loop3A_540 = arith.constant 0 : i32
        %parallel_loop3A_541 = arith.constant 0 : i32
        %parallel_loop3A_542 = tpu.memref_slice %arg8[%parallel_loop3A_212, %parallel_loop3A_539, %parallel_loop3A_540, %parallel_loop3A_541] : memref<4x4x8x129xf32, #tpu.memory_space<vmem>> -> memref<1x4x8x129xf32, #tpu.memory_space<vmem>>
        %parallel_loop3A_543 = tpu.memref_squeeze %parallel_loop3A_542 : memref<1x4x8x129xf32, #tpu.memory_space<vmem>> -> memref<4x8x129xf32, #tpu.memory_space<vmem>>
        tpu.vector_store_idx %parallel_loop3A_543[%shift_right_arithmetic3A_2, %and3A_4, %parallel_loop3A_530], %parallel_loop3A_534 : memref<4x8x129xf32, #tpu.memory_space<vmem>>[vector<16xi32>, vector<16xi32>, vector<16xi32>], vector<16xf32>,
        %parallel_loop3A_544 = arith.constant 0 : i32
        %parallel_loop3A_545 = arith.constant 0 : i32
        %parallel_loop3A_546 = arith.constant 0 : i32
        %parallel_loop3A_547 = tpu.memref_slice %arg8[%parallel_loop3A_212, %parallel_loop3A_544, %parallel_loop3A_545, %parallel_loop3A_546] : memref<4x4x8x129xf32, #tpu.memory_space<vmem>> -> memref<1x4x8x129xf32, #tpu.memory_space<vmem>>
        %parallel_loop3A_548 = tpu.memref_squeeze %parallel_loop3A_547 : memref<1x4x8x129xf32, #tpu.memory_space<vmem>> -> memref<4x8x129xf32, #tpu.memory_space<vmem>>
        tpu.vector_store_idx %parallel_loop3A_548[%add3A_7, %and3A_4, %parallel_loop3A_530], %parallel_loop3A_538 : memref<4x8x129xf32, #tpu.memory_space<vmem>>[vector<16xi32>, vector<16xi32>, vector<16xi32>], vector<16xf32>,
      } {sc.loop_unroll_factor = 8 : i64, sc.parallel_access}
      %dma_start3A_213 = arith.constant 0 : i32
      %dma_start3A_214 = arith.constant 0 : i32
      %dma_start3A_215 = arith.constant 0 : i32
      %dma_start3A_216 = arith.constant 0 : i32
      %dma_start3A_217 = arith.constant 0 : i32
      %dma_start3A_218 = tpu.memref_slice %arg8[%dma_start3A_213, %dma_start3A_215, %dma_start3A_216, %dma_start3A_217] : memref<4x4x8x129xf32, #tpu.memory_space<vmem>> -> memref<1x4x8x128xf32, #tpu.memory_space<vmem>>
      %dma_start3A_219 = tpu.memref_squeeze %dma_start3A_218 : memref<1x4x8x128xf32, #tpu.memory_space<vmem>> -> memref<4x8x128xf32, #tpu.memory_space<vmem>>
      %dma_start3A_220 = arith.constant 0 : i32
      %dma_start3A_221 = arith.constant 0 : i32
      %dma_start3A_222 = arith.constant 0 : i32
      %dma_start3A_223 = tpu.memref_slice %arg4[%add3A_200, %dma_start3A_220, %add3A, %dma_start3A_221, %dma_start3A_222] : memref<200x4x32x8x128xf32, #tpu.memory_space<hbm>> -> memref<1x4x1x8x128xf32, #tpu.memory_space<hbm>>
      %dma_start3A_224 = tpu.memref_squeeze %dma_start3A_223 : memref<1x4x1x8x128xf32, #tpu.memory_space<hbm>> -> memref<4x8x128xf32, #tpu.memory_space<hbm>>
      %dma_start3A_225 = tpu.memref_slice %arg10[%dma_start3A_214] : memref<4x!tpu.dma_semaphore, #tpu.memory_space<semaphore_mem>> -> memref<1x!tpu.dma_semaphore, #tpu.memory_space<semaphore_mem>>
      %dma_start3A_226 = tpu.memref_squeeze %dma_start3A_225 : memref<1x!tpu.dma_semaphore, #tpu.memory_space<semaphore_mem>> -> memref<!tpu.dma_semaphore, #tpu.memory_space<semaphore_mem>>
      %dma_start3A_227 = arith.constant 0 : i32
      %dma_start3A_228 = arith.constant 0 : i32
      %dma_start3A_229 = arith.constant 0 : i32
      %dma_start3A_230 = tpu.memref_slice %arg4[%add3A_200, %dma_start3A_227, %add3A, %dma_start3A_228, %dma_start3A_229] : memref<200x4x32x8x128xf32, #tpu.memory_space<hbm>> -> memref<1x4x1x8x128xf32, #tpu.memory_space<hbm>>
      %dma_start3A_231 = tpu.memref_squeeze %dma_start3A_230 : memref<1x4x1x8x128xf32, #tpu.memory_space<hbm>> -> memref<4x8x128xf32, #tpu.memory_space<hbm>>
      %dma_start3A_232 = arith.constant 0 : i32
      %dma_start3A_233 = arith.constant 0 : i32
      %dma_start3A_234 = arith.constant 0 : i32
      %dma_start3A_235 = tpu.memref_slice %arg8[%dma_start3A_213, %dma_start3A_232, %dma_start3A_233, %dma_start3A_234] : memref<4x4x8x129xf32, #tpu.memory_space<vmem>> -> memref<1x4x8x128xf32, #tpu.memory_space<vmem>>
      %dma_start3A_236 = tpu.memref_squeeze %dma_start3A_235 : memref<1x4x8x128xf32, #tpu.memory_space<vmem>> -> memref<4x8x128xf32, #tpu.memory_space<vmem>>
      tpu.enqueue_dma source(%dma_start3A_236 : memref<4x8x128xf32, #tpu.memory_space<vmem>>) target(%dma_start3A_231 : memref<4x8x128xf32, #tpu.memory_space<hbm>>) target_semaphore(%dma_start3A_226 : memref<!tpu.dma_semaphore, #tpu.memory_space<semaphore_mem>>)
      %mul3A_237 = arith.constant 8 : i32
      %mul3A_238 = arith.muli %scan3A_151, %mul3A_237 : i32
      %add3A_239 = arith.constant 1 : i32
      %add3A_240 = arith.addi %mul3A_238, %add3A_239 : i32
      %mul3A_241 = arith.constant 8 : i32
      %mul3A_242 = arith.muli %scan3A_151, %mul3A_241 : i32
      %add3A_243 = arith.constant 1 : i32
      %add3A_244 = arith.addi %mul3A_242, %add3A_243 : i32
      %ge3A_245 = arith.constant 4 : i32
      %ge3A_246 = arith.cmpi sge, %add3A_244, %ge3A_245 : i32
      %convert_element_type3A_247 = arith.extui %ge3A_246 : i1 to i32
      %cond3A_248 = arith.constant 0 : i32
      %cond3A_249 = arith.cmpi ne, %convert_element_type3A_247, %cond3A_248 : i32
      scf.if %cond3A_249 {
        %dma_wait3A_524 = arith.constant 1 : i32
        %dma_wait3A_525 = arith.constant 1 : i32
        %dma_wait3A_526 = arith.constant 0 : i32
        %dma_wait3A_527 = arith.constant 0 : i32
        %dma_wait3A_528 = arith.constant 0 : i32
        %dma_wait3A_529 = tpu.memref_slice %arg8[%dma_wait3A_524, %dma_wait3A_526, %dma_wait3A_527, %dma_wait3A_528] : memref<4x4x8x129xf32, #tpu.memory_space<vmem>> -> memref<1x4x8x128xf32, #tpu.memory_space<vmem>>
        %dma_wait3A_530 = tpu.memref_squeeze %dma_wait3A_529 : memref<1x4x8x128xf32, #tpu.memory_space<vmem>> -> memref<4x8x128xf32, #tpu.memory_space<vmem>>
        %dma_wait3A_531 = arith.constant 0 : i32
        %dma_wait3A_532 = arith.constant 0 : i32
        %dma_wait3A_533 = arith.constant 0 : i32
        %dma_wait3A_534 = tpu.memref_slice %arg4[%add3A_240, %dma_wait3A_531, %add3A, %dma_wait3A_532, %dma_wait3A_533] : memref<200x4x32x8x128xf32, #tpu.memory_space<hbm>> -> memref<1x4x1x8x128xf32, #tpu.memory_space<hbm>>
        %dma_wait3A_535 = tpu.memref_squeeze %dma_wait3A_534 : memref<1x4x1x8x128xf32, #tpu.memory_space<hbm>> -> memref<4x8x128xf32, #tpu.memory_space<hbm>>
        %dma_wait3A_536 = tpu.memref_slice %arg10[%dma_wait3A_525] : memref<4x!tpu.dma_semaphore, #tpu.memory_space<semaphore_mem>> -> memref<1x!tpu.dma_semaphore, #tpu.memory_space<semaphore_mem>>
        %dma_wait3A_537 = tpu.memref_squeeze %dma_wait3A_536 : memref<1x!tpu.dma_semaphore, #tpu.memory_space<semaphore_mem>> -> memref<!tpu.dma_semaphore, #tpu.memory_space<semaphore_mem>>
        %dma_wait3A_538 = arith.constant 0 : i32
        %dma_wait3A_539 = arith.constant 0 : i32
        %dma_wait3A_540 = arith.constant 0 : i32
        %dma_wait3A_541 = tpu.memref_slice %arg4[%add3A_240, %dma_wait3A_538, %add3A, %dma_wait3A_539, %dma_wait3A_540] : memref<200x4x32x8x128xf32, #tpu.memory_space<hbm>> -> memref<1x4x1x8x128xf32, #tpu.memory_space<hbm>>
        %dma_wait3A_542 = tpu.memref_squeeze %dma_wait3A_541 : memref<1x4x1x8x128xf32, #tpu.memory_space<hbm>> -> memref<4x8x128xf32, #tpu.memory_space<hbm>>
        %dma_wait3A_543 = arith.constant 0 : i32
        %dma_wait3A_544 = arith.constant 0 : i32
        %dma_wait3A_545 = arith.constant 0 : i32
        %dma_wait3A_546 = tpu.memref_slice %arg8[%dma_wait3A_524, %dma_wait3A_543, %dma_wait3A_544, %dma_wait3A_545] : memref<4x4x8x129xf32, #tpu.memory_space<vmem>> -> memref<1x4x8x128xf32, #tpu.memory_space<vmem>>
        %dma_wait3A_547 = tpu.memref_squeeze %dma_wait3A_546 : memref<1x4x8x128xf32, #tpu.memory_space<vmem>> -> memref<4x8x128xf32, #tpu.memory_space<vmem>>
        tpu.wait_dma2 semaphore(%dma_wait3A_537 : memref<!tpu.dma_semaphore, #tpu.memory_space<semaphore_mem>>) src(%dma_wait3A_547 : memref<4x8x128xf32, #tpu.memory_space<vmem>>) dst(%dma_wait3A_542 : memref<4x8x128xf32, #tpu.memory_space<hbm>>)
      } else {
      }
      %parallel_loop3A_250 = arith.constant 0 : i32
      %parallel_loop3A_251 = arith.constant 128 : i32
      %parallel_loop3A_252 = arith.constant 1 : i32
      %parallel_loop3A_253 = arith.constant 1 : i32
      scf.for %parallel_loop3A_524 = %parallel_loop3A_250 to %parallel_loop3A_251 step %parallel_loop3A_252  : i32 {
        %parallel_loop3A_525 = arith.constant 128 : i32
        %parallel_loop3A_526 = arith.addi %parallel_loop3A_525, %parallel_loop3A_524 : i32
        %parallel_loop3A_527 = arith.constant 0 : i32
        %parallel_loop3A_528 = vector.broadcast %parallel_loop3A_527 : i32 to vector<16xi32>
        %parallel_loop3A_529 = vector.broadcast %parallel_loop3A_524 : i32 to vector<16xi32>
        %parallel_loop3A_530 = arith.addi %parallel_loop3A_528, %parallel_loop3A_529 : vector<16xi32>
        %parallel_loop3A_531 = arith.index_cast %select_n3A_161 : i32 to index
        %parallel_loop3A_532 = arith.index_cast %parallel_loop3A_526 : i32 to index
        %parallel_loop3A_533 = arith.constant 0 : index
        %parallel_loop3A_534 = tpu.vector_load %arg7[%parallel_loop3A_531, %parallel_loop3A_532, %parallel_loop3A_533] {strides = array<i32>} : memref<3x1024x32xf32, #tpu.memory_space<vmem>>, vector<16xf32>,
        %parallel_loop3A_535 = arith.index_cast %select_n3A_161 : i32 to index
        %parallel_loop3A_536 = arith.index_cast %parallel_loop3A_526 : i32 to index
        %parallel_loop3A_537 = arith.constant 16 : index
        %parallel_loop3A_538 = tpu.vector_load %arg7[%parallel_loop3A_535, %parallel_loop3A_536, %parallel_loop3A_537] {strides = array<i32>} : memref<3x1024x32xf32, #tpu.memory_space<vmem>>, vector<16xf32>,
        %parallel_loop3A_539 = arith.constant 0 : i32
        %parallel_loop3A_540 = arith.constant 0 : i32
        %parallel_loop3A_541 = arith.constant 0 : i32
        %parallel_loop3A_542 = tpu.memref_slice %arg8[%parallel_loop3A_253, %parallel_loop3A_539, %parallel_loop3A_540, %parallel_loop3A_541] : memref<4x4x8x129xf32, #tpu.memory_space<vmem>> -> memref<1x4x8x129xf32, #tpu.memory_space<vmem>>
        %parallel_loop3A_543 = tpu.memref_squeeze %parallel_loop3A_542 : memref<1x4x8x129xf32, #tpu.memory_space<vmem>> -> memref<4x8x129xf32, #tpu.memory_space<vmem>>
        tpu.vector_store_idx %parallel_loop3A_543[%shift_right_arithmetic3A_2, %and3A_4, %parallel_loop3A_530], %parallel_loop3A_534 : memref<4x8x129xf32, #tpu.memory_space<vmem>>[vector<16xi32>, vector<16xi32>, vector<16xi32>], vector<16xf32>,
        %parallel_loop3A_544 = arith.constant 0 : i32
        %parallel_loop3A_545 = arith.constant 0 : i32
        %parallel_loop3A_546 = arith.constant 0 : i32
        %parallel_loop3A_547 = tpu.memref_slice %arg8[%parallel_loop3A_253, %parallel_loop3A_544, %parallel_loop3A_545, %parallel_loop3A_546] : memref<4x4x8x129xf32, #tpu.memory_space<vmem>> -> memref<1x4x8x129xf32, #tpu.memory_space<vmem>>
        %parallel_loop3A_548 = tpu.memref_squeeze %parallel_loop3A_547 : memref<1x4x8x129xf32, #tpu.memory_space<vmem>> -> memref<4x8x129xf32, #tpu.memory_space<vmem>>
        tpu.vector_store_idx %parallel_loop3A_548[%add3A_7, %and3A_4, %parallel_loop3A_530], %parallel_loop3A_538 : memref<4x8x129xf32, #tpu.memory_space<vmem>>[vector<16xi32>, vector<16xi32>, vector<16xi32>], vector<16xf32>,
      } {sc.loop_unroll_factor = 8 : i64, sc.parallel_access}
      %dma_start3A_254 = arith.constant 1 : i32
      %dma_start3A_255 = arith.constant 1 : i32
      %dma_start3A_256 = arith.constant 0 : i32
      %dma_start3A_257 = arith.constant 0 : i32
      %dma_start3A_258 = arith.constant 0 : i32
      %dma_start3A_259 = tpu.memref_slice %arg8[%dma_start3A_254, %dma_start3A_256, %dma_start3A_257, %dma_start3A_258] : memref<4x4x8x129xf32, #tpu.memory_space<vmem>> -> memref<1x4x8x128xf32, #tpu.memory_space<vmem>>
      %dma_start3A_260 = tpu.memref_squeeze %dma_start3A_259 : memref<1x4x8x128xf32, #tpu.memory_space<vmem>> -> memref<4x8x128xf32, #tpu.memory_space<vmem>>
      %dma_start3A_261 = arith.constant 0 : i32
      %dma_start3A_262 = arith.constant 0 : i32
      %dma_start3A_263 = arith.constant 0 : i32
      %dma_start3A_264 = tpu.memref_slice %arg4[%add3A_240, %dma_start3A_261, %add3A, %dma_start3A_262, %dma_start3A_263] : memref<200x4x32x8x128xf32, #tpu.memory_space<hbm>> -> memref<1x4x1x8x128xf32, #tpu.memory_space<hbm>>
      %dma_start3A_265 = tpu.memref_squeeze %dma_start3A_264 : memref<1x4x1x8x128xf32, #tpu.memory_space<hbm>> -> memref<4x8x128xf32, #tpu.memory_space<hbm>>
      %dma_start3A_266 = tpu.memref_slice %arg10[%dma_start3A_255] : memref<4x!tpu.dma_semaphore, #tpu.memory_space<semaphore_mem>> -> memref<1x!tpu.dma_semaphore, #tpu.memory_space<semaphore_mem>>
      %dma_start3A_267 = tpu.memref_squeeze %dma_start3A_266 : memref<1x!tpu.dma_semaphore, #tpu.memory_space<semaphore_mem>> -> memref<!tpu.dma_semaphore, #tpu.memory_space<semaphore_mem>>
      %dma_start3A_268 = arith.constant 0 : i32
      %dma_start3A_269 = arith.constant 0 : i32
      %dma_start3A_270 = arith.constant 0 : i32
      %dma_start3A_271 = tpu.memref_slice %arg4[%add3A_240, %dma_start3A_268, %add3A, %dma_start3A_269, %dma_start3A_270] : memref<200x4x32x8x128xf32, #tpu.memory_space<hbm>> -> memref<1x4x1x8x128xf32, #tpu.memory_space<hbm>>
      %dma_start3A_272 = tpu.memref_squeeze %dma_start3A_271 : memref<1x4x1x8x128xf32, #tpu.memory_space<hbm>> -> memref<4x8x128xf32, #tpu.memory_space<hbm>>
      %dma_start3A_273 = arith.constant 0 : i32
      %dma_start3A_274 = arith.constant 0 : i32
      %dma_start3A_275 = arith.constant 0 : i32
      %dma_start3A_276 = tpu.memref_slice %arg8[%dma_start3A_254, %dma_start3A_273, %dma_start3A_274, %dma_start3A_275] : memref<4x4x8x129xf32, #tpu.memory_space<vmem>> -> memref<1x4x8x128xf32, #tpu.memory_space<vmem>>
      %dma_start3A_277 = tpu.memref_squeeze %dma_start3A_276 : memref<1x4x8x128xf32, #tpu.memory_space<vmem>> -> memref<4x8x128xf32, #tpu.memory_space<vmem>>
      tpu.enqueue_dma source(%dma_start3A_277 : memref<4x8x128xf32, #tpu.memory_space<vmem>>) target(%dma_start3A_272 : memref<4x8x128xf32, #tpu.memory_space<hbm>>) target_semaphore(%dma_start3A_267 : memref<!tpu.dma_semaphore, #tpu.memory_space<semaphore_mem>>)
      %mul3A_278 = arith.constant 8 : i32
      %mul3A_279 = arith.muli %scan3A_151, %mul3A_278 : i32
      %add3A_280 = arith.constant 2 : i32
      %add3A_281 = arith.addi %mul3A_279, %add3A_280 : i32
      %mul3A_282 = arith.constant 8 : i32
      %mul3A_283 = arith.muli %scan3A_151, %mul3A_282 : i32
      %add3A_284 = arith.constant 2 : i32
      %add3A_285 = arith.addi %mul3A_283, %add3A_284 : i32
      %ge3A_286 = arith.constant 4 : i32
      %ge3A_287 = arith.cmpi sge, %add3A_285, %ge3A_286 : i32
      %convert_element_type3A_288 = arith.extui %ge3A_287 : i1 to i32
      %cond3A_289 = arith.constant 0 : i32
      %cond3A_290 = arith.cmpi ne, %convert_element_type3A_288, %cond3A_289 : i32
      scf.if %cond3A_290 {
        %dma_wait3A_524 = arith.constant 2 : i32
        %dma_wait3A_525 = arith.constant 2 : i32
        %dma_wait3A_526 = arith.constant 0 : i32
        %dma_wait3A_527 = arith.constant 0 : i32
        %dma_wait3A_528 = arith.constant 0 : i32
        %dma_wait3A_529 = tpu.memref_slice %arg8[%dma_wait3A_524, %dma_wait3A_526, %dma_wait3A_527, %dma_wait3A_528] : memref<4x4x8x129xf32, #tpu.memory_space<vmem>> -> memref<1x4x8x128xf32, #tpu.memory_space<vmem>>
        %dma_wait3A_530 = tpu.memref_squeeze %dma_wait3A_529 : memref<1x4x8x128xf32, #tpu.memory_space<vmem>> -> memref<4x8x128xf32, #tpu.memory_space<vmem>>
        %dma_wait3A_531 = arith.constant 0 : i32
        %dma_wait3A_532 = arith.constant 0 : i32
        %dma_wait3A_533 = arith.constant 0 : i32
        %dma_wait3A_534 = tpu.memref_slice %arg4[%add3A_281, %dma_wait3A_531, %add3A, %dma_wait3A_532, %dma_wait3A_533] : memref<200x4x32x8x128xf32, #tpu.memory_space<hbm>> -> memref<1x4x1x8x128xf32, #tpu.memory_space<hbm>>
        %dma_wait3A_535 = tpu.memref_squeeze %dma_wait3A_534 : memref<1x4x1x8x128xf32, #tpu.memory_space<hbm>> -> memref<4x8x128xf32, #tpu.memory_space<hbm>>
        %dma_wait3A_536 = tpu.memref_slice %arg10[%dma_wait3A_525] : memref<4x!tpu.dma_semaphore, #tpu.memory_space<semaphore_mem>> -> memref<1x!tpu.dma_semaphore, #tpu.memory_space<semaphore_mem>>
        %dma_wait3A_537 = tpu.memref_squeeze %dma_wait3A_536 : memref<1x!tpu.dma_semaphore, #tpu.memory_space<semaphore_mem>> -> memref<!tpu.dma_semaphore, #tpu.memory_space<semaphore_mem>>
        %dma_wait3A_538 = arith.constant 0 : i32
        %dma_wait3A_539 = arith.constant 0 : i32
        %dma_wait3A_540 = arith.constant 0 : i32
        %dma_wait3A_541 = tpu.memref_slice %arg4[%add3A_281, %dma_wait3A_538, %add3A, %dma_wait3A_539, %dma_wait3A_540] : memref<200x4x32x8x128xf32, #tpu.memory_space<hbm>> -> memref<1x4x1x8x128xf32, #tpu.memory_space<hbm>>
        %dma_wait3A_542 = tpu.memref_squeeze %dma_wait3A_541 : memref<1x4x1x8x128xf32, #tpu.memory_space<hbm>> -> memref<4x8x128xf32, #tpu.memory_space<hbm>>
        %dma_wait3A_543 = arith.constant 0 : i32
        %dma_wait3A_544 = arith.constant 0 : i32
        %dma_wait3A_545 = arith.constant 0 : i32
        %dma_wait3A_546 = tpu.memref_slice %arg8[%dma_wait3A_524, %dma_wait3A_543, %dma_wait3A_544, %dma_wait3A_545] : memref<4x4x8x129xf32, #tpu.memory_space<vmem>> -> memref<1x4x8x128xf32, #tpu.memory_space<vmem>>
        %dma_wait3A_547 = tpu.memref_squeeze %dma_wait3A_546 : memref<1x4x8x128xf32, #tpu.memory_space<vmem>> -> memref<4x8x128xf32, #tpu.memory_space<vmem>>
        tpu.wait_dma2 semaphore(%dma_wait3A_537 : memref<!tpu.dma_semaphore, #tpu.memory_space<semaphore_mem>>) src(%dma_wait3A_547 : memref<4x8x128xf32, #tpu.memory_space<vmem>>) dst(%dma_wait3A_542 : memref<4x8x128xf32, #tpu.memory_space<hbm>>)
      } else {
      }
      %parallel_loop3A_291 = arith.constant 0 : i32
      %parallel_loop3A_292 = arith.constant 128 : i32
      %parallel_loop3A_293 = arith.constant 1 : i32
      %parallel_loop3A_294 = arith.constant 2 : i32
      scf.for %parallel_loop3A_524 = %parallel_loop3A_291 to %parallel_loop3A_292 step %parallel_loop3A_293  : i32 {
        %parallel_loop3A_525 = arith.constant 256 : i32
        %parallel_loop3A_526 = arith.addi %parallel_loop3A_525, %parallel_loop3A_524 : i32
        %parallel_loop3A_527 = arith.constant 0 : i32
        %parallel_loop3A_528 = vector.broadcast %parallel_loop3A_527 : i32 to vector<16xi32>
        %parallel_loop3A_529 = vector.broadcast %parallel_loop3A_524 : i32 to vector<16xi32>
        %parallel_loop3A_530 = arith.addi %parallel_loop3A_528, %parallel_loop3A_529 : vector<16xi32>
        %parallel_loop3A_531 = arith.index_cast %select_n3A_161 : i32 to index
        %parallel_loop3A_532 = arith.index_cast %parallel_loop3A_526 : i32 to index
        %parallel_loop3A_533 = arith.constant 0 : index
        %parallel_loop3A_534 = tpu.vector_load %arg7[%parallel_loop3A_531, %parallel_loop3A_532, %parallel_loop3A_533] {strides = array<i32>} : memref<3x1024x32xf32, #tpu.memory_space<vmem>>, vector<16xf32>,
        %parallel_loop3A_535 = arith.index_cast %select_n3A_161 : i32 to index
        %parallel_loop3A_536 = arith.index_cast %parallel_loop3A_526 : i32 to index
        %parallel_loop3A_537 = arith.constant 16 : index
        %parallel_loop3A_538 = tpu.vector_load %arg7[%parallel_loop3A_535, %parallel_loop3A_536, %parallel_loop3A_537] {strides = array<i32>} : memref<3x1024x32xf32, #tpu.memory_space<vmem>>, vector<16xf32>,
        %parallel_loop3A_539 = arith.constant 0 : i32
        %parallel_loop3A_540 = arith.constant 0 : i32
        %parallel_loop3A_541 = arith.constant 0 : i32
        %parallel_loop3A_542 = tpu.memref_slice %arg8[%parallel_loop3A_294, %parallel_loop3A_539, %parallel_loop3A_540, %parallel_loop3A_541] : memref<4x4x8x129xf32, #tpu.memory_space<vmem>> -> memref<1x4x8x129xf32, #tpu.memory_space<vmem>>
        %parallel_loop3A_543 = tpu.memref_squeeze %parallel_loop3A_542 : memref<1x4x8x129xf32, #tpu.memory_space<vmem>> -> memref<4x8x129xf32, #tpu.memory_space<vmem>>
        tpu.vector_store_idx %parallel_loop3A_543[%shift_right_arithmetic3A_2, %and3A_4, %parallel_loop3A_530], %parallel_loop3A_534 : memref<4x8x129xf32, #tpu.memory_space<vmem>>[vector<16xi32>, vector<16xi32>, vector<16xi32>], vector<16xf32>,
        %parallel_loop3A_544 = arith.constant 0 : i32
        %parallel_loop3A_545 = arith.constant 0 : i32
        %parallel_loop3A_546 = arith.constant 0 : i32
        %parallel_loop3A_547 = tpu.memref_slice %arg8[%parallel_loop3A_294, %parallel_loop3A_544, %parallel_loop3A_545, %parallel_loop3A_546] : memref<4x4x8x129xf32, #tpu.memory_space<vmem>> -> memref<1x4x8x129xf32, #tpu.memory_space<vmem>>
        %parallel_loop3A_548 = tpu.memref_squeeze %parallel_loop3A_547 : memref<1x4x8x129xf32, #tpu.memory_space<vmem>> -> memref<4x8x129xf32, #tpu.memory_space<vmem>>
        tpu.vector_store_idx %parallel_loop3A_548[%add3A_7, %and3A_4, %parallel_loop3A_530], %parallel_loop3A_538 : memref<4x8x129xf32, #tpu.memory_space<vmem>>[vector<16xi32>, vector<16xi32>, vector<16xi32>], vector<16xf32>,
      } {sc.loop_unroll_factor = 8 : i64, sc.parallel_access}
      %dma_start3A_295 = arith.constant 2 : i32
      %dma_start3A_296 = arith.constant 2 : i32
      %dma_start3A_297 = arith.constant 0 : i32
      %dma_start3A_298 = arith.constant 0 : i32
      %dma_start3A_299 = arith.constant 0 : i32
      %dma_start3A_300 = tpu.memref_slice %arg8[%dma_start3A_295, %dma_start3A_297, %dma_start3A_298, %dma_start3A_299] : memref<4x4x8x129xf32, #tpu.memory_space<vmem>> -> memref<1x4x8x128xf32, #tpu.memory_space<vmem>>
      %dma_start3A_301 = tpu.memref_squeeze %dma_start3A_300 : memref<1x4x8x128xf32, #tpu.memory_space<vmem>> -> memref<4x8x128xf32, #tpu.memory_space<vmem>>
      %dma_start3A_302 = arith.constant 0 : i32
      %dma_start3A_303 = arith.constant 0 : i32
      %dma_start3A_304 = arith.constant 0 : i32
      %dma_start3A_305 = tpu.memref_slice %arg4[%add3A_281, %dma_start3A_302, %add3A, %dma_start3A_303, %dma_start3A_304] : memref<200x4x32x8x128xf32, #tpu.memory_space<hbm>> -> memref<1x4x1x8x128xf32, #tpu.memory_space<hbm>>
      %dma_start3A_306 = tpu.memref_squeeze %dma_start3A_305 : memref<1x4x1x8x128xf32, #tpu.memory_space<hbm>> -> memref<4x8x128xf32, #tpu.memory_space<hbm>>
      %dma_start3A_307 = tpu.memref_slice %arg10[%dma_start3A_296] : memref<4x!tpu.dma_semaphore, #tpu.memory_space<semaphore_mem>> -> memref<1x!tpu.dma_semaphore, #tpu.memory_space<semaphore_mem>>
      %dma_start3A_308 = tpu.memref_squeeze %dma_start3A_307 : memref<1x!tpu.dma_semaphore, #tpu.memory_space<semaphore_mem>> -> memref<!tpu.dma_semaphore, #tpu.memory_space<semaphore_mem>>
      %dma_start3A_309 = arith.constant 0 : i32
      %dma_start3A_310 = arith.constant 0 : i32
      %dma_start3A_311 = arith.constant 0 : i32
      %dma_start3A_312 = tpu.memref_slice %arg4[%add3A_281, %dma_start3A_309, %add3A, %dma_start3A_310, %dma_start3A_311] : memref<200x4x32x8x128xf32, #tpu.memory_space<hbm>> -> memref<1x4x1x8x128xf32, #tpu.memory_space<hbm>>
      %dma_start3A_313 = tpu.memref_squeeze %dma_start3A_312 : memref<1x4x1x8x128xf32, #tpu.memory_space<hbm>> -> memref<4x8x128xf32, #tpu.memory_space<hbm>>
      %dma_start3A_314 = arith.constant 0 : i32
      %dma_start3A_315 = arith.constant 0 : i32
      %dma_start3A_316 = arith.constant 0 : i32
      %dma_start3A_317 = tpu.memref_slice %arg8[%dma_start3A_295, %dma_start3A_314, %dma_start3A_315, %dma_start3A_316] : memref<4x4x8x129xf32, #tpu.memory_space<vmem>> -> memref<1x4x8x128xf32, #tpu.memory_space<vmem>>
      %dma_start3A_318 = tpu.memref_squeeze %dma_start3A_317 : memref<1x4x8x128xf32, #tpu.memory_space<vmem>> -> memref<4x8x128xf32, #tpu.memory_space<vmem>>
      tpu.enqueue_dma source(%dma_start3A_318 : memref<4x8x128xf32, #tpu.memory_space<vmem>>) target(%dma_start3A_313 : memref<4x8x128xf32, #tpu.memory_space<hbm>>) target_semaphore(%dma_start3A_308 : memref<!tpu.dma_semaphore, #tpu.memory_space<semaphore_mem>>)
      %mul3A_319 = arith.constant 8 : i32
      %mul3A_320 = arith.muli %scan3A_151, %mul3A_319 : i32
      %add3A_321 = arith.constant 3 : i32
      %add3A_322 = arith.addi %mul3A_320, %add3A_321 : i32
      %mul3A_323 = arith.constant 8 : i32
      %mul3A_324 = arith.muli %scan3A_151, %mul3A_323 : i32
      %add3A_325 = arith.constant 3 : i32
      %add3A_326 = arith.addi %mul3A_324, %add3A_325 : i32
      %ge3A_327 = arith.constant 4 : i32
      %ge3A_328 = arith.cmpi sge, %add3A_326, %ge3A_327 : i32
      %convert_element_type3A_329 = arith.extui %ge3A_328 : i1 to i32
      %cond3A_330 = arith.constant 0 : i32
      %cond3A_331 = arith.cmpi ne, %convert_element_type3A_329, %cond3A_330 : i32
      scf.if %cond3A_331 {
        %dma_wait3A_524 = arith.constant 3 : i32
        %dma_wait3A_525 = arith.constant 3 : i32
        %dma_wait3A_526 = arith.constant 0 : i32
        %dma_wait3A_527 = arith.constant 0 : i32
        %dma_wait3A_528 = arith.constant 0 : i32
        %dma_wait3A_529 = tpu.memref_slice %arg8[%dma_wait3A_524, %dma_wait3A_526, %dma_wait3A_527, %dma_wait3A_528] : memref<4x4x8x129xf32, #tpu.memory_space<vmem>> -> memref<1x4x8x128xf32, #tpu.memory_space<vmem>>
        %dma_wait3A_530 = tpu.memref_squeeze %dma_wait3A_529 : memref<1x4x8x128xf32, #tpu.memory_space<vmem>> -> memref<4x8x128xf32, #tpu.memory_space<vmem>>
        %dma_wait3A_531 = arith.constant 0 : i32
        %dma_wait3A_532 = arith.constant 0 : i32
        %dma_wait3A_533 = arith.constant 0 : i32
        %dma_wait3A_534 = tpu.memref_slice %arg4[%add3A_322, %dma_wait3A_531, %add3A, %dma_wait3A_532, %dma_wait3A_533] : memref<200x4x32x8x128xf32, #tpu.memory_space<hbm>> -> memref<1x4x1x8x128xf32, #tpu.memory_space<hbm>>
        %dma_wait3A_535 = tpu.memref_squeeze %dma_wait3A_534 : memref<1x4x1x8x128xf32, #tpu.memory_space<hbm>> -> memref<4x8x128xf32, #tpu.memory_space<hbm>>
        %dma_wait3A_536 = tpu.memref_slice %arg10[%dma_wait3A_525] : memref<4x!tpu.dma_semaphore, #tpu.memory_space<semaphore_mem>> -> memref<1x!tpu.dma_semaphore, #tpu.memory_space<semaphore_mem>>
        %dma_wait3A_537 = tpu.memref_squeeze %dma_wait3A_536 : memref<1x!tpu.dma_semaphore, #tpu.memory_space<semaphore_mem>> -> memref<!tpu.dma_semaphore, #tpu.memory_space<semaphore_mem>>
        %dma_wait3A_538 = arith.constant 0 : i32
        %dma_wait3A_539 = arith.constant 0 : i32
        %dma_wait3A_540 = arith.constant 0 : i32
        %dma_wait3A_541 = tpu.memref_slice %arg4[%add3A_322, %dma_wait3A_538, %add3A, %dma_wait3A_539, %dma_wait3A_540] : memref<200x4x32x8x128xf32, #tpu.memory_space<hbm>> -> memref<1x4x1x8x128xf32, #tpu.memory_space<hbm>>
        %dma_wait3A_542 = tpu.memref_squeeze %dma_wait3A_541 : memref<1x4x1x8x128xf32, #tpu.memory_space<hbm>> -> memref<4x8x128xf32, #tpu.memory_space<hbm>>
        %dma_wait3A_543 = arith.constant 0 : i32
        %dma_wait3A_544 = arith.constant 0 : i32
        %dma_wait3A_545 = arith.constant 0 : i32
        %dma_wait3A_546 = tpu.memref_slice %arg8[%dma_wait3A_524, %dma_wait3A_543, %dma_wait3A_544, %dma_wait3A_545] : memref<4x4x8x129xf32, #tpu.memory_space<vmem>> -> memref<1x4x8x128xf32, #tpu.memory_space<vmem>>
        %dma_wait3A_547 = tpu.memref_squeeze %dma_wait3A_546 : memref<1x4x8x128xf32, #tpu.memory_space<vmem>> -> memref<4x8x128xf32, #tpu.memory_space<vmem>>
        tpu.wait_dma2 semaphore(%dma_wait3A_537 : memref<!tpu.dma_semaphore, #tpu.memory_space<semaphore_mem>>) src(%dma_wait3A_547 : memref<4x8x128xf32, #tpu.memory_space<vmem>>) dst(%dma_wait3A_542 : memref<4x8x128xf32, #tpu.memory_space<hbm>>)
      } else {
      }
      %parallel_loop3A_332 = arith.constant 0 : i32
      %parallel_loop3A_333 = arith.constant 128 : i32
      %parallel_loop3A_334 = arith.constant 1 : i32
      %parallel_loop3A_335 = arith.constant 3 : i32
      scf.for %parallel_loop3A_524 = %parallel_loop3A_332 to %parallel_loop3A_333 step %parallel_loop3A_334  : i32 {
        %parallel_loop3A_525 = arith.constant 384 : i32
        %parallel_loop3A_526 = arith.addi %parallel_loop3A_525, %parallel_loop3A_524 : i32
        %parallel_loop3A_527 = arith.constant 0 : i32
        %parallel_loop3A_528 = vector.broadcast %parallel_loop3A_527 : i32 to vector<16xi32>
        %parallel_loop3A_529 = vector.broadcast %parallel_loop3A_524 : i32 to vector<16xi32>
        %parallel_loop3A_530 = arith.addi %parallel_loop3A_528, %parallel_loop3A_529 : vector<16xi32>
        %parallel_loop3A_531 = arith.index_cast %select_n3A_161 : i32 to index
        %parallel_loop3A_532 = arith.index_cast %parallel_loop3A_526 : i32 to index
        %parallel_loop3A_533 = arith.constant 0 : index
        %parallel_loop3A_534 = tpu.vector_load %arg7[%parallel_loop3A_531, %parallel_loop3A_532, %parallel_loop3A_533] {strides = array<i32>} : memref<3x1024x32xf32, #tpu.memory_space<vmem>>, vector<16xf32>,
        %parallel_loop3A_535 = arith.index_cast %select_n3A_161 : i32 to index
        %parallel_loop3A_536 = arith.index_cast %parallel_loop3A_526 : i32 to index
        %parallel_loop3A_537 = arith.constant 16 : index
        %parallel_loop3A_538 = tpu.vector_load %arg7[%parallel_loop3A_535, %parallel_loop3A_536, %parallel_loop3A_537] {strides = array<i32>} : memref<3x1024x32xf32, #tpu.memory_space<vmem>>, vector<16xf32>,
        %parallel_loop3A_539 = arith.constant 0 : i32
        %parallel_loop3A_540 = arith.constant 0 : i32
        %parallel_loop3A_541 = arith.constant 0 : i32
        %parallel_loop3A_542 = tpu.memref_slice %arg8[%parallel_loop3A_335, %parallel_loop3A_539, %parallel_loop3A_540, %parallel_loop3A_541] : memref<4x4x8x129xf32, #tpu.memory_space<vmem>> -> memref<1x4x8x129xf32, #tpu.memory_space<vmem>>
        %parallel_loop3A_543 = tpu.memref_squeeze %parallel_loop3A_542 : memref<1x4x8x129xf32, #tpu.memory_space<vmem>> -> memref<4x8x129xf32, #tpu.memory_space<vmem>>
        tpu.vector_store_idx %parallel_loop3A_543[%shift_right_arithmetic3A_2, %and3A_4, %parallel_loop3A_530], %parallel_loop3A_534 : memref<4x8x129xf32, #tpu.memory_space<vmem>>[vector<16xi32>, vector<16xi32>, vector<16xi32>], vector<16xf32>,
        %parallel_loop3A_544 = arith.constant 0 : i32
        %parallel_loop3A_545 = arith.constant 0 : i32
        %parallel_loop3A_546 = arith.constant 0 : i32
        %parallel_loop3A_547 = tpu.memref_slice %arg8[%parallel_loop3A_335, %parallel_loop3A_544, %parallel_loop3A_545, %parallel_loop3A_546] : memref<4x4x8x129xf32, #tpu.memory_space<vmem>> -> memref<1x4x8x129xf32, #tpu.memory_space<vmem>>
        %parallel_loop3A_548 = tpu.memref_squeeze %parallel_loop3A_547 : memref<1x4x8x129xf32, #tpu.memory_space<vmem>> -> memref<4x8x129xf32, #tpu.memory_space<vmem>>
        tpu.vector_store_idx %parallel_loop3A_548[%add3A_7, %and3A_4, %parallel_loop3A_530], %parallel_loop3A_538 : memref<4x8x129xf32, #tpu.memory_space<vmem>>[vector<16xi32>, vector<16xi32>, vector<16xi32>], vector<16xf32>,
      } {sc.loop_unroll_factor = 8 : i64, sc.parallel_access}
      %dma_start3A_336 = arith.constant 3 : i32
      %dma_start3A_337 = arith.constant 3 : i32
      %dma_start3A_338 = arith.constant 0 : i32
      %dma_start3A_339 = arith.constant 0 : i32
      %dma_start3A_340 = arith.constant 0 : i32
      %dma_start3A_341 = tpu.memref_slice %arg8[%dma_start3A_336, %dma_start3A_338, %dma_start3A_339, %dma_start3A_340] : memref<4x4x8x129xf32, #tpu.memory_space<vmem>> -> memref<1x4x8x128xf32, #tpu.memory_space<vmem>>
      %dma_start3A_342 = tpu.memref_squeeze %dma_start3A_341 : memref<1x4x8x128xf32, #tpu.memory_space<vmem>> -> memref<4x8x128xf32, #tpu.memory_space<vmem>>
      %dma_start3A_343 = arith.constant 0 : i32
      %dma_start3A_344 = arith.constant 0 : i32
      %dma_start3A_345 = arith.constant 0 : i32
      %dma_start3A_346 = tpu.memref_slice %arg4[%add3A_322, %dma_start3A_343, %add3A, %dma_start3A_344, %dma_start3A_345] : memref<200x4x32x8x128xf32, #tpu.memory_space<hbm>> -> memref<1x4x1x8x128xf32, #tpu.memory_space<hbm>>
      %dma_start3A_347 = tpu.memref_squeeze %dma_start3A_346 : memref<1x4x1x8x128xf32, #tpu.memory_space<hbm>> -> memref<4x8x128xf32, #tpu.memory_space<hbm>>
      %dma_start3A_348 = tpu.memref_slice %arg10[%dma_start3A_337] : memref<4x!tpu.dma_semaphore, #tpu.memory_space<semaphore_mem>> -> memref<1x!tpu.dma_semaphore, #tpu.memory_space<semaphore_mem>>
      %dma_start3A_349 = tpu.memref_squeeze %dma_start3A_348 : memref<1x!tpu.dma_semaphore, #tpu.memory_space<semaphore_mem>> -> memref<!tpu.dma_semaphore, #tpu.memory_space<semaphore_mem>>
      %dma_start3A_350 = arith.constant 0 : i32
      %dma_start3A_351 = arith.constant 0 : i32
      %dma_start3A_352 = arith.constant 0 : i32
      %dma_start3A_353 = tpu.memref_slice %arg4[%add3A_322, %dma_start3A_350, %add3A, %dma_start3A_351, %dma_start3A_352] : memref<200x4x32x8x128xf32, #tpu.memory_space<hbm>> -> memref<1x4x1x8x128xf32, #tpu.memory_space<hbm>>
      %dma_start3A_354 = tpu.memref_squeeze %dma_start3A_353 : memref<1x4x1x8x128xf32, #tpu.memory_space<hbm>> -> memref<4x8x128xf32, #tpu.memory_space<hbm>>
      %dma_start3A_355 = arith.constant 0 : i32
      %dma_start3A_356 = arith.constant 0 : i32
      %dma_start3A_357 = arith.constant 0 : i32
      %dma_start3A_358 = tpu.memref_slice %arg8[%dma_start3A_336, %dma_start3A_355, %dma_start3A_356, %dma_start3A_357] : memref<4x4x8x129xf32, #tpu.memory_space<vmem>> -> memref<1x4x8x128xf32, #tpu.memory_space<vmem>>
      %dma_start3A_359 = tpu.memref_squeeze %dma_start3A_358 : memref<1x4x8x128xf32, #tpu.memory_space<vmem>> -> memref<4x8x128xf32, #tpu.memory_space<vmem>>
      tpu.enqueue_dma source(%dma_start3A_359 : memref<4x8x128xf32, #tpu.memory_space<vmem>>) target(%dma_start3A_354 : memref<4x8x128xf32, #tpu.memory_space<hbm>>) target_semaphore(%dma_start3A_349 : memref<!tpu.dma_semaphore, #tpu.memory_space<semaphore_mem>>)
      %mul3A_360 = arith.constant 8 : i32
      %mul3A_361 = arith.muli %scan3A_151, %mul3A_360 : i32
      %add3A_362 = arith.constant 4 : i32
      %add3A_363 = arith.addi %mul3A_361, %add3A_362 : i32
      %mul3A_364 = arith.constant 8 : i32
      %mul3A_365 = arith.muli %scan3A_151, %mul3A_364 : i32
      %add3A_366 = arith.constant 4 : i32
      %add3A_367 = arith.addi %mul3A_365, %add3A_366 : i32
      %ge3A_368 = arith.constant 4 : i32
      %ge3A_369 = arith.cmpi sge, %add3A_367, %ge3A_368 : i32
      %convert_element_type3A_370 = arith.extui %ge3A_369 : i1 to i32
      %cond3A_371 = arith.constant 0 : i32
      %cond3A_372 = arith.cmpi ne, %convert_element_type3A_370, %cond3A_371 : i32
      scf.if %cond3A_372 {
        %dma_wait3A_524 = arith.constant 0 : i32
        %dma_wait3A_525 = arith.constant 0 : i32
        %dma_wait3A_526 = arith.constant 0 : i32
        %dma_wait3A_527 = arith.constant 0 : i32
        %dma_wait3A_528 = arith.constant 0 : i32
        %dma_wait3A_529 = tpu.memref_slice %arg8[%dma_wait3A_524, %dma_wait3A_526, %dma_wait3A_527, %dma_wait3A_528] : memref<4x4x8x129xf32, #tpu.memory_space<vmem>> -> memref<1x4x8x128xf32, #tpu.memory_space<vmem>>
        %dma_wait3A_530 = tpu.memref_squeeze %dma_wait3A_529 : memref<1x4x8x128xf32, #tpu.memory_space<vmem>> -> memref<4x8x128xf32, #tpu.memory_space<vmem>>
        %dma_wait3A_531 = arith.constant 0 : i32
        %dma_wait3A_532 = arith.constant 0 : i32
        %dma_wait3A_533 = arith.constant 0 : i32
        %dma_wait3A_534 = tpu.memref_slice %arg4[%add3A_363, %dma_wait3A_531, %add3A, %dma_wait3A_532, %dma_wait3A_533] : memref<200x4x32x8x128xf32, #tpu.memory_space<hbm>> -> memref<1x4x1x8x128xf32, #tpu.memory_space<hbm>>
        %dma_wait3A_535 = tpu.memref_squeeze %dma_wait3A_534 : memref<1x4x1x8x128xf32, #tpu.memory_space<hbm>> -> memref<4x8x128xf32, #tpu.memory_space<hbm>>
        %dma_wait3A_536 = tpu.memref_slice %arg10[%dma_wait3A_525] : memref<4x!tpu.dma_semaphore, #tpu.memory_space<semaphore_mem>> -> memref<1x!tpu.dma_semaphore, #tpu.memory_space<semaphore_mem>>
        %dma_wait3A_537 = tpu.memref_squeeze %dma_wait3A_536 : memref<1x!tpu.dma_semaphore, #tpu.memory_space<semaphore_mem>> -> memref<!tpu.dma_semaphore, #tpu.memory_space<semaphore_mem>>
        %dma_wait3A_538 = arith.constant 0 : i32
        %dma_wait3A_539 = arith.constant 0 : i32
        %dma_wait3A_540 = arith.constant 0 : i32
        %dma_wait3A_541 = tpu.memref_slice %arg4[%add3A_363, %dma_wait3A_538, %add3A, %dma_wait3A_539, %dma_wait3A_540] : memref<200x4x32x8x128xf32, #tpu.memory_space<hbm>> -> memref<1x4x1x8x128xf32, #tpu.memory_space<hbm>>
        %dma_wait3A_542 = tpu.memref_squeeze %dma_wait3A_541 : memref<1x4x1x8x128xf32, #tpu.memory_space<hbm>> -> memref<4x8x128xf32, #tpu.memory_space<hbm>>
        %dma_wait3A_543 = arith.constant 0 : i32
        %dma_wait3A_544 = arith.constant 0 : i32
        %dma_wait3A_545 = arith.constant 0 : i32
        %dma_wait3A_546 = tpu.memref_slice %arg8[%dma_wait3A_524, %dma_wait3A_543, %dma_wait3A_544, %dma_wait3A_545] : memref<4x4x8x129xf32, #tpu.memory_space<vmem>> -> memref<1x4x8x128xf32, #tpu.memory_space<vmem>>
        %dma_wait3A_547 = tpu.memref_squeeze %dma_wait3A_546 : memref<1x4x8x128xf32, #tpu.memory_space<vmem>> -> memref<4x8x128xf32, #tpu.memory_space<vmem>>
        tpu.wait_dma2 semaphore(%dma_wait3A_537 : memref<!tpu.dma_semaphore, #tpu.memory_space<semaphore_mem>>) src(%dma_wait3A_547 : memref<4x8x128xf32, #tpu.memory_space<vmem>>) dst(%dma_wait3A_542 : memref<4x8x128xf32, #tpu.memory_space<hbm>>)
      } else {
      }
      %parallel_loop3A_373 = arith.constant 0 : i32
      %parallel_loop3A_374 = arith.constant 128 : i32
      %parallel_loop3A_375 = arith.constant 1 : i32
      %parallel_loop3A_376 = arith.constant 0 : i32
      scf.for %parallel_loop3A_524 = %parallel_loop3A_373 to %parallel_loop3A_374 step %parallel_loop3A_375  : i32 {
        %parallel_loop3A_525 = arith.constant 512 : i32
        %parallel_loop3A_526 = arith.addi %parallel_loop3A_525, %parallel_loop3A_524 : i32
        %parallel_loop3A_527 = arith.constant 0 : i32
        %parallel_loop3A_528 = vector.broadcast %parallel_loop3A_527 : i32 to vector<16xi32>
        %parallel_loop3A_529 = vector.broadcast %parallel_loop3A_524 : i32 to vector<16xi32>
        %parallel_loop3A_530 = arith.addi %parallel_loop3A_528, %parallel_loop3A_529 : vector<16xi32>
        %parallel_loop3A_531 = arith.index_cast %select_n3A_161 : i32 to index
        %parallel_loop3A_532 = arith.index_cast %parallel_loop3A_526 : i32 to index
        %parallel_loop3A_533 = arith.constant 0 : index
        %parallel_loop3A_534 = tpu.vector_load %arg7[%parallel_loop3A_531, %parallel_loop3A_532, %parallel_loop3A_533] {strides = array<i32>} : memref<3x1024x32xf32, #tpu.memory_space<vmem>>, vector<16xf32>,
        %parallel_loop3A_535 = arith.index_cast %select_n3A_161 : i32 to index
        %parallel_loop3A_536 = arith.index_cast %parallel_loop3A_526 : i32 to index
        %parallel_loop3A_537 = arith.constant 16 : index
        %parallel_loop3A_538 = tpu.vector_load %arg7[%parallel_loop3A_535, %parallel_loop3A_536, %parallel_loop3A_537] {strides = array<i32>} : memref<3x1024x32xf32, #tpu.memory_space<vmem>>, vector<16xf32>,
        %parallel_loop3A_539 = arith.constant 0 : i32
        %parallel_loop3A_540 = arith.constant 0 : i32
        %parallel_loop3A_541 = arith.constant 0 : i32
        %parallel_loop3A_542 = tpu.memref_slice %arg8[%parallel_loop3A_376, %parallel_loop3A_539, %parallel_loop3A_540, %parallel_loop3A_541] : memref<4x4x8x129xf32, #tpu.memory_space<vmem>> -> memref<1x4x8x129xf32, #tpu.memory_space<vmem>>
        %parallel_loop3A_543 = tpu.memref_squeeze %parallel_loop3A_542 : memref<1x4x8x129xf32, #tpu.memory_space<vmem>> -> memref<4x8x129xf32, #tpu.memory_space<vmem>>
        tpu.vector_store_idx %parallel_loop3A_543[%shift_right_arithmetic3A_2, %and3A_4, %parallel_loop3A_530], %parallel_loop3A_534 : memref<4x8x129xf32, #tpu.memory_space<vmem>>[vector<16xi32>, vector<16xi32>, vector<16xi32>], vector<16xf32>,
        %parallel_loop3A_544 = arith.constant 0 : i32
        %parallel_loop3A_545 = arith.constant 0 : i32
        %parallel_loop3A_546 = arith.constant 0 : i32
        %parallel_loop3A_547 = tpu.memref_slice %arg8[%parallel_loop3A_376, %parallel_loop3A_544, %parallel_loop3A_545, %parallel_loop3A_546] : memref<4x4x8x129xf32, #tpu.memory_space<vmem>> -> memref<1x4x8x129xf32, #tpu.memory_space<vmem>>
        %parallel_loop3A_548 = tpu.memref_squeeze %parallel_loop3A_547 : memref<1x4x8x129xf32, #tpu.memory_space<vmem>> -> memref<4x8x129xf32, #tpu.memory_space<vmem>>
        tpu.vector_store_idx %parallel_loop3A_548[%add3A_7, %and3A_4, %parallel_loop3A_530], %parallel_loop3A_538 : memref<4x8x129xf32, #tpu.memory_space<vmem>>[vector<16xi32>, vector<16xi32>, vector<16xi32>], vector<16xf32>,
      } {sc.loop_unroll_factor = 8 : i64, sc.parallel_access}
      %dma_start3A_377 = arith.constant 0 : i32
      %dma_start3A_378 = arith.constant 0 : i32
      %dma_start3A_379 = arith.constant 0 : i32
      %dma_start3A_380 = arith.constant 0 : i32
      %dma_start3A_381 = arith.constant 0 : i32
      %dma_start3A_382 = tpu.memref_slice %arg8[%dma_start3A_377, %dma_start3A_379, %dma_start3A_380, %dma_start3A_381] : memref<4x4x8x129xf32, #tpu.memory_space<vmem>> -> memref<1x4x8x128xf32, #tpu.memory_space<vmem>>
      %dma_start3A_383 = tpu.memref_squeeze %dma_start3A_382 : memref<1x4x8x128xf32, #tpu.memory_space<vmem>> -> memref<4x8x128xf32, #tpu.memory_space<vmem>>
      %dma_start3A_384 = arith.constant 0 : i32
      %dma_start3A_385 = arith.constant 0 : i32
      %dma_start3A_386 = arith.constant 0 : i32
      %dma_start3A_387 = tpu.memref_slice %arg4[%add3A_363, %dma_start3A_384, %add3A, %dma_start3A_385, %dma_start3A_386] : memref<200x4x32x8x128xf32, #tpu.memory_space<hbm>> -> memref<1x4x1x8x128xf32, #tpu.memory_space<hbm>>
      %dma_start3A_388 = tpu.memref_squeeze %dma_start3A_387 : memref<1x4x1x8x128xf32, #tpu.memory_space<hbm>> -> memref<4x8x128xf32, #tpu.memory_space<hbm>>
      %dma_start3A_389 = tpu.memref_slice %arg10[%dma_start3A_378] : memref<4x!tpu.dma_semaphore, #tpu.memory_space<semaphore_mem>> -> memref<1x!tpu.dma_semaphore, #tpu.memory_space<semaphore_mem>>
      %dma_start3A_390 = tpu.memref_squeeze %dma_start3A_389 : memref<1x!tpu.dma_semaphore, #tpu.memory_space<semaphore_mem>> -> memref<!tpu.dma_semaphore, #tpu.memory_space<semaphore_mem>>
      %dma_start3A_391 = arith.constant 0 : i32
      %dma_start3A_392 = arith.constant 0 : i32
      %dma_start3A_393 = arith.constant 0 : i32
      %dma_start3A_394 = tpu.memref_slice %arg4[%add3A_363, %dma_start3A_391, %add3A, %dma_start3A_392, %dma_start3A_393] : memref<200x4x32x8x128xf32, #tpu.memory_space<hbm>> -> memref<1x4x1x8x128xf32, #tpu.memory_space<hbm>>
      %dma_start3A_395 = tpu.memref_squeeze %dma_start3A_394 : memref<1x4x1x8x128xf32, #tpu.memory_space<hbm>> -> memref<4x8x128xf32, #tpu.memory_space<hbm>>
      %dma_start3A_396 = arith.constant 0 : i32
      %dma_start3A_397 = arith.constant 0 : i32
      %dma_start3A_398 = arith.constant 0 : i32
      %dma_start3A_399 = tpu.memref_slice %arg8[%dma_start3A_377, %dma_start3A_396, %dma_start3A_397, %dma_start3A_398] : memref<4x4x8x129xf32, #tpu.memory_space<vmem>> -> memref<1x4x8x128xf32, #tpu.memory_space<vmem>>
      %dma_start3A_400 = tpu.memref_squeeze %dma_start3A_399 : memref<1x4x8x128xf32, #tpu.memory_space<vmem>> -> memref<4x8x128xf32, #tpu.memory_space<vmem>>
      tpu.enqueue_dma source(%dma_start3A_400 : memref<4x8x128xf32, #tpu.memory_space<vmem>>) target(%dma_start3A_395 : memref<4x8x128xf32, #tpu.memory_space<hbm>>) target_semaphore(%dma_start3A_390 : memref<!tpu.dma_semaphore, #tpu.memory_space<semaphore_mem>>)
      %mul3A_401 = arith.constant 8 : i32
      %mul3A_402 = arith.muli %scan3A_151, %mul3A_401 : i32
      %add3A_403 = arith.constant 5 : i32
      %add3A_404 = arith.addi %mul3A_402, %add3A_403 : i32
      %mul3A_405 = arith.constant 8 : i32
      %mul3A_406 = arith.muli %scan3A_151, %mul3A_405 : i32
      %add3A_407 = arith.constant 5 : i32
      %add3A_408 = arith.addi %mul3A_406, %add3A_407 : i32
      %ge3A_409 = arith.constant 4 : i32
      %ge3A_410 = arith.cmpi sge, %add3A_408, %ge3A_409 : i32
      %convert_element_type3A_411 = arith.extui %ge3A_410 : i1 to i32
      %cond3A_412 = arith.constant 0 : i32
      %cond3A_413 = arith.cmpi ne, %convert_element_type3A_411, %cond3A_412 : i32
      scf.if %cond3A_413 {
        %dma_wait3A_524 = arith.constant 1 : i32
        %dma_wait3A_525 = arith.constant 1 : i32
        %dma_wait3A_526 = arith.constant 0 : i32
        %dma_wait3A_527 = arith.constant 0 : i32
        %dma_wait3A_528 = arith.constant 0 : i32
        %dma_wait3A_529 = tpu.memref_slice %arg8[%dma_wait3A_524, %dma_wait3A_526, %dma_wait3A_527, %dma_wait3A_528] : memref<4x4x8x129xf32, #tpu.memory_space<vmem>> -> memref<1x4x8x128xf32, #tpu.memory_space<vmem>>
        %dma_wait3A_530 = tpu.memref_squeeze %dma_wait3A_529 : memref<1x4x8x128xf32, #tpu.memory_space<vmem>> -> memref<4x8x128xf32, #tpu.memory_space<vmem>>
        %dma_wait3A_531 = arith.constant 0 : i32
        %dma_wait3A_532 = arith.constant 0 : i32
        %dma_wait3A_533 = arith.constant 0 : i32
        %dma_wait3A_534 = tpu.memref_slice %arg4[%add3A_404, %dma_wait3A_531, %add3A, %dma_wait3A_532, %dma_wait3A_533] : memref<200x4x32x8x128xf32, #tpu.memory_space<hbm>> -> memref<1x4x1x8x128xf32, #tpu.memory_space<hbm>>
        %dma_wait3A_535 = tpu.memref_squeeze %dma_wait3A_534 : memref<1x4x1x8x128xf32, #tpu.memory_space<hbm>> -> memref<4x8x128xf32, #tpu.memory_space<hbm>>
        %dma_wait3A_536 = tpu.memref_slice %arg10[%dma_wait3A_525] : memref<4x!tpu.dma_semaphore, #tpu.memory_space<semaphore_mem>> -> memref<1x!tpu.dma_semaphore, #tpu.memory_space<semaphore_mem>>
        %dma_wait3A_537 = tpu.memref_squeeze %dma_wait3A_536 : memref<1x!tpu.dma_semaphore, #tpu.memory_space<semaphore_mem>> -> memref<!tpu.dma_semaphore, #tpu.memory_space<semaphore_mem>>
        %dma_wait3A_538 = arith.constant 0 : i32
        %dma_wait3A_539 = arith.constant 0 : i32
        %dma_wait3A_540 = arith.constant 0 : i32
        %dma_wait3A_541 = tpu.memref_slice %arg4[%add3A_404, %dma_wait3A_538, %add3A, %dma_wait3A_539, %dma_wait3A_540] : memref<200x4x32x8x128xf32, #tpu.memory_space<hbm>> -> memref<1x4x1x8x128xf32, #tpu.memory_space<hbm>>
        %dma_wait3A_542 = tpu.memref_squeeze %dma_wait3A_541 : memref<1x4x1x8x128xf32, #tpu.memory_space<hbm>> -> memref<4x8x128xf32, #tpu.memory_space<hbm>>
        %dma_wait3A_543 = arith.constant 0 : i32
        %dma_wait3A_544 = arith.constant 0 : i32
        %dma_wait3A_545 = arith.constant 0 : i32
        %dma_wait3A_546 = tpu.memref_slice %arg8[%dma_wait3A_524, %dma_wait3A_543, %dma_wait3A_544, %dma_wait3A_545] : memref<4x4x8x129xf32, #tpu.memory_space<vmem>> -> memref<1x4x8x128xf32, #tpu.memory_space<vmem>>
        %dma_wait3A_547 = tpu.memref_squeeze %dma_wait3A_546 : memref<1x4x8x128xf32, #tpu.memory_space<vmem>> -> memref<4x8x128xf32, #tpu.memory_space<vmem>>
        tpu.wait_dma2 semaphore(%dma_wait3A_537 : memref<!tpu.dma_semaphore, #tpu.memory_space<semaphore_mem>>) src(%dma_wait3A_547 : memref<4x8x128xf32, #tpu.memory_space<vmem>>) dst(%dma_wait3A_542 : memref<4x8x128xf32, #tpu.memory_space<hbm>>)
      } else {
      }
      %parallel_loop3A_414 = arith.constant 0 : i32
      %parallel_loop3A_415 = arith.constant 128 : i32
      %parallel_loop3A_416 = arith.constant 1 : i32
      %parallel_loop3A_417 = arith.constant 1 : i32
      scf.for %parallel_loop3A_524 = %parallel_loop3A_414 to %parallel_loop3A_415 step %parallel_loop3A_416  : i32 {
        %parallel_loop3A_525 = arith.constant 640 : i32
        %parallel_loop3A_526 = arith.addi %parallel_loop3A_525, %parallel_loop3A_524 : i32
        %parallel_loop3A_527 = arith.constant 0 : i32
        %parallel_loop3A_528 = vector.broadcast %parallel_loop3A_527 : i32 to vector<16xi32>
        %parallel_loop3A_529 = vector.broadcast %parallel_loop3A_524 : i32 to vector<16xi32>
        %parallel_loop3A_530 = arith.addi %parallel_loop3A_528, %parallel_loop3A_529 : vector<16xi32>
        %parallel_loop3A_531 = arith.index_cast %select_n3A_161 : i32 to index
        %parallel_loop3A_532 = arith.index_cast %parallel_loop3A_526 : i32 to index
        %parallel_loop3A_533 = arith.constant 0 : index
        %parallel_loop3A_534 = tpu.vector_load %arg7[%parallel_loop3A_531, %parallel_loop3A_532, %parallel_loop3A_533] {strides = array<i32>} : memref<3x1024x32xf32, #tpu.memory_space<vmem>>, vector<16xf32>,
        %parallel_loop3A_535 = arith.index_cast %select_n3A_161 : i32 to index
        %parallel_loop3A_536 = arith.index_cast %parallel_loop3A_526 : i32 to index
        %parallel_loop3A_537 = arith.constant 16 : index
        %parallel_loop3A_538 = tpu.vector_load %arg7[%parallel_loop3A_535, %parallel_loop3A_536, %parallel_loop3A_537] {strides = array<i32>} : memref<3x1024x32xf32, #tpu.memory_space<vmem>>, vector<16xf32>,
        %parallel_loop3A_539 = arith.constant 0 : i32
        %parallel_loop3A_540 = arith.constant 0 : i32
        %parallel_loop3A_541 = arith.constant 0 : i32
        %parallel_loop3A_542 = tpu.memref_slice %arg8[%parallel_loop3A_417, %parallel_loop3A_539, %parallel_loop3A_540, %parallel_loop3A_541] : memref<4x4x8x129xf32, #tpu.memory_space<vmem>> -> memref<1x4x8x129xf32, #tpu.memory_space<vmem>>
        %parallel_loop3A_543 = tpu.memref_squeeze %parallel_loop3A_542 : memref<1x4x8x129xf32, #tpu.memory_space<vmem>> -> memref<4x8x129xf32, #tpu.memory_space<vmem>>
        tpu.vector_store_idx %parallel_loop3A_543[%shift_right_arithmetic3A_2, %and3A_4, %parallel_loop3A_530], %parallel_loop3A_534 : memref<4x8x129xf32, #tpu.memory_space<vmem>>[vector<16xi32>, vector<16xi32>, vector<16xi32>], vector<16xf32>,
        %parallel_loop3A_544 = arith.constant 0 : i32
        %parallel_loop3A_545 = arith.constant 0 : i32
        %parallel_loop3A_546 = arith.constant 0 : i32
        %parallel_loop3A_547 = tpu.memref_slice %arg8[%parallel_loop3A_417, %parallel_loop3A_544, %parallel_loop3A_545, %parallel_loop3A_546] : memref<4x4x8x129xf32, #tpu.memory_space<vmem>> -> memref<1x4x8x129xf32, #tpu.memory_space<vmem>>
        %parallel_loop3A_548 = tpu.memref_squeeze %parallel_loop3A_547 : memref<1x4x8x129xf32, #tpu.memory_space<vmem>> -> memref<4x8x129xf32, #tpu.memory_space<vmem>>
        tpu.vector_store_idx %parallel_loop3A_548[%add3A_7, %and3A_4, %parallel_loop3A_530], %parallel_loop3A_538 : memref<4x8x129xf32, #tpu.memory_space<vmem>>[vector<16xi32>, vector<16xi32>, vector<16xi32>], vector<16xf32>,
      } {sc.loop_unroll_factor = 8 : i64, sc.parallel_access}
      %dma_start3A_418 = arith.constant 1 : i32
      %dma_start3A_419 = arith.constant 1 : i32
      %dma_start3A_420 = arith.constant 0 : i32
      %dma_start3A_421 = arith.constant 0 : i32
      %dma_start3A_422 = arith.constant 0 : i32
      %dma_start3A_423 = tpu.memref_slice %arg8[%dma_start3A_418, %dma_start3A_420, %dma_start3A_421, %dma_start3A_422] : memref<4x4x8x129xf32, #tpu.memory_space<vmem>> -> memref<1x4x8x128xf32, #tpu.memory_space<vmem>>
      %dma_start3A_424 = tpu.memref_squeeze %dma_start3A_423 : memref<1x4x8x128xf32, #tpu.memory_space<vmem>> -> memref<4x8x128xf32, #tpu.memory_space<vmem>>
      %dma_start3A_425 = arith.constant 0 : i32
      %dma_start3A_426 = arith.constant 0 : i32
      %dma_start3A_427 = arith.constant 0 : i32
      %dma_start3A_428 = tpu.memref_slice %arg4[%add3A_404, %dma_start3A_425, %add3A, %dma_start3A_426, %dma_start3A_427] : memref<200x4x32x8x128xf32, #tpu.memory_space<hbm>> -> memref<1x4x1x8x128xf32, #tpu.memory_space<hbm>>
      %dma_start3A_429 = tpu.memref_squeeze %dma_start3A_428 : memref<1x4x1x8x128xf32, #tpu.memory_space<hbm>> -> memref<4x8x128xf32, #tpu.memory_space<hbm>>
      %dma_start3A_430 = tpu.memref_slice %arg10[%dma_start3A_419] : memref<4x!tpu.dma_semaphore, #tpu.memory_space<semaphore_mem>> -> memref<1x!tpu.dma_semaphore, #tpu.memory_space<semaphore_mem>>
      %dma_start3A_431 = tpu.memref_squeeze %dma_start3A_430 : memref<1x!tpu.dma_semaphore, #tpu.memory_space<semaphore_mem>> -> memref<!tpu.dma_semaphore, #tpu.memory_space<semaphore_mem>>
      %dma_start3A_432 = arith.constant 0 : i32
      %dma_start3A_433 = arith.constant 0 : i32
      %dma_start3A_434 = arith.constant 0 : i32
      %dma_start3A_435 = tpu.memref_slice %arg4[%add3A_404, %dma_start3A_432, %add3A, %dma_start3A_433, %dma_start3A_434] : memref<200x4x32x8x128xf32, #tpu.memory_space<hbm>> -> memref<1x4x1x8x128xf32, #tpu.memory_space<hbm>>
      %dma_start3A_436 = tpu.memref_squeeze %dma_start3A_435 : memref<1x4x1x8x128xf32, #tpu.memory_space<hbm>> -> memref<4x8x128xf32, #tpu.memory_space<hbm>>
      %dma_start3A_437 = arith.constant 0 : i32
      %dma_start3A_438 = arith.constant 0 : i32
      %dma_start3A_439 = arith.constant 0 : i32
      %dma_start3A_440 = tpu.memref_slice %arg8[%dma_start3A_418, %dma_start3A_437, %dma_start3A_438, %dma_start3A_439] : memref<4x4x8x129xf32, #tpu.memory_space<vmem>> -> memref<1x4x8x128xf32, #tpu.memory_space<vmem>>
      %dma_start3A_441 = tpu.memref_squeeze %dma_start3A_440 : memref<1x4x8x128xf32, #tpu.memory_space<vmem>> -> memref<4x8x128xf32, #tpu.memory_space<vmem>>
      tpu.enqueue_dma source(%dma_start3A_441 : memref<4x8x128xf32, #tpu.memory_space<vmem>>) target(%dma_start3A_436 : memref<4x8x128xf32, #tpu.memory_space<hbm>>) target_semaphore(%dma_start3A_431 : memref<!tpu.dma_semaphore, #tpu.memory_space<semaphore_mem>>)
      %mul3A_442 = arith.constant 8 : i32
      %mul3A_443 = arith.muli %scan3A_151, %mul3A_442 : i32
      %add3A_444 = arith.constant 6 : i32
      %add3A_445 = arith.addi %mul3A_443, %add3A_444 : i32
      %mul3A_446 = arith.constant 8 : i32
      %mul3A_447 = arith.muli %scan3A_151, %mul3A_446 : i32
      %add3A_448 = arith.constant 6 : i32
      %add3A_449 = arith.addi %mul3A_447, %add3A_448 : i32
      %ge3A_450 = arith.constant 4 : i32
      %ge3A_451 = arith.cmpi sge, %add3A_449, %ge3A_450 : i32
      %convert_element_type3A_452 = arith.extui %ge3A_451 : i1 to i32
      %cond3A_453 = arith.constant 0 : i32
      %cond3A_454 = arith.cmpi ne, %convert_element_type3A_452, %cond3A_453 : i32
      scf.if %cond3A_454 {
        %dma_wait3A_524 = arith.constant 2 : i32
        %dma_wait3A_525 = arith.constant 2 : i32
        %dma_wait3A_526 = arith.constant 0 : i32
        %dma_wait3A_527 = arith.constant 0 : i32
        %dma_wait3A_528 = arith.constant 0 : i32
        %dma_wait3A_529 = tpu.memref_slice %arg8[%dma_wait3A_524, %dma_wait3A_526, %dma_wait3A_527, %dma_wait3A_528] : memref<4x4x8x129xf32, #tpu.memory_space<vmem>> -> memref<1x4x8x128xf32, #tpu.memory_space<vmem>>
        %dma_wait3A_530 = tpu.memref_squeeze %dma_wait3A_529 : memref<1x4x8x128xf32, #tpu.memory_space<vmem>> -> memref<4x8x128xf32, #tpu.memory_space<vmem>>
        %dma_wait3A_531 = arith.constant 0 : i32
        %dma_wait3A_532 = arith.constant 0 : i32
        %dma_wait3A_533 = arith.constant 0 : i32
        %dma_wait3A_534 = tpu.memref_slice %arg4[%add3A_445, %dma_wait3A_531, %add3A, %dma_wait3A_532, %dma_wait3A_533] : memref<200x4x32x8x128xf32, #tpu.memory_space<hbm>> -> memref<1x4x1x8x128xf32, #tpu.memory_space<hbm>>
        %dma_wait3A_535 = tpu.memref_squeeze %dma_wait3A_534 : memref<1x4x1x8x128xf32, #tpu.memory_space<hbm>> -> memref<4x8x128xf32, #tpu.memory_space<hbm>>
        %dma_wait3A_536 = tpu.memref_slice %arg10[%dma_wait3A_525] : memref<4x!tpu.dma_semaphore, #tpu.memory_space<semaphore_mem>> -> memref<1x!tpu.dma_semaphore, #tpu.memory_space<semaphore_mem>>
        %dma_wait3A_537 = tpu.memref_squeeze %dma_wait3A_536 : memref<1x!tpu.dma_semaphore, #tpu.memory_space<semaphore_mem>> -> memref<!tpu.dma_semaphore, #tpu.memory_space<semaphore_mem>>
        %dma_wait3A_538 = arith.constant 0 : i32
        %dma_wait3A_539 = arith.constant 0 : i32
        %dma_wait3A_540 = arith.constant 0 : i32
        %dma_wait3A_541 = tpu.memref_slice %arg4[%add3A_445, %dma_wait3A_538, %add3A, %dma_wait3A_539, %dma_wait3A_540] : memref<200x4x32x8x128xf32, #tpu.memory_space<hbm>> -> memref<1x4x1x8x128xf32, #tpu.memory_space<hbm>>
        %dma_wait3A_542 = tpu.memref_squeeze %dma_wait3A_541 : memref<1x4x1x8x128xf32, #tpu.memory_space<hbm>> -> memref<4x8x128xf32, #tpu.memory_space<hbm>>
        %dma_wait3A_543 = arith.constant 0 : i32
        %dma_wait3A_544 = arith.constant 0 : i32
        %dma_wait3A_545 = arith.constant 0 : i32
        %dma_wait3A_546 = tpu.memref_slice %arg8[%dma_wait3A_524, %dma_wait3A_543, %dma_wait3A_544, %dma_wait3A_545] : memref<4x4x8x129xf32, #tpu.memory_space<vmem>> -> memref<1x4x8x128xf32, #tpu.memory_space<vmem>>
        %dma_wait3A_547 = tpu.memref_squeeze %dma_wait3A_546 : memref<1x4x8x128xf32, #tpu.memory_space<vmem>> -> memref<4x8x128xf32, #tpu.memory_space<vmem>>
        tpu.wait_dma2 semaphore(%dma_wait3A_537 : memref<!tpu.dma_semaphore, #tpu.memory_space<semaphore_mem>>) src(%dma_wait3A_547 : memref<4x8x128xf32, #tpu.memory_space<vmem>>) dst(%dma_wait3A_542 : memref<4x8x128xf32, #tpu.memory_space<hbm>>)
      } else {
      }
      %parallel_loop3A_455 = arith.constant 0 : i32
      %parallel_loop3A_456 = arith.constant 128 : i32
      %parallel_loop3A_457 = arith.constant 1 : i32
      %parallel_loop3A_458 = arith.constant 2 : i32
      scf.for %parallel_loop3A_524 = %parallel_loop3A_455 to %parallel_loop3A_456 step %parallel_loop3A_457  : i32 {
        %parallel_loop3A_525 = arith.constant 768 : i32
        %parallel_loop3A_526 = arith.addi %parallel_loop3A_525, %parallel_loop3A_524 : i32
        %parallel_loop3A_527 = arith.constant 0 : i32
        %parallel_loop3A_528 = vector.broadcast %parallel_loop3A_527 : i32 to vector<16xi32>
        %parallel_loop3A_529 = vector.broadcast %parallel_loop3A_524 : i32 to vector<16xi32>
        %parallel_loop3A_530 = arith.addi %parallel_loop3A_528, %parallel_loop3A_529 : vector<16xi32>
        %parallel_loop3A_531 = arith.index_cast %select_n3A_161 : i32 to index
        %parallel_loop3A_532 = arith.index_cast %parallel_loop3A_526 : i32 to index
        %parallel_loop3A_533 = arith.constant 0 : index
        %parallel_loop3A_534 = tpu.vector_load %arg7[%parallel_loop3A_531, %parallel_loop3A_532, %parallel_loop3A_533] {strides = array<i32>} : memref<3x1024x32xf32, #tpu.memory_space<vmem>>, vector<16xf32>,
        %parallel_loop3A_535 = arith.index_cast %select_n3A_161 : i32 to index
        %parallel_loop3A_536 = arith.index_cast %parallel_loop3A_526 : i32 to index
        %parallel_loop3A_537 = arith.constant 16 : index
        %parallel_loop3A_538 = tpu.vector_load %arg7[%parallel_loop3A_535, %parallel_loop3A_536, %parallel_loop3A_537] {strides = array<i32>} : memref<3x1024x32xf32, #tpu.memory_space<vmem>>, vector<16xf32>,
        %parallel_loop3A_539 = arith.constant 0 : i32
        %parallel_loop3A_540 = arith.constant 0 : i32
        %parallel_loop3A_541 = arith.constant 0 : i32
        %parallel_loop3A_542 = tpu.memref_slice %arg8[%parallel_loop3A_458, %parallel_loop3A_539, %parallel_loop3A_540, %parallel_loop3A_541] : memref<4x4x8x129xf32, #tpu.memory_space<vmem>> -> memref<1x4x8x129xf32, #tpu.memory_space<vmem>>
        %parallel_loop3A_543 = tpu.memref_squeeze %parallel_loop3A_542 : memref<1x4x8x129xf32, #tpu.memory_space<vmem>> -> memref<4x8x129xf32, #tpu.memory_space<vmem>>
        tpu.vector_store_idx %parallel_loop3A_543[%shift_right_arithmetic3A_2, %and3A_4, %parallel_loop3A_530], %parallel_loop3A_534 : memref<4x8x129xf32, #tpu.memory_space<vmem>>[vector<16xi32>, vector<16xi32>, vector<16xi32>], vector<16xf32>,
        %parallel_loop3A_544 = arith.constant 0 : i32
        %parallel_loop3A_545 = arith.constant 0 : i32
        %parallel_loop3A_546 = arith.constant 0 : i32
        %parallel_loop3A_547 = tpu.memref_slice %arg8[%parallel_loop3A_458, %parallel_loop3A_544, %parallel_loop3A_545, %parallel_loop3A_546] : memref<4x4x8x129xf32, #tpu.memory_space<vmem>> -> memref<1x4x8x129xf32, #tpu.memory_space<vmem>>
        %parallel_loop3A_548 = tpu.memref_squeeze %parallel_loop3A_547 : memref<1x4x8x129xf32, #tpu.memory_space<vmem>> -> memref<4x8x129xf32, #tpu.memory_space<vmem>>
        tpu.vector_store_idx %parallel_loop3A_548[%add3A_7, %and3A_4, %parallel_loop3A_530], %parallel_loop3A_538 : memref<4x8x129xf32, #tpu.memory_space<vmem>>[vector<16xi32>, vector<16xi32>, vector<16xi32>], vector<16xf32>,
      } {sc.loop_unroll_factor = 8 : i64, sc.parallel_access}
      %dma_start3A_459 = arith.constant 2 : i32
      %dma_start3A_460 = arith.constant 2 : i32
      %dma_start3A_461 = arith.constant 0 : i32
      %dma_start3A_462 = arith.constant 0 : i32
      %dma_start3A_463 = arith.constant 0 : i32
      %dma_start3A_464 = tpu.memref_slice %arg8[%dma_start3A_459, %dma_start3A_461, %dma_start3A_462, %dma_start3A_463] : memref<4x4x8x129xf32, #tpu.memory_space<vmem>> -> memref<1x4x8x128xf32, #tpu.memory_space<vmem>>
      %dma_start3A_465 = tpu.memref_squeeze %dma_start3A_464 : memref<1x4x8x128xf32, #tpu.memory_space<vmem>> -> memref<4x8x128xf32, #tpu.memory_space<vmem>>
      %dma_start3A_466 = arith.constant 0 : i32
      %dma_start3A_467 = arith.constant 0 : i32
      %dma_start3A_468 = arith.constant 0 : i32
      %dma_start3A_469 = tpu.memref_slice %arg4[%add3A_445, %dma_start3A_466, %add3A, %dma_start3A_467, %dma_start3A_468] : memref<200x4x32x8x128xf32, #tpu.memory_space<hbm>> -> memref<1x4x1x8x128xf32, #tpu.memory_space<hbm>>
      %dma_start3A_470 = tpu.memref_squeeze %dma_start3A_469 : memref<1x4x1x8x128xf32, #tpu.memory_space<hbm>> -> memref<4x8x128xf32, #tpu.memory_space<hbm>>
      %dma_start3A_471 = tpu.memref_slice %arg10[%dma_start3A_460] : memref<4x!tpu.dma_semaphore, #tpu.memory_space<semaphore_mem>> -> memref<1x!tpu.dma_semaphore, #tpu.memory_space<semaphore_mem>>
      %dma_start3A_472 = tpu.memref_squeeze %dma_start3A_471 : memref<1x!tpu.dma_semaphore, #tpu.memory_space<semaphore_mem>> -> memref<!tpu.dma_semaphore, #tpu.memory_space<semaphore_mem>>
      %dma_start3A_473 = arith.constant 0 : i32
      %dma_start3A_474 = arith.constant 0 : i32
      %dma_start3A_475 = arith.constant 0 : i32
      %dma_start3A_476 = tpu.memref_slice %arg4[%add3A_445, %dma_start3A_473, %add3A, %dma_start3A_474, %dma_start3A_475] : memref<200x4x32x8x128xf32, #tpu.memory_space<hbm>> -> memref<1x4x1x8x128xf32, #tpu.memory_space<hbm>>
      %dma_start3A_477 = tpu.memref_squeeze %dma_start3A_476 : memref<1x4x1x8x128xf32, #tpu.memory_space<hbm>> -> memref<4x8x128xf32, #tpu.memory_space<hbm>>
      %dma_start3A_478 = arith.constant 0 : i32
      %dma_start3A_479 = arith.constant 0 : i32
      %dma_start3A_480 = arith.constant 0 : i32
      %dma_start3A_481 = tpu.memref_slice %arg8[%dma_start3A_459, %dma_start3A_478, %dma_start3A_479, %dma_start3A_480] : memref<4x4x8x129xf32, #tpu.memory_space<vmem>> -> memref<1x4x8x128xf32, #tpu.memory_space<vmem>>
      %dma_start3A_482 = tpu.memref_squeeze %dma_start3A_481 : memref<1x4x8x128xf32, #tpu.memory_space<vmem>> -> memref<4x8x128xf32, #tpu.memory_space<vmem>>
      tpu.enqueue_dma source(%dma_start3A_482 : memref<4x8x128xf32, #tpu.memory_space<vmem>>) target(%dma_start3A_477 : memref<4x8x128xf32, #tpu.memory_space<hbm>>) target_semaphore(%dma_start3A_472 : memref<!tpu.dma_semaphore, #tpu.memory_space<semaphore_mem>>)
      %mul3A_483 = arith.constant 8 : i32
      %mul3A_484 = arith.muli %scan3A_151, %mul3A_483 : i32
      %add3A_485 = arith.constant 7 : i32
      %add3A_486 = arith.addi %mul3A_484, %add3A_485 : i32
      %mul3A_487 = arith.constant 8 : i32
      %mul3A_488 = arith.muli %scan3A_151, %mul3A_487 : i32
      %add3A_489 = arith.constant 7 : i32
      %add3A_490 = arith.addi %mul3A_488, %add3A_489 : i32
      %ge3A_491 = arith.constant 4 : i32
      %ge3A_492 = arith.cmpi sge, %add3A_490, %ge3A_491 : i32
      %convert_element_type3A_493 = arith.extui %ge3A_492 : i1 to i32
      %cond3A_494 = arith.constant 0 : i32
      %cond3A_495 = arith.cmpi ne, %convert_element_type3A_493, %cond3A_494 : i32
      scf.if %cond3A_495 {
        %dma_wait3A_524 = arith.constant 3 : i32
        %dma_wait3A_525 = arith.constant 3 : i32
        %dma_wait3A_526 = arith.constant 0 : i32
        %dma_wait3A_527 = arith.constant 0 : i32
        %dma_wait3A_528 = arith.constant 0 : i32
        %dma_wait3A_529 = tpu.memref_slice %arg8[%dma_wait3A_524, %dma_wait3A_526, %dma_wait3A_527, %dma_wait3A_528] : memref<4x4x8x129xf32, #tpu.memory_space<vmem>> -> memref<1x4x8x128xf32, #tpu.memory_space<vmem>>
        %dma_wait3A_530 = tpu.memref_squeeze %dma_wait3A_529 : memref<1x4x8x128xf32, #tpu.memory_space<vmem>> -> memref<4x8x128xf32, #tpu.memory_space<vmem>>
        %dma_wait3A_531 = arith.constant 0 : i32
        %dma_wait3A_532 = arith.constant 0 : i32
        %dma_wait3A_533 = arith.constant 0 : i32
        %dma_wait3A_534 = tpu.memref_slice %arg4[%add3A_486, %dma_wait3A_531, %add3A, %dma_wait3A_532, %dma_wait3A_533] : memref<200x4x32x8x128xf32, #tpu.memory_space<hbm>> -> memref<1x4x1x8x128xf32, #tpu.memory_space<hbm>>
        %dma_wait3A_535 = tpu.memref_squeeze %dma_wait3A_534 : memref<1x4x1x8x128xf32, #tpu.memory_space<hbm>> -> memref<4x8x128xf32, #tpu.memory_space<hbm>>
        %dma_wait3A_536 = tpu.memref_slice %arg10[%dma_wait3A_525] : memref<4x!tpu.dma_semaphore, #tpu.memory_space<semaphore_mem>> -> memref<1x!tpu.dma_semaphore, #tpu.memory_space<semaphore_mem>>
        %dma_wait3A_537 = tpu.memref_squeeze %dma_wait3A_536 : memref<1x!tpu.dma_semaphore, #tpu.memory_space<semaphore_mem>> -> memref<!tpu.dma_semaphore, #tpu.memory_space<semaphore_mem>>
        %dma_wait3A_538 = arith.constant 0 : i32
        %dma_wait3A_539 = arith.constant 0 : i32
        %dma_wait3A_540 = arith.constant 0 : i32
        %dma_wait3A_541 = tpu.memref_slice %arg4[%add3A_486, %dma_wait3A_538, %add3A, %dma_wait3A_539, %dma_wait3A_540] : memref<200x4x32x8x128xf32, #tpu.memory_space<hbm>> -> memref<1x4x1x8x128xf32, #tpu.memory_space<hbm>>
        %dma_wait3A_542 = tpu.memref_squeeze %dma_wait3A_541 : memref<1x4x1x8x128xf32, #tpu.memory_space<hbm>> -> memref<4x8x128xf32, #tpu.memory_space<hbm>>
        %dma_wait3A_543 = arith.constant 0 : i32
        %dma_wait3A_544 = arith.constant 0 : i32
        %dma_wait3A_545 = arith.constant 0 : i32
        %dma_wait3A_546 = tpu.memref_slice %arg8[%dma_wait3A_524, %dma_wait3A_543, %dma_wait3A_544, %dma_wait3A_545] : memref<4x4x8x129xf32, #tpu.memory_space<vmem>> -> memref<1x4x8x128xf32, #tpu.memory_space<vmem>>
        %dma_wait3A_547 = tpu.memref_squeeze %dma_wait3A_546 : memref<1x4x8x128xf32, #tpu.memory_space<vmem>> -> memref<4x8x128xf32, #tpu.memory_space<vmem>>
        tpu.wait_dma2 semaphore(%dma_wait3A_537 : memref<!tpu.dma_semaphore, #tpu.memory_space<semaphore_mem>>) src(%dma_wait3A_547 : memref<4x8x128xf32, #tpu.memory_space<vmem>>) dst(%dma_wait3A_542 : memref<4x8x128xf32, #tpu.memory_space<hbm>>)
      } else {
      }
      %parallel_loop3A_496 = arith.constant 0 : i32
      %parallel_loop3A_497 = arith.constant 128 : i32
      %parallel_loop3A_498 = arith.constant 1 : i32
      %parallel_loop3A_499 = arith.constant 3 : i32
      scf.for %parallel_loop3A_524 = %parallel_loop3A_496 to %parallel_loop3A_497 step %parallel_loop3A_498  : i32 {
        %parallel_loop3A_525 = arith.constant 896 : i32
        %parallel_loop3A_526 = arith.addi %parallel_loop3A_525, %parallel_loop3A_524 : i32
        %parallel_loop3A_527 = arith.constant 0 : i32
        %parallel_loop3A_528 = vector.broadcast %parallel_loop3A_527 : i32 to vector<16xi32>
        %parallel_loop3A_529 = vector.broadcast %parallel_loop3A_524 : i32 to vector<16xi32>
        %parallel_loop3A_530 = arith.addi %parallel_loop3A_528, %parallel_loop3A_529 : vector<16xi32>
        %parallel_loop3A_531 = arith.index_cast %select_n3A_161 : i32 to index
        %parallel_loop3A_532 = arith.index_cast %parallel_loop3A_526 : i32 to index
        %parallel_loop3A_533 = arith.constant 0 : index
        %parallel_loop3A_534 = tpu.vector_load %arg7[%parallel_loop3A_531, %parallel_loop3A_532, %parallel_loop3A_533] {strides = array<i32>} : memref<3x1024x32xf32, #tpu.memory_space<vmem>>, vector<16xf32>,
        %parallel_loop3A_535 = arith.index_cast %select_n3A_161 : i32 to index
        %parallel_loop3A_536 = arith.index_cast %parallel_loop3A_526 : i32 to index
        %parallel_loop3A_537 = arith.constant 16 : index
        %parallel_loop3A_538 = tpu.vector_load %arg7[%parallel_loop3A_535, %parallel_loop3A_536, %parallel_loop3A_537] {strides = array<i32>} : memref<3x1024x32xf32, #tpu.memory_space<vmem>>, vector<16xf32>,
        %parallel_loop3A_539 = arith.constant 0 : i32
        %parallel_loop3A_540 = arith.constant 0 : i32
        %parallel_loop3A_541 = arith.constant 0 : i32
        %parallel_loop3A_542 = tpu.memref_slice %arg8[%parallel_loop3A_499, %parallel_loop3A_539, %parallel_loop3A_540, %parallel_loop3A_541] : memref<4x4x8x129xf32, #tpu.memory_space<vmem>> -> memref<1x4x8x129xf32, #tpu.memory_space<vmem>>
        %parallel_loop3A_543 = tpu.memref_squeeze %parallel_loop3A_542 : memref<1x4x8x129xf32, #tpu.memory_space<vmem>> -> memref<4x8x129xf32, #tpu.memory_space<vmem>>
        tpu.vector_store_idx %parallel_loop3A_543[%shift_right_arithmetic3A_2, %and3A_4, %parallel_loop3A_530], %parallel_loop3A_534 : memref<4x8x129xf32, #tpu.memory_space<vmem>>[vector<16xi32>, vector<16xi32>, vector<16xi32>], vector<16xf32>,
        %parallel_loop3A_544 = arith.constant 0 : i32
        %parallel_loop3A_545 = arith.constant 0 : i32
        %parallel_loop3A_546 = arith.constant 0 : i32
        %parallel_loop3A_547 = tpu.memref_slice %arg8[%parallel_loop3A_499, %parallel_loop3A_544, %parallel_loop3A_545, %parallel_loop3A_546] : memref<4x4x8x129xf32, #tpu.memory_space<vmem>> -> memref<1x4x8x129xf32, #tpu.memory_space<vmem>>
        %parallel_loop3A_548 = tpu.memref_squeeze %parallel_loop3A_547 : memref<1x4x8x129xf32, #tpu.memory_space<vmem>> -> memref<4x8x129xf32, #tpu.memory_space<vmem>>
        tpu.vector_store_idx %parallel_loop3A_548[%add3A_7, %and3A_4, %parallel_loop3A_530], %parallel_loop3A_538 : memref<4x8x129xf32, #tpu.memory_space<vmem>>[vector<16xi32>, vector<16xi32>, vector<16xi32>], vector<16xf32>,
      } {sc.loop_unroll_factor = 8 : i64, sc.parallel_access}
      %dma_start3A_500 = arith.constant 3 : i32
      %dma_start3A_501 = arith.constant 3 : i32
      %dma_start3A_502 = arith.constant 0 : i32
      %dma_start3A_503 = arith.constant 0 : i32
      %dma_start3A_504 = arith.constant 0 : i32
      %dma_start3A_505 = tpu.memref_slice %arg8[%dma_start3A_500, %dma_start3A_502, %dma_start3A_503, %dma_start3A_504] : memref<4x4x8x129xf32, #tpu.memory_space<vmem>> -> memref<1x4x8x128xf32, #tpu.memory_space<vmem>>
      %dma_start3A_506 = tpu.memref_squeeze %dma_start3A_505 : memref<1x4x8x128xf32, #tpu.memory_space<vmem>> -> memref<4x8x128xf32, #tpu.memory_space<vmem>>
      %dma_start3A_507 = arith.constant 0 : i32
      %dma_start3A_508 = arith.constant 0 : i32
      %dma_start3A_509 = arith.constant 0 : i32
      %dma_start3A_510 = tpu.memref_slice %arg4[%add3A_486, %dma_start3A_507, %add3A, %dma_start3A_508, %dma_start3A_509] : memref<200x4x32x8x128xf32, #tpu.memory_space<hbm>> -> memref<1x4x1x8x128xf32, #tpu.memory_space<hbm>>
      %dma_start3A_511 = tpu.memref_squeeze %dma_start3A_510 : memref<1x4x1x8x128xf32, #tpu.memory_space<hbm>> -> memref<4x8x128xf32, #tpu.memory_space<hbm>>
      %dma_start3A_512 = tpu.memref_slice %arg10[%dma_start3A_501] : memref<4x!tpu.dma_semaphore, #tpu.memory_space<semaphore_mem>> -> memref<1x!tpu.dma_semaphore, #tpu.memory_space<semaphore_mem>>
      %dma_start3A_513 = tpu.memref_squeeze %dma_start3A_512 : memref<1x!tpu.dma_semaphore, #tpu.memory_space<semaphore_mem>> -> memref<!tpu.dma_semaphore, #tpu.memory_space<semaphore_mem>>
      %dma_start3A_514 = arith.constant 0 : i32
      %dma_start3A_515 = arith.constant 0 : i32
      %dma_start3A_516 = arith.constant 0 : i32
      %dma_start3A_517 = tpu.memref_slice %arg4[%add3A_486, %dma_start3A_514, %add3A, %dma_start3A_515, %dma_start3A_516] : memref<200x4x32x8x128xf32, #tpu.memory_space<hbm>> -> memref<1x4x1x8x128xf32, #tpu.memory_space<hbm>>
      %dma_start3A_518 = tpu.memref_squeeze %dma_start3A_517 : memref<1x4x1x8x128xf32, #tpu.memory_space<hbm>> -> memref<4x8x128xf32, #tpu.memory_space<hbm>>
      %dma_start3A_519 = arith.constant 0 : i32
      %dma_start3A_520 = arith.constant 0 : i32
      %dma_start3A_521 = arith.constant 0 : i32
      %dma_start3A_522 = tpu.memref_slice %arg8[%dma_start3A_500, %dma_start3A_519, %dma_start3A_520, %dma_start3A_521] : memref<4x4x8x129xf32, #tpu.memory_space<vmem>> -> memref<1x4x8x128xf32, #tpu.memory_space<vmem>>
      %dma_start3A_523 = tpu.memref_squeeze %dma_start3A_522 : memref<1x4x8x128xf32, #tpu.memory_space<vmem>> -> memref<4x8x128xf32, #tpu.memory_space<vmem>>
      tpu.enqueue_dma source(%dma_start3A_523 : memref<4x8x128xf32, #tpu.memory_space<vmem>>) target(%dma_start3A_518 : memref<4x8x128xf32, #tpu.memory_space<hbm>>) target_semaphore(%dma_start3A_513 : memref<!tpu.dma_semaphore, #tpu.memory_space<semaphore_mem>>)
    }
    %scan3A_51 = arith.constant 25 : i32
    %dma_wait3A = arith.constant 0 : i32
    %dma_wait3A_52 = arith.constant 196 : i32
    %dma_wait3A_53 = arith.constant 0 : i32
    %dma_wait3A_54 = arith.constant 0 : i32
    %dma_wait3A_55 = arith.constant 0 : i32
    %dma_wait3A_56 = arith.constant 0 : i32
    %dma_wait3A_57 = tpu.memref_slice %arg8[%dma_wait3A, %dma_wait3A_54, %dma_wait3A_55, %dma_wait3A_56] : memref<4x4x8x129xf32, #tpu.memory_space<vmem>> -> memref<1x4x8x128xf32, #tpu.memory_space<vmem>>
    %dma_wait3A_58 = tpu.memref_squeeze %dma_wait3A_57 : memref<1x4x8x128xf32, #tpu.memory_space<vmem>> -> memref<4x8x128xf32, #tpu.memory_space<vmem>>
    %dma_wait3A_59 = arith.constant 0 : i32
    %dma_wait3A_60 = arith.constant 0 : i32
    %dma_wait3A_61 = arith.constant 0 : i32
    %dma_wait3A_62 = tpu.memref_slice %arg4[%dma_wait3A_52, %dma_wait3A_59, %add3A, %dma_wait3A_60, %dma_wait3A_61] : memref<200x4x32x8x128xf32, #tpu.memory_space<hbm>> -> memref<1x4x1x8x128xf32, #tpu.memory_space<hbm>>
    %dma_wait3A_63 = tpu.memref_squeeze %dma_wait3A_62 : memref<1x4x1x8x128xf32, #tpu.memory_space<hbm>> -> memref<4x8x128xf32, #tpu.memory_space<hbm>>
    %dma_wait3A_64 = tpu.memref_slice %arg10[%dma_wait3A_53] : memref<4x!tpu.dma_semaphore, #tpu.memory_space<semaphore_mem>> -> memref<1x!tpu.dma_semaphore, #tpu.memory_space<semaphore_mem>>
    %dma_wait3A_65 = tpu.memref_squeeze %dma_wait3A_64 : memref<1x!tpu.dma_semaphore, #tpu.memory_space<semaphore_mem>> -> memref<!tpu.dma_semaphore, #tpu.memory_space<semaphore_mem>>
    %dma_wait3A_66 = arith.constant 0 : i32
    %dma_wait3A_67 = arith.constant 0 : i32
    %dma_wait3A_68 = arith.constant 0 : i32
    %dma_wait3A_69 = tpu.memref_slice %arg4[%dma_wait3A_52, %dma_wait3A_66, %add3A, %dma_wait3A_67, %dma_wait3A_68] : memref<200x4x32x8x128xf32, #tpu.memory_space<hbm>> -> memref<1x4x1x8x128xf32, #tpu.memory_space<hbm>>
    %dma_wait3A_70 = tpu.memref_squeeze %dma_wait3A_69 : memref<1x4x1x8x128xf32, #tpu.memory_space<hbm>> -> memref<4x8x128xf32, #tpu.memory_space<hbm>>
    %dma_wait3A_71 = arith.constant 0 : i32
    %dma_wait3A_72 = arith.constant 0 : i32
    %dma_wait3A_73 = arith.constant 0 : i32
    %dma_wait3A_74 = tpu.memref_slice %arg8[%dma_wait3A, %dma_wait3A_71, %dma_wait3A_72, %dma_wait3A_73] : memref<4x4x8x129xf32, #tpu.memory_space<vmem>> -> memref<1x4x8x128xf32, #tpu.memory_space<vmem>>
    %dma_wait3A_75 = tpu.memref_squeeze %dma_wait3A_74 : memref<1x4x8x128xf32, #tpu.memory_space<vmem>> -> memref<4x8x128xf32, #tpu.memory_space<vmem>>
    tpu.wait_dma2 semaphore(%dma_wait3A_65 : memref<!tpu.dma_semaphore, #tpu.memory_space<semaphore_mem>>) src(%dma_wait3A_75 : memref<4x8x128xf32, #tpu.memory_space<vmem>>) dst(%dma_wait3A_70 : memref<4x8x128xf32, #tpu.memory_space<hbm>>)
    %dma_wait3A_76 = arith.constant 1 : i32
    %dma_wait3A_77 = arith.constant 197 : i32
    %dma_wait3A_78 = arith.constant 1 : i32
    %dma_wait3A_79 = arith.constant 0 : i32
    %dma_wait3A_80 = arith.constant 0 : i32
    %dma_wait3A_81 = arith.constant 0 : i32
    %dma_wait3A_82 = tpu.memref_slice %arg8[%dma_wait3A_76, %dma_wait3A_79, %dma_wait3A_80, %dma_wait3A_81] : memref<4x4x8x129xf32, #tpu.memory_space<vmem>> -> memref<1x4x8x128xf32, #tpu.memory_space<vmem>>
    %dma_wait3A_83 = tpu.memref_squeeze %dma_wait3A_82 : memref<1x4x8x128xf32, #tpu.memory_space<vmem>> -> memref<4x8x128xf32, #tpu.memory_space<vmem>>
    %dma_wait3A_84 = arith.constant 0 : i32
    %dma_wait3A_85 = arith.constant 0 : i32
    %dma_wait3A_86 = arith.constant 0 : i32
    %dma_wait3A_87 = tpu.memref_slice %arg4[%dma_wait3A_77, %dma_wait3A_84, %add3A, %dma_wait3A_85, %dma_wait3A_86] : memref<200x4x32x8x128xf32, #tpu.memory_space<hbm>> -> memref<1x4x1x8x128xf32, #tpu.memory_space<hbm>>
    %dma_wait3A_88 = tpu.memref_squeeze %dma_wait3A_87 : memref<1x4x1x8x128xf32, #tpu.memory_space<hbm>> -> memref<4x8x128xf32, #tpu.memory_space<hbm>>
    %dma_wait3A_89 = tpu.memref_slice %arg10[%dma_wait3A_78] : memref<4x!tpu.dma_semaphore, #tpu.memory_space<semaphore_mem>> -> memref<1x!tpu.dma_semaphore, #tpu.memory_space<semaphore_mem>>
    %dma_wait3A_90 = tpu.memref_squeeze %dma_wait3A_89 : memref<1x!tpu.dma_semaphore, #tpu.memory_space<semaphore_mem>> -> memref<!tpu.dma_semaphore, #tpu.memory_space<semaphore_mem>>
    %dma_wait3A_91 = arith.constant 0 : i32
    %dma_wait3A_92 = arith.constant 0 : i32
    %dma_wait3A_93 = arith.constant 0 : i32
    %dma_wait3A_94 = tpu.memref_slice %arg4[%dma_wait3A_77, %dma_wait3A_91, %add3A, %dma_wait3A_92, %dma_wait3A_93] : memref<200x4x32x8x128xf32, #tpu.memory_space<hbm>> -> memref<1x4x1x8x128xf32, #tpu.memory_space<hbm>>
    %dma_wait3A_95 = tpu.memref_squeeze %dma_wait3A_94 : memref<1x4x1x8x128xf32, #tpu.memory_space<hbm>> -> memref<4x8x128xf32, #tpu.memory_space<hbm>>
    %dma_wait3A_96 = arith.constant 0 : i32
    %dma_wait3A_97 = arith.constant 0 : i32
    %dma_wait3A_98 = arith.constant 0 : i32
    %dma_wait3A_99 = tpu.memref_slice %arg8[%dma_wait3A_76, %dma_wait3A_96, %dma_wait3A_97, %dma_wait3A_98] : memref<4x4x8x129xf32, #tpu.memory_space<vmem>> -> memref<1x4x8x128xf32, #tpu.memory_space<vmem>>
    %dma_wait3A_100 = tpu.memref_squeeze %dma_wait3A_99 : memref<1x4x8x128xf32, #tpu.memory_space<vmem>> -> memref<4x8x128xf32, #tpu.memory_space<vmem>>
    tpu.wait_dma2 semaphore(%dma_wait3A_90 : memref<!tpu.dma_semaphore, #tpu.memory_space<semaphore_mem>>) src(%dma_wait3A_100 : memref<4x8x128xf32, #tpu.memory_space<vmem>>) dst(%dma_wait3A_95 : memref<4x8x128xf32, #tpu.memory_space<hbm>>)
    %dma_wait3A_101 = arith.constant 2 : i32
    %dma_wait3A_102 = arith.constant 198 : i32
    %dma_wait3A_103 = arith.constant 2 : i32
    %dma_wait3A_104 = arith.constant 0 : i32
    %dma_wait3A_105 = arith.constant 0 : i32
    %dma_wait3A_106 = arith.constant 0 : i32
    %dma_wait3A_107 = tpu.memref_slice %arg8[%dma_wait3A_101, %dma_wait3A_104, %dma_wait3A_105, %dma_wait3A_106] : memref<4x4x8x129xf32, #tpu.memory_space<vmem>> -> memref<1x4x8x128xf32, #tpu.memory_space<vmem>>
    %dma_wait3A_108 = tpu.memref_squeeze %dma_wait3A_107 : memref<1x4x8x128xf32, #tpu.memory_space<vmem>> -> memref<4x8x128xf32, #tpu.memory_space<vmem>>
    %dma_wait3A_109 = arith.constant 0 : i32
    %dma_wait3A_110 = arith.constant 0 : i32
    %dma_wait3A_111 = arith.constant 0 : i32
    %dma_wait3A_112 = tpu.memref_slice %arg4[%dma_wait3A_102, %dma_wait3A_109, %add3A, %dma_wait3A_110, %dma_wait3A_111] : memref<200x4x32x8x128xf32, #tpu.memory_space<hbm>> -> memref<1x4x1x8x128xf32, #tpu.memory_space<hbm>>
    %dma_wait3A_113 = tpu.memref_squeeze %dma_wait3A_112 : memref<1x4x1x8x128xf32, #tpu.memory_space<hbm>> -> memref<4x8x128xf32, #tpu.memory_space<hbm>>
    %dma_wait3A_114 = tpu.memref_slice %arg10[%dma_wait3A_103] : memref<4x!tpu.dma_semaphore, #tpu.memory_space<semaphore_mem>> -> memref<1x!tpu.dma_semaphore, #tpu.memory_space<semaphore_mem>>
    %dma_wait3A_115 = tpu.memref_squeeze %dma_wait3A_114 : memref<1x!tpu.dma_semaphore, #tpu.memory_space<semaphore_mem>> -> memref<!tpu.dma_semaphore, #tpu.memory_space<semaphore_mem>>
    %dma_wait3A_116 = arith.constant 0 : i32
    %dma_wait3A_117 = arith.constant 0 : i32
    %dma_wait3A_118 = arith.constant 0 : i32
    %dma_wait3A_119 = tpu.memref_slice %arg4[%dma_wait3A_102, %dma_wait3A_116, %add3A, %dma_wait3A_117, %dma_wait3A_118] : memref<200x4x32x8x128xf32, #tpu.memory_space<hbm>> -> memref<1x4x1x8x128xf32, #tpu.memory_space<hbm>>
    %dma_wait3A_120 = tpu.memref_squeeze %dma_wait3A_119 : memref<1x4x1x8x128xf32, #tpu.memory_space<hbm>> -> memref<4x8x128xf32, #tpu.memory_space<hbm>>
    %dma_wait3A_121 = arith.constant 0 : i32
    %dma_wait3A_122 = arith.constant 0 : i32
    %dma_wait3A_123 = arith.constant 0 : i32
    %dma_wait3A_124 = tpu.memref_slice %arg8[%dma_wait3A_101, %dma_wait3A_121, %dma_wait3A_122, %dma_wait3A_123] : memref<4x4x8x129xf32, #tpu.memory_space<vmem>> -> memref<1x4x8x128xf32, #tpu.memory_space<vmem>>
    %dma_wait3A_125 = tpu.memref_squeeze %dma_wait3A_124 : memref<1x4x8x128xf32, #tpu.memory_space<vmem>> -> memref<4x8x128xf32, #tpu.memory_space<vmem>>
    tpu.wait_dma2 semaphore(%dma_wait3A_115 : memref<!tpu.dma_semaphore, #tpu.memory_space<semaphore_mem>>) src(%dma_wait3A_125 : memref<4x8x128xf32, #tpu.memory_space<vmem>>) dst(%dma_wait3A_120 : memref<4x8x128xf32, #tpu.memory_space<hbm>>)
    %dma_wait3A_126 = arith.constant 3 : i32
    %dma_wait3A_127 = arith.constant 199 : i32
    %dma_wait3A_128 = arith.constant 3 : i32
    %dma_wait3A_129 = arith.constant 0 : i32
    %dma_wait3A_130 = arith.constant 0 : i32
    %dma_wait3A_131 = arith.constant 0 : i32
    %dma_wait3A_132 = tpu.memref_slice %arg8[%dma_wait3A_126, %dma_wait3A_129, %dma_wait3A_130, %dma_wait3A_131] : memref<4x4x8x129xf32, #tpu.memory_space<vmem>> -> memref<1x4x8x128xf32, #tpu.memory_space<vmem>>
    %dma_wait3A_133 = tpu.memref_squeeze %dma_wait3A_132 : memref<1x4x8x128xf32, #tpu.memory_space<vmem>> -> memref<4x8x128xf32, #tpu.memory_space<vmem>>
    %dma_wait3A_134 = arith.constant 0 : i32
    %dma_wait3A_135 = arith.constant 0 : i32
    %dma_wait3A_136 = arith.constant 0 : i32
    %dma_wait3A_137 = tpu.memref_slice %arg4[%dma_wait3A_127, %dma_wait3A_134, %add3A, %dma_wait3A_135, %dma_wait3A_136] : memref<200x4x32x8x128xf32, #tpu.memory_space<hbm>> -> memref<1x4x1x8x128xf32, #tpu.memory_space<hbm>>
    %dma_wait3A_138 = tpu.memref_squeeze %dma_wait3A_137 : memref<1x4x1x8x128xf32, #tpu.memory_space<hbm>> -> memref<4x8x128xf32, #tpu.memory_space<hbm>>
    %dma_wait3A_139 = tpu.memref_slice %arg10[%dma_wait3A_128] : memref<4x!tpu.dma_semaphore, #tpu.memory_space<semaphore_mem>> -> memref<1x!tpu.dma_semaphore, #tpu.memory_space<semaphore_mem>>
    %dma_wait3A_140 = tpu.memref_squeeze %dma_wait3A_139 : memref<1x!tpu.dma_semaphore, #tpu.memory_space<semaphore_mem>> -> memref<!tpu.dma_semaphore, #tpu.memory_space<semaphore_mem>>
    %dma_wait3A_141 = arith.constant 0 : i32
    %dma_wait3A_142 = arith.constant 0 : i32
    %dma_wait3A_143 = arith.constant 0 : i32
    %dma_wait3A_144 = tpu.memref_slice %arg4[%dma_wait3A_127, %dma_wait3A_141, %add3A, %dma_wait3A_142, %dma_wait3A_143] : memref<200x4x32x8x128xf32, #tpu.memory_space<hbm>> -> memref<1x4x1x8x128xf32, #tpu.memory_space<hbm>>
    %dma_wait3A_145 = tpu.memref_squeeze %dma_wait3A_144 : memref<1x4x1x8x128xf32, #tpu.memory_space<hbm>> -> memref<4x8x128xf32, #tpu.memory_space<hbm>>
    %dma_wait3A_146 = arith.constant 0 : i32
    %dma_wait3A_147 = arith.constant 0 : i32
    %dma_wait3A_148 = arith.constant 0 : i32
    %dma_wait3A_149 = tpu.memref_slice %arg8[%dma_wait3A_126, %dma_wait3A_146, %dma_wait3A_147, %dma_wait3A_148] : memref<4x4x8x129xf32, #tpu.memory_space<vmem>> -> memref<1x4x8x128xf32, #tpu.memory_space<vmem>>
    %dma_wait3A_150 = tpu.memref_squeeze %dma_wait3A_149 : memref<1x4x8x128xf32, #tpu.memory_space<vmem>> -> memref<4x8x128xf32, #tpu.memory_space<vmem>>
    tpu.wait_dma2 semaphore(%dma_wait3A_140 : memref<!tpu.dma_semaphore, #tpu.memory_space<semaphore_mem>>) src(%dma_wait3A_150 : memref<4x8x128xf32, #tpu.memory_space<vmem>>) dst(%dma_wait3A_145 : memref<4x8x128xf32, #tpu.memory_space<hbm>>)
    return
  }
}

</mosaic_0001>

<sc_bundles>
// kernel: kernel.11.cloned.1.call-start
scs
__scs_entry_jumppad:
0x0: {  	(pc) =	sbr.rel $0x88, $3  }
0x1: {  	(tag) =	ssettag $0x0;
	lr =	simm.s32 $0x1  }
0x2: {  	[smem:$0x3F9F] =	sst lr;
	_ =	strace $0xD0000000  }
0x3: {  	_ = 	snop  }
0x4: {  	_ = 	snop  }
0x5: {  	_ = 	snop  }
0x6: {  	_ = 	snop  }
0x7: {  	_ = 	snop  }
__scs_overlays_trampoline_lowered:
0x8: {  	[smem:$0x3FAE] =	sst s0  }
0x9: {  	[smem:$0x3FAF] =	sst s1  }
0xa: {  	[smem:$0x3FB0] =	sst s2  }
0xb: {  	[smem:$0x3FB1] =	sst s3  }
0xc: {  	[smem:$0x3FB2] =	sst s4  }
0xd: {  	[smem:$0x3FB3] =	sst s5  }
0xe: {  	[smem:$0x3FB4] =	sst s6  }
0xf: {  	[smem:$0x3FB5] =	sst s7  }
0x10: {  	[smem:$0x3FB6] =	sst s8  }
0x11: {  	[smem:$0x3FB7] =	sst s9;
	s0 =	simm.s32 @!p0 $0x0  }
0x12: {  	s1 =	sld [smem:$0x3F9D];
	s0 =	simm.s32 @p0 $0x1  }
0x13: {  	[smem:$0x3FB8] =	sst s0;
	s0 =	simm.s32 @!p1 $0x0  }
0x14: {  	s2 =	sld [smem:$0x3F9C];
	s0 =	simm.s32 @p1 $0x1  }
0x15: {  	[smem:$0x3FB9] =	sst s0;
	s0 =	simm.s32 @!p2 $0x0  }
0x16: {  	s3 =	sld [smem:$0x3FDB];
	s0 =	simm.s32 @p2 $0x1  }
0x17: {  	s4 =	simm.s32 $0x1BF5;
	[smem:$0x3FBB] =	sst s0  }
0x18: {  	s0 =	sld [smem:$0x3F9E];
	_ =	swait.ge [sflag:s4], $0x0  }
0x19: {  	s7 =	sld [smem:$0x3F9F]  }
0x1a: {  	s8 =	sadd.s32 $0xFFFFE003, lr  }
0x1b: {  	s9 =	sadd.s32 $0xFFFFFEF7, lr;
	s5 =	simm.s32 $0xFFFFFFFF;
	p2 =	slt.u32 s8, $0xFFFFF086  }
0x1c: {  	p1 =	slt.u32 s9, $0xF7A;
	s5 =	simm.s32 @!p2 $0x0  }
0x1d: {  	s5 =	simm.s32 @p1 $0x1;
	p0 =	seq.s32 s7, s2  }
0x1e: {  	s7 =	smul.u32 @!p0 $0xF7A, s2;
	p2 =	seq.s32 @!p0 s5, $0x0  }
0x1f: {  	s9 =	smul.u32 $0xF7A, s1;
	s8 =	simm.s32 @!p0 $0x1BF5;
	p2 =	por !p2, p0  }
0x20: {  	[sflag:s8] =	ssyncset.s32 @!p0 $0xFFFFF086;
	s6 =	sadd.s32 @!p0 s3, s7;
	s7 =	simm.s32 @!p0 $0x108  }
0x21: {  	s3 =	sadd.s32 s3, s9;
	s6 =	sadd.s32 @!p0 $0x88, s6;
	s7 =	simm.s32 @p2 $0x1082  }
0x22: {  	[simem:s7], [sflag:s8] =	dma.local @!p0 [hbm:s6], $0xF7A  }
0x23: {  	s9 =	sor.u32 $0xD0000000, s2;
	s6 =	simm.s32 $0x108;
	_ =	swait.ge @!p0 [sflag:s8], $0x0  }
0x24: {  	s3 =	sadd.s32 $0x88, s3;
	s6 =	simm.s32 @!p1 $0x1082;
	[sflag:s4] =	ssyncset.s32 $0xFFFFF086  }
0x25: {  	[simem:s6], [sflag:s4] =	dma.local [hbm:s3], $0xF7A  }
0x26: {  	[smem:$0x3F9F] =	sst s1;
	(tag) =	ssettag s2;
	_ =	strace s9  }
0x27: {  	s1 =	sld [smem:$0x3FAF]  }
0x28: {  	s2 =	sld [smem:$0x3FB0]  }
0x29: {  	s4 =	sld [smem:$0x3FB2]  }
0x2a: {  	p0 =	seq.s32 s5, $0x0;
	s5 =	sld [smem:$0x3FB3]  }
0x2b: {  	s6 =	sld [smem:$0x3FB4]  }
0x2c: {  	s7 =	sld [smem:$0x3FB5]  }
0x2d: {  	s3 =	simm.s32 $0x108;
	s8 =	sld [smem:$0x3FB6]  }
0x2e: {  	s3 =	simm.s32 @!p0 $0x1082;
	s9 =	sld [smem:$0x3FB7]  }
0x2f: {  	lr =	sadd.s32 s0, s3;
	s0 =	sld [smem:$0x3FAE]  }
0x30: {  	s3 =	sld [smem:$0x3FB1]  }
0x31: {  	[smem:$0x3FBA] =	sst s10  }
0x32: {  	s10 =	sld [smem:$0x3FB8];
	_ =	sdelay $0x3  }
0x33: {  	p0 =	seq.s32 s10, $0x1;
	s10 =	sld [smem:$0x3FBA];
	_ =	sdelay $0x3  }
0x34: {  	[smem:$0x3FBA] =	sst s10  }
0x35: {  	s10 =	sld [smem:$0x3FB9];
	_ =	sdelay $0x3  }
0x36: {  	p1 =	seq.s32 s10, $0x1;
	s10 =	sld [smem:$0x3FBA];
	_ =	sdelay $0x3  }
0x37: {  	[smem:$0x3FBA] =	sst s10  }
0x38: {  	s10 =	sld [smem:$0x3FBB]  }
0x39: {  	_ = 	snop;
	(pc) =	sbr.ind lr, $3  }
0x3a: {  	_ = 	snop  }
0x3b: {  	_ = 	snop  }
0x3c: {  	p2 =	seq.s32 s10, $0x1;
	s10 =	sld [smem:$0x3FBA]  }
0x3d: {  	_ =	shalt  }
0x3e: {  	_ =	shalt  }
0x3f: {  	_ =	shalt  }
0x40: {  	_ =	shalt  }
0x41: {  	_ =	shalt  }
0x42: {  	_ =	shalt  }
0x43: {  	_ =	shalt  }
0x44: {  	_ =	shalt  }
0x45: {  	_ =	shalt  }
0x46: {  	_ =	shalt  }
0x47: {  	_ =	shalt  }
0x48: {  	_ =	shalt  }
0x49: {  	_ =	shalt  }
0x4a: {  	_ =	shalt  }
0x4b: {  	_ =	shalt  }
0x4c: {  	_ =	shalt  }
0x4d: {  	_ =	shalt  }
0x4e: {  	_ =	shalt  }
0x4f: {  	_ =	shalt  }
0x50: {  	_ =	shalt  }
0x51: {  	_ =	shalt  }
0x52: {  	_ =	shalt  }
0x53: {  	_ =	shalt  }
0x54: {  	_ =	shalt  }
0x55: {  	_ =	shalt  }
0x56: {  	_ =	shalt  }
0x57: {  	_ =	shalt  }
0x58: {  	_ =	shalt  }
0x59: {  	_ =	shalt  }
0x5a: {  	_ =	shalt  }
0x5b: {  	_ =	shalt  }
0x5c: {  	_ =	shalt  }
0x5d: {  	_ =	shalt  }
0x5e: {  	_ =	shalt  }
0x5f: {  	_ =	shalt  }
0x60: {  	_ =	shalt  }
0x61: {  	_ =	shalt  }
0x62: {  	_ =	shalt  }
0x63: {  	_ =	shalt  }
0x64: {  	_ =	shalt  }
0x65: {  	_ =	shalt  }
0x66: {  	_ =	shalt  }
0x67: {  	_ =	shalt  }
0x68: {  	_ =	shalt  }
0x69: {  	_ =	shalt  }
0x6a: {  	_ =	shalt  }
0x6b: {  	_ =	shalt  }
0x6c: {  	_ =	shalt  }
0x6d: {  	_ =	shalt  }
0x6e: {  	_ =	shalt  }
0x6f: {  	_ =	shalt  }
0x70: {  	_ =	shalt  }
0x71: {  	_ =	shalt  }
0x72: {  	_ =	shalt  }
0x73: {  	_ =	shalt  }
0x74: {  	_ =	shalt  }
0x75: {  	_ =	shalt  }
0x76: {  	_ =	shalt  }
0x77: {  	_ =	shalt  }
0x78: {  	_ =	shalt  }
0x79: {  	_ =	shalt  }
0x7a: {  	_ =	shalt  }
0x7b: {  	_ =	shalt  }
0x7c: {  	_ =	shalt  }
0x7d: {  	_ =	shalt  }
0x7e: {  	_ =	shalt  }
0x7f: {  	_ =	shalt  }
0x80: {  	_ =	shalt  }
0x81: {  	_ =	shalt  }
0x82: {  	_ =	shalt  }
0x83: {  	_ =	shalt  }
0x84: {  	_ =	shalt  }
0x85: {  	_ =	shalt  }
0x86: {  	_ =	shalt  }
0x87: {  	_ =	shalt  }
.Lfunc_end0:
.L_simem_size_0:
called_computation.2_lowered:
.L_overlay_start_0:
0x88: {  	s2 =	sld [smem:$0x3FD9]  }
0x89: {  	s3 =	sld [smem:$0x3FFE];
	_ =	sdelay $0x1  }
0x8a: {  	s1 =	srdreg.scid  }
0x8b: {  	s0 =	sand.u32 $0x1, s1  }
0x8c: {  	s17 =	sshll.u32 s0, $0xA;
	s2 =	sadd.s32 s3, s2  }
0x8d: {  	s2 =	sadd.s32 s2, s17  }
0x8e: {  	[smem:$0x3FC6] =	sst s2  }
0x8f: {  	_ = 	snop  }
0x90: {  	s2 =	sld [smem:$0x3FD0];
	(tm) =	ssettm $0x1  }
0x91: {  	s18 =	sld [smem:$0x3FFB];
	_ =	sdelay $0x3  }
0x92: {  	_ =	strace s18  }
0x93: {  	s3 =	sld [smem:$0x3FFC];
	_ =	sdelay $0x3  }
0x94: {  	_ =	strace s3  }
0x95: {  	s3 =	sld [smem:$0x3FFD];
	_ =	sdelay $0x3  }
0x96: {  	_ =	strace s3  }
0x97: {  	_ =	strace $0x8FFFFFFF  }
0x98: {  	s19 =	sld [smem:$0x3FDB];
	_ =	sdelay $0x1  }
0x99: {  	s4 =	simm.s32 $_scs_section_size  }
0x9a: {  	s5 =	simm.s32 $_size__tile_overlayer_lowered;
	s6 =	simm.s32 $_tile_overlayer_lowered  }
0x9b: {  	s22 =	simm.s32 $0x1BFF;
	s21 =	sshll.u32 s6, $0x1;
	s3 =	sadd.s32 s4, s19  }
0x9c: {  	s7 =	simm.s32 $0x0;
	s20 =	sshll.u32 s5, $0x1;
	s5 =	sadd.s32 s21, s3  }
0x9d: {  	[timem:s7], [sflag:s22] =	dma.local [hbm:s5], s20  }
0x9e: {  	_ =	swait.ge [sflag:s22], s20  }
0x9f: {  	s4 =	ssub.s32 $0x0, s20;
	[sflag:s22] =	ssyncset.done $0x0  }
0xa0: {  	[sflag:s22] =	ssyncadd.s32 s4;
	_ =	sdelay $0x1  }
0xa1: {  	s23 =	simm.s32 $0x1B8B  }
0xa2: {  	_ =	swait.ge [sflag:s23], $0x1  }
0xa3: {  	[sflag:s23] =	ssyncset.done $0x0  }
0xa4: {  	s25 =	simm.s32 $0x1B8E;
	s24 =	sld [smem:$0x3FFE];
	[sflag:s23] =	ssyncadd.s32 $0xFFFFFFFF  }
0xa5: {  	s26 =	simm.s32 $execute0_lowered;
	[smem:$0x3FD2] =	sst s25  }
0xa6: {  	s5 =	sshll.u32 s26, $0x1;
	_ =	strace $0x8000004C;
	[dreg:$0x1] =	wrdreg $0xFFFFFFFF  }
0xa7: {  	s28 =	simm.s32 $_size_execute0_lowered;
	s3 =	sadd.s32 s3, s5;
	[dreg:$0x0] =	wrdreg $0x0  }
0xa8: {  	s5 =	sshll.u32 s28, $0x1;
	[dreg:$0x2] =	wrdreg s3  }
0xa9: {  	[dreg:$0x3] =	wrdreg s5  }
0xaa: {  	[dreg:$0x4] =	wrdreg $0xC0  }
0xab: {  	_ =	task [dreg:s7], $0x5FFFF  }
0xac: {  	[dreg:$0x1] =	wrdreg $0xFFFFFFFF  }
0xad: {  	[dreg:$0x0] =	wrdreg $0x60  }
0xae: {  	[dreg:$0x2] =	wrdreg s24  }
0xaf: {  	[dreg:$0x3] =	wrdreg s2  }
0xb0: {  	[dreg:$0x4] =	wrdreg $0x9  }
0xb1: {  	_ =	task.clear_ibuf [dreg:s7], $0x5FFFF;
	_ =	strace $0x9000004C  }
0xb2: {  	s29 =	simm.s32 $0x9;
	_ =	strace $0x8000004E  }
0xb3: {  	_ =	swait.ge [sflag:s29], $0x1  }
0xb4: {  	[sflag:s29] =	ssyncadd.s32 $0xFFFFFFFF  }
0xb5: {  	_ =	strace $0x9000004E  }
0xb6: {  	_ =	sfence  }
0xb7: {  	s30 =	sld [smem:$0x0];
	_ =	sdelay $0x2  }
0xb8: {  	s31 =	sshll.u32 s1, $0xD;
	s1 =	sshrl.u32 s1, $0x2  }
0xb9: {  	s3 =	sand.u32 $0x4000, s31;
	s1 =	sadd.s32 s1, s30  }
0xba: {  	s0 =	sor.u32 s3, s0;
	s1 =	sshll.u32 s1, $0x11  }
0xbb: {  	s0 =	sor.u32 s1, s0  }
0xbc: {  	s0 =	sadd.s32 $0x8F2B, s0  }
0xbd: {  	[sflag:s0] =	ssyncadd.remote.s32 $0x1  }
0xbe: {  	_ =	sfence.sel $0xFFFF  }
0xbf: {  	[dreg:$0x0] =	wrdreg $0xFFFFFFFF;
	(pc) =	sbr.abs _section_cstart, $3  }
0xc0: {  	[dreg:$0x1] =	wrdreg $0xFFFFFFFF  }
0xc1: {  	_ =	task.clear_ibuf [dreg:s7], $0x2FFFF;
	_ =	strace $0x9FFFFFFF  }
0xc2: {  	(tm) =	ssettm $0x7FFFFFFF  }
0xc3: {  	_ =	shalt  }
tec
execute0_lowered:
.L_overlay_start_1:
0x0: {  	(tag) =	ssettag $0x1  }
0x1: {  	s0 =	srdreg.scid;
	s1 =	rddreg [dreg:$0x0]  }
0x2: {  	s2 =	stileid.u32;
	s30 =	rddreg [dreg:$0x1]  }
0x3: {  	s3 =	simm.s32 $0x0;
	s18 =	simm.s32 $0x400;
	s23 =	simm.s32 $0x19800  }
0x4: {  	s9 =	simm.s32 $0x19888;
	s29 =	simm.s32 $0x1A900;
	s20 =	simm.s32 $0x1BA00;
	v6 =	vlaneseq.u32  }
0x5: {  	s0 =	sand.u32 $0x1, s0;
	s2 =	sshll.u32 s2, $0x1;
	[smem:$0x7FF] =	sst s3;
	v0 =	vmul.u32 $0x8, v6  }
0x6: {  	v9 =	vimm.s32 $0x0;
	vm0 =	vcmask $0x300;
	s31 =	sadd.s32 $0x4000, s30;
	s16 =	sadd.s32 $0x8000, s30;
	s14 =	sadd.s32 $0xC000, s30  }
0x7: {  	s24 =	sadd.s32 $0x10000, s30;
	v6 =	vmul.u32 $0x88, v6;
	v9 =	vsel vm0, $0x3, v9;
	s2 =	sor.u32 s0, s2;
	s0 =	ssub.s32 $0x2, s0;
	v1 =	vor.u32 $0x80, v0  }
0x8: {  	s13 =	sadd.s32 $0x18000, s30;
	s4 =	smul.u32 $0xC80, s2;
	s5 =	sshrl.u32 s0, $0x1;
	v2 =	vor.u32 $0x100, v0;
	v3 =	vor.u32 $0x180, v0;
	v4 =	vor.u32 $0x200, v0  }
0x9: {  	_ =	strace $0x8000004D;
	[dreg:$0x7] =	wrdreg s31;
	v5 =	vor.u32 $0x280, v0;
	v7 =	vor.u32 $0x300, v0;
	v8 =	vor.u32 $0x380, v0;
	s0 =	ssub.s32 s0, s5  }
.Ltmp0:
0xa: {  	v10 =	vadd.s32 $0x880, v6;
	v11 =	vor.u32 $0x1, v6;
	v12 =	vadd.s32 $0x881, v6;
	s4 =	sadd.s32 s4, s1;
	s1 =	sadd.s32 $0x3D1800, s1;
	(pc) =	sbr.rel .LBB2_1-.Ltmp0, $4  }
0xb: {  	s28 =	sadd.s32 $0x1C000, s30;
	v13 =	vor.u32 $0x2, v6;
	v14 =	vadd.s32 $0x882, v6;
	v15 =	vor.u32 $0x3, v6;
	s0 =	smax.u32 s0, $0x1;
	[dreg:$0x3] =	wrdreg s1  }
0xc: {  	s11 =	sshll.u32 s2, $0x7;
	v16 =	vadd.s32 $0x883, v6;
	v17 =	vor.u32 $0x4, v6;
	v18 =	vadd.s32 $0x884, v6;
	s25 =	sadd.s32 $0x7A2200, s4;
	[dreg:$0x6] =	wrdreg s0  }
0xd: {  	v19 =	vor.u32 $0x5, v6;
	v20 =	vadd.s32 $0x885, v6;
	v21 =	vor.u32 $0x6, v6;
	s2 =	simm.s32 $0x0;
	s26 =	sadd.s32 $0x7A2201, s4;
	[dreg:$0x4] =	wrdreg s25  }
0xe: {  	v22 =	vadd.s32 $0x886, v6;
	v23 =	vor.u32 $0x7, v6;
	v24 =	vadd.s32 $0x887, v6;
	s5 =	simm.s32 $0x1CB00;
	[dreg:$0x5] =	wrdreg s26;
	s25 =	sadd.s32 $0x14000, s30  }
.LBB2_29:
0xf: {  	s0 =	simm.s32 $0x4  }
0x10: {  	_ =	swait.ge [sflag:s0], $0x1000  }
0x11: {  	[sflag:s0] =	ssyncset.done $0x0  }
0x12: {  	s22 =	simm.s32 $0x5;
	[sflag:s0] =	ssyncadd.s32 $0xFFFFF000  }
0x13: {  	_ =	swait.ge [sflag:s22], $0x1000  }
0x14: {  	[sflag:s22] =	ssyncset.done $0x0  }
0x15: {  	s26 =	simm.s32 $0x6;
	[sflag:s22] =	ssyncadd.s32 $0xFFFFF000  }
0x16: {  	_ =	swait.ge [sflag:s26], $0x1000  }
0x17: {  	[sflag:s26] =	ssyncset.done $0x0  }
0x18: {  	s1 =	simm.s32 $0x7;
	[sflag:s26] =	ssyncadd.s32 $0xFFFFF000  }
0x19: {  	_ =	swait.ge [sflag:s1], $0x1000  }
0x1a: {  	s2 =	rddreg [dreg:$0x8]  }
0x1b: {  	s31 =	rddreg [dreg:$0x6];
	s2 =	sadd.s32 $0x1, s2  }
0x1c: {  	p0 =	sne.s32 s2, s31  }
.Ltmp1:
0x1d: {  	_ = 	snop;
	(pc) =	sbr.rel @!p0 .LBB2_30-.Ltmp1, $3  }
0x1e: {  	_ =	sdelay $0x1  }
0x1f: {  	[sflag:s1] =	ssyncset.done $0x0  }
0x20: {  	[sflag:s1] =	ssyncadd.s32 $0xFFFFF000  }
.LBB2_1:
0x21: {  	v25 =	vmov s3  }
0x22: {  	v25 =	vand.u32 $0x7, v25  }
0x23: {  	v25 =	vbroadcast v25, $0x0  }
0x24: {  	[dreg:$0x8] =	wrdreg s2  }
0x25: {  	s0 =	rddreg [dreg:$0x4];
	s1 =	simm.s32 $0x8;
	s26 =	simm.s32 $0xC8;
	v26 =	vor.u32 v0, v25  }
0x26: {  	[tilespmem:s3], [sflag:$0x8] =	stream.strided.gather [hbm4b:s0+s1], $0x400, s26, s1, $0x38;
	v27 =	vor.u32 v8, v25;
	[tilespmem:$0x1DC00] =	vst v63  }
0x27: {  	_ =	swait.ge [sflag:s1], $0x400;
	v28 =	vor.u32 v5, v25  }
0x28: {  	s31 =	simm.s32 $0x1;
	[sflag:s1] =	ssyncset.done $0x0;
	v29 =	vor.u32 v1, v25  }
0x29: {  	v31 =	vmov s31;
	[sflag:s1] =	ssyncadd.s32 $0xFFFFFC00;
	v30 =	vor.u32 v7, v25  }
0x2a: {  	v31 =	vand.u32 $0x7, v31;
	v32 =	vor.u32 v2, v25;
	v26 =	vld.idx.msk [tilespmem:v26+s3+$0x0], $0xffff  }
0x2b: {  	v31 =	vbroadcast v31, $0x0;
	v33 =	vor.u32 v3, v25;
	v27 =	vld.idx.msk [tilespmem:v27+s3+$0x0], $0xffff  }
0x2c: {  	v25 =	vor.u32 v4, v25;
	v34 =	vld.idx.msk [tilespmem:v28+s3+$0x0], $0xffff  }
0x2d: {  	v36 =	vor.u32 v0, v31;
	v37 =	vld.idx.msk [tilespmem:v29+s3+$0x0], $0xffff  }
0x2e: {  	v38 =	vor.u32 v8, v31;
	v40 =	vld.idx.msk [tilespmem:v30+s3+$0x0], $0xffff  }
0x2f: {  	s0 =	simm.s32 $0xC40;
	v41 =	vor.u32 v5, v31;
	v42 =	vld.idx.msk [tilespmem:v32+s3+$0x0], $0xffff  }
0x30: {  	s1 =	simm.s32 $0x2;
	v43 =	vor.u32 v1, v31;
	v28 =	vld.idx.msk [tilespmem:v33+s3+$0x0], $0xffff;
	[tilespmem:s0+$0x30] =	vst v27  }
0x31: {  	v35 =	vld.idx.msk [tilespmem:v25+s3+$0x0], $0xffff;
	v27 =	vmov s1;
	[tilespmem:s0+$0x10] =	vst v34  }
0x32: {  	v32 =	vor.u32 v7, v31;
	v25 =	vld.idx.msk [tilespmem:v36+s3+$0x0], $0xffff;
	[tilespmem:s0+$0xFFFFFFC0] =	vst v26;
	v30 =	vand.u32 $0x7, v27  }
0x33: {  	v29 =	vor.u32 v2, v31;
	v36 =	vld.idx.msk [tilespmem:v38+s3+$0x0], $0xffff;
	[tilespmem:s0+$0xFFFFFFD0] =	vst v37;
	v39 =	vbroadcast v30, $0x0  }
0x34: {  	v37 =	vld.idx.msk [tilespmem:v41+s3+$0x0], $0xffff;
	[tilespmem:s0+$0x20] =	vst v40;
	v27 =	vor.u32 v3, v31;
	v30 =	vor.u32 v4, v31  }
0x35: {  	v34 =	vld.idx.msk [tilespmem:v43+s3+$0x0], $0xffff;
	v31 =	vor.u32 v0, v39;
	v26 =	vor.u32 v1, v39;
	v33 =	vor.u32 v8, v39  }
0x36: {  	s6 =	simm.s32 $0x10;
	s2 =	simm.s32 $0xCC0;
	s4 =	simm.s32 $0xCC0;
	[tilespmem:s0+$0xFFFFFFE0] =	vst v42;
	v40 =	vor.u32 v2, v39;
	v38 =	vor.u32 v3, v39;
	v41 =	vor.u32 v7, v39  }
.LBB2_2:
0x37: {  	s6 =	sadd.s32 $0x8, s6;
	v42 =	vor.u32 v4, v39;
	v43 =	vor.u32 v5, v39;
	v44 =	vld.idx.msk [tilespmem:v32+s3+$0x0], $0xffff;
	s2 =	sadd.s32 $0x80, s2;
	[tilespmem:s0+$0x0] =	vst v35;
	v32 =	vmov v41  }
0x38: {  	p0 =	slt.u32 s6, $0x38;
	v45 =	vld.idx.msk [tilespmem:v29+s3+$0x0], $0xffff;
	[tilespmem:s0+$0xFFFFFFF0] =	vst v28;
	v29 =	vmov v40;
	s0 =	smov.u32 s4;
	s4 =	smov.u32 s2  }
0x39: {  	s1 =	sadd.s32 $0x1, s1;
	v28 =	vld.idx.msk [tilespmem:v27+s3+$0x0], $0xffff;
	[tilespmem:s0+$0x30] =	vst v36;
	v27 =	vmov v38  }
0x3a: {  	v36 =	vmov s1;
	v35 =	vld.idx.msk [tilespmem:v30+s3+$0x0], $0xffff;
	[tilespmem:s0+$0x10] =	vst v37;
	v30 =	vmov v42  }
.Ltmp2:
0x3b: {  	v36 =	vand.u32 $0x7, v36;
	[tilespmem:s0+$0xFFFFFFC0] =	vst v25;
	v25 =	vld.idx.msk [tilespmem:v31+s3+$0x0], $0xffff;
	(pc) =	sbr.rel @p0 .LBB2_2-.Ltmp2, $4  }
0x3c: {  	v39 =	vbroadcast v36, $0x0;
	v36 =	vld.idx.msk [tilespmem:v33+s3+$0x0], $0xffff;
	[tilespmem:s0+$0xFFFFFFD0] =	vst v34  }
0x3d: {  	v37 =	vld.idx.msk [tilespmem:v43+s3+$0x0], $0xffff;
	[tilespmem:s0+$0x20] =	vst v44  }
0x3e: {  	v31 =	vor.u32 v0, v39;
	v33 =	vor.u32 v8, v39;
	v34 =	vld.idx.msk [tilespmem:v26+s3+$0x0], $0xffff;
	v26 =	vor.u32 v1, v39  }
0x3f: {  	v40 =	vor.u32 v2, v39;
	v38 =	vor.u32 v3, v39;
	v41 =	vor.u32 v7, v39;
	[tilespmem:s0+$0xFFFFFFE0] =	vst v45  }
0x40: {  	_ =	sdelay $0x2  }
0x41: {  	[tilespmem:s0+$0x0] =	vst v35  }
0x42: {  	v32 =	vld.idx.msk [tilespmem:v32+s3+$0x0], $0xffff;
	[tilespmem:s0+$0xFFFFFFF0] =	vst v28  }
0x43: {  	v28 =	vld.idx.msk [tilespmem:v29+s3+$0x0], $0xffff;
	[tilespmem:s4+$0xFFFFFFC0] =	vst v25  }
0x44: {  	v54 =	vor.u32 v5, v39;
	v29 =	vld.idx.msk [tilespmem:v30+s3+$0x0], $0xffff;
	[tilespmem:s4+$0x30] =	vst v36  }
0x45: {  	v27 =	vld.idx.msk [tilespmem:v27+s3+$0x0], $0xffff;
	[tilespmem:s4+$0x10] =	vst v37  }
0x46: {  	v25 =	vld.idx.msk [tilespmem:v33+s3+$0x0], $0xffff;
	[tilespmem:s4+$0xFFFFFFD0] =	vst v34  }
0x47: {  	v30 =	vor.u32 v4, v39;
	v31 =	vld.idx.msk [tilespmem:v31+s3+$0x0], $0xffff;
	[tilespmem:s4+$0x20] =	vst v32  }
0x48: {  	v26 =	vld.idx.msk [tilespmem:v26+s3+$0x0], $0xffff;
	[tilespmem:s4+$0xFFFFFFE0] =	vst v28  }
0x49: {  	v55 =	vld.idx.msk [tilespmem:v54+s3+$0x0], $0xffff;
	[tilespmem:s4+$0x0] =	vst v29  }
0x4a: {  	s15 =	sadd.s32 $0x80, s2;
	v28 =	vld.idx.msk [tilespmem:v41+s3+$0x0], $0xffff;
	[tilespmem:s4+$0xFFFFFFF0] =	vst v27  }
0x4b: {  	v27 =	vld.idx.msk [tilespmem:v40+s3+$0x0], $0xffff;
	[tilespmem:s15+$0x30] =	vst v25  }
0x4c: {  	v25 =	vld.idx.msk [tilespmem:v30+s3+$0x0], $0xffff;
	[tilespmem:s15+$0xFFFFFFC0] =	vst v31  }
0x4d: {  	v29 =	vld.idx.msk [tilespmem:v38+s3+$0x0], $0xffff;
	[tilespmem:s15+$0xFFFFFFD0] =	vst v26  }
0x4e: {  	[tilespmem:s15+$0x10] =	vst v55  }
0x4f: {  	[tilespmem:s15+$0x20] =	vst v28  }
0x50: {  	s1 =	simm.s32 $0x0;
	[tilespmem:s15+$0xFFFFFFE0] =	vst v27  }
0x51: {  	v26 =	vmov s1;
	[tilespmem:s15+$0x0] =	vst v25  }
0x52: {  	v25 =	vand.u32 $0x7, v26;
	[tilespmem:s15+$0xFFFFFFF0] =	vst v29  }
0x53: {  	s17 =	simm.s32 $0xC00;
	s19 =	simm.s32 $0x1800;
	v25 =	vbroadcast v25, $0x0;
	s0 =	rddreg [dreg:$0x3]  }
0x54: {  	[tilespmem:s19], [sflag:$0x1] =	stream.indirect.gather [hbm4b:s0+s18], $0x20, s17, s18, $0xb8;
	[tilespmem:$0x1DC00] =	vst v63  }
0x55: {  	s22 =	simm.s32 $0x8;
	s26 =	simm.s32 $0xC8;
	s21 =	rddreg [dreg:$0x5];
	v26 =	vor.u32 v0, v25  }
0x56: {  	v27 =	vor.u32 v8, v25;
	[tilespmem:s18], [sflag:$0x8] =	stream.strided.gather [hbm4b:s21+s22], $0x400, s26, s22, $0x38;
	[tilespmem:$0x1DC00] =	vst v63  }
0x57: {  	v28 =	vor.u32 v5, v25;
	_ =	swait.ge [sflag:s22], $0x400  }
0x58: {  	s31 =	simm.s32 $0x1;
	v29 =	vor.u32 v1, v25;
	[sflag:s22] =	ssyncset.done $0x0  }
0x59: {  	v31 =	vmov s31;
	v30 =	vor.u32 v7, v25;
	[sflag:s22] =	ssyncadd.s32 $0xFFFFFC00  }
0x5a: {  	v31 =	vand.u32 $0x7, v31;
	v56 =	vor.u32 v2, v25;
	v26 =	vld.idx.msk [tilespmem:v26+s18+$0x0], $0xffff  }
0x5b: {  	v31 =	vbroadcast v31, $0x0;
	v57 =	vor.u32 v3, v25;
	v27 =	vld.idx.msk [tilespmem:v27+s18+$0x0], $0xffff  }
0x5c: {  	v25 =	vor.u32 v4, v25;
	v58 =	vld.idx.msk [tilespmem:v28+s18+$0x0], $0xffff  }
0x5d: {  	v59 =	vor.u32 v0, v31;
	v60 =	vld.idx.msk [tilespmem:v29+s18+$0x0], $0xffff  }
0x5e: {  	v61 =	vor.u32 v8, v31;
	v62 =	vld.idx.msk [tilespmem:v30+s18+$0x0], $0xffff  }
0x5f: {  	v63 =	vor.u32 v5, v31;
	v42 =	vld.idx.msk [tilespmem:v56+s18+$0x0], $0xffff  }
0x60: {  	v43 =	vor.u32 v1, v31;
	v28 =	vld.idx.msk [tilespmem:v57+s18+$0x0], $0xffff  }
0x61: {  	s1 =	simm.s32 $0x2;
	s0 =	simm.s32 $0x1070;
	v35 =	vld.idx.msk [tilespmem:v25+s18+$0x0], $0xffff  }
0x62: {  	v25 =	vld.idx.msk [tilespmem:v59+s18+$0x0], $0xffff;
	[tilespmem:s0+$0x0] =	vst v27;
	v27 =	vmov s1  }
0x63: {  	v32 =	vor.u32 v7, v31;
	v36 =	vld.idx.msk [tilespmem:v61+s18+$0x0], $0xffff;
	[tilespmem:s0+$0xFFFFFFE0] =	vst v58;
	v30 =	vand.u32 $0x7, v27  }
0x64: {  	v29 =	vor.u32 v2, v31;
	v37 =	vld.idx.msk [tilespmem:v63+s18+$0x0], $0xffff;
	[tilespmem:s0+$0xFFFFFF90] =	vst v26;
	v39 =	vbroadcast v30, $0x0  }
0x65: {  	v34 =	vld.idx.msk [tilespmem:v43+s18+$0x0], $0xffff;
	[tilespmem:s0+$0xFFFFFFA0] =	vst v60;
	v27 =	vor.u32 v3, v31;
	v30 =	vor.u32 v4, v31  }
0x66: {  	[tilespmem:s0+$0xFFFFFFF0] =	vst v62;
	v31 =	vor.u32 v0, v39;
	v26 =	vor.u32 v1, v39;
	v33 =	vor.u32 v8, v39  }
0x67: {  	s6 =	simm.s32 $0x10;
	s2 =	simm.s32 $0x10F0;
	s4 =	simm.s32 $0x10F0;
	[tilespmem:s0+$0xFFFFFFB0] =	vst v42;
	v40 =	vor.u32 v2, v39;
	v38 =	vor.u32 v3, v39;
	v41 =	vor.u32 v7, v39  }
.LBB2_4:
0x68: {  	s6 =	sadd.s32 $0x8, s6;
	v42 =	vor.u32 v4, v39;
	v43 =	vor.u32 v5, v39;
	v44 =	vld.idx.msk [tilespmem:v32+s18+$0x0], $0xffff;
	s2 =	sadd.s32 $0x80, s2;
	[tilespmem:s0+$0xFFFFFFD0] =	vst v35;
	v32 =	vmov v41  }
0x69: {  	p0 =	slt.u32 s6, $0x38;
	v45 =	vld.idx.msk [tilespmem:v29+s18+$0x0], $0xffff;
	[tilespmem:s0+$0xFFFFFFC0] =	vst v28;
	v29 =	vmov v40;
	s0 =	smov.u32 s4;
	s4 =	smov.u32 s2  }
0x6a: {  	s1 =	sadd.s32 $0x1, s1;
	v28 =	vld.idx.msk [tilespmem:v27+s18+$0x0], $0xffff;
	[tilespmem:s0+$0x0] =	vst v36;
	v27 =	vmov v38  }
0x6b: {  	v36 =	vmov s1;
	v35 =	vld.idx.msk [tilespmem:v30+s18+$0x0], $0xffff;
	[tilespmem:s0+$0xFFFFFFE0] =	vst v37;
	v30 =	vmov v42  }
.Ltmp3:
0x6c: {  	v36 =	vand.u32 $0x7, v36;
	[tilespmem:s0+$0xFFFFFF90] =	vst v25;
	v25 =	vld.idx.msk [tilespmem:v31+s18+$0x0], $0xffff;
	(pc) =	sbr.rel @p0 .LBB2_4-.Ltmp3, $4  }
0x6d: {  	v39 =	vbroadcast v36, $0x0;
	v36 =	vld.idx.msk [tilespmem:v33+s18+$0x0], $0xffff;
	[tilespmem:s0+$0xFFFFFFA0] =	vst v34  }
0x6e: {  	v37 =	vld.idx.msk [tilespmem:v43+s18+$0x0], $0xffff;
	[tilespmem:s0+$0xFFFFFFF0] =	vst v44  }
0x6f: {  	v31 =	vor.u32 v0, v39;
	v33 =	vor.u32 v8, v39;
	v34 =	vld.idx.msk [tilespmem:v26+s18+$0x0], $0xffff;
	v26 =	vor.u32 v1, v39  }
0x70: {  	v40 =	vor.u32 v2, v39;
	v38 =	vor.u32 v3, v39;
	v41 =	vor.u32 v7, v39;
	[tilespmem:s0+$0xFFFFFFB0] =	vst v45  }
0x71: {  	_ =	sdelay $0x2  }
0x72: {  	[tilespmem:s0+$0xFFFFFFD0] =	vst v35  }
0x73: {  	v32 =	vld.idx.msk [tilespmem:v32+s18+$0x0], $0xffff;
	[tilespmem:s0+$0xFFFFFFC0] =	vst v28  }
0x74: {  	v58 =	vld.idx.msk [tilespmem:v29+s18+$0x0], $0xffff;
	[tilespmem:s4+$0xFFFFFF90] =	vst v25  }
0x75: {  	v59 =	vld.idx.msk [tilespmem:v30+s18+$0x0], $0xffff;
	[tilespmem:s4+$0x0] =	vst v36  }
0x76: {  	v27 =	vld.idx.msk [tilespmem:v27+s18+$0x0], $0xffff;
	[tilespmem:s4+$0xFFFFFFE0] =	vst v37  }
0x77: {  	v57 =	vor.u32 v5, v39;
	v25 =	vld.idx.msk [tilespmem:v33+s18+$0x0], $0xffff;
	[tilespmem:s4+$0xFFFFFFA0] =	vst v34  }
0x78: {  	v31 =	vld.idx.msk [tilespmem:v31+s18+$0x0], $0xffff;
	[tilespmem:s4+$0xFFFFFFF0] =	vst v32  }
0x79: {  	v60 =	vor.u32 v4, v39;
	v26 =	vld.idx.msk [tilespmem:v26+s18+$0x0], $0xffff;
	[tilespmem:s4+$0xFFFFFFB0] =	vst v58  }
0x7a: {  	v62 =	vld.idx.msk [tilespmem:v41+s18+$0x0], $0xffff;
	[tilespmem:s4+$0xFFFFFFD0] =	vst v59  }
0x7b: {  	s19 =	sadd.s32 $0x80, s2;
	v63 =	vld.idx.msk [tilespmem:v38+s18+$0x0], $0xffff;
	[tilespmem:s4+$0xFFFFFFC0] =	vst v27  }
0x7c: {  	v61 =	vld.idx.msk [tilespmem:v57+s18+$0x0], $0xffff;
	[tilespmem:s19+$0x0] =	vst v25  }
0x7d: {  	v27 =	vld.idx.msk [tilespmem:v40+s18+$0x0], $0xffff;
	[tilespmem:s19+$0xFFFFFF90] =	vst v31  }
0x7e: {  	v25 =	vld.idx.msk [tilespmem:v60+s18+$0x0], $0xffff;
	[tilespmem:s19+$0xFFFFFFA0] =	vst v26  }
0x7f: {  	[tilespmem:s19+$0xFFFFFFF0] =	vst v62  }
0x80: {  	[tilespmem:s19+$0xFFFFFFC0] =	vst v63  }
0x81: {  	[tilespmem:s19+$0xFFFFFFE0] =	vst v61  }
0x82: {  	s1 =	simm.s32 $0x1000;
	[tilespmem:s19+$0xFFFFFFB0] =	vst v27  }
0x83: {  	s21 =	simm.s32 $0x9800;
	s26 =	simm.s32 $0x0;
	s22 =	simm.s32 $0x2;
	[tilespmem:s19+$0xFFFFFFD0] =	vst v25  }
0x84: {  	s31 =	simm.s32 $0x1470;
	s7 =	simm.s32 $0x18F0;
	s0 =	rddreg [dreg:$0x3]  }
0x85: {  	s6 =	simm.s32 $0x7800;
	s15 =	simm.s32 $0x8800;
	[dreg:$0x9] =	wrdreg s22  }
0x86: {  	s19 =	simm.s32 $0x4800;
	[dreg:$0xa] =	wrdreg s31;
	s22 =	simm.s32 $0x6800  }
0x87: {  	[tilespmem:s21], [sflag:$0x2] =	stream.indirect.gather [hbm4b:s0+s18], $0x20, s1, s18, $0xb8;
	[tilespmem:$0x1DC00] =	vst v63  }
0x88: {  	s1 =	simm.s32 $0x2800;
	s0 =	simm.s32 $0x3800;
	s21 =	simm.s32 $0x5800  }
.LBB2_6:
0x89: {  	s2 =	smul.u32 $0xAB, s26;
	_ =	sdelay $0x1  }
0x8a: {  	s4 =	sshrl.u32 s2, $0x9  }
0x8b: {  	s4 =	sand.u32 $0x7F, s4  }
0x8c: {  	s4 =	smul.u32 $0x3, s4;
	_ =	sdelay $0x1  }
0x8d: {  	p0 =	sgt.u32 s26, $0x16;
	s4 =	ssub.s32 s26, s4  }
.Ltmp4:
0x8e: {  	s4 =	sand.u32 $0xFF, s4;
	(pc) =	sbr.rel @p0 .LBB2_11-.Ltmp4, $4  }
0x8f: {  	s4 =	sadd.s32 $0x1, s4  }
0x90: {  	_ =	swait.ge [sflag:s4], $0x8000  }
0x91: {  	[sflag:s4] =	ssyncset.done $0x0  }
0x92: {  	[sflag:s4] =	ssyncadd.s32 $0xFFFF8000  }
0x93: {  	s2 =	sadd.s32 $0x156, s2  }
0x94: {  	s2 =	sshrl.u32 s2, $0x9  }
0x95: {  	s9 =	smov.u32 s28;
	s2 =	sand.u32 $0x7F, s2  }
0x96: {  	s28 =	smov.u32 s13;
	s13 =	smov.u32 s25;
	s2 =	smul.u32 $0x3, s2  }
0x97: {  	s25 =	smov.u32 s24;
	s24 =	smov.u32 s14;
	s8 =	sadd.s32 $0x2, s26  }
0x98: {  	s14 =	smov.u32 s16;
	s4 =	simm.s32 $0x0;
	s2 =	ssub.s32 s8, s2  }
0x99: {  	s10 =	rddreg [dreg:$0x4];
	s16 =	simm.s32 $0x8;
	v25 =	vmov s4;
	s2 =	sand.u32 $0xFF, s2  }
0x9a: {  	s17 =	simm.s32 $0xC8;
	v25 =	vand.u32 $0x7, v25;
	s8 =	sadd.s32 s8, s10;
	s4 =	sshll.u32 s2, $0xA  }
0x9b: {  	v26 =	vbroadcast v25, $0x0;
	[tilespmem:s4], [sflag:$0x8] =	stream.strided.gather [hbm4b:s8+s16], $0x400, s17, s16, $0x38;
	[tilespmem:$0x1DC00] =	vst v63  }
0x9c: {  	s17 =	rddreg [dreg:$0x9]  }
0x9d: {  	v25 =	vor.u32 v0, v26;
	s8 =	smulhi.u32 $0xAAAAAAAB, s17  }
0x9e: {  	v27 =	vor.u32 v8, v26  }
0x9f: {  	v29 =	vor.u32 v5, v26;
	_ =	swait.ge [sflag:s16], $0x400;
	s8 =	sshrl.u32 s8, $0x1  }
0xa0: {  	v31 =	vor.u32 v1, v26;
	s17 =	simm.s32 $0x1;
	[sflag:s16] =	ssyncset.done $0x0;
	s8 =	smul.u32 $0xFFFFD000, s8  }
0xa1: {  	v34 =	vor.u32 v7, v26;
	v28 =	vmov s17;
	[sflag:s16] =	ssyncadd.s32 $0xFFFFFC00  }
0xa2: {  	v37 =	vor.u32 v2, v26;
	v35 =	vld.idx.msk [tilespmem:v25+s4+$0x0], $0xffff;
	v25 =	vand.u32 $0x7, v28;
	s8 =	sshra.s32 s8, $0x2  }
0xa3: {  	v32 =	vor.u32 v3, v26;
	v33 =	vld.idx.msk [tilespmem:v27+s4+$0x0], $0xffff;
	v28 =	vbroadcast v25, $0x0;
	v25 =	vmov s8  }
0xa4: {  	v30 =	vld.idx.msk [tilespmem:v29+s4+$0x0], $0xffff;
	v29 =	vor.u32 v4, v26  }
0xa5: {  	v31 =	vld.idx.msk [tilespmem:v31+s4+$0x0], $0xffff  }
0xa6: {  	s12 =	smov.u32 s11;
	s11 =	smov.u32 s30;
	s30 =	rddreg [dreg:$0xa];
	v34 =	vld.idx.msk [tilespmem:v34+s4+$0x0], $0xffff;
	v36 =	vor.u32 v0, v28;
	v27 =	vor.u32 v1, v28  }
0xa7: {  	s10 =	simm.s32 $0x8;
	s31 =	smov.u32 s30;
	v37 =	vld.idx.msk [tilespmem:v37+s4+$0x0], $0xffff;
	s8 =	sadd.s32 $0xC00, s4;
	v26 =	vor.u32 v2, v28;
	v38 =	vor.u32 v3, v28;
	v39 =	vor.u32 v8, v28  }
.LBB2_8:
0xa8: {  	s10 =	sadd.s32 $0x8, s10;
	v40 =	vor.u32 v4, v28;
	v41 =	vor.u32 v5, v28;
	[tilespmem:v25+s31+$0xFFFFFF90 ss:$0x1] =	vst.idx.msk $0xffff, v35;
	v42 =	vld.idx.msk [tilespmem:v32+s4+$0x0], $0xffff;
	s30 =	sadd.s32 $0x80, s30  }
0xa9: {  	v32 =	vmov v38;
	p0 =	slt.u32 s10, $0x38;
	v43 =	vld.idx.msk [tilespmem:v29+s4+$0x0], $0xffff;
	[tilespmem:v25+s31+$0x0 ss:$0x1] =	vst.idx.msk $0xffff, v33;
	v29 =	vmov v40  }
0xaa: {  	v38 =	vor.u32 v7, v28;
	s17 =	sadd.s32 $0x1, s17;
	[tilespmem:v25+s31+$0xFFFFFFE0 ss:$0x1] =	vst.idx.msk $0xffff, v30  }
0xab: {  	v28 =	vmov s17;
	v35 =	vld.idx.msk [tilespmem:v36+s4+$0x0], $0xffff;
	[tilespmem:v25+s31+$0xFFFFFFA0 ss:$0x1] =	vst.idx.msk $0xffff, v31  }
.Ltmp5:
0xac: {  	v28 =	vand.u32 $0x7, v28;
	v33 =	vld.idx.msk [tilespmem:v39+s4+$0x0], $0xffff;
	[tilespmem:v25+s31+$0xFFFFFFF0 ss:$0x1] =	vst.idx.msk $0xffff, v34;
	(pc) =	sbr.rel @p0 .LBB2_8-.Ltmp5, $4  }
0xad: {  	v28 =	vbroadcast v28, $0x0;
	v30 =	vld.idx.msk [tilespmem:v41+s4+$0x0], $0xffff;
	[tilespmem:v25+s31+$0xFFFFFFB0 ss:$0x1] =	vst.idx.msk $0xffff, v37  }
0xae: {  	v31 =	vld.idx.msk [tilespmem:v27+s4+$0x0], $0xffff;
	[tilespmem:v25+s31+$0xFFFFFFC0 ss:$0x1] =	vst.idx.msk $0xffff, v42  }
0xaf: {  	v36 =	vor.u32 v0, v28;
	v27 =	vor.u32 v1, v28;
	v34 =	vld.idx.msk [tilespmem:v38+s4+$0x0], $0xffff;
	[tilespmem:v25+s31+$0xFFFFFFD0 ss:$0x1] =	vst.idx.msk $0xffff, v43;
	s31 =	smov.u32 s30  }
0xb0: {  	v39 =	vor.u32 v8, v28;
	v38 =	vor.u32 v3, v28;
	v37 =	vld.idx.msk [tilespmem:v26+s4+$0x0], $0xffff;
	v26 =	vor.u32 v2, v28  }
0xb1: {  	_ =	sdelay $0x3  }
0xb2: {  	[tilespmem:v25+s31+$0xFFFFFF90 ss:$0x1] =	vst.idx.msk $0xffff, v35  }
0xb3: {  	v32 =	vld.idx.msk [tilespmem:v32+s4+$0x0], $0xffff;
	[tilespmem:v25+s31+$0x0 ss:$0x1] =	vst.idx.msk $0xffff, v33  }
0xb4: {  	v29 =	vld.idx.msk [tilespmem:v29+s4+$0x0], $0xffff;
	[tilespmem:v25+s31+$0xFFFFFFE0 ss:$0x1] =	vst.idx.msk $0xffff, v30  }
0xb5: {  	v40 =	vor.u32 v5, v28;
	v58 =	vld.idx.msk [tilespmem:v36+s4+$0x0], $0xffff;
	[tilespmem:v25+s31+$0xFFFFFFA0 ss:$0x1] =	vst.idx.msk $0xffff, v31  }
0xb6: {  	v57 =	vor.u32 v7, v28;
	v59 =	vld.idx.msk [tilespmem:v39+s4+$0x0], $0xffff;
	[tilespmem:v25+s31+$0xFFFFFFF0 ss:$0x1] =	vst.idx.msk $0xffff, v34  }
0xb7: {  	v60 =	vor.u32 v4, v28;
	v27 =	vld.idx.msk [tilespmem:v27+s4+$0x0], $0xffff;
	[tilespmem:v25+s31+$0xFFFFFFB0 ss:$0x1] =	vst.idx.msk $0xffff, v37  }
0xb8: {  	v26 =	vld.idx.msk [tilespmem:v26+s4+$0x0], $0xffff;
	[tilespmem:v25+s31+$0xFFFFFFC0 ss:$0x1] =	vst.idx.msk $0xffff, v32  }
0xb9: {  	s10 =	sadd.s32 $0x80, s30;
	v63 =	vld.idx.msk [tilespmem:v38+s4+$0x0], $0xffff;
	[tilespmem:v25+s31+$0xFFFFFFD0 ss:$0x1] =	vst.idx.msk $0xffff, v29  }
0xba: {  	v61 =	vld.idx.msk [tilespmem:v40+s4+$0x0], $0xffff;
	[tilespmem:v25+s10+$0xFFFFFF90 ss:$0x1] =	vst.idx.msk $0xffff, v58  }
0xbb: {  	v62 =	vld.idx.msk [tilespmem:v57+s4+$0x0], $0xffff;
	[tilespmem:v25+s10+$0x0 ss:$0x1] =	vst.idx.msk $0xffff, v59  }
0xbc: {  	v28 =	vld.idx.msk [tilespmem:v60+s4+$0x0], $0xffff;
	[tilespmem:v25+s10+$0xFFFFFFA0 ss:$0x1] =	vst.idx.msk $0xffff, v27  }
0xbd: {  	[tilespmem:v25+s10+$0xFFFFFFB0 ss:$0x1] =	vst.idx.msk $0xffff, v26  }
0xbe: {  	s17 =	sshll.u32 s2, $0xF;
	p0 =	seq.s32 s26, $0x0;
	s30 =	smov.u32 s11;
	[tilespmem:v25+s10+$0xFFFFFFC0 ss:$0x1] =	vst.idx.msk $0xffff, v63  }
.Ltmp6:
0xbf: {  	s11 =	smov.u32 s12;
	s16 =	smov.u32 s14;
	[tilespmem:v25+s10+$0xFFFFFFE0 ss:$0x1] =	vst.idx.msk $0xffff, v61;
	(pc) =	sbr.rel @p0 .LBB2_10-.Ltmp6, $4  }
0xc0: {  	s14 =	smov.u32 s24;
	s24 =	smov.u32 s25;
	s25 =	smov.u32 s13;
	[tilespmem:v25+s10+$0xFFFFFFF0 ss:$0x1] =	vst.idx.msk $0xffff, v62  }
0xc1: {  	s13 =	smov.u32 s28;
	s28 =	smov.u32 s9;
	s9 =	simm.s32 $0x19888;
	[tilespmem:v25+s10+$0xFFFFFFD0 ss:$0x1] =	vst.idx.msk $0xffff, v28  }
0xc2: {  	s4 =	sor.u32 $0x1800, s17;
	s31 =	sadd.s32 $0x1, s2;
	s10 =	rddreg [dreg:$0x3]  }
0xc3: {  	[tilespmem:s4], [sflag:s31] =	stream.indirect.gather [hbm4b:s10+s18], $0x20, s8, s18, $0xb8;
	[tilespmem:$0x1DC00] =	vst v63  }
.LBB2_11:
0xc4: {  	s2 =	simm.s32 $0x4  }
0xc5: {  	_ =	swait.ge [sflag:s2], $0x1000  }
0xc6: {  	[sflag:s2] =	ssyncset.done $0x0  }
0xc7: {  	p0 =	por $0x0, $0x0;
	[sflag:s2] =	ssyncadd.s32 $0xFFFFF000  }
.LBB2_12:
0xc8: {  	s2 =	smulhi.u32 $0xAAAAAAAB, s26  }
0xc9: {  	s4 =	simm.s32 $0x7  }
0xca: {  	s17 =	simm.s32 $0x0;
	v25 =	vmov s4;
	s2 =	sshrl.u32 s2, $0x1  }
0xcb: {  	v26 =	vmov s17;
	v25 =	vshrl.u32 v25, $0x3;
	s2 =	smul.u32 $0xFFFA0000, s2  }
0xcc: {  	v26 =	vshrl.u32 v26, $0x3;
	v25 =	vshll.u32 v25, v9  }
0xcd: {  	s8 =	simm.s32 $0x1;
	v26 =	vshll.u32 v26, v9;
	v25 =	vbroadcast v25, $0x0;
	s2 =	sshra.s32 s2, $0x2  }
0xce: {  	v27 =	vmov s8;
	v26 =	vbroadcast v26, $0x0;
	s17 =	sadd.s32 s2, s7  }
0xcf: {  	s10 =	simm.s32 $0x2;
	v27 =	vshrl.u32 v27, $0x3;
	v29 =	vadd.s32 v23, v25;
	v28 =	vld [tilespmem:s17+$0xFFFFFFF0]  }
0xd0: {  	v30 =	vmov s10;
	v27 =	vshll.u32 v27, v9;
	v33 =	vadd.s32 v6, v26;
	v32 =	vld [tilespmem:s17+$0xFFFFFF10]  }
0xd1: {  	s12 =	simm.s32 $0x3;
	v30 =	vshrl.u32 v30, $0x3;
	v27 =	vbroadcast v27, $0x0;
	v25 =	vadd.s32 v24, v25;
	v31 =	vld [tilespmem:s17+$0x0]  }
0xd2: {  	v34 =	vmov s12;
	v30 =	vshll.u32 v30, v9;
	v26 =	vadd.s32 v10, v26;
	v35 =	vld [tilespmem:s17+$0xFFFFFF20]  }
0xd3: {  	s8 =	simm.s32 $0x4;
	v38 =	vbroadcast v30, $0x0;
	v30 =	vshrl.u32 v34, $0x3;
	v37 =	vadd.s32 v11, v27;
	v36 =	vld [tilespmem:s17+$0xFFFFFF30]  }
0xd4: {  	v60 =	vmov s8;
	v30 =	vshll.u32 v30, v9;
	v27 =	vadd.s32 v12, v27;
	v39 =	vld [tilespmem:s17+$0xFFFFFF40];
	[tilespmem:v29+s23+$0x0] =	vst.idx.msk $0xffff, v28  }
0xd5: {  	s10 =	simm.s32 $0x5;
	v40 =	vadd.s32 v13, v38;
	v41 =	vbroadcast v30, $0x0;
	v28 =	vld [tilespmem:s17+$0xFFFFFF50];
	v29 =	vshrl.u32 v60, $0x3;
	[tilespmem:v33+s23+$0x0] =	vst.idx.msk $0xffff, v32  }
0xd6: {  	v34 =	vadd.s32 v14, v38;
	v30 =	vld [tilespmem:s17+$0xFFFFFF60];
	[tilespmem:v25+s23+$0x0] =	vst.idx.msk $0xffff, v31;
	v25 =	vshll.u32 v29, v9;
	v29 =	vmov s10  }
0xd7: {  	s12 =	simm.s32 $0x6;
	[tilespmem:v26+s23+$0x0] =	vst.idx.msk $0xffff, v35;
	v26 =	vld [tilespmem:s17+$0xFFFFFF70];
	v31 =	vadd.s32 v15, v41;
	v61 =	vbroadcast v25, $0x0;
	v25 =	vshrl.u32 v29, $0x3  }
0xd8: {  	v62 =	vmov s12;
	[tilespmem:v37+s23+$0x0] =	vst.idx.msk $0xffff, v36;
	v33 =	vadd.s32 v16, v41;
	v29 =	vld [tilespmem:s17+$0xFFFFFF80];
	v25 =	vshll.u32 v25, v9  }
0xd9: {  	s8 =	simm.s32 $0xF;
	v63 =	vshrl.u32 v62, $0x3;
	[tilespmem:v27+s23+$0x0] =	vst.idx.msk $0xffff, v39;
	v27 =	vld [tilespmem:s17+$0xFFFFFF90];
	v32 =	vadd.s32 v17, v61;
	v35 =	vbroadcast v25, $0x0  }
0xda: {  	s31 =	smov.u32 s7;
	s4 =	simm.s32 $0x8;
	v36 =	vmov s8;
	s8 =	simm.s32 $0x10;
	v37 =	vshll.u32 v63, v9;
	v25 =	vld [tilespmem:s17+$0xFFFFFFA0];
	[tilespmem:v40+s23+$0x0] =	vst.idx.msk $0xffff, v28;
	v28 =	vadd.s32 v18, v61  }
.LBB2_13:
0xdb: {  	p1 =	slt.u32 s8, $0x78;
	v36 =	vshrl.u32 v36, $0x3;
	[tilespmem:v34+s23+$0x0] =	vst.idx.msk $0xffff, v30;
	v30 =	vld [tilespmem:s17+$0xFFFFFFB0];
	v34 =	vadd.s32 v19, v35;
	v37 =	vbroadcast v37, $0x0  }
0xdc: {  	v38 =	vmov s4;
	v36 =	vshll.u32 v36, v9;
	[tilespmem:v31+s23+$0x0] =	vst.idx.msk $0xffff, v26;
	v26 =	vld [tilespmem:s17+$0xFFFFFFC0];
	v31 =	vadd.s32 v20, v35  }
0xdd: {  	s10 =	sadd.s32 $0x1, s4;
	s31 =	sadd.s32 $0x100, s31;
	v35 =	vshrl.u32 v38, $0x3;
	v36 =	vbroadcast v36, $0x0;
	[tilespmem:v33+s23+$0x0] =	vst.idx.msk $0xffff, v29;
	v29 =	vld [tilespmem:s17+$0xFFFFFFD0];
	v33 =	vadd.s32 v21, v37  }
0xde: {  	v38 =	vmov s10;
	v35 =	vshll.u32 v35, v9;
	[tilespmem:v32+s23+$0x0] =	vst.idx.msk $0xffff, v27;
	v27 =	vld [tilespmem:s17+$0xFFFFFFE0];
	s17 =	sadd.s32 s2, s31;
	v32 =	vadd.s32 v22, v37  }
0xdf: {  	s10 =	sadd.s32 $0x2, s4;
	v35 =	vbroadcast v35, $0x0;
	v37 =	vshrl.u32 v38, $0x3;
	v38 =	vld [tilespmem:s17+$0xFFFFFFF0];
	v39 =	vadd.s32 v23, v36;
	[tilespmem:v28+s23+$0x0] =	vst.idx.msk $0xffff, v25  }
0xe0: {  	v25 =	vshll.u32 v37, v9;
	v28 =	vmov s10;
	v36 =	vadd.s32 v24, v36;
	v37 =	vld [tilespmem:s17+$0x0];
	[tilespmem:v34+s23+$0x0] =	vst.idx.msk $0xffff, v30  }
0xe1: {  	s10 =	sadd.s32 $0x3, s4;
	v34 =	vadd.s32 v6, v35;
	v25 =	vbroadcast v25, $0x0;
	v28 =	vshrl.u32 v28, $0x3;
	v30 =	vld [tilespmem:s17+$0xFFFFFF10];
	[tilespmem:v31+s23+$0x0] =	vst.idx.msk $0xffff, v26  }
0xe2: {  	v31 =	vadd.s32 v10, v35;
	v28 =	vshll.u32 v28, v9;
	v35 =	vmov s10;
	v26 =	vld [tilespmem:s17+$0xFFFFFF20];
	[tilespmem:v33+s23+$0x0] =	vst.idx.msk $0xffff, v29  }
0xe3: {  	s10 =	sadd.s32 $0x4, s4;
	v33 =	vadd.s32 v11, v25;
	v28 =	vbroadcast v28, $0x0;
	v35 =	vshrl.u32 v35, $0x3;
	v29 =	vld [tilespmem:s17+$0xFFFFFF30];
	[tilespmem:v32+s23+$0x0] =	vst.idx.msk $0xffff, v27  }
0xe4: {  	v25 =	vadd.s32 v12, v25;
	v32 =	vshll.u32 v35, v9;
	v35 =	vmov s10;
	v27 =	vld [tilespmem:s17+$0xFFFFFF40];
	[tilespmem:v39+s23+$0x0] =	vst.idx.msk $0xffff, v38  }
0xe5: {  	s10 =	sadd.s32 $0x5, s4;
	v39 =	vadd.s32 v13, v28;
	v32 =	vbroadcast v32, $0x0;
	v35 =	vshrl.u32 v35, $0x3;
	v38 =	vld [tilespmem:s17+$0xFFFFFF50];
	[tilespmem:v36+s23+$0x0] =	vst.idx.msk $0xffff, v37  }
.Ltmp7:
0xe6: {  	[tilespmem:v34+s23+$0x0] =	vst.idx.msk $0xffff, v30;
	v30 =	vld [tilespmem:s17+$0xFFFFFF60];
	v34 =	vadd.s32 v14, v28;
	v28 =	vshll.u32 v35, v9;
	v35 =	vmov s10;
	(pc) =	sbr.rel @p1 .LBB2_13-.Ltmp7, $4  }
0xe7: {  	s10 =	sadd.s32 $0x6, s4;
	s4 =	smov.u32 s8;
	[tilespmem:v31+s23+$0x0] =	vst.idx.msk $0xffff, v26;
	v26 =	vld [tilespmem:s17+$0xFFFFFF70];
	v31 =	vadd.s32 v15, v32;
	v28 =	vbroadcast v28, $0x0;
	v35 =	vshrl.u32 v35, $0x3  }
0xe8: {  	v36 =	vmov s10;
	[tilespmem:v33+s23+$0x0] =	vst.idx.msk $0xffff, v29;
	v29 =	vld [tilespmem:s17+$0xFFFFFF80];
	v33 =	vadd.s32 v16, v32;
	v35 =	vshll.u32 v35, v9  }
0xe9: {  	s10 =	sadd.s32 $0x7, s8;
	v37 =	vshrl.u32 v36, $0x3;
	[tilespmem:v25+s23+$0x0] =	vst.idx.msk $0xffff, v27;
	v27 =	vld [tilespmem:s17+$0xFFFFFF90];
	v32 =	vadd.s32 v17, v28;
	v35 =	vbroadcast v35, $0x0  }
0xea: {  	s8 =	sadd.s32 $0x8, s8;
	v36 =	vmov s10;
	v28 =	vadd.s32 v18, v28;
	v37 =	vshll.u32 v37, v9;
	[tilespmem:v39+s23+$0x0] =	vst.idx.msk $0xffff, v38;
	v25 =	vld [tilespmem:s17+$0xFFFFFFA0]  }
0xeb: {  	_ =	sdelay $0x3  }
0xec: {  	v36 =	vshrl.u32 v36, $0x3;
	[tilespmem:v34+s23+$0x0] =	vst.idx.msk $0xffff, v30;
	v30 =	vld [tilespmem:s17+$0xFFFFFFB0];
	v61 =	vadd.s32 v19, v35;
	v37 =	vbroadcast v37, $0x0  }
0xed: {  	v38 =	vmov s4;
	v36 =	vshll.u32 v36, v9;
	[tilespmem:v31+s23+$0x0] =	vst.idx.msk $0xffff, v26;
	v26 =	vld [tilespmem:s17+$0xFFFFFFC0];
	v31 =	vadd.s32 v20, v35  }
0xee: {  	s8 =	sadd.s32 $0x1, s4;
	s10 =	sadd.s32 $0x100, s31;
	v62 =	vshrl.u32 v38, $0x3;
	v36 =	vbroadcast v36, $0x0;
	[tilespmem:v33+s23+$0x0] =	vst.idx.msk $0xffff, v29;
	v29 =	vld [tilespmem:s17+$0xFFFFFFD0];
	v63 =	vadd.s32 v21, v37  }
0xef: {  	v41 =	vmov s8;
	s8 =	sadd.s32 s2, s10;
	v35 =	vshll.u32 v62, v9;
	v42 =	vadd.s32 v22, v37;
	[tilespmem:v32+s23+$0x0] =	vst.idx.msk $0xffff, v27;
	v27 =	vld [tilespmem:s17+$0xFFFFFFE0]  }
0xf0: {  	v43 =	vshrl.u32 v41, $0x3;
	v44 =	vld [tilespmem:s8+$0xFFFFFFF0];
	v35 =	vbroadcast v35, $0x0;
	s17 =	sadd.s32 $0x2, s4;
	v39 =	vadd.s32 v23, v36;
	[tilespmem:v28+s23+$0x0] =	vst.idx.msk $0xffff, v25  }
0xf1: {  	v45 =	vld [tilespmem:s8+$0x0];
	v25 =	vshll.u32 v43, v9;
	v28 =	vmov s17;
	v36 =	vadd.s32 v24, v36;
	[tilespmem:v61+s23+$0x0] =	vst.idx.msk $0xffff, v30  }
0xf2: {  	s12 =	sadd.s32 $0x3, s4;
	v30 =	vld [tilespmem:s8+$0xFFFFFF10];
	v46 =	vadd.s32 v6, v35;
	v25 =	vbroadcast v25, $0x0;
	v28 =	vshrl.u32 v28, $0x3;
	[tilespmem:v31+s23+$0x0] =	vst.idx.msk $0xffff, v26  }
0xf3: {  	v47 =	vmov s12;
	v26 =	vld [tilespmem:s8+$0xFFFFFF20];
	v31 =	vadd.s32 v10, v35;
	v28 =	vshll.u32 v28, v9;
	[tilespmem:v63+s23+$0x0] =	vst.idx.msk $0xffff, v29  }
0xf4: {  	s17 =	sadd.s32 $0x4, s4;
	v35 =	vshrl.u32 v47, $0x3;
	v29 =	vld [tilespmem:s8+$0xFFFFFF30];
	v48 =	vadd.s32 v11, v25;
	v28 =	vbroadcast v28, $0x0;
	[tilespmem:v42+s23+$0x0] =	vst.idx.msk $0xffff, v27  }
0xf5: {  	v50 =	vmov s17;
	v25 =	vadd.s32 v12, v25;
	v49 =	vshll.u32 v35, v9;
	v27 =	vld [tilespmem:s8+$0xFFFFFF40];
	[tilespmem:v39+s23+$0x0] =	vst.idx.msk $0xffff, v44  }
0xf6: {  	s12 =	sadd.s32 $0x5, s4;
	v51 =	vld [tilespmem:s8+$0xFFFFFF50];
	v35 =	vshrl.u32 v50, $0x3;
	v32 =	vbroadcast v49, $0x0;
	v52 =	vadd.s32 v13, v28;
	[tilespmem:v36+s23+$0x0] =	vst.idx.msk $0xffff, v45  }
0xf7: {  	v54 =	vmov s12;
	v53 =	vshll.u32 v35, v9;
	v28 =	vadd.s32 v14, v28;
	[tilespmem:v46+s23+$0x0] =	vst.idx.msk $0xffff, v30;
	v30 =	vld [tilespmem:s8+$0xFFFFFF60]  }
0xf8: {  	s17 =	sadd.s32 $0x6, s4;
	v35 =	vshrl.u32 v54, $0x3;
	v34 =	vbroadcast v53, $0x0;
	[tilespmem:v31+s23+$0x0] =	vst.idx.msk $0xffff, v26;
	v26 =	vld [tilespmem:s8+$0xFFFFFF70];
	v31 =	vadd.s32 v15, v32  }
0xf9: {  	v56 =	vmov s17;
	v55 =	vshll.u32 v35, v9;
	v32 =	vadd.s32 v16, v32;
	[tilespmem:v48+s23+$0x0] =	vst.idx.msk $0xffff, v29;
	v29 =	vld [tilespmem:s8+$0xFFFFFF80]  }
0xfa: {  	v35 =	vshrl.u32 v56, $0x3;
	v33 =	vbroadcast v55, $0x0;
	[tilespmem:v25+s23+$0x0] =	vst.idx.msk $0xffff, v27;
	v25 =	vld [tilespmem:s8+$0xFFFFFF90];
	v27 =	vadd.s32 v17, v34  }
0xfb: {  	v57 =	vld [tilespmem:s8+$0xFFFFFFA0];
	v35 =	vshll.u32 v35, v9;
	v34 =	vadd.s32 v18, v34;
	[tilespmem:v52+s23+$0x0] =	vst.idx.msk $0xffff, v51  }
0xfc: {  	v35 =	vbroadcast v35, $0x0;
	[tilespmem:v28+s23+$0x0] =	vst.idx.msk $0xffff, v30;
	v28 =	vld [tilespmem:s8+$0xFFFFFFB0];
	v30 =	vadd.s32 v19, v33  }
0xfd: {  	[tilespmem:v31+s23+$0x0] =	vst.idx.msk $0xffff, v26;
	v26 =	vld [tilespmem:s8+$0xFFFFFFC0];
	v31 =	vadd.s32 v20, v33  }
0xfe: {  	v58 =	vadd.s32 v21, v35;
	[tilespmem:v32+s23+$0x0] =	vst.idx.msk $0xffff, v29;
	v29 =	vld [tilespmem:s8+$0xFFFFFFD0]  }
0xff: {  	[tilespmem:v27+s23+$0x0] =	vst.idx.msk $0xffff, v25;
	v25 =	vld [tilespmem:s8+$0xFFFFFFE0];
	v27 =	vadd.s32 v22, v35  }
0x100: {  	[tilespmem:v34+s23+$0x0] =	vst.idx.msk $0xffff, v57  }
0x101: {  	[tilespmem:v30+s23+$0x0] =	vst.idx.msk $0xffff, v28  }
0x102: {  	s8 =	sshll.u32 s26, $0x11;
	[tilespmem:v31+s23+$0x0] =	vst.idx.msk $0xffff, v26  }
0x103: {  	s17 =	sor.u32 s11, s8;
	[tilespmem:v58+s23+$0x0] =	vst.idx.msk $0xffff, v29  }
0x104: {  	s4 =	sadd.s32 s30, s17;
	[tilespmem:v27+s23+$0x0] =	vst.idx.msk $0xffff, v25  }
0x105: {  	[hbm4b:s4+s3] =	stream.linear.scatter [tilespmem:s23], [sflag:$0x4], $0x80, $0x38;
	[tilespmem:$0x1DC00] =	vst v63  }
0x106: {  	s12 =	smov.u32 s11;
	s10 =	sadd.s32 $0x10, s4  }
0x107: {  	[hbm4b:s10+s3] =	stream.linear.scatter [tilespmem:s9], [sflag:$0x4], $0x80, $0x38;
	[tilespmem:$0x1DC00] =	vst v63  }
0x108: {  	s11 =	smov.u32 s30;
	s30 =	sadd.s32 $0x20, s4;
	s10 =	simm.s32 $0x19910  }
0x109: {  	[hbm4b:s30+s3] =	stream.linear.scatter [tilespmem:s10], [sflag:$0x4], $0x80, $0x38;
	[tilespmem:$0x1DC00] =	vst v63  }
0x10a: {  	s31 =	simm.s32 $0x19998;
	s30 =	sadd.s32 $0x30, s4  }
0x10b: {  	[hbm4b:s30+s3] =	stream.linear.scatter [tilespmem:s31], [sflag:$0x4], $0x80, $0x38;
	[tilespmem:$0x1DC00] =	vst v63  }
0x10c: {  	s8 =	sadd.s32 $0x40, s4;
	s30 =	simm.s32 $0x19A20  }
0x10d: {  	[hbm4b:s8+s3] =	stream.linear.scatter [tilespmem:s30], [sflag:$0x4], $0x80, $0x38;
	[tilespmem:$0x1DC00] =	vst v63  }
0x10e: {  	s8 =	sadd.s32 $0x50, s4;
	s30 =	simm.s32 $0x19AA8  }
0x10f: {  	[hbm4b:s8+s3] =	stream.linear.scatter [tilespmem:s30], [sflag:$0x4], $0x80, $0x38;
	[tilespmem:$0x1DC00] =	vst v63  }
0x110: {  	s8 =	sadd.s32 $0x60, s4;
	s30 =	simm.s32 $0x19B30  }
0x111: {  	[hbm4b:s8+s3] =	stream.linear.scatter [tilespmem:s30], [sflag:$0x4], $0x80, $0x38;
	[tilespmem:$0x1DC00] =	vst v63  }
0x112: {  	s8 =	sadd.s32 $0x70, s4;
	s30 =	simm.s32 $0x19BB8  }
0x113: {  	[hbm4b:s8+s3] =	stream.linear.scatter [tilespmem:s30], [sflag:$0x4], $0x80, $0x38;
	[tilespmem:$0x1DC00] =	vst v63  }
0x114: {  	s8 =	sadd.s32 $0x1000, s4;
	s30 =	simm.s32 $0x19C40  }
0x115: {  	[hbm4b:s8+s3] =	stream.linear.scatter [tilespmem:s30], [sflag:$0x4], $0x80, $0x38;
	[tilespmem:$0x1DC00] =	vst v63  }
0x116: {  	s8 =	sadd.s32 $0x1010, s4;
	s30 =	simm.s32 $0x19CC8  }
0x117: {  	[hbm4b:s8+s3] =	stream.linear.scatter [tilespmem:s30], [sflag:$0x4], $0x80, $0x38;
	[tilespmem:$0x1DC00] =	vst v63  }
0x118: {  	s8 =	sadd.s32 $0x1020, s4;
	s30 =	simm.s32 $0x19D50  }
0x119: {  	[hbm4b:s8+s3] =	stream.linear.scatter [tilespmem:s30], [sflag:$0x4], $0x80, $0x38;
	[tilespmem:$0x1DC00] =	vst v63  }
0x11a: {  	s8 =	sadd.s32 $0x1030, s4;
	s30 =	simm.s32 $0x19DD8  }
0x11b: {  	[hbm4b:s8+s3] =	stream.linear.scatter [tilespmem:s30], [sflag:$0x4], $0x80, $0x38;
	[tilespmem:$0x1DC00] =	vst v63  }
0x11c: {  	s8 =	sadd.s32 $0x1040, s4;
	s30 =	simm.s32 $0x19E60  }
0x11d: {  	[hbm4b:s8+s3] =	stream.linear.scatter [tilespmem:s30], [sflag:$0x4], $0x80, $0x38;
	[tilespmem:$0x1DC00] =	vst v63  }
0x11e: {  	s8 =	sadd.s32 $0x1050, s4;
	s30 =	simm.s32 $0x19EE8  }
0x11f: {  	[hbm4b:s8+s3] =	stream.linear.scatter [tilespmem:s30], [sflag:$0x4], $0x80, $0x38;
	[tilespmem:$0x1DC00] =	vst v63  }
0x120: {  	s8 =	sadd.s32 $0x1060, s4;
	s30 =	simm.s32 $0x19F70  }
0x121: {  	[hbm4b:s8+s3] =	stream.linear.scatter [tilespmem:s30], [sflag:$0x4], $0x80, $0x38;
	[tilespmem:$0x1DC00] =	vst v63  }
0x122: {  	s8 =	sadd.s32 $0x1070, s4;
	s30 =	simm.s32 $0x19FF8  }
0x123: {  	[hbm4b:s8+s3] =	stream.linear.scatter [tilespmem:s30], [sflag:$0x4], $0x80, $0x38;
	[tilespmem:$0x1DC00] =	vst v63  }
0x124: {  	s8 =	sadd.s32 $0x2000, s4;
	s30 =	simm.s32 $0x1A080  }
0x125: {  	[hbm4b:s8+s3] =	stream.linear.scatter [tilespmem:s30], [sflag:$0x4], $0x80, $0x38;
	[tilespmem:$0x1DC00] =	vst v63  }
0x126: {  	s8 =	sadd.s32 $0x2010, s4;
	s30 =	simm.s32 $0x1A108  }
0x127: {  	[hbm4b:s8+s3] =	stream.linear.scatter [tilespmem:s30], [sflag:$0x4], $0x80, $0x38;
	[tilespmem:$0x1DC00] =	vst v63  }
0x128: {  	s8 =	sadd.s32 $0x2020, s4;
	s30 =	simm.s32 $0x1A190  }
0x129: {  	[hbm4b:s8+s3] =	stream.linear.scatter [tilespmem:s30], [sflag:$0x4], $0x80, $0x38;
	[tilespmem:$0x1DC00] =	vst v63  }
0x12a: {  	s8 =	sadd.s32 $0x2030, s4;
	s30 =	simm.s32 $0x1A218  }
0x12b: {  	[hbm4b:s8+s3] =	stream.linear.scatter [tilespmem:s30], [sflag:$0x4], $0x80, $0x38;
	[tilespmem:$0x1DC00] =	vst v63  }
0x12c: {  	s8 =	sadd.s32 $0x2040, s4;
	s30 =	simm.s32 $0x1A2A0  }
0x12d: {  	[hbm4b:s8+s3] =	stream.linear.scatter [tilespmem:s30], [sflag:$0x4], $0x80, $0x38;
	[tilespmem:$0x1DC00] =	vst v63  }
0x12e: {  	s8 =	sadd.s32 $0x2050, s4;
	s30 =	simm.s32 $0x1A328  }
0x12f: {  	[hbm4b:s8+s3] =	stream.linear.scatter [tilespmem:s30], [sflag:$0x4], $0x80, $0x38;
	[tilespmem:$0x1DC00] =	vst v63  }
0x130: {  	s8 =	sadd.s32 $0x2060, s4;
	s30 =	simm.s32 $0x1A3B0  }
0x131: {  	[hbm4b:s8+s3] =	stream.linear.scatter [tilespmem:s30], [sflag:$0x4], $0x80, $0x38;
	[tilespmem:$0x1DC00] =	vst v63  }
0x132: {  	s8 =	sadd.s32 $0x2070, s4;
	s30 =	simm.s32 $0x1A438  }
0x133: {  	[hbm4b:s8+s3] =	stream.linear.scatter [tilespmem:s30], [sflag:$0x4], $0x80, $0x38;
	[tilespmem:$0x1DC00] =	vst v63  }
0x134: {  	s8 =	sadd.s32 $0x3000, s4;
	s30 =	simm.s32 $0x1A4C0  }
0x135: {  	[hbm4b:s8+s3] =	stream.linear.scatter [tilespmem:s30], [sflag:$0x4], $0x80, $0x38;
	[tilespmem:$0x1DC00] =	vst v63  }
0x136: {  	s8 =	sadd.s32 $0x3010, s4;
	s30 =	simm.s32 $0x1A548  }
0x137: {  	[hbm4b:s8+s3] =	stream.linear.scatter [tilespmem:s30], [sflag:$0x4], $0x80, $0x38;
	[tilespmem:$0x1DC00] =	vst v63  }
0x138: {  	s8 =	sadd.s32 $0x3020, s4;
	s30 =	simm.s32 $0x1A5D0  }
0x139: {  	[hbm4b:s8+s3] =	stream.linear.scatter [tilespmem:s30], [sflag:$0x4], $0x80, $0x38;
	[tilespmem:$0x1DC00] =	vst v63  }
0x13a: {  	s8 =	sadd.s32 $0x3030, s4;
	s30 =	simm.s32 $0x1A658  }
0x13b: {  	[hbm4b:s8+s3] =	stream.linear.scatter [tilespmem:s30], [sflag:$0x4], $0x80, $0x38;
	[tilespmem:$0x1DC00] =	vst v63  }
0x13c: {  	s8 =	sadd.s32 $0x3040, s4;
	s30 =	simm.s32 $0x1A6E0  }
0x13d: {  	[hbm4b:s8+s3] =	stream.linear.scatter [tilespmem:s30], [sflag:$0x4], $0x80, $0x38;
	[tilespmem:$0x1DC00] =	vst v63  }
0x13e: {  	s8 =	sadd.s32 $0x3050, s4;
	s30 =	simm.s32 $0x1A768  }
0x13f: {  	[hbm4b:s8+s3] =	stream.linear.scatter [tilespmem:s30], [sflag:$0x4], $0x80, $0x38;
	[tilespmem:$0x1DC00] =	vst v63  }
0x140: {  	s8 =	sadd.s32 $0x3060, s4;
	s30 =	simm.s32 $0x1A7F0  }
0x141: {  	[hbm4b:s8+s3] =	stream.linear.scatter [tilespmem:s30], [sflag:$0x4], $0x80, $0x38;
	[tilespmem:$0x1DC00] =	vst v63  }
0x142: {  	v25 =	vmov s2;
	s2 =	simm.s32 @!p0 $0x5;
	s4 =	sadd.s32 $0x3070, s4;
	s30 =	simm.s32 $0x1A878  }
0x143: {  	[hbm4b:s4+s3] =	stream.linear.scatter [tilespmem:s30], [sflag:$0x4], $0x80, $0x38;
	[tilespmem:$0x1DC00] =	vst v63  }
0x144: {  	_ =	swait.ge @!p0 [sflag:s2], $0x1000  }
0x145: {  	[sflag:s2] =	ssyncset.done @!p0 $0x0  }
0x146: {  	[sflag:s2] =	ssyncadd.s32 @!p0 $0xFFFFF000  }
0x147: {  	s2 =	simm.s32 $0x0;
	v33 =	vld.idx.msk [tilespmem:v25+s1+$0xC0 ss:$0x1], $0xffff  }
0x148: {  	v26 =	vmov s2;
	v45 =	vld.idx.msk [tilespmem:v25+s1+$0xE0 ss:$0x1], $0xffff  }
0x149: {  	v31 =	vld.idx.msk [tilespmem:v25+s1+$0x80 ss:$0x1], $0xffff;
	v26 =	vshrl.u32 v26, $0x3  }
0x14a: {  	v59 =	vld.idx.msk [tilespmem:v25+s1+$0x60 ss:$0x1], $0xffff;
	v26 =	vshll.u32 v26, $0x3  }
0x14b: {  	v27 =	vld.idx.msk [tilespmem:v25+s1+$0x40 ss:$0x1], $0xffff;
	v26 =	vbroadcast v26, $0x0  }
0x14c: {  	v29 =	vld.idx.msk [tilespmem:v25+s1+$0x0 ss:$0x1], $0xffff  }
0x14d: {  	v60 =	vld.idx.msk [tilespmem:v25+s1+$0x20 ss:$0x1], $0xffff;
	v30 =	vadd.s32 v6, v26  }
0x14e: {  	v61 =	vld.idx.msk [tilespmem:v25+s1+$0x10 ss:$0x1], $0xffff;
	v62 =	vadd.s32 v11, v26  }
0x14f: {  	v28 =	vld.idx.msk [tilespmem:v25+s1+$0x30 ss:$0x1], $0xffff;
	v44 =	vadd.s32 v15, v26  }
0x150: {  	v36 =	vld.idx.msk [tilespmem:v25+s1+$0xF0 ss:$0x1], $0xffff;
	v46 =	vadd.s32 v23, v26  }
0x151: {  	v41 =	vld.idx.msk [tilespmem:v25+s1+$0xA0 ss:$0x1], $0xffff;
	v63 =	vadd.s32 v10, v26  }
0x152: {  	v40 =	vld.idx.msk [tilespmem:v25+s1+$0xD0 ss:$0x1], $0xffff;
	v42 =	vadd.s32 v19, v26;
	[tilespmem:v30+s29+$0x0] =	vst.idx.msk $0xffff, v29  }
0x153: {  	v38 =	vld.idx.msk [tilespmem:v25+s1+$0x70 ss:$0x1], $0xffff;
	v43 =	vadd.s32 v24, v26;
	[tilespmem:v62+s29+$0x0] =	vst.idx.msk $0xffff, v60  }
0x154: {  	v34 =	vld.idx.msk [tilespmem:v25+s1+$0x50 ss:$0x1], $0xffff;
	v39 =	vadd.s32 v21, v26;
	[tilespmem:v44+s29+$0x0] =	vst.idx.msk $0xffff, v59  }
0x155: {  	v35 =	vld.idx.msk [tilespmem:v25+s1+$0xB0 ss:$0x1], $0xffff;
	v32 =	vadd.s32 v13, v26;
	v44 =	vadd.s32 v22, v26;
	[tilespmem:v46+s29+$0x0] =	vst.idx.msk $0xffff, v45  }
0x156: {  	s4 =	sadd.s32 $0x100, s1;
	v37 =	vadd.s32 v16, v26;
	v29 =	vld.idx.msk [tilespmem:v25+s1+$0x90 ss:$0x1], $0xffff;
	v30 =	vadd.s32 v12, v26;
	[tilespmem:v63+s29+$0x0] =	vst.idx.msk $0xffff, v61  }
.LBB2_15:
0x157: {  	s2 =	sadd.s32 $0x8, s2;
	v45 =	vld.idx.msk [tilespmem:v25+s4+$0xC0 ss:$0x1], $0xffff;
	[tilespmem:v42+s29+$0x0] =	vst.idx.msk $0xffff, v41  }
0x158: {  	v42 =	vadd.s32 v17, v26;
	v41 =	vmov s2;
	v46 =	vld.idx.msk [tilespmem:v25+s4+$0xE0 ss:$0x1], $0xffff;
	p1 =	slt.u32 s2, $0x78;
	[tilespmem:v43+s29+$0x0] =	vst.idx.msk $0xffff, v36  }
0x159: {  	v36 =	vshrl.u32 v41, $0x3;
	v47 =	vld.idx.msk [tilespmem:v25+s4+$0x80 ss:$0x1], $0xffff;
	v41 =	vadd.s32 v20, v26;
	[tilespmem:v39+s29+$0x0] =	vst.idx.msk $0xffff, v33  }
0x15a: {  	v33 =	vshll.u32 v36, $0x3;
	v48 =	vld.idx.msk [tilespmem:v25+s4+$0x60 ss:$0x1], $0xffff;
	v36 =	vadd.s32 v14, v26;
	[tilespmem:v44+s29+$0x0] =	vst.idx.msk $0xffff, v40  }
0x15b: {  	v40 =	vadd.s32 v18, v26;
	[tilespmem:v32+s29+$0x0] =	vst.idx.msk $0xffff, v27;
	v27 =	vld.idx.msk [tilespmem:v25+s4+$0x40 ss:$0x1], $0xffff;
	v26 =	vbroadcast v33, $0x0  }
0x15c: {  	v33 =	vld.idx.msk [tilespmem:v25+s4+$0x0 ss:$0x1], $0xffff;
	[tilespmem:v37+s29+$0x0] =	vst.idx.msk $0xffff, v38  }
0x15d: {  	v37 =	vadd.s32 v6, v26;
	v38 =	vld.idx.msk [tilespmem:v25+s4+$0x20 ss:$0x1], $0xffff;
	v32 =	vadd.s32 v13, v26;
	[tilespmem:v42+s29+$0x0] =	vst.idx.msk $0xffff, v31  }
0x15e: {  	v49 =	vadd.s32 v11, v26;
	v50 =	vadd.s32 v15, v26;
	v44 =	vld.idx.msk [tilespmem:v25+s4+$0x10 ss:$0x1], $0xffff;
	[tilespmem:v30+s29+$0x0] =	vst.idx.msk $0xffff, v28  }
0x15f: {  	v51 =	vadd.s32 v10, v26;
	v30 =	vadd.s32 v12, v26;
	v28 =	vld.idx.msk [tilespmem:v25+s4+$0x30 ss:$0x1], $0xffff;
	[tilespmem:v36+s29+$0x0] =	vst.idx.msk $0xffff, v34  }
0x160: {  	v42 =	vadd.s32 v19, v26;
	v39 =	vadd.s32 v21, v26;
	v36 =	vld.idx.msk [tilespmem:v25+s4+$0xF0 ss:$0x1], $0xffff;
	[tilespmem:v41+s29+$0x0] =	vst.idx.msk $0xffff, v35  }
0x161: {  	v52 =	vadd.s32 v23, v26;
	v43 =	vadd.s32 v24, v26;
	v41 =	vld.idx.msk [tilespmem:v25+s4+$0xA0 ss:$0x1], $0xffff;
	[tilespmem:v40+s29+$0x0] =	vst.idx.msk $0xffff, v29  }
.Ltmp8:
0x162: {  	v31 =	vmov v47;
	[tilespmem:v37+s29+$0x0] =	vst.idx.msk $0xffff, v33;
	v37 =	vadd.s32 v16, v26;
	v29 =	vld.idx.msk [tilespmem:v25+s4+$0x90 ss:$0x1], $0xffff;
	v33 =	vmov v45;
	(pc) =	sbr.rel @p1 .LBB2_15-.Ltmp8, $4  }
0x163: {  	[tilespmem:v49+s29+$0x0] =	vst.idx.msk $0xffff, v38;
	v40 =	vld.idx.msk [tilespmem:v25+s4+$0xD0 ss:$0x1], $0xffff  }
0x164: {  	[tilespmem:v51+s29+$0x0] =	vst.idx.msk $0xffff, v44;
	v38 =	vld.idx.msk [tilespmem:v25+s4+$0x70 ss:$0x1], $0xffff  }
0x165: {  	v44 =	vadd.s32 v22, v26;
	v34 =	vld.idx.msk [tilespmem:v25+s4+$0x50 ss:$0x1], $0xffff;
	[tilespmem:v50+s29+$0x0] =	vst.idx.msk $0xffff, v48  }
0x166: {  	v35 =	vld.idx.msk [tilespmem:v25+s4+$0xB0 ss:$0x1], $0xffff;
	[tilespmem:v52+s29+$0x0] =	vst.idx.msk $0xffff, v46;
	s4 =	sadd.s32 $0x100, s4  }
0x167: {  	_ =	sdelay $0x3  }
0x168: {  	[tilespmem:v42+s29+$0x0] =	vst.idx.msk $0xffff, v41  }
0x169: {  	[tilespmem:v43+s29+$0x0] =	vst.idx.msk $0xffff, v36  }
0x16a: {  	v55 =	vadd.s32 v17, v26;
	[tilespmem:v39+s29+$0x0] =	vst.idx.msk $0xffff, v33  }
0x16b: {  	v56 =	vadd.s32 v14, v26;
	[tilespmem:v32+s29+$0x0] =	vst.idx.msk $0xffff, v27  }
0x16c: {  	v57 =	vadd.s32 v20, v26;
	[tilespmem:v30+s29+$0x0] =	vst.idx.msk $0xffff, v28  }
0x16d: {  	v26 =	vadd.s32 v18, v26;
	[tilespmem:v44+s29+$0x0] =	vst.idx.msk $0xffff, v40  }
0x16e: {  	[tilespmem:v37+s29+$0x0] =	vst.idx.msk $0xffff, v38  }
0x16f: {  	[tilespmem:v55+s29+$0x0] =	vst.idx.msk $0xffff, v31  }
0x170: {  	[tilespmem:v56+s29+$0x0] =	vst.idx.msk $0xffff, v34  }
0x171: {  	[tilespmem:v57+s29+$0x0] =	vst.idx.msk $0xffff, v35  }
0x172: {  	[tilespmem:v26+s29+$0x0] =	vst.idx.msk $0xffff, v29  }
0x173: {  	s2 =	rddreg [dreg:$0x7]  }
0x174: {  	s2 =	sadd.s32 s17, s2  }
0x175: {  	[hbm4b:s2+s3] =	stream.linear.scatter [tilespmem:s29], [sflag:$0x5], $0x80, $0x38;
	[tilespmem:$0x1DC00] =	vst v63  }
0x176: {  	s8 =	simm.s32 $0x1A988;
	s4 =	sadd.s32 $0x10, s2  }
0x177: {  	[hbm4b:s4+s3] =	stream.linear.scatter [tilespmem:s8], [sflag:$0x5], $0x80, $0x38;
	[tilespmem:$0x1DC00] =	vst v63  }
0x178: {  	s30 =	simm.s32 $0x1AA10;
	s8 =	sadd.s32 $0x20, s2  }
0x179: {  	[hbm4b:s8+s3] =	stream.linear.scatter [tilespmem:s30], [sflag:$0x5], $0x80, $0x38;
	[tilespmem:$0x1DC00] =	vst v63  }
0x17a: {  	s8 =	sadd.s32 $0x30, s2;
	s30 =	simm.s32 $0x1AA98  }
0x17b: {  	[hbm4b:s8+s3] =	stream.linear.scatter [tilespmem:s30], [sflag:$0x5], $0x80, $0x38;
	[tilespmem:$0x1DC00] =	vst v63  }
0x17c: {  	s8 =	sadd.s32 $0x40, s2;
	s30 =	simm.s32 $0x1AB20  }
0x17d: {  	[hbm4b:s8+s3] =	stream.linear.scatter [tilespmem:s30], [sflag:$0x5], $0x80, $0x38;
	[tilespmem:$0x1DC00] =	vst v63  }
0x17e: {  	s8 =	sadd.s32 $0x50, s2;
	s30 =	simm.s32 $0x1ABA8  }
0x17f: {  	[hbm4b:s8+s3] =	stream.linear.scatter [tilespmem:s30], [sflag:$0x5], $0x80, $0x38;
	[tilespmem:$0x1DC00] =	vst v63  }
0x180: {  	s8 =	sadd.s32 $0x60, s2;
	s30 =	simm.s32 $0x1AC30  }
0x181: {  	[hbm4b:s8+s3] =	stream.linear.scatter [tilespmem:s30], [sflag:$0x5], $0x80, $0x38;
	[tilespmem:$0x1DC00] =	vst v63  }
0x182: {  	s8 =	sadd.s32 $0x70, s2;
	s30 =	simm.s32 $0x1ACB8  }
0x183: {  	[hbm4b:s8+s3] =	stream.linear.scatter [tilespmem:s30], [sflag:$0x5], $0x80, $0x38;
	[tilespmem:$0x1DC00] =	vst v63  }
0x184: {  	s8 =	sadd.s32 $0x1000, s2;
	s30 =	simm.s32 $0x1AD40  }
0x185: {  	[hbm4b:s8+s3] =	stream.linear.scatter [tilespmem:s30], [sflag:$0x5], $0x80, $0x38;
	[tilespmem:$0x1DC00] =	vst v63  }
0x186: {  	s8 =	sadd.s32 $0x1010, s2;
	s30 =	simm.s32 $0x1ADC8  }
0x187: {  	[hbm4b:s8+s3] =	stream.linear.scatter [tilespmem:s30], [sflag:$0x5], $0x80, $0x38;
	[tilespmem:$0x1DC00] =	vst v63  }
0x188: {  	s8 =	sadd.s32 $0x1020, s2;
	s30 =	simm.s32 $0x1AE50  }
0x189: {  	[hbm4b:s8+s3] =	stream.linear.scatter [tilespmem:s30], [sflag:$0x5], $0x80, $0x38;
	[tilespmem:$0x1DC00] =	vst v63  }
0x18a: {  	s8 =	sadd.s32 $0x1030, s2;
	s30 =	simm.s32 $0x1AED8  }
0x18b: {  	[hbm4b:s8+s3] =	stream.linear.scatter [tilespmem:s30], [sflag:$0x5], $0x80, $0x38;
	[tilespmem:$0x1DC00] =	vst v63  }
0x18c: {  	s8 =	sadd.s32 $0x1040, s2;
	s30 =	simm.s32 $0x1AF60  }
0x18d: {  	[hbm4b:s8+s3] =	stream.linear.scatter [tilespmem:s30], [sflag:$0x5], $0x80, $0x38;
	[tilespmem:$0x1DC00] =	vst v63  }
0x18e: {  	s8 =	sadd.s32 $0x1050, s2;
	s30 =	simm.s32 $0x1AFE8  }
0x18f: {  	[hbm4b:s8+s3] =	stream.linear.scatter [tilespmem:s30], [sflag:$0x5], $0x80, $0x38;
	[tilespmem:$0x1DC00] =	vst v63  }
0x190: {  	s8 =	sadd.s32 $0x1060, s2;
	s30 =	simm.s32 $0x1B070  }
0x191: {  	[hbm4b:s8+s3] =	stream.linear.scatter [tilespmem:s30], [sflag:$0x5], $0x80, $0x38;
	[tilespmem:$0x1DC00] =	vst v63  }
0x192: {  	s8 =	sadd.s32 $0x1070, s2;
	s30 =	simm.s32 $0x1B0F8  }
0x193: {  	[hbm4b:s8+s3] =	stream.linear.scatter [tilespmem:s30], [sflag:$0x5], $0x80, $0x38;
	[tilespmem:$0x1DC00] =	vst v63  }
0x194: {  	s8 =	sadd.s32 $0x2000, s2;
	s30 =	simm.s32 $0x1B180  }
0x195: {  	[hbm4b:s8+s3] =	stream.linear.scatter [tilespmem:s30], [sflag:$0x5], $0x80, $0x38;
	[tilespmem:$0x1DC00] =	vst v63  }
0x196: {  	s8 =	sadd.s32 $0x2010, s2;
	s30 =	simm.s32 $0x1B208  }
0x197: {  	[hbm4b:s8+s3] =	stream.linear.scatter [tilespmem:s30], [sflag:$0x5], $0x80, $0x38;
	[tilespmem:$0x1DC00] =	vst v63  }
0x198: {  	s8 =	sadd.s32 $0x2020, s2;
	s30 =	simm.s32 $0x1B290  }
0x199: {  	[hbm4b:s8+s3] =	stream.linear.scatter [tilespmem:s30], [sflag:$0x5], $0x80, $0x38;
	[tilespmem:$0x1DC00] =	vst v63  }
0x19a: {  	s8 =	sadd.s32 $0x2030, s2;
	s30 =	simm.s32 $0x1B318  }
0x19b: {  	[hbm4b:s8+s3] =	stream.linear.scatter [tilespmem:s30], [sflag:$0x5], $0x80, $0x38;
	[tilespmem:$0x1DC00] =	vst v63  }
0x19c: {  	s8 =	sadd.s32 $0x2040, s2;
	s30 =	simm.s32 $0x1B3A0  }
0x19d: {  	[hbm4b:s8+s3] =	stream.linear.scatter [tilespmem:s30], [sflag:$0x5], $0x80, $0x38;
	[tilespmem:$0x1DC00] =	vst v63  }
0x19e: {  	s8 =	sadd.s32 $0x2050, s2;
	s30 =	simm.s32 $0x1B428  }
0x19f: {  	[hbm4b:s8+s3] =	stream.linear.scatter [tilespmem:s30], [sflag:$0x5], $0x80, $0x38;
	[tilespmem:$0x1DC00] =	vst v63  }
0x1a0: {  	s8 =	sadd.s32 $0x2060, s2;
	s30 =	simm.s32 $0x1B4B0  }
0x1a1: {  	[hbm4b:s8+s3] =	stream.linear.scatter [tilespmem:s30], [sflag:$0x5], $0x80, $0x38;
	[tilespmem:$0x1DC00] =	vst v63  }
0x1a2: {  	s8 =	sadd.s32 $0x2070, s2;
	s30 =	simm.s32 $0x1B538  }
0x1a3: {  	[hbm4b:s8+s3] =	stream.linear.scatter [tilespmem:s30], [sflag:$0x5], $0x80, $0x38;
	[tilespmem:$0x1DC00] =	vst v63  }
0x1a4: {  	s8 =	sadd.s32 $0x3000, s2;
	s30 =	simm.s32 $0x1B5C0  }
0x1a5: {  	[hbm4b:s8+s3] =	stream.linear.scatter [tilespmem:s30], [sflag:$0x5], $0x80, $0x38;
	[tilespmem:$0x1DC00] =	vst v63  }
0x1a6: {  	s8 =	sadd.s32 $0x3010, s2;
	s30 =	simm.s32 $0x1B648  }
0x1a7: {  	[hbm4b:s8+s3] =	stream.linear.scatter [tilespmem:s30], [sflag:$0x5], $0x80, $0x38;
	[tilespmem:$0x1DC00] =	vst v63  }
0x1a8: {  	s8 =	sadd.s32 $0x3020, s2;
	s30 =	simm.s32 $0x1B6D0  }
0x1a9: {  	[hbm4b:s8+s3] =	stream.linear.scatter [tilespmem:s30], [sflag:$0x5], $0x80, $0x38;
	[tilespmem:$0x1DC00] =	vst v63  }
0x1aa: {  	s8 =	sadd.s32 $0x3030, s2;
	s30 =	simm.s32 $0x1B758  }
0x1ab: {  	[hbm4b:s8+s3] =	stream.linear.scatter [tilespmem:s30], [sflag:$0x5], $0x80, $0x38;
	[tilespmem:$0x1DC00] =	vst v63  }
0x1ac: {  	s8 =	sadd.s32 $0x3040, s2;
	s30 =	simm.s32 $0x1B7E0  }
0x1ad: {  	[hbm4b:s8+s3] =	stream.linear.scatter [tilespmem:s30], [sflag:$0x5], $0x80, $0x38;
	[tilespmem:$0x1DC00] =	vst v63  }
0x1ae: {  	s8 =	sadd.s32 $0x3050, s2;
	s30 =	simm.s32 $0x1B868  }
0x1af: {  	[hbm4b:s8+s3] =	stream.linear.scatter [tilespmem:s30], [sflag:$0x5], $0x80, $0x38;
	[tilespmem:$0x1DC00] =	vst v63  }
0x1b0: {  	s8 =	sadd.s32 $0x3060, s2;
	s30 =	simm.s32 $0x1B8F0  }
0x1b1: {  	[hbm4b:s8+s3] =	stream.linear.scatter [tilespmem:s30], [sflag:$0x5], $0x80, $0x38;
	[tilespmem:$0x1DC00] =	vst v63  }
0x1b2: {  	s2 =	sadd.s32 $0x3070, s2;
	s30 =	simm.s32 $0x1B978  }
0x1b3: {  	[hbm4b:s2+s3] =	stream.linear.scatter [tilespmem:s30], [sflag:$0x5], $0x80, $0x38;
	[tilespmem:$0x1DC00] =	vst v63  }
0x1b4: {  	s2 =	simm.s32 @!p0 $0x6  }
0x1b5: {  	_ =	swait.ge @!p0 [sflag:s2], $0x1000  }
0x1b6: {  	[sflag:s2] =	ssyncset.done @!p0 $0x0  }
0x1b7: {  	[sflag:s2] =	ssyncadd.s32 @!p0 $0xFFFFF000  }
0x1b8: {  	s2 =	simm.s32 $0x0;
	v33 =	vld.idx.msk [tilespmem:v25+s0+$0xC0 ss:$0x1], $0xffff  }
0x1b9: {  	v26 =	vmov s2;
	v45 =	vld.idx.msk [tilespmem:v25+s0+$0xE0 ss:$0x1], $0xffff  }
0x1ba: {  	v31 =	vld.idx.msk [tilespmem:v25+s0+$0x80 ss:$0x1], $0xffff;
	v26 =	vshrl.u32 v26, $0x3  }
0x1bb: {  	v58 =	vld.idx.msk [tilespmem:v25+s0+$0x60 ss:$0x1], $0xffff;
	v26 =	vshll.u32 v26, $0x3  }
0x1bc: {  	v27 =	vld.idx.msk [tilespmem:v25+s0+$0x40 ss:$0x1], $0xffff;
	v26 =	vbroadcast v26, $0x0  }
0x1bd: {  	v29 =	vld.idx.msk [tilespmem:v25+s0+$0x0 ss:$0x1], $0xffff  }
0x1be: {  	v59 =	vld.idx.msk [tilespmem:v25+s0+$0x20 ss:$0x1], $0xffff;
	v30 =	vadd.s32 v6, v26  }
0x1bf: {  	v60 =	vld.idx.msk [tilespmem:v25+s0+$0x10 ss:$0x1], $0xffff;
	v61 =	vadd.s32 v11, v26  }
0x1c0: {  	v28 =	vld.idx.msk [tilespmem:v25+s0+$0x30 ss:$0x1], $0xffff;
	v63 =	vadd.s32 v15, v26  }
0x1c1: {  	v36 =	vld.idx.msk [tilespmem:v25+s0+$0xF0 ss:$0x1], $0xffff;
	v46 =	vadd.s32 v23, v26  }
0x1c2: {  	v41 =	vld.idx.msk [tilespmem:v25+s0+$0xA0 ss:$0x1], $0xffff;
	v62 =	vadd.s32 v10, v26  }
0x1c3: {  	v40 =	vld.idx.msk [tilespmem:v25+s0+$0xD0 ss:$0x1], $0xffff;
	v42 =	vadd.s32 v19, v26;
	[tilespmem:v30+s20+$0x0] =	vst.idx.msk $0xffff, v29  }
0x1c4: {  	v38 =	vld.idx.msk [tilespmem:v25+s0+$0x70 ss:$0x1], $0xffff;
	v43 =	vadd.s32 v24, v26;
	[tilespmem:v61+s20+$0x0] =	vst.idx.msk $0xffff, v59  }
0x1c5: {  	v34 =	vld.idx.msk [tilespmem:v25+s0+$0x50 ss:$0x1], $0xffff;
	v39 =	vadd.s32 v21, v26;
	[tilespmem:v63+s20+$0x0] =	vst.idx.msk $0xffff, v58  }
0x1c6: {  	v35 =	vld.idx.msk [tilespmem:v25+s0+$0xB0 ss:$0x1], $0xffff;
	v32 =	vadd.s32 v13, v26;
	v44 =	vadd.s32 v22, v26;
	[tilespmem:v46+s20+$0x0] =	vst.idx.msk $0xffff, v45  }
0x1c7: {  	s4 =	sadd.s32 $0x100, s0;
	v37 =	vadd.s32 v16, v26;
	v29 =	vld.idx.msk [tilespmem:v25+s0+$0x90 ss:$0x1], $0xffff;
	v30 =	vadd.s32 v12, v26;
	[tilespmem:v62+s20+$0x0] =	vst.idx.msk $0xffff, v60  }
.LBB2_17:
0x1c8: {  	s2 =	sadd.s32 $0x8, s2;
	v45 =	vld.idx.msk [tilespmem:v25+s4+$0xC0 ss:$0x1], $0xffff;
	[tilespmem:v42+s20+$0x0] =	vst.idx.msk $0xffff, v41  }
0x1c9: {  	v42 =	vadd.s32 v17, v26;
	v41 =	vmov s2;
	v46 =	vld.idx.msk [tilespmem:v25+s4+$0xE0 ss:$0x1], $0xffff;
	p1 =	slt.u32 s2, $0x78;
	[tilespmem:v43+s20+$0x0] =	vst.idx.msk $0xffff, v36  }
0x1ca: {  	v36 =	vshrl.u32 v41, $0x3;
	v47 =	vld.idx.msk [tilespmem:v25+s4+$0x80 ss:$0x1], $0xffff;
	v41 =	vadd.s32 v20, v26;
	[tilespmem:v39+s20+$0x0] =	vst.idx.msk $0xffff, v33  }
0x1cb: {  	v33 =	vshll.u32 v36, $0x3;
	v48 =	vld.idx.msk [tilespmem:v25+s4+$0x60 ss:$0x1], $0xffff;
	v36 =	vadd.s32 v14, v26;
	[tilespmem:v44+s20+$0x0] =	vst.idx.msk $0xffff, v40  }
0x1cc: {  	v40 =	vadd.s32 v18, v26;
	[tilespmem:v32+s20+$0x0] =	vst.idx.msk $0xffff, v27;
	v27 =	vld.idx.msk [tilespmem:v25+s4+$0x40 ss:$0x1], $0xffff;
	v26 =	vbroadcast v33, $0x0  }
0x1cd: {  	v33 =	vld.idx.msk [tilespmem:v25+s4+$0x0 ss:$0x1], $0xffff;
	[tilespmem:v37+s20+$0x0] =	vst.idx.msk $0xffff, v38  }
0x1ce: {  	v37 =	vadd.s32 v6, v26;
	v38 =	vld.idx.msk [tilespmem:v25+s4+$0x20 ss:$0x1], $0xffff;
	v32 =	vadd.s32 v13, v26;
	[tilespmem:v42+s20+$0x0] =	vst.idx.msk $0xffff, v31  }
0x1cf: {  	v49 =	vadd.s32 v11, v26;
	v50 =	vadd.s32 v15, v26;
	v44 =	vld.idx.msk [tilespmem:v25+s4+$0x10 ss:$0x1], $0xffff;
	[tilespmem:v30+s20+$0x0] =	vst.idx.msk $0xffff, v28  }
0x1d0: {  	v51 =	vadd.s32 v10, v26;
	v30 =	vadd.s32 v12, v26;
	v28 =	vld.idx.msk [tilespmem:v25+s4+$0x30 ss:$0x1], $0xffff;
	[tilespmem:v36+s20+$0x0] =	vst.idx.msk $0xffff, v34  }
0x1d1: {  	v42 =	vadd.s32 v19, v26;
	v39 =	vadd.s32 v21, v26;
	v36 =	vld.idx.msk [tilespmem:v25+s4+$0xF0 ss:$0x1], $0xffff;
	[tilespmem:v41+s20+$0x0] =	vst.idx.msk $0xffff, v35  }
0x1d2: {  	v52 =	vadd.s32 v23, v26;
	v43 =	vadd.s32 v24, v26;
	v41 =	vld.idx.msk [tilespmem:v25+s4+$0xA0 ss:$0x1], $0xffff;
	[tilespmem:v40+s20+$0x0] =	vst.idx.msk $0xffff, v29  }
.Ltmp9:
0x1d3: {  	v31 =	vmov v47;
	[tilespmem:v37+s20+$0x0] =	vst.idx.msk $0xffff, v33;
	v37 =	vadd.s32 v16, v26;
	v29 =	vld.idx.msk [tilespmem:v25+s4+$0x90 ss:$0x1], $0xffff;
	v33 =	vmov v45;
	(pc) =	sbr.rel @p1 .LBB2_17-.Ltmp9, $4  }
0x1d4: {  	[tilespmem:v49+s20+$0x0] =	vst.idx.msk $0xffff, v38;
	v40 =	vld.idx.msk [tilespmem:v25+s4+$0xD0 ss:$0x1], $0xffff  }
0x1d5: {  	[tilespmem:v51+s20+$0x0] =	vst.idx.msk $0xffff, v44;
	v38 =	vld.idx.msk [tilespmem:v25+s4+$0x70 ss:$0x1], $0xffff  }
0x1d6: {  	v44 =	vadd.s32 v22, v26;
	v34 =	vld.idx.msk [tilespmem:v25+s4+$0x50 ss:$0x1], $0xffff;
	[tilespmem:v50+s20+$0x0] =	vst.idx.msk $0xffff, v48  }
0x1d7: {  	v35 =	vld.idx.msk [tilespmem:v25+s4+$0xB0 ss:$0x1], $0xffff;
	[tilespmem:v52+s20+$0x0] =	vst.idx.msk $0xffff, v46;
	s4 =	sadd.s32 $0x100, s4  }
0x1d8: {  	_ =	sdelay $0x3  }
0x1d9: {  	[tilespmem:v42+s20+$0x0] =	vst.idx.msk $0xffff, v41  }
0x1da: {  	[tilespmem:v43+s20+$0x0] =	vst.idx.msk $0xffff, v36  }
0x1db: {  	v55 =	vadd.s32 v17, v26;
	[tilespmem:v39+s20+$0x0] =	vst.idx.msk $0xffff, v33  }
0x1dc: {  	v56 =	vadd.s32 v14, v26;
	[tilespmem:v32+s20+$0x0] =	vst.idx.msk $0xffff, v27  }
0x1dd: {  	v57 =	vadd.s32 v20, v26;
	[tilespmem:v30+s20+$0x0] =	vst.idx.msk $0xffff, v28  }
0x1de: {  	v26 =	vadd.s32 v18, v26;
	[tilespmem:v44+s20+$0x0] =	vst.idx.msk $0xffff, v40  }
0x1df: {  	[tilespmem:v37+s20+$0x0] =	vst.idx.msk $0xffff, v38  }
0x1e0: {  	[tilespmem:v55+s20+$0x0] =	vst.idx.msk $0xffff, v31  }
0x1e1: {  	[tilespmem:v56+s20+$0x0] =	vst.idx.msk $0xffff, v34  }
0x1e2: {  	[tilespmem:v57+s20+$0x0] =	vst.idx.msk $0xffff, v35  }
0x1e3: {  	s2 =	sadd.s32 s17, s16;
	[tilespmem:v26+s20+$0x0] =	vst.idx.msk $0xffff, v29  }
0x1e4: {  	[hbm4b:s2+s3] =	stream.linear.scatter [tilespmem:s20], [sflag:$0x6], $0x80, $0x38;
	[tilespmem:$0x1DC00] =	vst v63  }
0x1e5: {  	s8 =	simm.s32 $0x1BA88;
	s4 =	sadd.s32 $0x10, s2  }
0x1e6: {  	[hbm4b:s4+s3] =	stream.linear.scatter [tilespmem:s8], [sflag:$0x6], $0x80, $0x38;
	[tilespmem:$0x1DC00] =	vst v63  }
0x1e7: {  	s4 =	sadd.s32 $0x20, s2;
	s8 =	simm.s32 $0x1BB10  }
0x1e8: {  	[hbm4b:s4+s3] =	stream.linear.scatter [tilespmem:s8], [sflag:$0x6], $0x80, $0x38;
	[tilespmem:$0x1DC00] =	vst v63  }
0x1e9: {  	s4 =	sadd.s32 $0x30, s2;
	s8 =	simm.s32 $0x1BB98  }
0x1ea: {  	[hbm4b:s4+s3] =	stream.linear.scatter [tilespmem:s8], [sflag:$0x6], $0x80, $0x38;
	[tilespmem:$0x1DC00] =	vst v63  }
0x1eb: {  	s4 =	sadd.s32 $0x40, s2;
	s8 =	simm.s32 $0x1BC20  }
0x1ec: {  	[hbm4b:s4+s3] =	stream.linear.scatter [tilespmem:s8], [sflag:$0x6], $0x80, $0x38;
	[tilespmem:$0x1DC00] =	vst v63  }
0x1ed: {  	s4 =	sadd.s32 $0x50, s2;
	s8 =	simm.s32 $0x1BCA8  }
0x1ee: {  	[hbm4b:s4+s3] =	stream.linear.scatter [tilespmem:s8], [sflag:$0x6], $0x80, $0x38;
	[tilespmem:$0x1DC00] =	vst v63  }
0x1ef: {  	s4 =	sadd.s32 $0x60, s2;
	s8 =	simm.s32 $0x1BD30  }
0x1f0: {  	[hbm4b:s4+s3] =	stream.linear.scatter [tilespmem:s8], [sflag:$0x6], $0x80, $0x38;
	[tilespmem:$0x1DC00] =	vst v63  }
0x1f1: {  	s4 =	sadd.s32 $0x70, s2;
	s8 =	simm.s32 $0x1BDB8  }
0x1f2: {  	[hbm4b:s4+s3] =	stream.linear.scatter [tilespmem:s8], [sflag:$0x6], $0x80, $0x38;
	[tilespmem:$0x1DC00] =	vst v63  }
0x1f3: {  	s4 =	sadd.s32 $0x1000, s2;
	s8 =	simm.s32 $0x1BE40  }
0x1f4: {  	[hbm4b:s4+s3] =	stream.linear.scatter [tilespmem:s8], [sflag:$0x6], $0x80, $0x38;
	[tilespmem:$0x1DC00] =	vst v63  }
0x1f5: {  	s4 =	sadd.s32 $0x1010, s2;
	s8 =	simm.s32 $0x1BEC8  }
0x1f6: {  	[hbm4b:s4+s3] =	stream.linear.scatter [tilespmem:s8], [sflag:$0x6], $0x80, $0x38;
	[tilespmem:$0x1DC00] =	vst v63  }
0x1f7: {  	s4 =	sadd.s32 $0x1020, s2;
	s8 =	simm.s32 $0x1BF50  }
0x1f8: {  	[hbm4b:s4+s3] =	stream.linear.scatter [tilespmem:s8], [sflag:$0x6], $0x80, $0x38;
	[tilespmem:$0x1DC00] =	vst v63  }
0x1f9: {  	s4 =	sadd.s32 $0x1030, s2;
	s8 =	simm.s32 $0x1BFD8  }
0x1fa: {  	[hbm4b:s4+s3] =	stream.linear.scatter [tilespmem:s8], [sflag:$0x6], $0x80, $0x38;
	[tilespmem:$0x1DC00] =	vst v63  }
0x1fb: {  	s4 =	sadd.s32 $0x1040, s2;
	s8 =	simm.s32 $0x1C060  }
0x1fc: {  	[hbm4b:s4+s3] =	stream.linear.scatter [tilespmem:s8], [sflag:$0x6], $0x80, $0x38;
	[tilespmem:$0x1DC00] =	vst v63  }
0x1fd: {  	s4 =	sadd.s32 $0x1050, s2;
	s8 =	simm.s32 $0x1C0E8  }
0x1fe: {  	[hbm4b:s4+s3] =	stream.linear.scatter [tilespmem:s8], [sflag:$0x6], $0x80, $0x38;
	[tilespmem:$0x1DC00] =	vst v63  }
0x1ff: {  	s4 =	sadd.s32 $0x1060, s2;
	s8 =	simm.s32 $0x1C170  }
0x200: {  	[hbm4b:s4+s3] =	stream.linear.scatter [tilespmem:s8], [sflag:$0x6], $0x80, $0x38;
	[tilespmem:$0x1DC00] =	vst v63  }
0x201: {  	s4 =	sadd.s32 $0x1070, s2;
	s8 =	simm.s32 $0x1C1F8  }
0x202: {  	[hbm4b:s4+s3] =	stream.linear.scatter [tilespmem:s8], [sflag:$0x6], $0x80, $0x38;
	[tilespmem:$0x1DC00] =	vst v63  }
0x203: {  	s4 =	sadd.s32 $0x2000, s2;
	s8 =	simm.s32 $0x1C280  }
0x204: {  	[hbm4b:s4+s3] =	stream.linear.scatter [tilespmem:s8], [sflag:$0x6], $0x80, $0x38;
	[tilespmem:$0x1DC00] =	vst v63  }
0x205: {  	s4 =	sadd.s32 $0x2010, s2;
	s8 =	simm.s32 $0x1C308  }
0x206: {  	[hbm4b:s4+s3] =	stream.linear.scatter [tilespmem:s8], [sflag:$0x6], $0x80, $0x38;
	[tilespmem:$0x1DC00] =	vst v63  }
0x207: {  	s4 =	sadd.s32 $0x2020, s2;
	s8 =	simm.s32 $0x1C390  }
0x208: {  	[hbm4b:s4+s3] =	stream.linear.scatter [tilespmem:s8], [sflag:$0x6], $0x80, $0x38;
	[tilespmem:$0x1DC00] =	vst v63  }
0x209: {  	s4 =	sadd.s32 $0x2030, s2;
	s8 =	simm.s32 $0x1C418  }
0x20a: {  	[hbm4b:s4+s3] =	stream.linear.scatter [tilespmem:s8], [sflag:$0x6], $0x80, $0x38;
	[tilespmem:$0x1DC00] =	vst v63  }
0x20b: {  	s4 =	sadd.s32 $0x2040, s2;
	s8 =	simm.s32 $0x1C4A0  }
0x20c: {  	[hbm4b:s4+s3] =	stream.linear.scatter [tilespmem:s8], [sflag:$0x6], $0x80, $0x38;
	[tilespmem:$0x1DC00] =	vst v63  }
0x20d: {  	s4 =	sadd.s32 $0x2050, s2;
	s8 =	simm.s32 $0x1C528  }
0x20e: {  	[hbm4b:s4+s3] =	stream.linear.scatter [tilespmem:s8], [sflag:$0x6], $0x80, $0x38;
	[tilespmem:$0x1DC00] =	vst v63  }
0x20f: {  	s4 =	sadd.s32 $0x2060, s2;
	s8 =	simm.s32 $0x1C5B0  }
0x210: {  	[hbm4b:s4+s3] =	stream.linear.scatter [tilespmem:s8], [sflag:$0x6], $0x80, $0x38;
	[tilespmem:$0x1DC00] =	vst v63  }
0x211: {  	s4 =	sadd.s32 $0x2070, s2;
	s8 =	simm.s32 $0x1C638  }
0x212: {  	[hbm4b:s4+s3] =	stream.linear.scatter [tilespmem:s8], [sflag:$0x6], $0x80, $0x38;
	[tilespmem:$0x1DC00] =	vst v63  }
0x213: {  	s4 =	sadd.s32 $0x3000, s2;
	s8 =	simm.s32 $0x1C6C0  }
0x214: {  	[hbm4b:s4+s3] =	stream.linear.scatter [tilespmem:s8], [sflag:$0x6], $0x80, $0x38;
	[tilespmem:$0x1DC00] =	vst v63  }
0x215: {  	s4 =	sadd.s32 $0x3010, s2;
	s8 =	simm.s32 $0x1C748  }
0x216: {  	[hbm4b:s4+s3] =	stream.linear.scatter [tilespmem:s8], [sflag:$0x6], $0x80, $0x38;
	[tilespmem:$0x1DC00] =	vst v63  }
0x217: {  	s4 =	sadd.s32 $0x3020, s2;
	s8 =	simm.s32 $0x1C7D0  }
0x218: {  	[hbm4b:s4+s3] =	stream.linear.scatter [tilespmem:s8], [sflag:$0x6], $0x80, $0x38;
	[tilespmem:$0x1DC00] =	vst v63  }
0x219: {  	s4 =	sadd.s32 $0x3030, s2;
	s8 =	simm.s32 $0x1C858  }
0x21a: {  	[hbm4b:s4+s3] =	stream.linear.scatter [tilespmem:s8], [sflag:$0x6], $0x80, $0x38;
	[tilespmem:$0x1DC00] =	vst v63  }
0x21b: {  	s4 =	sadd.s32 $0x3040, s2;
	s8 =	simm.s32 $0x1C8E0  }
0x21c: {  	[hbm4b:s4+s3] =	stream.linear.scatter [tilespmem:s8], [sflag:$0x6], $0x80, $0x38;
	[tilespmem:$0x1DC00] =	vst v63  }
0x21d: {  	s4 =	sadd.s32 $0x3050, s2;
	s8 =	simm.s32 $0x1C968  }
0x21e: {  	[hbm4b:s4+s3] =	stream.linear.scatter [tilespmem:s8], [sflag:$0x6], $0x80, $0x38;
	[tilespmem:$0x1DC00] =	vst v63  }
0x21f: {  	s4 =	sadd.s32 $0x3060, s2;
	s8 =	simm.s32 $0x1C9F0  }
0x220: {  	[hbm4b:s4+s3] =	stream.linear.scatter [tilespmem:s8], [sflag:$0x6], $0x80, $0x38;
	[tilespmem:$0x1DC00] =	vst v63  }
0x221: {  	s2 =	sadd.s32 $0x3070, s2;
	s8 =	simm.s32 $0x1CA78  }
0x222: {  	[hbm4b:s2+s3] =	stream.linear.scatter [tilespmem:s8], [sflag:$0x6], $0x80, $0x38;
	[tilespmem:$0x1DC00] =	vst v63  }
0x223: {  	s2 =	simm.s32 @!p0 $0x7  }
0x224: {  	_ =	swait.ge @!p0 [sflag:s2], $0x1000  }
0x225: {  	[sflag:s2] =	ssyncset.done @!p0 $0x0  }
0x226: {  	[sflag:s2] =	ssyncadd.s32 @!p0 $0xFFFFF000  }
0x227: {  	s2 =	simm.s32 $0x0;
	v33 =	vld.idx.msk [tilespmem:v25+s19+$0xC0 ss:$0x1], $0xffff  }
0x228: {  	v26 =	vmov s2;
	v45 =	vld.idx.msk [tilespmem:v25+s19+$0xE0 ss:$0x1], $0xffff  }
0x229: {  	v31 =	vld.idx.msk [tilespmem:v25+s19+$0x80 ss:$0x1], $0xffff;
	v26 =	vshrl.u32 v26, $0x3  }
0x22a: {  	v58 =	vld.idx.msk [tilespmem:v25+s19+$0x60 ss:$0x1], $0xffff;
	v26 =	vshll.u32 v26, $0x3  }
0x22b: {  	v27 =	vld.idx.msk [tilespmem:v25+s19+$0x40 ss:$0x1], $0xffff;
	v26 =	vbroadcast v26, $0x0  }
0x22c: {  	v29 =	vld.idx.msk [tilespmem:v25+s19+$0x0 ss:$0x1], $0xffff  }
0x22d: {  	v59 =	vld.idx.msk [tilespmem:v25+s19+$0x20 ss:$0x1], $0xffff;
	v30 =	vadd.s32 v6, v26  }
0x22e: {  	v60 =	vld.idx.msk [tilespmem:v25+s19+$0x10 ss:$0x1], $0xffff;
	v61 =	vadd.s32 v11, v26  }
0x22f: {  	v28 =	vld.idx.msk [tilespmem:v25+s19+$0x30 ss:$0x1], $0xffff;
	v63 =	vadd.s32 v15, v26  }
0x230: {  	v36 =	vld.idx.msk [tilespmem:v25+s19+$0xF0 ss:$0x1], $0xffff;
	v46 =	vadd.s32 v23, v26  }
0x231: {  	v41 =	vld.idx.msk [tilespmem:v25+s19+$0xA0 ss:$0x1], $0xffff;
	v62 =	vadd.s32 v10, v26  }
0x232: {  	v40 =	vld.idx.msk [tilespmem:v25+s19+$0xD0 ss:$0x1], $0xffff;
	v42 =	vadd.s32 v19, v26;
	[tilespmem:v30+s5+$0x0] =	vst.idx.msk $0xffff, v29  }
0x233: {  	v38 =	vld.idx.msk [tilespmem:v25+s19+$0x70 ss:$0x1], $0xffff;
	v43 =	vadd.s32 v24, v26;
	[tilespmem:v61+s5+$0x0] =	vst.idx.msk $0xffff, v59  }
0x234: {  	v34 =	vld.idx.msk [tilespmem:v25+s19+$0x50 ss:$0x1], $0xffff;
	v39 =	vadd.s32 v21, v26;
	[tilespmem:v63+s5+$0x0] =	vst.idx.msk $0xffff, v58  }
0x235: {  	v35 =	vld.idx.msk [tilespmem:v25+s19+$0xB0 ss:$0x1], $0xffff;
	v32 =	vadd.s32 v13, v26;
	v44 =	vadd.s32 v22, v26;
	[tilespmem:v46+s5+$0x0] =	vst.idx.msk $0xffff, v45  }
0x236: {  	s30 =	smov.u32 s11;
	s4 =	sadd.s32 $0x100, s19;
	v37 =	vadd.s32 v16, v26;
	v29 =	vld.idx.msk [tilespmem:v25+s19+$0x90 ss:$0x1], $0xffff;
	v30 =	vadd.s32 v12, v26;
	[tilespmem:v62+s5+$0x0] =	vst.idx.msk $0xffff, v60  }
.LBB2_19:
0x237: {  	s2 =	sadd.s32 $0x8, s2;
	v45 =	vld.idx.msk [tilespmem:v25+s4+$0xC0 ss:$0x1], $0xffff;
	[tilespmem:v42+s5+$0x0] =	vst.idx.msk $0xffff, v41  }
0x238: {  	v42 =	vadd.s32 v17, v26;
	v41 =	vmov s2;
	v46 =	vld.idx.msk [tilespmem:v25+s4+$0xE0 ss:$0x1], $0xffff;
	p0 =	slt.u32 s2, $0x78;
	[tilespmem:v43+s5+$0x0] =	vst.idx.msk $0xffff, v36  }
0x239: {  	v36 =	vshrl.u32 v41, $0x3;
	v47 =	vld.idx.msk [tilespmem:v25+s4+$0x80 ss:$0x1], $0xffff;
	v41 =	vadd.s32 v20, v26;
	[tilespmem:v39+s5+$0x0] =	vst.idx.msk $0xffff, v33  }
0x23a: {  	v33 =	vshll.u32 v36, $0x3;
	v48 =	vld.idx.msk [tilespmem:v25+s4+$0x60 ss:$0x1], $0xffff;
	v36 =	vadd.s32 v14, v26;
	[tilespmem:v44+s5+$0x0] =	vst.idx.msk $0xffff, v40  }
0x23b: {  	v40 =	vadd.s32 v18, v26;
	[tilespmem:v32+s5+$0x0] =	vst.idx.msk $0xffff, v27;
	v27 =	vld.idx.msk [tilespmem:v25+s4+$0x40 ss:$0x1], $0xffff;
	v26 =	vbroadcast v33, $0x0  }
0x23c: {  	v33 =	vld.idx.msk [tilespmem:v25+s4+$0x0 ss:$0x1], $0xffff;
	[tilespmem:v37+s5+$0x0] =	vst.idx.msk $0xffff, v38  }
0x23d: {  	v37 =	vadd.s32 v6, v26;
	v38 =	vld.idx.msk [tilespmem:v25+s4+$0x20 ss:$0x1], $0xffff;
	v32 =	vadd.s32 v13, v26;
	[tilespmem:v42+s5+$0x0] =	vst.idx.msk $0xffff, v31  }
0x23e: {  	v49 =	vadd.s32 v11, v26;
	v50 =	vadd.s32 v15, v26;
	v44 =	vld.idx.msk [tilespmem:v25+s4+$0x10 ss:$0x1], $0xffff;
	[tilespmem:v30+s5+$0x0] =	vst.idx.msk $0xffff, v28  }
0x23f: {  	v51 =	vadd.s32 v10, v26;
	v30 =	vadd.s32 v12, v26;
	v28 =	vld.idx.msk [tilespmem:v25+s4+$0x30 ss:$0x1], $0xffff;
	[tilespmem:v36+s5+$0x0] =	vst.idx.msk $0xffff, v34  }
0x240: {  	v42 =	vadd.s32 v19, v26;
	v39 =	vadd.s32 v21, v26;
	v36 =	vld.idx.msk [tilespmem:v25+s4+$0xF0 ss:$0x1], $0xffff;
	[tilespmem:v41+s5+$0x0] =	vst.idx.msk $0xffff, v35  }
0x241: {  	v52 =	vadd.s32 v23, v26;
	v43 =	vadd.s32 v24, v26;
	v41 =	vld.idx.msk [tilespmem:v25+s4+$0xA0 ss:$0x1], $0xffff;
	[tilespmem:v40+s5+$0x0] =	vst.idx.msk $0xffff, v29  }
.Ltmp10:
0x242: {  	v31 =	vmov v47;
	[tilespmem:v37+s5+$0x0] =	vst.idx.msk $0xffff, v33;
	v37 =	vadd.s32 v16, v26;
	v29 =	vld.idx.msk [tilespmem:v25+s4+$0x90 ss:$0x1], $0xffff;
	v33 =	vmov v45;
	(pc) =	sbr.rel @p0 .LBB2_19-.Ltmp10, $4  }
0x243: {  	[tilespmem:v49+s5+$0x0] =	vst.idx.msk $0xffff, v38;
	v40 =	vld.idx.msk [tilespmem:v25+s4+$0xD0 ss:$0x1], $0xffff  }
0x244: {  	[tilespmem:v51+s5+$0x0] =	vst.idx.msk $0xffff, v44;
	v38 =	vld.idx.msk [tilespmem:v25+s4+$0x70 ss:$0x1], $0xffff  }
0x245: {  	v44 =	vadd.s32 v22, v26;
	v34 =	vld.idx.msk [tilespmem:v25+s4+$0x50 ss:$0x1], $0xffff;
	[tilespmem:v50+s5+$0x0] =	vst.idx.msk $0xffff, v48  }
0x246: {  	v35 =	vld.idx.msk [tilespmem:v25+s4+$0xB0 ss:$0x1], $0xffff;
	[tilespmem:v52+s5+$0x0] =	vst.idx.msk $0xffff, v46;
	s4 =	sadd.s32 $0x100, s4  }
0x247: {  	_ =	sdelay $0x3  }
0x248: {  	[tilespmem:v42+s5+$0x0] =	vst.idx.msk $0xffff, v41  }
0x249: {  	[tilespmem:v43+s5+$0x0] =	vst.idx.msk $0xffff, v36  }
0x24a: {  	v55 =	vadd.s32 v17, v26;
	[tilespmem:v39+s5+$0x0] =	vst.idx.msk $0xffff, v33  }
0x24b: {  	v56 =	vadd.s32 v14, v26;
	[tilespmem:v32+s5+$0x0] =	vst.idx.msk $0xffff, v27  }
0x24c: {  	v57 =	vadd.s32 v20, v26;
	[tilespmem:v30+s5+$0x0] =	vst.idx.msk $0xffff, v28  }
0x24d: {  	v26 =	vadd.s32 v18, v26;
	[tilespmem:v44+s5+$0x0] =	vst.idx.msk $0xffff, v40  }
0x24e: {  	[tilespmem:v37+s5+$0x0] =	vst.idx.msk $0xffff, v38  }
0x24f: {  	[tilespmem:v55+s5+$0x0] =	vst.idx.msk $0xffff, v31  }
0x250: {  	[tilespmem:v56+s5+$0x0] =	vst.idx.msk $0xffff, v34  }
0x251: {  	[tilespmem:v57+s5+$0x0] =	vst.idx.msk $0xffff, v35  }
0x252: {  	s2 =	sadd.s32 s17, s14;
	[tilespmem:v26+s5+$0x0] =	vst.idx.msk $0xffff, v29  }
0x253: {  	[hbm4b:s2+s3] =	stream.linear.scatter [tilespmem:s5], [sflag:$0x7], $0x80, $0x38;
	[tilespmem:$0x1DC00] =	vst v63  }
0x254: {  	s8 =	simm.s32 $0x1CB88;
	s4 =	sadd.s32 $0x10, s2  }
0x255: {  	[hbm4b:s4+s3] =	stream.linear.scatter [tilespmem:s8], [sflag:$0x7], $0x80, $0x38;
	[tilespmem:$0x1DC00] =	vst v63  }
0x256: {  	s11 =	simm.s32 $0x1CC10;
	s8 =	sadd.s32 $0x20, s2  }
0x257: {  	[hbm4b:s8+s3] =	stream.linear.scatter [tilespmem:s11], [sflag:$0x7], $0x80, $0x38;
	[tilespmem:$0x1DC00] =	vst v63  }
0x258: {  	s8 =	sadd.s32 $0x30, s2;
	s11 =	simm.s32 $0x1CC98  }
0x259: {  	[hbm4b:s8+s3] =	stream.linear.scatter [tilespmem:s11], [sflag:$0x7], $0x80, $0x38;
	[tilespmem:$0x1DC00] =	vst v63  }
0x25a: {  	s8 =	sadd.s32 $0x40, s2;
	s11 =	simm.s32 $0x1CD20  }
0x25b: {  	[hbm4b:s8+s3] =	stream.linear.scatter [tilespmem:s11], [sflag:$0x7], $0x80, $0x38;
	[tilespmem:$0x1DC00] =	vst v63  }
0x25c: {  	s8 =	sadd.s32 $0x50, s2;
	s11 =	simm.s32 $0x1CDA8  }
0x25d: {  	[hbm4b:s8+s3] =	stream.linear.scatter [tilespmem:s11], [sflag:$0x7], $0x80, $0x38;
	[tilespmem:$0x1DC00] =	vst v63  }
0x25e: {  	s8 =	sadd.s32 $0x60, s2;
	s11 =	simm.s32 $0x1CE30  }
0x25f: {  	[hbm4b:s8+s3] =	stream.linear.scatter [tilespmem:s11], [sflag:$0x7], $0x80, $0x38;
	[tilespmem:$0x1DC00] =	vst v63  }
0x260: {  	s8 =	sadd.s32 $0x70, s2;
	s11 =	simm.s32 $0x1CEB8  }
0x261: {  	[hbm4b:s8+s3] =	stream.linear.scatter [tilespmem:s11], [sflag:$0x7], $0x80, $0x38;
	[tilespmem:$0x1DC00] =	vst v63  }
0x262: {  	s8 =	sadd.s32 $0x1000, s2;
	s11 =	simm.s32 $0x1CF40  }
0x263: {  	[hbm4b:s8+s3] =	stream.linear.scatter [tilespmem:s11], [sflag:$0x7], $0x80, $0x38;
	[tilespmem:$0x1DC00] =	vst v63  }
0x264: {  	s8 =	sadd.s32 $0x1010, s2;
	s11 =	simm.s32 $0x1CFC8  }
0x265: {  	[hbm4b:s8+s3] =	stream.linear.scatter [tilespmem:s11], [sflag:$0x7], $0x80, $0x38;
	[tilespmem:$0x1DC00] =	vst v63  }
0x266: {  	s8 =	sadd.s32 $0x1020, s2;
	s11 =	simm.s32 $0x1D050  }
0x267: {  	[hbm4b:s8+s3] =	stream.linear.scatter [tilespmem:s11], [sflag:$0x7], $0x80, $0x38;
	[tilespmem:$0x1DC00] =	vst v63  }
0x268: {  	s8 =	sadd.s32 $0x1030, s2;
	s11 =	simm.s32 $0x1D0D8  }
0x269: {  	[hbm4b:s8+s3] =	stream.linear.scatter [tilespmem:s11], [sflag:$0x7], $0x80, $0x38;
	[tilespmem:$0x1DC00] =	vst v63  }
0x26a: {  	s8 =	sadd.s32 $0x1040, s2;
	s11 =	simm.s32 $0x1D160  }
0x26b: {  	[hbm4b:s8+s3] =	stream.linear.scatter [tilespmem:s11], [sflag:$0x7], $0x80, $0x38;
	[tilespmem:$0x1DC00] =	vst v63  }
0x26c: {  	s8 =	sadd.s32 $0x1050, s2;
	s11 =	simm.s32 $0x1D1E8  }
0x26d: {  	[hbm4b:s8+s3] =	stream.linear.scatter [tilespmem:s11], [sflag:$0x7], $0x80, $0x38;
	[tilespmem:$0x1DC00] =	vst v63  }
0x26e: {  	s8 =	sadd.s32 $0x1060, s2;
	s11 =	simm.s32 $0x1D270  }
0x26f: {  	[hbm4b:s8+s3] =	stream.linear.scatter [tilespmem:s11], [sflag:$0x7], $0x80, $0x38;
	[tilespmem:$0x1DC00] =	vst v63  }
0x270: {  	s8 =	sadd.s32 $0x1070, s2;
	s11 =	simm.s32 $0x1D2F8  }
0x271: {  	[hbm4b:s8+s3] =	stream.linear.scatter [tilespmem:s11], [sflag:$0x7], $0x80, $0x38;
	[tilespmem:$0x1DC00] =	vst v63  }
0x272: {  	s8 =	sadd.s32 $0x2000, s2;
	s11 =	simm.s32 $0x1D380  }
0x273: {  	[hbm4b:s8+s3] =	stream.linear.scatter [tilespmem:s11], [sflag:$0x7], $0x80, $0x38;
	[tilespmem:$0x1DC00] =	vst v63  }
0x274: {  	s8 =	sadd.s32 $0x2010, s2;
	s11 =	simm.s32 $0x1D408  }
0x275: {  	[hbm4b:s8+s3] =	stream.linear.scatter [tilespmem:s11], [sflag:$0x7], $0x80, $0x38;
	[tilespmem:$0x1DC00] =	vst v63  }
0x276: {  	s8 =	sadd.s32 $0x2020, s2;
	s11 =	simm.s32 $0x1D490  }
0x277: {  	[hbm4b:s8+s3] =	stream.linear.scatter [tilespmem:s11], [sflag:$0x7], $0x80, $0x38;
	[tilespmem:$0x1DC00] =	vst v63  }
0x278: {  	s8 =	sadd.s32 $0x2030, s2;
	s11 =	simm.s32 $0x1D518  }
0x279: {  	[hbm4b:s8+s3] =	stream.linear.scatter [tilespmem:s11], [sflag:$0x7], $0x80, $0x38;
	[tilespmem:$0x1DC00] =	vst v63  }
0x27a: {  	s8 =	sadd.s32 $0x2040, s2;
	s11 =	simm.s32 $0x1D5A0  }
0x27b: {  	[hbm4b:s8+s3] =	stream.linear.scatter [tilespmem:s11], [sflag:$0x7], $0x80, $0x38;
	[tilespmem:$0x1DC00] =	vst v63  }
0x27c: {  	s8 =	sadd.s32 $0x2050, s2;
	s11 =	simm.s32 $0x1D628  }
0x27d: {  	[hbm4b:s8+s3] =	stream.linear.scatter [tilespmem:s11], [sflag:$0x7], $0x80, $0x38;
	[tilespmem:$0x1DC00] =	vst v63  }
0x27e: {  	s8 =	sadd.s32 $0x2060, s2;
	s11 =	simm.s32 $0x1D6B0  }
0x27f: {  	[hbm4b:s8+s3] =	stream.linear.scatter [tilespmem:s11], [sflag:$0x7], $0x80, $0x38;
	[tilespmem:$0x1DC00] =	vst v63  }
0x280: {  	s8 =	sadd.s32 $0x2070, s2;
	s11 =	simm.s32 $0x1D738  }
0x281: {  	[hbm4b:s8+s3] =	stream.linear.scatter [tilespmem:s11], [sflag:$0x7], $0x80, $0x38;
	[tilespmem:$0x1DC00] =	vst v63  }
0x282: {  	s8 =	sadd.s32 $0x3000, s2;
	s11 =	simm.s32 $0x1D7C0  }
0x283: {  	[hbm4b:s8+s3] =	stream.linear.scatter [tilespmem:s11], [sflag:$0x7], $0x80, $0x38;
	[tilespmem:$0x1DC00] =	vst v63  }
0x284: {  	s8 =	sadd.s32 $0x3010, s2;
	s11 =	simm.s32 $0x1D848  }
0x285: {  	[hbm4b:s8+s3] =	stream.linear.scatter [tilespmem:s11], [sflag:$0x7], $0x80, $0x38;
	[tilespmem:$0x1DC00] =	vst v63  }
0x286: {  	s8 =	sadd.s32 $0x3020, s2;
	s11 =	simm.s32 $0x1D8D0  }
0x287: {  	[hbm4b:s8+s3] =	stream.linear.scatter [tilespmem:s11], [sflag:$0x7], $0x80, $0x38;
	[tilespmem:$0x1DC00] =	vst v63  }
0x288: {  	s8 =	sadd.s32 $0x3030, s2;
	s11 =	simm.s32 $0x1D958  }
0x289: {  	[hbm4b:s8+s3] =	stream.linear.scatter [tilespmem:s11], [sflag:$0x7], $0x80, $0x38;
	[tilespmem:$0x1DC00] =	vst v63  }
0x28a: {  	s8 =	sadd.s32 $0x3040, s2;
	s11 =	simm.s32 $0x1D9E0  }
0x28b: {  	[hbm4b:s8+s3] =	stream.linear.scatter [tilespmem:s11], [sflag:$0x7], $0x80, $0x38;
	[tilespmem:$0x1DC00] =	vst v63  }
0x28c: {  	s8 =	sadd.s32 $0x3050, s2;
	s11 =	simm.s32 $0x1DA68  }
0x28d: {  	[hbm4b:s8+s3] =	stream.linear.scatter [tilespmem:s11], [sflag:$0x7], $0x80, $0x38;
	[tilespmem:$0x1DC00] =	vst v63  }
0x28e: {  	s8 =	sadd.s32 $0x3060, s2;
	s11 =	simm.s32 $0x1DAF0  }
0x28f: {  	[hbm4b:s8+s3] =	stream.linear.scatter [tilespmem:s11], [sflag:$0x7], $0x80, $0x38;
	[tilespmem:$0x1DC00] =	vst v63  }
0x290: {  	s2 =	sadd.s32 $0x3070, s2;
	s8 =	simm.s32 $0x1DB78;
	s11 =	simm.s32 $0x4  }
0x291: {  	[hbm4b:s2+s3] =	stream.linear.scatter [tilespmem:s8], [sflag:$0x7], $0x80, $0x38;
	[tilespmem:$0x1DC00] =	vst v63  }
0x292: {  	_ =	swait.ge [sflag:s11], $0x1000  }
0x293: {  	[sflag:s11] =	ssyncset.done $0x0  }
0x294: {  	[sflag:s11] =	ssyncadd.s32 $0xFFFFF000  }
0x295: {  	s2 =	simm.s32 $0x0;
	v33 =	vld.idx.msk [tilespmem:v25+s21+$0xC0 ss:$0x1], $0xffff  }
0x296: {  	v26 =	vmov s2;
	v45 =	vld.idx.msk [tilespmem:v25+s21+$0xE0 ss:$0x1], $0xffff  }
0x297: {  	v26 =	vshrl.u32 v26, $0x3;
	v31 =	vld.idx.msk [tilespmem:v25+s21+$0x80 ss:$0x1], $0xffff  }
0x298: {  	v26 =	vshll.u32 v26, $0x3;
	v58 =	vld.idx.msk [tilespmem:v25+s21+$0x60 ss:$0x1], $0xffff  }
0x299: {  	v26 =	vbroadcast v26, $0x0;
	v27 =	vld.idx.msk [tilespmem:v25+s21+$0x40 ss:$0x1], $0xffff  }
0x29a: {  	v29 =	vld.idx.msk [tilespmem:v25+s21+$0x0 ss:$0x1], $0xffff  }
0x29b: {  	v59 =	vld.idx.msk [tilespmem:v25+s21+$0x20 ss:$0x1], $0xffff;
	v30 =	vadd.s32 v6, v26  }
0x29c: {  	v60 =	vld.idx.msk [tilespmem:v25+s21+$0x10 ss:$0x1], $0xffff;
	v61 =	vadd.s32 v11, v26  }
0x29d: {  	v28 =	vld.idx.msk [tilespmem:v25+s21+$0x30 ss:$0x1], $0xffff;
	v63 =	vadd.s32 v15, v26  }
0x29e: {  	v36 =	vld.idx.msk [tilespmem:v25+s21+$0xF0 ss:$0x1], $0xffff;
	v46 =	vadd.s32 v23, v26  }
0x29f: {  	v41 =	vld.idx.msk [tilespmem:v25+s21+$0xA0 ss:$0x1], $0xffff;
	v62 =	vadd.s32 v10, v26  }
0x2a0: {  	v40 =	vld.idx.msk [tilespmem:v25+s21+$0xD0 ss:$0x1], $0xffff;
	v42 =	vadd.s32 v19, v26;
	[tilespmem:v30+s23+$0x0] =	vst.idx.msk $0xffff, v29  }
0x2a1: {  	v38 =	vld.idx.msk [tilespmem:v25+s21+$0x70 ss:$0x1], $0xffff;
	v43 =	vadd.s32 v24, v26;
	[tilespmem:v61+s23+$0x0] =	vst.idx.msk $0xffff, v59  }
0x2a2: {  	v34 =	vld.idx.msk [tilespmem:v25+s21+$0x50 ss:$0x1], $0xffff;
	v39 =	vadd.s32 v21, v26;
	[tilespmem:v63+s23+$0x0] =	vst.idx.msk $0xffff, v58  }
0x2a3: {  	v35 =	vld.idx.msk [tilespmem:v25+s21+$0xB0 ss:$0x1], $0xffff;
	v32 =	vadd.s32 v13, v26;
	v44 =	vadd.s32 v22, v26;
	[tilespmem:v46+s23+$0x0] =	vst.idx.msk $0xffff, v45  }
0x2a4: {  	s4 =	sadd.s32 $0x100, s21;
	s11 =	smov.u32 s12;
	v37 =	vadd.s32 v16, v26;
	v29 =	vld.idx.msk [tilespmem:v25+s21+$0x90 ss:$0x1], $0xffff;
	v30 =	vadd.s32 v12, v26;
	[tilespmem:v62+s23+$0x0] =	vst.idx.msk $0xffff, v60  }
.LBB2_21:
0x2a5: {  	s2 =	sadd.s32 $0x8, s2;
	v45 =	vld.idx.msk [tilespmem:v25+s4+$0xC0 ss:$0x1], $0xffff;
	[tilespmem:v42+s23+$0x0] =	vst.idx.msk $0xffff, v41  }
0x2a6: {  	v42 =	vadd.s32 v17, v26;
	v41 =	vmov s2;
	v46 =	vld.idx.msk [tilespmem:v25+s4+$0xE0 ss:$0x1], $0xffff;
	p0 =	slt.u32 s2, $0x78;
	[tilespmem:v43+s23+$0x0] =	vst.idx.msk $0xffff, v36  }
0x2a7: {  	v36 =	vshrl.u32 v41, $0x3;
	v47 =	vld.idx.msk [tilespmem:v25+s4+$0x80 ss:$0x1], $0xffff;
	v41 =	vadd.s32 v20, v26;
	[tilespmem:v39+s23+$0x0] =	vst.idx.msk $0xffff, v33  }
0x2a8: {  	v33 =	vshll.u32 v36, $0x3;
	v48 =	vld.idx.msk [tilespmem:v25+s4+$0x60 ss:$0x1], $0xffff;
	v36 =	vadd.s32 v14, v26;
	[tilespmem:v44+s23+$0x0] =	vst.idx.msk $0xffff, v40  }
0x2a9: {  	v40 =	vadd.s32 v18, v26;
	[tilespmem:v32+s23+$0x0] =	vst.idx.msk $0xffff, v27;
	v27 =	vld.idx.msk [tilespmem:v25+s4+$0x40 ss:$0x1], $0xffff;
	v26 =	vbroadcast v33, $0x0  }
0x2aa: {  	v33 =	vld.idx.msk [tilespmem:v25+s4+$0x0 ss:$0x1], $0xffff;
	[tilespmem:v37+s23+$0x0] =	vst.idx.msk $0xffff, v38  }
0x2ab: {  	v37 =	vadd.s32 v6, v26;
	v38 =	vld.idx.msk [tilespmem:v25+s4+$0x20 ss:$0x1], $0xffff;
	v32 =	vadd.s32 v13, v26;
	[tilespmem:v42+s23+$0x0] =	vst.idx.msk $0xffff, v31  }
0x2ac: {  	v49 =	vadd.s32 v11, v26;
	v50 =	vadd.s32 v15, v26;
	v44 =	vld.idx.msk [tilespmem:v25+s4+$0x10 ss:$0x1], $0xffff;
	[tilespmem:v30+s23+$0x0] =	vst.idx.msk $0xffff, v28  }
0x2ad: {  	v51 =	vadd.s32 v10, v26;
	v30 =	vadd.s32 v12, v26;
	v28 =	vld.idx.msk [tilespmem:v25+s4+$0x30 ss:$0x1], $0xffff;
	[tilespmem:v36+s23+$0x0] =	vst.idx.msk $0xffff, v34  }
0x2ae: {  	v42 =	vadd.s32 v19, v26;
	v39 =	vadd.s32 v21, v26;
	v36 =	vld.idx.msk [tilespmem:v25+s4+$0xF0 ss:$0x1], $0xffff;
	[tilespmem:v41+s23+$0x0] =	vst.idx.msk $0xffff, v35  }
0x2af: {  	v52 =	vadd.s32 v23, v26;
	v43 =	vadd.s32 v24, v26;
	v41 =	vld.idx.msk [tilespmem:v25+s4+$0xA0 ss:$0x1], $0xffff;
	[tilespmem:v40+s23+$0x0] =	vst.idx.msk $0xffff, v29  }
.Ltmp11:
0x2b0: {  	v31 =	vmov v47;
	[tilespmem:v37+s23+$0x0] =	vst.idx.msk $0xffff, v33;
	v37 =	vadd.s32 v16, v26;
	v29 =	vld.idx.msk [tilespmem:v25+s4+$0x90 ss:$0x1], $0xffff;
	v33 =	vmov v45;
	(pc) =	sbr.rel @p0 .LBB2_21-.Ltmp11, $4  }
0x2b1: {  	[tilespmem:v49+s23+$0x0] =	vst.idx.msk $0xffff, v38;
	v40 =	vld.idx.msk [tilespmem:v25+s4+$0xD0 ss:$0x1], $0xffff  }
0x2b2: {  	[tilespmem:v51+s23+$0x0] =	vst.idx.msk $0xffff, v44;
	v38 =	vld.idx.msk [tilespmem:v25+s4+$0x70 ss:$0x1], $0xffff  }
0x2b3: {  	v44 =	vadd.s32 v22, v26;
	v34 =	vld.idx.msk [tilespmem:v25+s4+$0x50 ss:$0x1], $0xffff;
	[tilespmem:v50+s23+$0x0] =	vst.idx.msk $0xffff, v48  }
0x2b4: {  	v35 =	vld.idx.msk [tilespmem:v25+s4+$0xB0 ss:$0x1], $0xffff;
	[tilespmem:v52+s23+$0x0] =	vst.idx.msk $0xffff, v46;
	s4 =	sadd.s32 $0x100, s4  }
0x2b5: {  	_ =	sdelay $0x3  }
0x2b6: {  	[tilespmem:v42+s23+$0x0] =	vst.idx.msk $0xffff, v41  }
0x2b7: {  	[tilespmem:v43+s23+$0x0] =	vst.idx.msk $0xffff, v36  }
0x2b8: {  	v55 =	vadd.s32 v17, v26;
	[tilespmem:v39+s23+$0x0] =	vst.idx.msk $0xffff, v33  }
0x2b9: {  	v56 =	vadd.s32 v14, v26;
	[tilespmem:v32+s23+$0x0] =	vst.idx.msk $0xffff, v27  }
0x2ba: {  	v57 =	vadd.s32 v20, v26;
	[tilespmem:v30+s23+$0x0] =	vst.idx.msk $0xffff, v28  }
0x2bb: {  	v26 =	vadd.s32 v18, v26;
	[tilespmem:v44+s23+$0x0] =	vst.idx.msk $0xffff, v40  }
0x2bc: {  	[tilespmem:v37+s23+$0x0] =	vst.idx.msk $0xffff, v38  }
0x2bd: {  	[tilespmem:v55+s23+$0x0] =	vst.idx.msk $0xffff, v31  }
0x2be: {  	[tilespmem:v56+s23+$0x0] =	vst.idx.msk $0xffff, v34  }
0x2bf: {  	[tilespmem:v57+s23+$0x0] =	vst.idx.msk $0xffff, v35  }
0x2c0: {  	s2 =	sadd.s32 s17, s24;
	[tilespmem:v26+s23+$0x0] =	vst.idx.msk $0xffff, v29  }
0x2c1: {  	[hbm4b:s2+s3] =	stream.linear.scatter [tilespmem:s23], [sflag:$0x4], $0x80, $0x38;
	[tilespmem:$0x1DC00] =	vst v63  }
0x2c2: {  	s4 =	sadd.s32 $0x10, s2  }
0x2c3: {  	[hbm4b:s4+s3] =	stream.linear.scatter [tilespmem:s9], [sflag:$0x4], $0x80, $0x38;
	[tilespmem:$0x1DC00] =	vst v63  }
0x2c4: {  	s12 =	sadd.s32 $0x20, s2  }
0x2c5: {  	[hbm4b:s12+s3] =	stream.linear.scatter [tilespmem:s10], [sflag:$0x4], $0x80, $0x38;
	[tilespmem:$0x1DC00] =	vst v63  }
0x2c6: {  	s8 =	sadd.s32 $0x30, s2  }
0x2c7: {  	[hbm4b:s8+s3] =	stream.linear.scatter [tilespmem:s31], [sflag:$0x4], $0x80, $0x38;
	[tilespmem:$0x1DC00] =	vst v63  }
0x2c8: {  	s10 =	sadd.s32 $0x40, s2;
	s8 =	simm.s32 $0x19A20  }
0x2c9: {  	[hbm4b:s10+s3] =	stream.linear.scatter [tilespmem:s8], [sflag:$0x4], $0x80, $0x38;
	[tilespmem:$0x1DC00] =	vst v63  }
0x2ca: {  	s12 =	sadd.s32 $0x50, s2;
	s31 =	simm.s32 $0x19AA8  }
0x2cb: {  	[hbm4b:s12+s3] =	stream.linear.scatter [tilespmem:s31], [sflag:$0x4], $0x80, $0x38;
	[tilespmem:$0x1DC00] =	vst v63  }
0x2cc: {  	s8 =	sadd.s32 $0x60, s2;
	s10 =	simm.s32 $0x19B30  }
0x2cd: {  	[hbm4b:s8+s3] =	stream.linear.scatter [tilespmem:s10], [sflag:$0x4], $0x80, $0x38;
	[tilespmem:$0x1DC00] =	vst v63  }
0x2ce: {  	s12 =	sadd.s32 $0x70, s2;
	s31 =	simm.s32 $0x19BB8  }
0x2cf: {  	[hbm4b:s12+s3] =	stream.linear.scatter [tilespmem:s31], [sflag:$0x4], $0x80, $0x38;
	[tilespmem:$0x1DC00] =	vst v63  }
0x2d0: {  	s8 =	sadd.s32 $0x1000, s2;
	s10 =	simm.s32 $0x19C40  }
0x2d1: {  	[hbm4b:s8+s3] =	stream.linear.scatter [tilespmem:s10], [sflag:$0x4], $0x80, $0x38;
	[tilespmem:$0x1DC00] =	vst v63  }
0x2d2: {  	s12 =	sadd.s32 $0x1010, s2;
	s31 =	simm.s32 $0x19CC8  }
0x2d3: {  	[hbm4b:s12+s3] =	stream.linear.scatter [tilespmem:s31], [sflag:$0x4], $0x80, $0x38;
	[tilespmem:$0x1DC00] =	vst v63  }
0x2d4: {  	s8 =	sadd.s32 $0x1020, s2;
	s10 =	simm.s32 $0x19D50  }
0x2d5: {  	[hbm4b:s8+s3] =	stream.linear.scatter [tilespmem:s10], [sflag:$0x4], $0x80, $0x38;
	[tilespmem:$0x1DC00] =	vst v63  }
0x2d6: {  	s12 =	sadd.s32 $0x1030, s2;
	s31 =	simm.s32 $0x19DD8  }
0x2d7: {  	[hbm4b:s12+s3] =	stream.linear.scatter [tilespmem:s31], [sflag:$0x4], $0x80, $0x38;
	[tilespmem:$0x1DC00] =	vst v63  }
0x2d8: {  	s8 =	sadd.s32 $0x1040, s2;
	s10 =	simm.s32 $0x19E60  }
0x2d9: {  	[hbm4b:s8+s3] =	stream.linear.scatter [tilespmem:s10], [sflag:$0x4], $0x80, $0x38;
	[tilespmem:$0x1DC00] =	vst v63  }
0x2da: {  	s12 =	sadd.s32 $0x1050, s2;
	s31 =	simm.s32 $0x19EE8  }
0x2db: {  	[hbm4b:s12+s3] =	stream.linear.scatter [tilespmem:s31], [sflag:$0x4], $0x80, $0x38;
	[tilespmem:$0x1DC00] =	vst v63  }
0x2dc: {  	s8 =	sadd.s32 $0x1060, s2;
	s10 =	simm.s32 $0x19F70  }
0x2dd: {  	[hbm4b:s8+s3] =	stream.linear.scatter [tilespmem:s10], [sflag:$0x4], $0x80, $0x38;
	[tilespmem:$0x1DC00] =	vst v63  }
0x2de: {  	s12 =	sadd.s32 $0x1070, s2;
	s31 =	simm.s32 $0x19FF8  }
0x2df: {  	[hbm4b:s12+s3] =	stream.linear.scatter [tilespmem:s31], [sflag:$0x4], $0x80, $0x38;
	[tilespmem:$0x1DC00] =	vst v63  }
0x2e0: {  	s8 =	sadd.s32 $0x2000, s2;
	s10 =	simm.s32 $0x1A080  }
0x2e1: {  	[hbm4b:s8+s3] =	stream.linear.scatter [tilespmem:s10], [sflag:$0x4], $0x80, $0x38;
	[tilespmem:$0x1DC00] =	vst v63  }
0x2e2: {  	s12 =	sadd.s32 $0x2010, s2;
	s31 =	simm.s32 $0x1A108  }
0x2e3: {  	[hbm4b:s12+s3] =	stream.linear.scatter [tilespmem:s31], [sflag:$0x4], $0x80, $0x38;
	[tilespmem:$0x1DC00] =	vst v63  }
0x2e4: {  	s8 =	sadd.s32 $0x2020, s2;
	s10 =	simm.s32 $0x1A190  }
0x2e5: {  	[hbm4b:s8+s3] =	stream.linear.scatter [tilespmem:s10], [sflag:$0x4], $0x80, $0x38;
	[tilespmem:$0x1DC00] =	vst v63  }
0x2e6: {  	s12 =	sadd.s32 $0x2030, s2;
	s31 =	simm.s32 $0x1A218  }
0x2e7: {  	[hbm4b:s12+s3] =	stream.linear.scatter [tilespmem:s31], [sflag:$0x4], $0x80, $0x38;
	[tilespmem:$0x1DC00] =	vst v63  }
0x2e8: {  	s8 =	sadd.s32 $0x2040, s2;
	s10 =	simm.s32 $0x1A2A0  }
0x2e9: {  	[hbm4b:s8+s3] =	stream.linear.scatter [tilespmem:s10], [sflag:$0x4], $0x80, $0x38;
	[tilespmem:$0x1DC00] =	vst v63  }
0x2ea: {  	s12 =	sadd.s32 $0x2050, s2;
	s31 =	simm.s32 $0x1A328  }
0x2eb: {  	[hbm4b:s12+s3] =	stream.linear.scatter [tilespmem:s31], [sflag:$0x4], $0x80, $0x38;
	[tilespmem:$0x1DC00] =	vst v63  }
0x2ec: {  	s8 =	sadd.s32 $0x2060, s2;
	s10 =	simm.s32 $0x1A3B0  }
0x2ed: {  	[hbm4b:s8+s3] =	stream.linear.scatter [tilespmem:s10], [sflag:$0x4], $0x80, $0x38;
	[tilespmem:$0x1DC00] =	vst v63  }
0x2ee: {  	s12 =	sadd.s32 $0x2070, s2;
	s31 =	simm.s32 $0x1A438  }
0x2ef: {  	[hbm4b:s12+s3] =	stream.linear.scatter [tilespmem:s31], [sflag:$0x4], $0x80, $0x38;
	[tilespmem:$0x1DC00] =	vst v63  }
0x2f0: {  	s8 =	sadd.s32 $0x3000, s2;
	s10 =	simm.s32 $0x1A4C0  }
0x2f1: {  	[hbm4b:s8+s3] =	stream.linear.scatter [tilespmem:s10], [sflag:$0x4], $0x80, $0x38;
	[tilespmem:$0x1DC00] =	vst v63  }
0x2f2: {  	s12 =	sadd.s32 $0x3010, s2;
	s31 =	simm.s32 $0x1A548  }
0x2f3: {  	[hbm4b:s12+s3] =	stream.linear.scatter [tilespmem:s31], [sflag:$0x4], $0x80, $0x38;
	[tilespmem:$0x1DC00] =	vst v63  }
0x2f4: {  	s8 =	sadd.s32 $0x3020, s2;
	s10 =	simm.s32 $0x1A5D0  }
0x2f5: {  	[hbm4b:s8+s3] =	stream.linear.scatter [tilespmem:s10], [sflag:$0x4], $0x80, $0x38;
	[tilespmem:$0x1DC00] =	vst v63  }
0x2f6: {  	s12 =	sadd.s32 $0x3030, s2;
	s31 =	simm.s32 $0x1A658  }
0x2f7: {  	[hbm4b:s12+s3] =	stream.linear.scatter [tilespmem:s31], [sflag:$0x4], $0x80, $0x38;
	[tilespmem:$0x1DC00] =	vst v63  }
0x2f8: {  	s8 =	sadd.s32 $0x3040, s2;
	s10 =	simm.s32 $0x1A6E0  }
0x2f9: {  	[hbm4b:s8+s3] =	stream.linear.scatter [tilespmem:s10], [sflag:$0x4], $0x80, $0x38;
	[tilespmem:$0x1DC00] =	vst v63  }
0x2fa: {  	s12 =	sadd.s32 $0x3050, s2;
	s31 =	simm.s32 $0x1A768  }
0x2fb: {  	[hbm4b:s12+s3] =	stream.linear.scatter [tilespmem:s31], [sflag:$0x4], $0x80, $0x38;
	[tilespmem:$0x1DC00] =	vst v63  }
0x2fc: {  	s8 =	sadd.s32 $0x3060, s2;
	s10 =	simm.s32 $0x1A7F0  }
0x2fd: {  	[hbm4b:s8+s3] =	stream.linear.scatter [tilespmem:s10], [sflag:$0x4], $0x80, $0x38;
	[tilespmem:$0x1DC00] =	vst v63  }
0x2fe: {  	s2 =	sadd.s32 $0x3070, s2;
	s12 =	simm.s32 $0x1A878;
	s31 =	simm.s32 $0x5  }
0x2ff: {  	[hbm4b:s2+s3] =	stream.linear.scatter [tilespmem:s12], [sflag:$0x4], $0x80, $0x38;
	[tilespmem:$0x1DC00] =	vst v63  }
0x300: {  	_ =	swait.ge [sflag:s31], $0x1000  }
0x301: {  	[sflag:s31] =	ssyncset.done $0x0  }
0x302: {  	[sflag:s31] =	ssyncadd.s32 $0xFFFFF000  }
0x303: {  	s2 =	simm.s32 $0x0;
	v33 =	vld.idx.msk [tilespmem:v25+s22+$0xC0 ss:$0x1], $0xffff  }
0x304: {  	v26 =	vmov s2;
	v45 =	vld.idx.msk [tilespmem:v25+s22+$0xE0 ss:$0x1], $0xffff  }
0x305: {  	v26 =	vshrl.u32 v26, $0x3;
	v31 =	vld.idx.msk [tilespmem:v25+s22+$0x80 ss:$0x1], $0xffff  }
0x306: {  	v26 =	vshll.u32 v26, $0x3;
	v58 =	vld.idx.msk [tilespmem:v25+s22+$0x60 ss:$0x1], $0xffff  }
0x307: {  	v26 =	vbroadcast v26, $0x0;
	v27 =	vld.idx.msk [tilespmem:v25+s22+$0x40 ss:$0x1], $0xffff  }
0x308: {  	v29 =	vld.idx.msk [tilespmem:v25+s22+$0x0 ss:$0x1], $0xffff  }
0x309: {  	v59 =	vld.idx.msk [tilespmem:v25+s22+$0x20 ss:$0x1], $0xffff;
	v30 =	vadd.s32 v6, v26  }
0x30a: {  	v60 =	vld.idx.msk [tilespmem:v25+s22+$0x10 ss:$0x1], $0xffff;
	v61 =	vadd.s32 v11, v26  }
0x30b: {  	v28 =	vld.idx.msk [tilespmem:v25+s22+$0x30 ss:$0x1], $0xffff;
	v63 =	vadd.s32 v15, v26  }
0x30c: {  	v36 =	vld.idx.msk [tilespmem:v25+s22+$0xF0 ss:$0x1], $0xffff;
	v46 =	vadd.s32 v23, v26  }
0x30d: {  	v41 =	vld.idx.msk [tilespmem:v25+s22+$0xA0 ss:$0x1], $0xffff;
	v62 =	vadd.s32 v10, v26  }
0x30e: {  	v40 =	vld.idx.msk [tilespmem:v25+s22+$0xD0 ss:$0x1], $0xffff;
	v42 =	vadd.s32 v19, v26;
	[tilespmem:v30+s29+$0x0] =	vst.idx.msk $0xffff, v29  }
0x30f: {  	v38 =	vld.idx.msk [tilespmem:v25+s22+$0x70 ss:$0x1], $0xffff;
	v43 =	vadd.s32 v24, v26;
	[tilespmem:v61+s29+$0x0] =	vst.idx.msk $0xffff, v59  }
0x310: {  	v34 =	vld.idx.msk [tilespmem:v25+s22+$0x50 ss:$0x1], $0xffff;
	v39 =	vadd.s32 v21, v26;
	[tilespmem:v63+s29+$0x0] =	vst.idx.msk $0xffff, v58  }
0x311: {  	v35 =	vld.idx.msk [tilespmem:v25+s22+$0xB0 ss:$0x1], $0xffff;
	v32 =	vadd.s32 v13, v26;
	v44 =	vadd.s32 v22, v26;
	[tilespmem:v46+s29+$0x0] =	vst.idx.msk $0xffff, v45  }
0x312: {  	s4 =	sadd.s32 $0x100, s22;
	v37 =	vadd.s32 v16, v26;
	v29 =	vld.idx.msk [tilespmem:v25+s22+$0x90 ss:$0x1], $0xffff;
	v30 =	vadd.s32 v12, v26;
	[tilespmem:v62+s29+$0x0] =	vst.idx.msk $0xffff, v60  }
.LBB2_23:
0x313: {  	s2 =	sadd.s32 $0x8, s2;
	v45 =	vld.idx.msk [tilespmem:v25+s4+$0xC0 ss:$0x1], $0xffff;
	[tilespmem:v42+s29+$0x0] =	vst.idx.msk $0xffff, v41  }
0x314: {  	v42 =	vadd.s32 v17, v26;
	v41 =	vmov s2;
	v46 =	vld.idx.msk [tilespmem:v25+s4+$0xE0 ss:$0x1], $0xffff;
	p0 =	slt.u32 s2, $0x78;
	[tilespmem:v43+s29+$0x0] =	vst.idx.msk $0xffff, v36  }
0x315: {  	v36 =	vshrl.u32 v41, $0x3;
	v47 =	vld.idx.msk [tilespmem:v25+s4+$0x80 ss:$0x1], $0xffff;
	v41 =	vadd.s32 v20, v26;
	[tilespmem:v39+s29+$0x0] =	vst.idx.msk $0xffff, v33  }
0x316: {  	v33 =	vshll.u32 v36, $0x3;
	v48 =	vld.idx.msk [tilespmem:v25+s4+$0x60 ss:$0x1], $0xffff;
	v36 =	vadd.s32 v14, v26;
	[tilespmem:v44+s29+$0x0] =	vst.idx.msk $0xffff, v40  }
0x317: {  	v40 =	vadd.s32 v18, v26;
	[tilespmem:v32+s29+$0x0] =	vst.idx.msk $0xffff, v27;
	v27 =	vld.idx.msk [tilespmem:v25+s4+$0x40 ss:$0x1], $0xffff;
	v26 =	vbroadcast v33, $0x0  }
0x318: {  	v33 =	vld.idx.msk [tilespmem:v25+s4+$0x0 ss:$0x1], $0xffff;
	[tilespmem:v37+s29+$0x0] =	vst.idx.msk $0xffff, v38  }
0x319: {  	v37 =	vadd.s32 v6, v26;
	v38 =	vld.idx.msk [tilespmem:v25+s4+$0x20 ss:$0x1], $0xffff;
	v32 =	vadd.s32 v13, v26;
	[tilespmem:v42+s29+$0x0] =	vst.idx.msk $0xffff, v31  }
0x31a: {  	v49 =	vadd.s32 v11, v26;
	v50 =	vadd.s32 v15, v26;
	v44 =	vld.idx.msk [tilespmem:v25+s4+$0x10 ss:$0x1], $0xffff;
	[tilespmem:v30+s29+$0x0] =	vst.idx.msk $0xffff, v28  }
0x31b: {  	v51 =	vadd.s32 v10, v26;
	v30 =	vadd.s32 v12, v26;
	v28 =	vld.idx.msk [tilespmem:v25+s4+$0x30 ss:$0x1], $0xffff;
	[tilespmem:v36+s29+$0x0] =	vst.idx.msk $0xffff, v34  }
0x31c: {  	v42 =	vadd.s32 v19, v26;
	v39 =	vadd.s32 v21, v26;
	v36 =	vld.idx.msk [tilespmem:v25+s4+$0xF0 ss:$0x1], $0xffff;
	[tilespmem:v41+s29+$0x0] =	vst.idx.msk $0xffff, v35  }
0x31d: {  	v52 =	vadd.s32 v23, v26;
	v43 =	vadd.s32 v24, v26;
	v41 =	vld.idx.msk [tilespmem:v25+s4+$0xA0 ss:$0x1], $0xffff;
	[tilespmem:v40+s29+$0x0] =	vst.idx.msk $0xffff, v29  }
.Ltmp12:
0x31e: {  	v31 =	vmov v47;
	[tilespmem:v37+s29+$0x0] =	vst.idx.msk $0xffff, v33;
	v37 =	vadd.s32 v16, v26;
	v29 =	vld.idx.msk [tilespmem:v25+s4+$0x90 ss:$0x1], $0xffff;
	v33 =	vmov v45;
	(pc) =	sbr.rel @p0 .LBB2_23-.Ltmp12, $4  }
0x31f: {  	[tilespmem:v49+s29+$0x0] =	vst.idx.msk $0xffff, v38;
	v40 =	vld.idx.msk [tilespmem:v25+s4+$0xD0 ss:$0x1], $0xffff  }
0x320: {  	[tilespmem:v51+s29+$0x0] =	vst.idx.msk $0xffff, v44;
	v38 =	vld.idx.msk [tilespmem:v25+s4+$0x70 ss:$0x1], $0xffff  }
0x321: {  	v44 =	vadd.s32 v22, v26;
	v34 =	vld.idx.msk [tilespmem:v25+s4+$0x50 ss:$0x1], $0xffff;
	[tilespmem:v50+s29+$0x0] =	vst.idx.msk $0xffff, v48  }
0x322: {  	v35 =	vld.idx.msk [tilespmem:v25+s4+$0xB0 ss:$0x1], $0xffff;
	[tilespmem:v52+s29+$0x0] =	vst.idx.msk $0xffff, v46;
	s4 =	sadd.s32 $0x100, s4  }
0x323: {  	_ =	sdelay $0x3  }
0x324: {  	[tilespmem:v42+s29+$0x0] =	vst.idx.msk $0xffff, v41  }
0x325: {  	[tilespmem:v43+s29+$0x0] =	vst.idx.msk $0xffff, v36  }
0x326: {  	v55 =	vadd.s32 v17, v26;
	[tilespmem:v39+s29+$0x0] =	vst.idx.msk $0xffff, v33  }
0x327: {  	v56 =	vadd.s32 v14, v26;
	[tilespmem:v32+s29+$0x0] =	vst.idx.msk $0xffff, v27  }
0x328: {  	v57 =	vadd.s32 v20, v26;
	[tilespmem:v30+s29+$0x0] =	vst.idx.msk $0xffff, v28  }
0x329: {  	v26 =	vadd.s32 v18, v26;
	[tilespmem:v44+s29+$0x0] =	vst.idx.msk $0xffff, v40  }
0x32a: {  	[tilespmem:v37+s29+$0x0] =	vst.idx.msk $0xffff, v38  }
0x32b: {  	[tilespmem:v55+s29+$0x0] =	vst.idx.msk $0xffff, v31  }
0x32c: {  	[tilespmem:v56+s29+$0x0] =	vst.idx.msk $0xffff, v34  }
0x32d: {  	[tilespmem:v57+s29+$0x0] =	vst.idx.msk $0xffff, v35  }
0x32e: {  	s2 =	sadd.s32 s17, s25;
	[tilespmem:v26+s29+$0x0] =	vst.idx.msk $0xffff, v29  }
0x32f: {  	[hbm4b:s2+s3] =	stream.linear.scatter [tilespmem:s29], [sflag:$0x5], $0x80, $0x38;
	[tilespmem:$0x1DC00] =	vst v63  }
0x330: {  	s8 =	simm.s32 $0x1A988;
	s4 =	sadd.s32 $0x10, s2  }
0x331: {  	[hbm4b:s4+s3] =	stream.linear.scatter [tilespmem:s8], [sflag:$0x5], $0x80, $0x38;
	[tilespmem:$0x1DC00] =	vst v63  }
0x332: {  	s10 =	simm.s32 $0x1AA10;
	s8 =	sadd.s32 $0x20, s2  }
0x333: {  	[hbm4b:s8+s3] =	stream.linear.scatter [tilespmem:s10], [sflag:$0x5], $0x80, $0x38;
	[tilespmem:$0x1DC00] =	vst v63  }
0x334: {  	s31 =	simm.s32 $0x1AA98;
	s12 =	sadd.s32 $0x30, s2  }
0x335: {  	[hbm4b:s12+s3] =	stream.linear.scatter [tilespmem:s31], [sflag:$0x5], $0x80, $0x38;
	[tilespmem:$0x1DC00] =	vst v63  }
0x336: {  	s8 =	sadd.s32 $0x40, s2;
	s10 =	simm.s32 $0x1AB20  }
0x337: {  	[hbm4b:s8+s3] =	stream.linear.scatter [tilespmem:s10], [sflag:$0x5], $0x80, $0x38;
	[tilespmem:$0x1DC00] =	vst v63  }
0x338: {  	s12 =	sadd.s32 $0x50, s2;
	s31 =	simm.s32 $0x1ABA8  }
0x339: {  	[hbm4b:s12+s3] =	stream.linear.scatter [tilespmem:s31], [sflag:$0x5], $0x80, $0x38;
	[tilespmem:$0x1DC00] =	vst v63  }
0x33a: {  	s8 =	sadd.s32 $0x60, s2;
	s10 =	simm.s32 $0x1AC30  }
0x33b: {  	[hbm4b:s8+s3] =	stream.linear.scatter [tilespmem:s10], [sflag:$0x5], $0x80, $0x38;
	[tilespmem:$0x1DC00] =	vst v63  }
0x33c: {  	s12 =	sadd.s32 $0x70, s2;
	s31 =	simm.s32 $0x1ACB8  }
0x33d: {  	[hbm4b:s12+s3] =	stream.linear.scatter [tilespmem:s31], [sflag:$0x5], $0x80, $0x38;
	[tilespmem:$0x1DC00] =	vst v63  }
0x33e: {  	s8 =	sadd.s32 $0x1000, s2;
	s10 =	simm.s32 $0x1AD40  }
0x33f: {  	[hbm4b:s8+s3] =	stream.linear.scatter [tilespmem:s10], [sflag:$0x5], $0x80, $0x38;
	[tilespmem:$0x1DC00] =	vst v63  }
0x340: {  	s12 =	sadd.s32 $0x1010, s2;
	s31 =	simm.s32 $0x1ADC8  }
0x341: {  	[hbm4b:s12+s3] =	stream.linear.scatter [tilespmem:s31], [sflag:$0x5], $0x80, $0x38;
	[tilespmem:$0x1DC00] =	vst v63  }
0x342: {  	s8 =	sadd.s32 $0x1020, s2;
	s10 =	simm.s32 $0x1AE50  }
0x343: {  	[hbm4b:s8+s3] =	stream.linear.scatter [tilespmem:s10], [sflag:$0x5], $0x80, $0x38;
	[tilespmem:$0x1DC00] =	vst v63  }
0x344: {  	s12 =	sadd.s32 $0x1030, s2;
	s31 =	simm.s32 $0x1AED8  }
0x345: {  	[hbm4b:s12+s3] =	stream.linear.scatter [tilespmem:s31], [sflag:$0x5], $0x80, $0x38;
	[tilespmem:$0x1DC00] =	vst v63  }
0x346: {  	s8 =	sadd.s32 $0x1040, s2;
	s10 =	simm.s32 $0x1AF60  }
0x347: {  	[hbm4b:s8+s3] =	stream.linear.scatter [tilespmem:s10], [sflag:$0x5], $0x80, $0x38;
	[tilespmem:$0x1DC00] =	vst v63  }
0x348: {  	s12 =	sadd.s32 $0x1050, s2;
	s31 =	simm.s32 $0x1AFE8  }
0x349: {  	[hbm4b:s12+s3] =	stream.linear.scatter [tilespmem:s31], [sflag:$0x5], $0x80, $0x38;
	[tilespmem:$0x1DC00] =	vst v63  }
0x34a: {  	s8 =	sadd.s32 $0x1060, s2;
	s10 =	simm.s32 $0x1B070  }
0x34b: {  	[hbm4b:s8+s3] =	stream.linear.scatter [tilespmem:s10], [sflag:$0x5], $0x80, $0x38;
	[tilespmem:$0x1DC00] =	vst v63  }
0x34c: {  	s12 =	sadd.s32 $0x1070, s2;
	s31 =	simm.s32 $0x1B0F8  }
0x34d: {  	[hbm4b:s12+s3] =	stream.linear.scatter [tilespmem:s31], [sflag:$0x5], $0x80, $0x38;
	[tilespmem:$0x1DC00] =	vst v63  }
0x34e: {  	s8 =	sadd.s32 $0x2000, s2;
	s10 =	simm.s32 $0x1B180  }
0x34f: {  	[hbm4b:s8+s3] =	stream.linear.scatter [tilespmem:s10], [sflag:$0x5], $0x80, $0x38;
	[tilespmem:$0x1DC00] =	vst v63  }
0x350: {  	s12 =	sadd.s32 $0x2010, s2;
	s31 =	simm.s32 $0x1B208  }
0x351: {  	[hbm4b:s12+s3] =	stream.linear.scatter [tilespmem:s31], [sflag:$0x5], $0x80, $0x38;
	[tilespmem:$0x1DC00] =	vst v63  }
0x352: {  	s8 =	sadd.s32 $0x2020, s2;
	s10 =	simm.s32 $0x1B290  }
0x353: {  	[hbm4b:s8+s3] =	stream.linear.scatter [tilespmem:s10], [sflag:$0x5], $0x80, $0x38;
	[tilespmem:$0x1DC00] =	vst v63  }
0x354: {  	s12 =	sadd.s32 $0x2030, s2;
	s31 =	simm.s32 $0x1B318  }
0x355: {  	[hbm4b:s12+s3] =	stream.linear.scatter [tilespmem:s31], [sflag:$0x5], $0x80, $0x38;
	[tilespmem:$0x1DC00] =	vst v63  }
0x356: {  	s8 =	sadd.s32 $0x2040, s2;
	s10 =	simm.s32 $0x1B3A0  }
0x357: {  	[hbm4b:s8+s3] =	stream.linear.scatter [tilespmem:s10], [sflag:$0x5], $0x80, $0x38;
	[tilespmem:$0x1DC00] =	vst v63  }
0x358: {  	s12 =	sadd.s32 $0x2050, s2;
	s31 =	simm.s32 $0x1B428  }
0x359: {  	[hbm4b:s12+s3] =	stream.linear.scatter [tilespmem:s31], [sflag:$0x5], $0x80, $0x38;
	[tilespmem:$0x1DC00] =	vst v63  }
0x35a: {  	s8 =	sadd.s32 $0x2060, s2;
	s10 =	simm.s32 $0x1B4B0  }
0x35b: {  	[hbm4b:s8+s3] =	stream.linear.scatter [tilespmem:s10], [sflag:$0x5], $0x80, $0x38;
	[tilespmem:$0x1DC00] =	vst v63  }
0x35c: {  	s12 =	sadd.s32 $0x2070, s2;
	s31 =	simm.s32 $0x1B538  }
0x35d: {  	[hbm4b:s12+s3] =	stream.linear.scatter [tilespmem:s31], [sflag:$0x5], $0x80, $0x38;
	[tilespmem:$0x1DC00] =	vst v63  }
0x35e: {  	s8 =	sadd.s32 $0x3000, s2;
	s10 =	simm.s32 $0x1B5C0  }
0x35f: {  	[hbm4b:s8+s3] =	stream.linear.scatter [tilespmem:s10], [sflag:$0x5], $0x80, $0x38;
	[tilespmem:$0x1DC00] =	vst v63  }
0x360: {  	s12 =	sadd.s32 $0x3010, s2;
	s31 =	simm.s32 $0x1B648  }
0x361: {  	[hbm4b:s12+s3] =	stream.linear.scatter [tilespmem:s31], [sflag:$0x5], $0x80, $0x38;
	[tilespmem:$0x1DC00] =	vst v63  }
0x362: {  	s8 =	sadd.s32 $0x3020, s2;
	s10 =	simm.s32 $0x1B6D0  }
0x363: {  	[hbm4b:s8+s3] =	stream.linear.scatter [tilespmem:s10], [sflag:$0x5], $0x80, $0x38;
	[tilespmem:$0x1DC00] =	vst v63  }
0x364: {  	s12 =	sadd.s32 $0x3030, s2;
	s31 =	simm.s32 $0x1B758  }
0x365: {  	[hbm4b:s12+s3] =	stream.linear.scatter [tilespmem:s31], [sflag:$0x5], $0x80, $0x38;
	[tilespmem:$0x1DC00] =	vst v63  }
0x366: {  	s8 =	sadd.s32 $0x3040, s2;
	s10 =	simm.s32 $0x1B7E0  }
0x367: {  	[hbm4b:s8+s3] =	stream.linear.scatter [tilespmem:s10], [sflag:$0x5], $0x80, $0x38;
	[tilespmem:$0x1DC00] =	vst v63  }
0x368: {  	s12 =	sadd.s32 $0x3050, s2;
	s31 =	simm.s32 $0x1B868  }
0x369: {  	[hbm4b:s12+s3] =	stream.linear.scatter [tilespmem:s31], [sflag:$0x5], $0x80, $0x38;
	[tilespmem:$0x1DC00] =	vst v63  }
0x36a: {  	s8 =	sadd.s32 $0x3060, s2;
	s10 =	simm.s32 $0x1B8F0  }
0x36b: {  	[hbm4b:s8+s3] =	stream.linear.scatter [tilespmem:s10], [sflag:$0x5], $0x80, $0x38;
	[tilespmem:$0x1DC00] =	vst v63  }
0x36c: {  	s2 =	sadd.s32 $0x3070, s2;
	s12 =	simm.s32 $0x1B978;
	s31 =	simm.s32 $0x6  }
0x36d: {  	[hbm4b:s2+s3] =	stream.linear.scatter [tilespmem:s12], [sflag:$0x5], $0x80, $0x38;
	[tilespmem:$0x1DC00] =	vst v63  }
0x36e: {  	_ =	swait.ge [sflag:s31], $0x1000  }
0x36f: {  	[sflag:s31] =	ssyncset.done $0x0  }
0x370: {  	[sflag:s31] =	ssyncadd.s32 $0xFFFFF000  }
0x371: {  	s2 =	simm.s32 $0x0;
	v33 =	vld.idx.msk [tilespmem:v25+s6+$0xC0 ss:$0x1], $0xffff  }
0x372: {  	v26 =	vmov s2;
	v45 =	vld.idx.msk [tilespmem:v25+s6+$0xE0 ss:$0x1], $0xffff  }
0x373: {  	v26 =	vshrl.u32 v26, $0x3;
	v31 =	vld.idx.msk [tilespmem:v25+s6+$0x80 ss:$0x1], $0xffff  }
0x374: {  	v26 =	vshll.u32 v26, $0x3;
	v58 =	vld.idx.msk [tilespmem:v25+s6+$0x60 ss:$0x1], $0xffff  }
0x375: {  	v26 =	vbroadcast v26, $0x0;
	v27 =	vld.idx.msk [tilespmem:v25+s6+$0x40 ss:$0x1], $0xffff  }
0x376: {  	v29 =	vld.idx.msk [tilespmem:v25+s6+$0x0 ss:$0x1], $0xffff  }
0x377: {  	v59 =	vld.idx.msk [tilespmem:v25+s6+$0x20 ss:$0x1], $0xffff;
	v30 =	vadd.s32 v6, v26  }
0x378: {  	v60 =	vld.idx.msk [tilespmem:v25+s6+$0x10 ss:$0x1], $0xffff;
	v61 =	vadd.s32 v11, v26  }
0x379: {  	v28 =	vld.idx.msk [tilespmem:v25+s6+$0x30 ss:$0x1], $0xffff;
	v63 =	vadd.s32 v15, v26  }
0x37a: {  	v36 =	vld.idx.msk [tilespmem:v25+s6+$0xF0 ss:$0x1], $0xffff;
	v46 =	vadd.s32 v23, v26  }
0x37b: {  	v41 =	vld.idx.msk [tilespmem:v25+s6+$0xA0 ss:$0x1], $0xffff;
	v62 =	vadd.s32 v10, v26  }
0x37c: {  	v40 =	vld.idx.msk [tilespmem:v25+s6+$0xD0 ss:$0x1], $0xffff;
	v42 =	vadd.s32 v19, v26;
	[tilespmem:v30+s20+$0x0] =	vst.idx.msk $0xffff, v29  }
0x37d: {  	v38 =	vld.idx.msk [tilespmem:v25+s6+$0x70 ss:$0x1], $0xffff;
	v43 =	vadd.s32 v24, v26;
	[tilespmem:v61+s20+$0x0] =	vst.idx.msk $0xffff, v59  }
0x37e: {  	v34 =	vld.idx.msk [tilespmem:v25+s6+$0x50 ss:$0x1], $0xffff;
	v39 =	vadd.s32 v21, v26;
	[tilespmem:v63+s20+$0x0] =	vst.idx.msk $0xffff, v58  }
0x37f: {  	v35 =	vld.idx.msk [tilespmem:v25+s6+$0xB0 ss:$0x1], $0xffff;
	v32 =	vadd.s32 v13, v26;
	v44 =	vadd.s32 v22, v26;
	[tilespmem:v46+s20+$0x0] =	vst.idx.msk $0xffff, v45  }
0x380: {  	s4 =	sadd.s32 $0x100, s6;
	v37 =	vadd.s32 v16, v26;
	v29 =	vld.idx.msk [tilespmem:v25+s6+$0x90 ss:$0x1], $0xffff;
	v30 =	vadd.s32 v12, v26;
	[tilespmem:v62+s20+$0x0] =	vst.idx.msk $0xffff, v60  }
.LBB2_25:
0x381: {  	s2 =	sadd.s32 $0x8, s2;
	v45 =	vld.idx.msk [tilespmem:v25+s4+$0xC0 ss:$0x1], $0xffff;
	[tilespmem:v42+s20+$0x0] =	vst.idx.msk $0xffff, v41  }
0x382: {  	v42 =	vadd.s32 v17, v26;
	v41 =	vmov s2;
	v46 =	vld.idx.msk [tilespmem:v25+s4+$0xE0 ss:$0x1], $0xffff;
	p0 =	slt.u32 s2, $0x78;
	[tilespmem:v43+s20+$0x0] =	vst.idx.msk $0xffff, v36  }
0x383: {  	v36 =	vshrl.u32 v41, $0x3;
	v47 =	vld.idx.msk [tilespmem:v25+s4+$0x80 ss:$0x1], $0xffff;
	v41 =	vadd.s32 v20, v26;
	[tilespmem:v39+s20+$0x0] =	vst.idx.msk $0xffff, v33  }
0x384: {  	v33 =	vshll.u32 v36, $0x3;
	v48 =	vld.idx.msk [tilespmem:v25+s4+$0x60 ss:$0x1], $0xffff;
	v36 =	vadd.s32 v14, v26;
	[tilespmem:v44+s20+$0x0] =	vst.idx.msk $0xffff, v40  }
0x385: {  	v40 =	vadd.s32 v18, v26;
	[tilespmem:v32+s20+$0x0] =	vst.idx.msk $0xffff, v27;
	v27 =	vld.idx.msk [tilespmem:v25+s4+$0x40 ss:$0x1], $0xffff;
	v26 =	vbroadcast v33, $0x0  }
0x386: {  	v33 =	vld.idx.msk [tilespmem:v25+s4+$0x0 ss:$0x1], $0xffff;
	[tilespmem:v37+s20+$0x0] =	vst.idx.msk $0xffff, v38  }
0x387: {  	v37 =	vadd.s32 v6, v26;
	v38 =	vld.idx.msk [tilespmem:v25+s4+$0x20 ss:$0x1], $0xffff;
	v32 =	vadd.s32 v13, v26;
	[tilespmem:v42+s20+$0x0] =	vst.idx.msk $0xffff, v31  }
0x388: {  	v49 =	vadd.s32 v11, v26;
	v50 =	vadd.s32 v15, v26;
	v44 =	vld.idx.msk [tilespmem:v25+s4+$0x10 ss:$0x1], $0xffff;
	[tilespmem:v30+s20+$0x0] =	vst.idx.msk $0xffff, v28  }
0x389: {  	v51 =	vadd.s32 v10, v26;
	v30 =	vadd.s32 v12, v26;
	v28 =	vld.idx.msk [tilespmem:v25+s4+$0x30 ss:$0x1], $0xffff;
	[tilespmem:v36+s20+$0x0] =	vst.idx.msk $0xffff, v34  }
0x38a: {  	v42 =	vadd.s32 v19, v26;
	v39 =	vadd.s32 v21, v26;
	v36 =	vld.idx.msk [tilespmem:v25+s4+$0xF0 ss:$0x1], $0xffff;
	[tilespmem:v41+s20+$0x0] =	vst.idx.msk $0xffff, v35  }
0x38b: {  	v52 =	vadd.s32 v23, v26;
	v43 =	vadd.s32 v24, v26;
	v41 =	vld.idx.msk [tilespmem:v25+s4+$0xA0 ss:$0x1], $0xffff;
	[tilespmem:v40+s20+$0x0] =	vst.idx.msk $0xffff, v29  }
.Ltmp13:
0x38c: {  	v31 =	vmov v47;
	[tilespmem:v37+s20+$0x0] =	vst.idx.msk $0xffff, v33;
	v37 =	vadd.s32 v16, v26;
	v29 =	vld.idx.msk [tilespmem:v25+s4+$0x90 ss:$0x1], $0xffff;
	v33 =	vmov v45;
	(pc) =	sbr.rel @p0 .LBB2_25-.Ltmp13, $4  }
0x38d: {  	[tilespmem:v49+s20+$0x0] =	vst.idx.msk $0xffff, v38;
	v40 =	vld.idx.msk [tilespmem:v25+s4+$0xD0 ss:$0x1], $0xffff  }
0x38e: {  	[tilespmem:v51+s20+$0x0] =	vst.idx.msk $0xffff, v44;
	v38 =	vld.idx.msk [tilespmem:v25+s4+$0x70 ss:$0x1], $0xffff  }
0x38f: {  	v44 =	vadd.s32 v22, v26;
	v34 =	vld.idx.msk [tilespmem:v25+s4+$0x50 ss:$0x1], $0xffff;
	[tilespmem:v50+s20+$0x0] =	vst.idx.msk $0xffff, v48  }
0x390: {  	v35 =	vld.idx.msk [tilespmem:v25+s4+$0xB0 ss:$0x1], $0xffff;
	[tilespmem:v52+s20+$0x0] =	vst.idx.msk $0xffff, v46;
	s4 =	sadd.s32 $0x100, s4  }
0x391: {  	_ =	sdelay $0x3  }
0x392: {  	[tilespmem:v42+s20+$0x0] =	vst.idx.msk $0xffff, v41  }
0x393: {  	[tilespmem:v43+s20+$0x0] =	vst.idx.msk $0xffff, v36  }
0x394: {  	v55 =	vadd.s32 v17, v26;
	[tilespmem:v39+s20+$0x0] =	vst.idx.msk $0xffff, v33  }
0x395: {  	v56 =	vadd.s32 v14, v26;
	[tilespmem:v32+s20+$0x0] =	vst.idx.msk $0xffff, v27  }
0x396: {  	v57 =	vadd.s32 v20, v26;
	[tilespmem:v30+s20+$0x0] =	vst.idx.msk $0xffff, v28  }
0x397: {  	v26 =	vadd.s32 v18, v26;
	[tilespmem:v44+s20+$0x0] =	vst.idx.msk $0xffff, v40  }
0x398: {  	[tilespmem:v37+s20+$0x0] =	vst.idx.msk $0xffff, v38  }
0x399: {  	[tilespmem:v55+s20+$0x0] =	vst.idx.msk $0xffff, v31  }
0x39a: {  	[tilespmem:v56+s20+$0x0] =	vst.idx.msk $0xffff, v34  }
0x39b: {  	[tilespmem:v57+s20+$0x0] =	vst.idx.msk $0xffff, v35  }
0x39c: {  	s2 =	sadd.s32 s17, s13;
	[tilespmem:v26+s20+$0x0] =	vst.idx.msk $0xffff, v29  }
0x39d: {  	[hbm4b:s2+s3] =	stream.linear.scatter [tilespmem:s20], [sflag:$0x6], $0x80, $0x38;
	[tilespmem:$0x1DC00] =	vst v63  }
0x39e: {  	s8 =	simm.s32 $0x1BA88;
	s4 =	sadd.s32 $0x10, s2  }
0x39f: {  	[hbm4b:s4+s3] =	stream.linear.scatter [tilespmem:s8], [sflag:$0x6], $0x80, $0x38;
	[tilespmem:$0x1DC00] =	vst v63  }
0x3a0: {  	s10 =	simm.s32 $0x1BB10;
	s8 =	sadd.s32 $0x20, s2  }
0x3a1: {  	[hbm4b:s8+s3] =	stream.linear.scatter [tilespmem:s10], [sflag:$0x6], $0x80, $0x38;
	[tilespmem:$0x1DC00] =	vst v63  }
0x3a2: {  	s31 =	simm.s32 $0x1BB98;
	s12 =	sadd.s32 $0x30, s2  }
0x3a3: {  	[hbm4b:s12+s3] =	stream.linear.scatter [tilespmem:s31], [sflag:$0x6], $0x80, $0x38;
	[tilespmem:$0x1DC00] =	vst v63  }
0x3a4: {  	s8 =	sadd.s32 $0x40, s2;
	s10 =	simm.s32 $0x1BC20  }
0x3a5: {  	[hbm4b:s8+s3] =	stream.linear.scatter [tilespmem:s10], [sflag:$0x6], $0x80, $0x38;
	[tilespmem:$0x1DC00] =	vst v63  }
0x3a6: {  	s12 =	sadd.s32 $0x50, s2;
	s31 =	simm.s32 $0x1BCA8  }
0x3a7: {  	[hbm4b:s12+s3] =	stream.linear.scatter [tilespmem:s31], [sflag:$0x6], $0x80, $0x38;
	[tilespmem:$0x1DC00] =	vst v63  }
0x3a8: {  	s8 =	sadd.s32 $0x60, s2;
	s10 =	simm.s32 $0x1BD30  }
0x3a9: {  	[hbm4b:s8+s3] =	stream.linear.scatter [tilespmem:s10], [sflag:$0x6], $0x80, $0x38;
	[tilespmem:$0x1DC00] =	vst v63  }
0x3aa: {  	s12 =	sadd.s32 $0x70, s2;
	s31 =	simm.s32 $0x1BDB8  }
0x3ab: {  	[hbm4b:s12+s3] =	stream.linear.scatter [tilespmem:s31], [sflag:$0x6], $0x80, $0x38;
	[tilespmem:$0x1DC00] =	vst v63  }
0x3ac: {  	s8 =	sadd.s32 $0x1000, s2;
	s10 =	simm.s32 $0x1BE40  }
0x3ad: {  	[hbm4b:s8+s3] =	stream.linear.scatter [tilespmem:s10], [sflag:$0x6], $0x80, $0x38;
	[tilespmem:$0x1DC00] =	vst v63  }
0x3ae: {  	s12 =	sadd.s32 $0x1010, s2;
	s31 =	simm.s32 $0x1BEC8  }
0x3af: {  	[hbm4b:s12+s3] =	stream.linear.scatter [tilespmem:s31], [sflag:$0x6], $0x80, $0x38;
	[tilespmem:$0x1DC00] =	vst v63  }
0x3b0: {  	s8 =	sadd.s32 $0x1020, s2;
	s10 =	simm.s32 $0x1BF50  }
0x3b1: {  	[hbm4b:s8+s3] =	stream.linear.scatter [tilespmem:s10], [sflag:$0x6], $0x80, $0x38;
	[tilespmem:$0x1DC00] =	vst v63  }
0x3b2: {  	s12 =	sadd.s32 $0x1030, s2;
	s31 =	simm.s32 $0x1BFD8  }
0x3b3: {  	[hbm4b:s12+s3] =	stream.linear.scatter [tilespmem:s31], [sflag:$0x6], $0x80, $0x38;
	[tilespmem:$0x1DC00] =	vst v63  }
0x3b4: {  	s8 =	sadd.s32 $0x1040, s2;
	s10 =	simm.s32 $0x1C060  }
0x3b5: {  	[hbm4b:s8+s3] =	stream.linear.scatter [tilespmem:s10], [sflag:$0x6], $0x80, $0x38;
	[tilespmem:$0x1DC00] =	vst v63  }
0x3b6: {  	s12 =	sadd.s32 $0x1050, s2;
	s31 =	simm.s32 $0x1C0E8  }
0x3b7: {  	[hbm4b:s12+s3] =	stream.linear.scatter [tilespmem:s31], [sflag:$0x6], $0x80, $0x38;
	[tilespmem:$0x1DC00] =	vst v63  }
0x3b8: {  	s8 =	sadd.s32 $0x1060, s2;
	s10 =	simm.s32 $0x1C170  }
0x3b9: {  	[hbm4b:s8+s3] =	stream.linear.scatter [tilespmem:s10], [sflag:$0x6], $0x80, $0x38;
	[tilespmem:$0x1DC00] =	vst v63  }
0x3ba: {  	s12 =	sadd.s32 $0x1070, s2;
	s31 =	simm.s32 $0x1C1F8  }
0x3bb: {  	[hbm4b:s12+s3] =	stream.linear.scatter [tilespmem:s31], [sflag:$0x6], $0x80, $0x38;
	[tilespmem:$0x1DC00] =	vst v63  }
0x3bc: {  	s8 =	sadd.s32 $0x2000, s2;
	s10 =	simm.s32 $0x1C280  }
0x3bd: {  	[hbm4b:s8+s3] =	stream.linear.scatter [tilespmem:s10], [sflag:$0x6], $0x80, $0x38;
	[tilespmem:$0x1DC00] =	vst v63  }
0x3be: {  	s12 =	sadd.s32 $0x2010, s2;
	s31 =	simm.s32 $0x1C308  }
0x3bf: {  	[hbm4b:s12+s3] =	stream.linear.scatter [tilespmem:s31], [sflag:$0x6], $0x80, $0x38;
	[tilespmem:$0x1DC00] =	vst v63  }
0x3c0: {  	s8 =	sadd.s32 $0x2020, s2;
	s10 =	simm.s32 $0x1C390  }
0x3c1: {  	[hbm4b:s8+s3] =	stream.linear.scatter [tilespmem:s10], [sflag:$0x6], $0x80, $0x38;
	[tilespmem:$0x1DC00] =	vst v63  }
0x3c2: {  	s12 =	sadd.s32 $0x2030, s2;
	s31 =	simm.s32 $0x1C418  }
0x3c3: {  	[hbm4b:s12+s3] =	stream.linear.scatter [tilespmem:s31], [sflag:$0x6], $0x80, $0x38;
	[tilespmem:$0x1DC00] =	vst v63  }
0x3c4: {  	s8 =	sadd.s32 $0x2040, s2;
	s10 =	simm.s32 $0x1C4A0  }
0x3c5: {  	[hbm4b:s8+s3] =	stream.linear.scatter [tilespmem:s10], [sflag:$0x6], $0x80, $0x38;
	[tilespmem:$0x1DC00] =	vst v63  }
0x3c6: {  	s12 =	sadd.s32 $0x2050, s2;
	s31 =	simm.s32 $0x1C528  }
0x3c7: {  	[hbm4b:s12+s3] =	stream.linear.scatter [tilespmem:s31], [sflag:$0x6], $0x80, $0x38;
	[tilespmem:$0x1DC00] =	vst v63  }
0x3c8: {  	s8 =	sadd.s32 $0x2060, s2;
	s10 =	simm.s32 $0x1C5B0  }
0x3c9: {  	[hbm4b:s8+s3] =	stream.linear.scatter [tilespmem:s10], [sflag:$0x6], $0x80, $0x38;
	[tilespmem:$0x1DC00] =	vst v63  }
0x3ca: {  	s12 =	sadd.s32 $0x2070, s2;
	s31 =	simm.s32 $0x1C638  }
0x3cb: {  	[hbm4b:s12+s3] =	stream.linear.scatter [tilespmem:s31], [sflag:$0x6], $0x80, $0x38;
	[tilespmem:$0x1DC00] =	vst v63  }
0x3cc: {  	s8 =	sadd.s32 $0x3000, s2;
	s10 =	simm.s32 $0x1C6C0  }
0x3cd: {  	[hbm4b:s8+s3] =	stream.linear.scatter [tilespmem:s10], [sflag:$0x6], $0x80, $0x38;
	[tilespmem:$0x1DC00] =	vst v63  }
0x3ce: {  	s12 =	sadd.s32 $0x3010, s2;
	s31 =	simm.s32 $0x1C748  }
0x3cf: {  	[hbm4b:s12+s3] =	stream.linear.scatter [tilespmem:s31], [sflag:$0x6], $0x80, $0x38;
	[tilespmem:$0x1DC00] =	vst v63  }
0x3d0: {  	s8 =	sadd.s32 $0x3020, s2;
	s10 =	simm.s32 $0x1C7D0  }
0x3d1: {  	[hbm4b:s8+s3] =	stream.linear.scatter [tilespmem:s10], [sflag:$0x6], $0x80, $0x38;
	[tilespmem:$0x1DC00] =	vst v63  }
0x3d2: {  	s12 =	sadd.s32 $0x3030, s2;
	s31 =	simm.s32 $0x1C858  }
0x3d3: {  	[hbm4b:s12+s3] =	stream.linear.scatter [tilespmem:s31], [sflag:$0x6], $0x80, $0x38;
	[tilespmem:$0x1DC00] =	vst v63  }
0x3d4: {  	s8 =	sadd.s32 $0x3040, s2;
	s10 =	simm.s32 $0x1C8E0  }
0x3d5: {  	[hbm4b:s8+s3] =	stream.linear.scatter [tilespmem:s10], [sflag:$0x6], $0x80, $0x38;
	[tilespmem:$0x1DC00] =	vst v63  }
0x3d6: {  	s12 =	sadd.s32 $0x3050, s2;
	s31 =	simm.s32 $0x1C968  }
0x3d7: {  	[hbm4b:s12+s3] =	stream.linear.scatter [tilespmem:s31], [sflag:$0x6], $0x80, $0x38;
	[tilespmem:$0x1DC00] =	vst v63  }
0x3d8: {  	s8 =	sadd.s32 $0x3060, s2;
	s10 =	simm.s32 $0x1C9F0  }
0x3d9: {  	[hbm4b:s8+s3] =	stream.linear.scatter [tilespmem:s10], [sflag:$0x6], $0x80, $0x38;
	[tilespmem:$0x1DC00] =	vst v63  }
0x3da: {  	s2 =	sadd.s32 $0x3070, s2;
	s12 =	simm.s32 $0x1CA78;
	s31 =	simm.s32 $0x7  }
0x3db: {  	[hbm4b:s2+s3] =	stream.linear.scatter [tilespmem:s12], [sflag:$0x6], $0x80, $0x38;
	[tilespmem:$0x1DC00] =	vst v63  }
0x3dc: {  	_ =	swait.ge [sflag:s31], $0x1000  }
0x3dd: {  	[sflag:s31] =	ssyncset.done $0x0  }
0x3de: {  	[sflag:s31] =	ssyncadd.s32 $0xFFFFF000  }
0x3df: {  	s2 =	simm.s32 $0x0;
	v33 =	vld.idx.msk [tilespmem:v25+s15+$0xC0 ss:$0x1], $0xffff  }
0x3e0: {  	v26 =	vmov s2;
	v45 =	vld.idx.msk [tilespmem:v25+s15+$0xE0 ss:$0x1], $0xffff  }
0x3e1: {  	v26 =	vshrl.u32 v26, $0x3;
	v31 =	vld.idx.msk [tilespmem:v25+s15+$0x80 ss:$0x1], $0xffff  }
0x3e2: {  	v26 =	vshll.u32 v26, $0x3;
	v58 =	vld.idx.msk [tilespmem:v25+s15+$0x60 ss:$0x1], $0xffff  }
0x3e3: {  	v26 =	vbroadcast v26, $0x0;
	v27 =	vld.idx.msk [tilespmem:v25+s15+$0x40 ss:$0x1], $0xffff  }
0x3e4: {  	v29 =	vld.idx.msk [tilespmem:v25+s15+$0x0 ss:$0x1], $0xffff  }
0x3e5: {  	v59 =	vld.idx.msk [tilespmem:v25+s15+$0x20 ss:$0x1], $0xffff;
	v30 =	vadd.s32 v6, v26  }
0x3e6: {  	v60 =	vld.idx.msk [tilespmem:v25+s15+$0x10 ss:$0x1], $0xffff;
	v61 =	vadd.s32 v11, v26  }
0x3e7: {  	v28 =	vld.idx.msk [tilespmem:v25+s15+$0x30 ss:$0x1], $0xffff;
	v63 =	vadd.s32 v15, v26  }
0x3e8: {  	v36 =	vld.idx.msk [tilespmem:v25+s15+$0xF0 ss:$0x1], $0xffff;
	v46 =	vadd.s32 v23, v26  }
0x3e9: {  	v41 =	vld.idx.msk [tilespmem:v25+s15+$0xA0 ss:$0x1], $0xffff;
	v62 =	vadd.s32 v10, v26  }
0x3ea: {  	v40 =	vld.idx.msk [tilespmem:v25+s15+$0xD0 ss:$0x1], $0xffff;
	v42 =	vadd.s32 v19, v26;
	[tilespmem:v30+s5+$0x0] =	vst.idx.msk $0xffff, v29  }
0x3eb: {  	v38 =	vld.idx.msk [tilespmem:v25+s15+$0x70 ss:$0x1], $0xffff;
	v43 =	vadd.s32 v24, v26;
	[tilespmem:v61+s5+$0x0] =	vst.idx.msk $0xffff, v59  }
0x3ec: {  	v34 =	vld.idx.msk [tilespmem:v25+s15+$0x50 ss:$0x1], $0xffff;
	v39 =	vadd.s32 v21, v26;
	[tilespmem:v63+s5+$0x0] =	vst.idx.msk $0xffff, v58  }
0x3ed: {  	v35 =	vld.idx.msk [tilespmem:v25+s15+$0xB0 ss:$0x1], $0xffff;
	v32 =	vadd.s32 v13, v26;
	v44 =	vadd.s32 v22, v26;
	[tilespmem:v46+s5+$0x0] =	vst.idx.msk $0xffff, v45  }
0x3ee: {  	s4 =	sadd.s32 $0x100, s15;
	v37 =	vadd.s32 v16, v26;
	v29 =	vld.idx.msk [tilespmem:v25+s15+$0x90 ss:$0x1], $0xffff;
	v30 =	vadd.s32 v12, v26;
	[tilespmem:v62+s5+$0x0] =	vst.idx.msk $0xffff, v60  }
.LBB2_27:
0x3ef: {  	s2 =	sadd.s32 $0x8, s2;
	v45 =	vld.idx.msk [tilespmem:v25+s4+$0xC0 ss:$0x1], $0xffff;
	[tilespmem:v42+s5+$0x0] =	vst.idx.msk $0xffff, v41  }
0x3f0: {  	v42 =	vadd.s32 v17, v26;
	v41 =	vmov s2;
	v46 =	vld.idx.msk [tilespmem:v25+s4+$0xE0 ss:$0x1], $0xffff;
	p0 =	slt.u32 s2, $0x78;
	[tilespmem:v43+s5+$0x0] =	vst.idx.msk $0xffff, v36  }
0x3f1: {  	v36 =	vshrl.u32 v41, $0x3;
	v47 =	vld.idx.msk [tilespmem:v25+s4+$0x80 ss:$0x1], $0xffff;
	v41 =	vadd.s32 v20, v26;
	[tilespmem:v39+s5+$0x0] =	vst.idx.msk $0xffff, v33  }
0x3f2: {  	v33 =	vshll.u32 v36, $0x3;
	v48 =	vld.idx.msk [tilespmem:v25+s4+$0x60 ss:$0x1], $0xffff;
	v36 =	vadd.s32 v14, v26;
	[tilespmem:v44+s5+$0x0] =	vst.idx.msk $0xffff, v40  }
0x3f3: {  	v40 =	vadd.s32 v18, v26;
	[tilespmem:v32+s5+$0x0] =	vst.idx.msk $0xffff, v27;
	v27 =	vld.idx.msk [tilespmem:v25+s4+$0x40 ss:$0x1], $0xffff;
	v26 =	vbroadcast v33, $0x0  }
0x3f4: {  	v33 =	vld.idx.msk [tilespmem:v25+s4+$0x0 ss:$0x1], $0xffff;
	[tilespmem:v37+s5+$0x0] =	vst.idx.msk $0xffff, v38  }
0x3f5: {  	v37 =	vadd.s32 v6, v26;
	v38 =	vld.idx.msk [tilespmem:v25+s4+$0x20 ss:$0x1], $0xffff;
	v32 =	vadd.s32 v13, v26;
	[tilespmem:v42+s5+$0x0] =	vst.idx.msk $0xffff, v31  }
0x3f6: {  	v49 =	vadd.s32 v11, v26;
	v50 =	vadd.s32 v15, v26;
	v44 =	vld.idx.msk [tilespmem:v25+s4+$0x10 ss:$0x1], $0xffff;
	[tilespmem:v30+s5+$0x0] =	vst.idx.msk $0xffff, v28  }
0x3f7: {  	v51 =	vadd.s32 v10, v26;
	v30 =	vadd.s32 v12, v26;
	v28 =	vld.idx.msk [tilespmem:v25+s4+$0x30 ss:$0x1], $0xffff;
	[tilespmem:v36+s5+$0x0] =	vst.idx.msk $0xffff, v34  }
0x3f8: {  	v42 =	vadd.s32 v19, v26;
	v39 =	vadd.s32 v21, v26;
	v36 =	vld.idx.msk [tilespmem:v25+s4+$0xF0 ss:$0x1], $0xffff;
	[tilespmem:v41+s5+$0x0] =	vst.idx.msk $0xffff, v35  }
0x3f9: {  	v52 =	vadd.s32 v23, v26;
	v43 =	vadd.s32 v24, v26;
	v41 =	vld.idx.msk [tilespmem:v25+s4+$0xA0 ss:$0x1], $0xffff;
	[tilespmem:v40+s5+$0x0] =	vst.idx.msk $0xffff, v29  }
.Ltmp14:
0x3fa: {  	v31 =	vmov v47;
	[tilespmem:v37+s5+$0x0] =	vst.idx.msk $0xffff, v33;
	v37 =	vadd.s32 v16, v26;
	v29 =	vld.idx.msk [tilespmem:v25+s4+$0x90 ss:$0x1], $0xffff;
	v33 =	vmov v45;
	(pc) =	sbr.rel @p0 .LBB2_27-.Ltmp14, $4  }
0x3fb: {  	[tilespmem:v49+s5+$0x0] =	vst.idx.msk $0xffff, v38;
	v40 =	vld.idx.msk [tilespmem:v25+s4+$0xD0 ss:$0x1], $0xffff  }
0x3fc: {  	[tilespmem:v51+s5+$0x0] =	vst.idx.msk $0xffff, v44;
	v38 =	vld.idx.msk [tilespmem:v25+s4+$0x70 ss:$0x1], $0xffff  }
0x3fd: {  	v44 =	vadd.s32 v22, v26;
	v34 =	vld.idx.msk [tilespmem:v25+s4+$0x50 ss:$0x1], $0xffff;
	[tilespmem:v50+s5+$0x0] =	vst.idx.msk $0xffff, v48  }
0x3fe: {  	v35 =	vld.idx.msk [tilespmem:v25+s4+$0xB0 ss:$0x1], $0xffff;
	[tilespmem:v52+s5+$0x0] =	vst.idx.msk $0xffff, v46;
	s4 =	sadd.s32 $0x100, s4  }
0x3ff: {  	_ =	sdelay $0x3  }
0x400: {  	[tilespmem:v42+s5+$0x0] =	vst.idx.msk $0xffff, v41  }
0x401: {  	[tilespmem:v43+s5+$0x0] =	vst.idx.msk $0xffff, v36  }
0x402: {  	v25 =	vadd.s32 v17, v26;
	[tilespmem:v39+s5+$0x0] =	vst.idx.msk $0xffff, v33  }
0x403: {  	v62 =	vadd.s32 v14, v26;
	[tilespmem:v32+s5+$0x0] =	vst.idx.msk $0xffff, v27  }
0x404: {  	v63 =	vadd.s32 v20, v26;
	[tilespmem:v30+s5+$0x0] =	vst.idx.msk $0xffff, v28  }
0x405: {  	v26 =	vadd.s32 v18, v26;
	[tilespmem:v44+s5+$0x0] =	vst.idx.msk $0xffff, v40  }
0x406: {  	[tilespmem:v37+s5+$0x0] =	vst.idx.msk $0xffff, v38  }
0x407: {  	[tilespmem:v25+s5+$0x0] =	vst.idx.msk $0xffff, v31  }
0x408: {  	[tilespmem:v62+s5+$0x0] =	vst.idx.msk $0xffff, v34  }
0x409: {  	[tilespmem:v63+s5+$0x0] =	vst.idx.msk $0xffff, v35  }
0x40a: {  	s2 =	sadd.s32 s17, s28;
	[tilespmem:v26+s5+$0x0] =	vst.idx.msk $0xffff, v29  }
0x40b: {  	[hbm4b:s2+s3] =	stream.linear.scatter [tilespmem:s5], [sflag:$0x7], $0x80, $0x38;
	[tilespmem:$0x1DC00] =	vst v63  }
0x40c: {  	s8 =	simm.s32 $0x1CB88;
	s4 =	sadd.s32 $0x10, s2  }
0x40d: {  	[hbm4b:s4+s3] =	stream.linear.scatter [tilespmem:s8], [sflag:$0x7], $0x80, $0x38;
	[tilespmem:$0x1DC00] =	vst v63  }
0x40e: {  	s12 =	simm.s32 $0x1CC10;
	s10 =	sadd.s32 $0x20, s2  }
0x40f: {  	[hbm4b:s10+s3] =	stream.linear.scatter [tilespmem:s12], [sflag:$0x7], $0x80, $0x38;
	[tilespmem:$0x1DC00] =	vst v63  }
0x410: {  	s31 =	simm.s32 $0x1CC98;
	s17 =	sadd.s32 $0x30, s2  }
0x411: {  	[hbm4b:s17+s3] =	stream.linear.scatter [tilespmem:s31], [sflag:$0x7], $0x80, $0x38;
	[tilespmem:$0x1DC00] =	vst v63  }
0x412: {  	s10 =	sadd.s32 $0x40, s2;
	s12 =	simm.s32 $0x1CD20  }
0x413: {  	[hbm4b:s10+s3] =	stream.linear.scatter [tilespmem:s12], [sflag:$0x7], $0x80, $0x38;
	[tilespmem:$0x1DC00] =	vst v63  }
0x414: {  	s17 =	sadd.s32 $0x50, s2;
	s31 =	simm.s32 $0x1CDA8  }
0x415: {  	[hbm4b:s17+s3] =	stream.linear.scatter [tilespmem:s31], [sflag:$0x7], $0x80, $0x38;
	[tilespmem:$0x1DC00] =	vst v63  }
0x416: {  	s10 =	sadd.s32 $0x60, s2;
	s12 =	simm.s32 $0x1CE30  }
0x417: {  	[hbm4b:s10+s3] =	stream.linear.scatter [tilespmem:s12], [sflag:$0x7], $0x80, $0x38;
	[tilespmem:$0x1DC00] =	vst v63  }
0x418: {  	s17 =	sadd.s32 $0x70, s2;
	s31 =	simm.s32 $0x1CEB8  }
0x419: {  	[hbm4b:s17+s3] =	stream.linear.scatter [tilespmem:s31], [sflag:$0x7], $0x80, $0x38;
	[tilespmem:$0x1DC00] =	vst v63  }
0x41a: {  	s10 =	sadd.s32 $0x1000, s2;
	s12 =	simm.s32 $0x1CF40  }
0x41b: {  	[hbm4b:s10+s3] =	stream.linear.scatter [tilespmem:s12], [sflag:$0x7], $0x80, $0x38;
	[tilespmem:$0x1DC00] =	vst v63  }
0x41c: {  	s17 =	sadd.s32 $0x1010, s2;
	s31 =	simm.s32 $0x1CFC8  }
0x41d: {  	[hbm4b:s17+s3] =	stream.linear.scatter [tilespmem:s31], [sflag:$0x7], $0x80, $0x38;
	[tilespmem:$0x1DC00] =	vst v63  }
0x41e: {  	s10 =	sadd.s32 $0x1020, s2;
	s12 =	simm.s32 $0x1D050  }
0x41f: {  	[hbm4b:s10+s3] =	stream.linear.scatter [tilespmem:s12], [sflag:$0x7], $0x80, $0x38;
	[tilespmem:$0x1DC00] =	vst v63  }
0x420: {  	s17 =	sadd.s32 $0x1030, s2;
	s31 =	simm.s32 $0x1D0D8  }
0x421: {  	[hbm4b:s17+s3] =	stream.linear.scatter [tilespmem:s31], [sflag:$0x7], $0x80, $0x38;
	[tilespmem:$0x1DC00] =	vst v63  }
0x422: {  	s10 =	sadd.s32 $0x1040, s2;
	s12 =	simm.s32 $0x1D160  }
0x423: {  	[hbm4b:s10+s3] =	stream.linear.scatter [tilespmem:s12], [sflag:$0x7], $0x80, $0x38;
	[tilespmem:$0x1DC00] =	vst v63  }
0x424: {  	s17 =	sadd.s32 $0x1050, s2;
	s31 =	simm.s32 $0x1D1E8  }
0x425: {  	[hbm4b:s17+s3] =	stream.linear.scatter [tilespmem:s31], [sflag:$0x7], $0x80, $0x38;
	[tilespmem:$0x1DC00] =	vst v63  }
0x426: {  	s10 =	sadd.s32 $0x1060, s2;
	s12 =	simm.s32 $0x1D270  }
0x427: {  	[hbm4b:s10+s3] =	stream.linear.scatter [tilespmem:s12], [sflag:$0x7], $0x80, $0x38;
	[tilespmem:$0x1DC00] =	vst v63  }
0x428: {  	s17 =	sadd.s32 $0x1070, s2;
	s31 =	simm.s32 $0x1D2F8  }
0x429: {  	[hbm4b:s17+s3] =	stream.linear.scatter [tilespmem:s31], [sflag:$0x7], $0x80, $0x38;
	[tilespmem:$0x1DC00] =	vst v63  }
0x42a: {  	s10 =	sadd.s32 $0x2000, s2;
	s12 =	simm.s32 $0x1D380  }
0x42b: {  	[hbm4b:s10+s3] =	stream.linear.scatter [tilespmem:s12], [sflag:$0x7], $0x80, $0x38;
	[tilespmem:$0x1DC00] =	vst v63  }
0x42c: {  	s17 =	sadd.s32 $0x2010, s2;
	s31 =	simm.s32 $0x1D408  }
0x42d: {  	[hbm4b:s17+s3] =	stream.linear.scatter [tilespmem:s31], [sflag:$0x7], $0x80, $0x38;
	[tilespmem:$0x1DC00] =	vst v63  }
0x42e: {  	s10 =	sadd.s32 $0x2020, s2;
	s12 =	simm.s32 $0x1D490  }
0x42f: {  	[hbm4b:s10+s3] =	stream.linear.scatter [tilespmem:s12], [sflag:$0x7], $0x80, $0x38;
	[tilespmem:$0x1DC00] =	vst v63  }
0x430: {  	s17 =	sadd.s32 $0x2030, s2;
	s31 =	simm.s32 $0x1D518  }
0x431: {  	[hbm4b:s17+s3] =	stream.linear.scatter [tilespmem:s31], [sflag:$0x7], $0x80, $0x38;
	[tilespmem:$0x1DC00] =	vst v63  }
0x432: {  	s10 =	sadd.s32 $0x2040, s2;
	s12 =	simm.s32 $0x1D5A0  }
0x433: {  	[hbm4b:s10+s3] =	stream.linear.scatter [tilespmem:s12], [sflag:$0x7], $0x80, $0x38;
	[tilespmem:$0x1DC00] =	vst v63  }
0x434: {  	s17 =	sadd.s32 $0x2050, s2;
	s31 =	simm.s32 $0x1D628  }
0x435: {  	[hbm4b:s17+s3] =	stream.linear.scatter [tilespmem:s31], [sflag:$0x7], $0x80, $0x38;
	[tilespmem:$0x1DC00] =	vst v63  }
0x436: {  	s10 =	sadd.s32 $0x2060, s2;
	s12 =	simm.s32 $0x1D6B0  }
0x437: {  	[hbm4b:s10+s3] =	stream.linear.scatter [tilespmem:s12], [sflag:$0x7], $0x80, $0x38;
	[tilespmem:$0x1DC00] =	vst v63  }
0x438: {  	s17 =	sadd.s32 $0x2070, s2;
	s31 =	simm.s32 $0x1D738  }
0x439: {  	[hbm4b:s17+s3] =	stream.linear.scatter [tilespmem:s31], [sflag:$0x7], $0x80, $0x38;
	[tilespmem:$0x1DC00] =	vst v63  }
0x43a: {  	s10 =	sadd.s32 $0x3000, s2;
	s12 =	simm.s32 $0x1D7C0  }
0x43b: {  	[hbm4b:s10+s3] =	stream.linear.scatter [tilespmem:s12], [sflag:$0x7], $0x80, $0x38;
	[tilespmem:$0x1DC00] =	vst v63  }
0x43c: {  	s17 =	sadd.s32 $0x3010, s2;
	s31 =	simm.s32 $0x1D848  }
0x43d: {  	[hbm4b:s17+s3] =	stream.linear.scatter [tilespmem:s31], [sflag:$0x7], $0x80, $0x38;
	[tilespmem:$0x1DC00] =	vst v63  }
0x43e: {  	s10 =	sadd.s32 $0x3020, s2;
	s12 =	simm.s32 $0x1D8D0  }
0x43f: {  	[hbm4b:s10+s3] =	stream.linear.scatter [tilespmem:s12], [sflag:$0x7], $0x80, $0x38;
	[tilespmem:$0x1DC00] =	vst v63  }
0x440: {  	s17 =	sadd.s32 $0x3030, s2;
	s31 =	simm.s32 $0x1D958  }
0x441: {  	[hbm4b:s17+s3] =	stream.linear.scatter [tilespmem:s31], [sflag:$0x7], $0x80, $0x38;
	[tilespmem:$0x1DC00] =	vst v63  }
0x442: {  	s10 =	sadd.s32 $0x3040, s2;
	s12 =	simm.s32 $0x1D9E0  }
0x443: {  	[hbm4b:s10+s3] =	stream.linear.scatter [tilespmem:s12], [sflag:$0x7], $0x80, $0x38;
	[tilespmem:$0x1DC00] =	vst v63  }
0x444: {  	s26 =	sadd.s32 $0x1, s26;
	s17 =	sadd.s32 $0x3050, s2;
	s31 =	simm.s32 $0x1DA68  }
0x445: {  	[hbm4b:s17+s3] =	stream.linear.scatter [tilespmem:s31], [sflag:$0x7], $0x80, $0x38;
	[tilespmem:$0x1DC00] =	vst v63  }
0x446: {  	s7 =	sadd.s32 $0x8000, s7;
	s8 =	sadd.s32 $0x3060, s2;
	s10 =	simm.s32 $0x1DAF0  }
0x447: {  	[hbm4b:s8+s3] =	stream.linear.scatter [tilespmem:s10], [sflag:$0x7], $0x80, $0x38;
	[tilespmem:$0x1DC00] =	vst v63  }
0x448: {  	p0 =	sne.s32 s26, $0x19;
	s2 =	sadd.s32 $0x3070, s2;
	s12 =	simm.s32 $0x1DB78  }
0x449: {  	[hbm4b:s2+s3] =	stream.linear.scatter [tilespmem:s12], [sflag:$0x7], $0x80, $0x38;
	[tilespmem:$0x1DC00] =	vst v63  }
.Ltmp15:
0x44a: {  	s1 =	sadd.s32 $0x8000, s1;
	s0 =	sadd.s32 $0x8000, s0;
	(pc) =	sbr.rel @p0 .LBB2_6-.Ltmp15, $4  }
.Ltmp16:
0x44b: {  	s19 =	sadd.s32 $0x8000, s19;
	s17 =	rddreg [dreg:$0x9];
	(pc) =	sbr.rel @!p0 .LBB2_29-.Ltmp16, $4  }
0x44c: {  	s21 =	sadd.s32 $0x8000, s21;
	s31 =	rddreg [dreg:$0xa];
	s2 =	sadd.s32 $0x1, s17  }
0x44d: {  	s22 =	sadd.s32 $0x8000, s22;
	[dreg:$0x9] =	wrdreg s2;
	s2 =	sadd.s32 $0x400, s31  }
0x44e: {  	s6 =	sadd.s32 $0x8000, s6;
	s15 =	sadd.s32 $0x8000, s15;
	[dreg:$0xa] =	wrdreg s2  }
0x44f: {  	_ = 	snop  }
.LBB2_10:
.Ltmp17:
0x450: {  	(pc) =	sbr.rel .LBB2_12-.Ltmp17, $2  }
0x451: {  	_ =	sdelay $0x2  }
0x452: {  	p0 =	por $0x1, $0x1  }
.LBB2_30:
0x453: {  	_ =	sfence.sel $0x180000  }
0x454: {  	[bflag:$0x0] =	sbarrier.arrive $0xFFFF  }
0x455: {  	_ =	strace $0x9000004D  }
0x456: {  	s0 =	stileid.u32;
	[bflag:$0x2] =	sbarrier.arrive $0xFFFF  }
0x457: {  	p0 =	sne.s32 s0, $0x0;
	s0 =	rddreg [dreg:$0x2]  }
0x458: {  	s0 =	sadd.s32 @!p0 $0x100000, s0  }
0x459: {  	[sflag:s0] =	ssyncadd.tile.s32 @!p0 $0x1;
	_ =	shalt  }
.Lfunc_end2:
_tile_overlayer_lowered:
.L_overlay_start_2:
0x45a: {  	(tag) =	ssettag $0x2  }
0x45b: {  	s0 =	rddreg [dreg:$0x0];
	s2 =	stileid.u32  }
0x45c: {  	s1 =	rddreg [dreg:$0x1];
	p0 =	sne.s32 s2, $0x0  }
0x45d: {  	s3 =	rddreg [dreg:$0x2];
	[bflag:$0x3] =	sbarrier.arrive $0xFFFF;
	s2 =	simm.s32 @!p0 $0x1C08  }
0x45e: {  	[timem:s3], [sflag:s2] =	dma.local @!p0 [hbm:s0], s1  }
0x45f: {  	s0 =	simm.s32 @!p0 $0x8  }
0x460: {  	_ =	swait.ge @!p0 [sflag:s0], s1  }
0x461: {  	s1 =	ssub.s32 @!p0 $0x0, s1;
	[sflag:s0] =	ssyncset.done @!p0 $0x0  }
0x462: {  	[sflag:s0] =	ssyncadd.s32 @!p0 s1  }
0x463: {  	[bflag:$0x3] =	sbarrier.arrive $0xFFFF  }
0x464: {  	_ =	shalt  }

// kernel: kernel.5.cloned.1.call-start
scs
__scs_entry_jumppad:
0x0: {  	(pc) =	sbr.rel $0x88, $3  }
0x1: {  	(tag) =	ssettag $0x0;
	lr =	simm.s32 $0x1  }
0x2: {  	[smem:$0x3F9F] =	sst lr;
	_ =	strace $0xD0000000  }
0x3: {  	_ = 	snop  }
0x4: {  	_ = 	snop  }
0x5: {  	_ = 	snop  }
0x6: {  	_ = 	snop  }
0x7: {  	_ = 	snop  }
__scs_overlays_trampoline_lowered:
0x8: {  	[smem:$0x3FAE] =	sst s0  }
0x9: {  	[smem:$0x3FAF] =	sst s1  }
0xa: {  	[smem:$0x3FB0] =	sst s2  }
0xb: {  	[smem:$0x3FB1] =	sst s3  }
0xc: {  	[smem:$0x3FB2] =	sst s4  }
0xd: {  	[smem:$0x3FB3] =	sst s5  }
0xe: {  	[smem:$0x3FB4] =	sst s6  }
0xf: {  	[smem:$0x3FB5] =	sst s7  }
0x10: {  	[smem:$0x3FB6] =	sst s8  }
0x11: {  	[smem:$0x3FB7] =	sst s9;
	s0 =	simm.s32 @!p0 $0x0  }
0x12: {  	s1 =	sld [smem:$0x3F9D];
	s0 =	simm.s32 @p0 $0x1  }
0x13: {  	[smem:$0x3FB8] =	sst s0;
	s0 =	simm.s32 @!p1 $0x0  }
0x14: {  	s2 =	sld [smem:$0x3F9C];
	s0 =	simm.s32 @p1 $0x1  }
0x15: {  	[smem:$0x3FB9] =	sst s0;
	s0 =	simm.s32 @!p2 $0x0  }
0x16: {  	s3 =	sld [smem:$0x3FDB];
	s0 =	simm.s32 @p2 $0x1  }
0x17: {  	s4 =	simm.s32 $0x1BF5;
	[smem:$0x3FBB] =	sst s0  }
0x18: {  	s0 =	sld [smem:$0x3F9E];
	_ =	swait.ge [sflag:s4], $0x0  }
0x19: {  	s7 =	sld [smem:$0x3F9F]  }
0x1a: {  	s8 =	sadd.s32 $0xFFFFE003, lr  }
0x1b: {  	s9 =	sadd.s32 $0xFFFFFEF7, lr;
	s5 =	simm.s32 $0xFFFFFFFF;
	p2 =	slt.u32 s8, $0xFFFFF086  }
0x1c: {  	p1 =	slt.u32 s9, $0xF7A;
	s5 =	simm.s32 @!p2 $0x0  }
0x1d: {  	s5 =	simm.s32 @p1 $0x1;
	p0 =	seq.s32 s7, s2  }
0x1e: {  	s7 =	smul.u32 @!p0 $0xF7A, s2;
	p2 =	seq.s32 @!p0 s5, $0x0  }
0x1f: {  	s9 =	smul.u32 $0xF7A, s1;
	s8 =	simm.s32 @!p0 $0x1BF5;
	p2 =	por !p2, p0  }
0x20: {  	[sflag:s8] =	ssyncset.s32 @!p0 $0xFFFFF086;
	s6 =	sadd.s32 @!p0 s3, s7;
	s7 =	simm.s32 @!p0 $0x108  }
0x21: {  	s3 =	sadd.s32 s3, s9;
	s6 =	sadd.s32 @!p0 $0x88, s6;
	s7 =	simm.s32 @p2 $0x1082  }
0x22: {  	[simem:s7], [sflag:s8] =	dma.local @!p0 [hbm:s6], $0xF7A  }
0x23: {  	s9 =	sor.u32 $0xD0000000, s2;
	s6 =	simm.s32 $0x108;
	_ =	swait.ge @!p0 [sflag:s8], $0x0  }
0x24: {  	s3 =	sadd.s32 $0x88, s3;
	s6 =	simm.s32 @!p1 $0x1082;
	[sflag:s4] =	ssyncset.s32 $0xFFFFF086  }
0x25: {  	[simem:s6], [sflag:s4] =	dma.local [hbm:s3], $0xF7A  }
0x26: {  	[smem:$0x3F9F] =	sst s1;
	(tag) =	ssettag s2;
	_ =	strace s9  }
0x27: {  	s1 =	sld [smem:$0x3FAF]  }
0x28: {  	s2 =	sld [smem:$0x3FB0]  }
0x29: {  	s4 =	sld [smem:$0x3FB2]  }
0x2a: {  	p0 =	seq.s32 s5, $0x0;
	s5 =	sld [smem:$0x3FB3]  }
0x2b: {  	s6 =	sld [smem:$0x3FB4]  }
0x2c: {  	s7 =	sld [smem:$0x3FB5]  }
0x2d: {  	s3 =	simm.s32 $0x108;
	s8 =	sld [smem:$0x3FB6]  }
0x2e: {  	s3 =	simm.s32 @!p0 $0x1082;
	s9 =	sld [smem:$0x3FB7]  }
0x2f: {  	lr =	sadd.s32 s0, s3;
	s0 =	sld [smem:$0x3FAE]  }
0x30: {  	s3 =	sld [smem:$0x3FB1]  }
0x31: {  	[smem:$0x3FBA] =	sst s10  }
0x32: {  	s10 =	sld [smem:$0x3FB8];
	_ =	sdelay $0x3  }
0x33: {  	p0 =	seq.s32 s10, $0x1;
	s10 =	sld [smem:$0x3FBA];
	_ =	sdelay $0x3  }
0x34: {  	[smem:$0x3FBA] =	sst s10  }
0x35: {  	s10 =	sld [smem:$0x3FB9];
	_ =	sdelay $0x3  }
0x36: {  	p1 =	seq.s32 s10, $0x1;
	s10 =	sld [smem:$0x3FBA];
	_ =	sdelay $0x3  }
0x37: {  	[smem:$0x3FBA] =	sst s10  }
0x38: {  	s10 =	sld [smem:$0x3FBB]  }
0x39: {  	_ = 	snop;
	(pc) =	sbr.ind lr, $3  }
0x3a: {  	_ = 	snop  }
0x3b: {  	_ = 	snop  }
0x3c: {  	p2 =	seq.s32 s10, $0x1;
	s10 =	sld [smem:$0x3FBA]  }
0x3d: {  	_ =	shalt  }
0x3e: {  	_ =	shalt  }
0x3f: {  	_ =	shalt  }
0x40: {  	_ =	shalt  }
0x41: {  	_ =	shalt  }
0x42: {  	_ =	shalt  }
0x43: {  	_ =	shalt  }
0x44: {  	_ =	shalt  }
0x45: {  	_ =	shalt  }
0x46: {  	_ =	shalt  }
0x47: {  	_ =	shalt  }
0x48: {  	_ =	shalt  }
0x49: {  	_ =	shalt  }
0x4a: {  	_ =	shalt  }
0x4b: {  	_ =	shalt  }
0x4c: {  	_ =	shalt  }
0x4d: {  	_ =	shalt  }
0x4e: {  	_ =	shalt  }
0x4f: {  	_ =	shalt  }
0x50: {  	_ =	shalt  }
0x51: {  	_ =	shalt  }
0x52: {  	_ =	shalt  }
0x53: {  	_ =	shalt  }
0x54: {  	_ =	shalt  }
0x55: {  	_ =	shalt  }
0x56: {  	_ =	shalt  }
0x57: {  	_ =	shalt  }
0x58: {  	_ =	shalt  }
0x59: {  	_ =	shalt  }
0x5a: {  	_ =	shalt  }
0x5b: {  	_ =	shalt  }
0x5c: {  	_ =	shalt  }
0x5d: {  	_ =	shalt  }
0x5e: {  	_ =	shalt  }
0x5f: {  	_ =	shalt  }
0x60: {  	_ =	shalt  }
0x61: {  	_ =	shalt  }
0x62: {  	_ =	shalt  }
0x63: {  	_ =	shalt  }
0x64: {  	_ =	shalt  }
0x65: {  	_ =	shalt  }
0x66: {  	_ =	shalt  }
0x67: {  	_ =	shalt  }
0x68: {  	_ =	shalt  }
0x69: {  	_ =	shalt  }
0x6a: {  	_ =	shalt  }
0x6b: {  	_ =	shalt  }
0x6c: {  	_ =	shalt  }
0x6d: {  	_ =	shalt  }
0x6e: {  	_ =	shalt  }
0x6f: {  	_ =	shalt  }
0x70: {  	_ =	shalt  }
0x71: {  	_ =	shalt  }
0x72: {  	_ =	shalt  }
0x73: {  	_ =	shalt  }
0x74: {  	_ =	shalt  }
0x75: {  	_ =	shalt  }
0x76: {  	_ =	shalt  }
0x77: {  	_ =	shalt  }
0x78: {  	_ =	shalt  }
0x79: {  	_ =	shalt  }
0x7a: {  	_ =	shalt  }
0x7b: {  	_ =	shalt  }
0x7c: {  	_ =	shalt  }
0x7d: {  	_ =	shalt  }
0x7e: {  	_ =	shalt  }
0x7f: {  	_ =	shalt  }
0x80: {  	_ =	shalt  }
0x81: {  	_ =	shalt  }
0x82: {  	_ =	shalt  }
0x83: {  	_ =	shalt  }
0x84: {  	_ =	shalt  }
0x85: {  	_ =	shalt  }
0x86: {  	_ =	shalt  }
0x87: {  	_ =	shalt  }
.Lfunc_end0:
.L_simem_size_0:
called_computation_lowered:
.L_overlay_start_0:
0x88: {  	s2 =	sld [smem:$0x3FD9]  }
0x89: {  	s3 =	sld [smem:$0x3FFE];
	_ =	sdelay $0x1  }
0x8a: {  	s1 =	srdreg.scid  }
0x8b: {  	s0 =	sand.u32 $0x1, s1  }
0x8c: {  	s17 =	sshll.u32 s0, $0xA;
	s2 =	sadd.s32 s3, s2  }
0x8d: {  	s2 =	sadd.s32 s2, s17  }
0x8e: {  	[smem:$0x3FC6] =	sst s2  }
0x8f: {  	_ = 	snop  }
0x90: {  	s2 =	sld [smem:$0x3FC8];
	(tm) =	ssettm $0x1  }
0x91: {  	s18 =	sld [smem:$0x3FFB];
	_ =	sdelay $0x3  }
0x92: {  	_ =	strace s18  }
0x93: {  	s3 =	sld [smem:$0x3FFC];
	_ =	sdelay $0x3  }
0x94: {  	_ =	strace s3  }
0x95: {  	s3 =	sld [smem:$0x3FFD];
	_ =	sdelay $0x3  }
0x96: {  	_ =	strace s3  }
0x97: {  	_ =	strace $0x8FFFFFFF  }
0x98: {  	s19 =	sld [smem:$0x3FDB];
	_ =	sdelay $0x1  }
0x99: {  	s4 =	simm.s32 $_scs_section_size  }
0x9a: {  	s5 =	simm.s32 $_size__tile_overlayer_lowered;
	s6 =	simm.s32 $_tile_overlayer_lowered  }
0x9b: {  	s22 =	simm.s32 $0x1BFF;
	s21 =	sshll.u32 s6, $0x1;
	s3 =	sadd.s32 s4, s19  }
0x9c: {  	s7 =	simm.s32 $0x0;
	s20 =	sshll.u32 s5, $0x1;
	s5 =	sadd.s32 s21, s3  }
0x9d: {  	[timem:s7], [sflag:s22] =	dma.local [hbm:s5], s20  }
0x9e: {  	_ =	swait.ge [sflag:s22], s20  }
0x9f: {  	s4 =	ssub.s32 $0x0, s20;
	[sflag:s22] =	ssyncset.done $0x0  }
0xa0: {  	[sflag:s22] =	ssyncadd.s32 s4;
	_ =	sdelay $0x1  }
0xa1: {  	s23 =	simm.s32 $0x1B8B  }
0xa2: {  	_ =	swait.ge [sflag:s23], $0x1  }
0xa3: {  	[sflag:s23] =	ssyncset.done $0x0  }
0xa4: {  	s25 =	simm.s32 $0x1B8E;
	s24 =	sld [smem:$0x3FFE];
	[sflag:s23] =	ssyncadd.s32 $0xFFFFFFFF  }
0xa5: {  	s26 =	simm.s32 $execute0_lowered;
	[smem:$0x3FD2] =	sst s25  }
0xa6: {  	s5 =	sshll.u32 s26, $0x1;
	_ =	strace $0x80000046;
	[dreg:$0x1] =	wrdreg $0xFFFFFFFF  }
0xa7: {  	s28 =	simm.s32 $_size_execute0_lowered;
	s3 =	sadd.s32 s3, s5;
	[dreg:$0x0] =	wrdreg $0x0  }
0xa8: {  	s5 =	sshll.u32 s28, $0x1;
	[dreg:$0x2] =	wrdreg s3  }
0xa9: {  	[dreg:$0x3] =	wrdreg s5  }
0xaa: {  	[dreg:$0x4] =	wrdreg $0xC0  }
0xab: {  	_ =	task [dreg:s7], $0x5FFFF  }
0xac: {  	[dreg:$0x1] =	wrdreg $0xFFFFFFFF  }
0xad: {  	[dreg:$0x0] =	wrdreg $0x60  }
0xae: {  	[dreg:$0x2] =	wrdreg s2  }
0xaf: {  	[dreg:$0x3] =	wrdreg s24  }
0xb0: {  	[dreg:$0x4] =	wrdreg $0x9  }
0xb1: {  	_ =	task.clear_ibuf [dreg:s7], $0x5FFFF;
	_ =	strace $0x90000046  }
0xb2: {  	s29 =	simm.s32 $0x9;
	_ =	strace $0x80000048  }
0xb3: {  	_ =	swait.ge [sflag:s29], $0x1  }
0xb4: {  	[sflag:s29] =	ssyncadd.s32 $0xFFFFFFFF  }
0xb5: {  	_ =	strace $0x90000048  }
0xb6: {  	_ =	sfence  }
0xb7: {  	s30 =	sld [smem:$0x0];
	_ =	sdelay $0x2  }
0xb8: {  	s31 =	sshll.u32 s1, $0xD;
	s1 =	sshrl.u32 s1, $0x2  }
0xb9: {  	s3 =	sand.u32 $0x4000, s31;
	s1 =	sadd.s32 s1, s30  }
0xba: {  	s0 =	sor.u32 s3, s0;
	s1 =	sshll.u32 s1, $0x11  }
0xbb: {  	s0 =	sor.u32 s1, s0  }
0xbc: {  	s0 =	sadd.s32 $0x8F2B, s0  }
0xbd: {  	[sflag:s0] =	ssyncadd.remote.s32 $0x1  }
0xbe: {  	_ =	sfence.sel $0xFFFF  }
0xbf: {  	[dreg:$0x0] =	wrdreg $0xFFFFFFFF;
	(pc) =	sbr.abs _section_cstart, $3  }
0xc0: {  	[dreg:$0x1] =	wrdreg $0xFFFFFFFF  }
0xc1: {  	_ =	task.clear_ibuf [dreg:s7], $0x2FFFF;
	_ =	strace $0x9FFFFFFF  }
0xc2: {  	(tm) =	ssettm $0x7FFFFFFF  }
0xc3: {  	_ =	shalt  }
tec
execute0_lowered:
.L_overlay_start_1:
0x0: {  	(tag) =	ssettag $0x1  }
0x1: {  	s7 =	rddreg [dreg:$0x0]  }
0x2: {  	s5 =	rddreg [dreg:$0x1];
	s0 =	stileid.u32  }
0x3: {  	s3 =	srdreg.scid;
	s2 =	simm.s32 $0x0;
	s13 =	simm.s32 $0x2000  }
0x4: {  	s14 =	simm.s32 $0x9;
	s15 =	simm.s32 $0xA;
	s16 =	simm.s32 $0x0  }
0x5: {  	s8 =	sand.u32 $0x1, s3;
	s28 =	sshll.u32 s0, $0x1;
	[smem:$0x7FF] =	sst s2  }
0x6: {  	s9 =	sshll.u32 s0, $0xA;
	s12 =	sshll.u32 s0, $0x8;
	p0 =	sgt.u32 s0, $0x1  }
0x7: {  	s3 =	sor.u32 s8, s28;
	_ =	strace $0x80000047;
	s6 =	ssub.s32 $0x2, s8  }
0x8: {  	s9 =	sadd.s32 s9, s5;
	s11 =	sshll.u32 s8, $0x9;
	s29 =	sadd.s32 s12, s7  }
0x9: {  	s30 =	sshll.u32 s8, $0x7;
	s12 =	simm.s32 $0x1000;
	s4 =	sshll.u32 s3, $0x7  }
0xa: {  	s10 =	sshrl.u32 s6, $0x1;
	s9 =	sadd.s32 s11, s9;
	s31 =	sadd.s32 s30, s29  }
0xb: {  	s11 =	simm.s32 $0x7A1400;
	s4 =	sadd.s32 s7, s4;
	s10 =	ssub.s32 s6, s10  }
0xc: {  	s8 =	sadd.s32 $0xE00, s9;
	s9 =	sadd.s32 $0x3000, s31;
	s5 =	sadd.s32 $0x1000, s4  }
0xd: {  	s6 =	sadd.s32 $0x2000, s4;
	s7 =	smax.u32 s10, $0x1;
	s10 =	simm.s32 $0x400  }
.LBB2_1:
0xe: {  	[tilespmem:s2], [sflag:$0x1] =	stream.strided.gather [hbm4b:s4+s10], $0x1000, s11, s10, $0x38;
	[tilespmem:$0x6000] =	vst v63  }
0xf: {  	p1 =	por $0x1, $0x1  }
0x10: {  	s17 =	simm.s32 @!p1 $0xFFFFFFFD  }
0x11: {  	[tilespmem:s12], [sflag:$0x2] =	stream.strided.gather [hbm4b:s5+s10], $0x1000, s11, s10, $0x38;
	[tilespmem:$0x6000] =	vst v63  }
0x12: {  	s18 =	simm.s32 $0x3;
	s19 =	simm.s32 $0x0;
	s17 =	sand.u32 @!p1 $0xFF, s17  }
0x13: {  	s20 =	sadd.s32 $0x60, s3;
	s19 =	sand.u32 $0xFF, s19;
	s17 =	smul.u32 @!p1 $0xAB, s17  }
0x14: {  	[tilespmem:s13], [sflag:$0x3] =	stream.strided.gather [hbm4b:s6+s10], $0x1000, s11, s10, $0x38;
	[tilespmem:$0x6000] =	vst v63  }
0x15: {  	p2 =	sgt.u32 s20, $0x1E83;
	s31 =	smul.u32 $0xAB, s19;
	s17 =	sshrl.u32 @!p1 s17, $0xA  }
0x16: {  	s20 =	smul.u32 @!p1 $0x6, s17;
	s17 =	sand.u32 @!p2 $0xFF, s18  }
0x17: {  	s22 =	simm.s32 $0x5;
	s19 =	smul.u32 @!p2 $0xAB, s17  }
0x18: {  	p3 =	sgt.u32 s3, $0x1E83;
	s18 =	sshrl.u32 s31, $0xA;
	s20 =	ssub.s32 @!p1 $0xFFFFFFFD, s20  }
0x19: {  	s21 =	smul.u32 $0x6, s18;
	s20 =	sand.u32 @!p1 $0xFF, s20;
	s18 =	sshrl.u32 @!p2 s19, $0xA  }
0x1a: {  	s24 =	simm.s32 @!p2 $0x7A1400;
	s19 =	sadd.s32 @!p1 $0x7, s20;
	s23 =	smul.u32 @!p2 $0x6, s18  }
0x1b: {  	s25 =	simm.s32 @!p2 $0x400;
	s17 =	simm.s32 $0x4;
	_ =	swait.ge @!p1 [sflag:s19], $0x1000  }
0x1c: {  	s21 =	ssub.s32 $0x0, s21;
	[sflag:s19] =	ssyncset.done @!p1 $0x0;
	s23 =	ssub.s32 @!p2 $0x3, s23  }
0x1d: {  	s18 =	sadd.s32 $0x1000, s9;
	[sflag:s19] =	ssyncadd.s32 @!p1 $0xFFFFF000;
	s19 =	sand.u32 @!p2 $0xFF, s23  }
0x1e: {  	s20 =	sadd.s32 $0x20, s3;
	s23 =	sshll.u32 @!p2 s19, $0xC;
	s19 =	sadd.s32 @!p2 $0x1, s19  }
0x1f: {  	[tilespmem:s23], [sflag:s19] =	stream.strided.gather @!p2 [hbm4b:s9+s25], $0x1000, s24, s25, $0x38;
	[tilespmem:$0x6000] =	vst v63  }
0x20: {  	s19 =	sadd.s32 $0x4000, s8;
	s24 =	sand.u32 $0xFF, s21;
	s21 =	simm.s32 $0x1  }
0x21: {  	s25 =	simm.s32 @!p3 $0x0;
	s23 =	smov.u32 s8;
	s26 =	sadd.s32 @!p3 $0x1, s24  }
.LBB2_2:
0x22: {  	p1 =	slt.u32 s21, $0x3;
	s28 =	sshll.u32 @!p3 s24, $0xC;
	s29 =	smov.u32 s17  }
0x23: {  	s17 =	smov.u32 s22;
	s22 =	sadd.s32 $0x1, s22;
	s30 =	smov.u32 s18  }
0x24: {  	s24 =	sadd.s32 @!p3 $0x7, s24;
	s31 =	sadd.s32 @!p1 $0xFFFFFFFD, s21;
	_ =	swait.ge @!p3 [sflag:s26], $0x1000  }
0x25: {  	s1 =	sadd.s32 $0x60, s20;
	s0 =	sand.u32 @!p1 $0xFF, s31;
	[sflag:s26] =	ssyncset.done @!p3 $0x0  }
0x26: {  	p2 =	sgt.u32 s1, $0x1E83;
	s0 =	smul.u32 @!p1 $0xAB, s0;
	[sflag:s26] =	ssyncadd.s32 @!p3 $0xFFFFF000  }
0x27: {  	[hbm4b:s23+s25] =	stream.linear.scatter @!p3 [tilespmem:s28], [sflag:s24], $0x1000, $0x38;
	[tilespmem:$0x6000] =	vst v63  }
0x28: {  	p4 =	sne.s32 s22, $0xF8;
	s1 =	sand.u32 @!p2 $0xFF, s29;
	s0 =	sshrl.u32 @!p1 s0, $0xA  }
0x29: {  	s23 =	sand.u32 $0xFF, s21;
	s25 =	smov.u32 s20;
	s0 =	smul.u32 @!p1 $0x6, s0  }
0x2a: {  	s24 =	smul.u32 $0xAB, s23;
	s23 =	smov.u32 s19  }
0x2b: {  	s18 =	sadd.s32 $0x1000, s18;
	s1 =	smul.u32 @!p2 $0xAB, s1;
	s0 =	ssub.s32 @!p1 s31, s0  }
0x2c: {  	s20 =	sadd.s32 $0x20, s20;
	s24 =	sshrl.u32 s24, $0xA;
	s0 =	sand.u32 @!p1 $0xFF, s0  }
0x2d: {  	s1 =	sshrl.u32 @!p2 s1, $0xA;
	s24 =	smul.u32 $0x6, s24;
	s0 =	sadd.s32 @!p1 $0x7, s0  }
0x2e: {  	s19 =	sadd.s32 $0x4000, s19;
	s1 =	smul.u32 @!p2 $0x6, s1;
	_ =	swait.ge @!p1 [sflag:s0], $0x1000  }
0x2f: {  	s28 =	simm.s32 @!p2 $0x7A1400;
	s21 =	ssub.s32 s21, s24;
	[sflag:s0] =	ssyncset.done @!p1 $0x0  }
.Ltmp0:
0x30: {  	s24 =	sand.u32 $0xFF, s21;
	[sflag:s0] =	ssyncadd.s32 @!p1 $0xFFFFF000;
	(pc) =	sbr.rel @p4 .LBB2_2-.Ltmp0, $4  }
0x31: {  	p3 =	sgt.u32 s25, $0x1E83;
	s21 =	sadd.s32 $0xFFFFFFFD, s17;
	s0 =	ssub.s32 @!p2 s29, s1  }
0x32: {  	s25 =	simm.s32 @!p3 $0x0;
	s26 =	sadd.s32 @!p3 $0x1, s24;
	s0 =	sand.u32 @!p2 $0xFF, s0  }
0x33: {  	s29 =	simm.s32 @!p2 $0x400;
	s1 =	sshll.u32 @!p2 s0, $0xC;
	s0 =	sadd.s32 @!p2 $0x1, s0  }
0x34: {  	[tilespmem:s1], [sflag:s0] =	stream.strided.gather @!p2 [hbm4b:s30+s29], $0x1000, s28, s29, $0x38;
	[tilespmem:$0x6000] =	vst v63  }
0x35: {  	p1 =	slt.u32 s21, $0x3  }
0x36: {  	_ =	swait.ge @!p3 [sflag:s26], $0x1000;
	s0 =	sadd.s32 @!p1 $0xFFFFFFFD, s21  }
0x37: {  	s1 =	sshll.u32 @!p3 s24, $0xC;
	[sflag:s26] =	ssyncset.done @!p3 $0x0;
	s22 =	sand.u32 @!p1 $0xFF, s0  }
0x38: {  	s24 =	sadd.s32 @!p3 $0x7, s24;
	[sflag:s26] =	ssyncadd.s32 @!p3 $0xFFFFF000;
	s22 =	smul.u32 @!p1 $0xAB, s22  }
0x39: {  	[hbm4b:s23+s25] =	stream.linear.scatter @!p3 [tilespmem:s1], [sflag:s24], $0x1000, $0x38;
	[tilespmem:$0x6000] =	vst v63  }
0x3a: {  	s30 =	sadd.s32 $0x60, s20;
	s22 =	sshrl.u32 @!p1 s22, $0xA  }
0x3b: {  	s31 =	sand.u32 $0xFF, s21;
	p2 =	sgt.u32 s30, $0x1E83;
	s22 =	smul.u32 @!p1 $0x6, s22  }
0x3c: {  	s23 =	sand.u32 @!p2 $0xFF, s17;
	s1 =	smul.u32 $0xAB, s31  }
0x3d: {  	s0 =	ssub.s32 @!p1 s0, s22;
	s22 =	smul.u32 @!p2 $0xAB, s23  }
0x3e: {  	s1 =	sshrl.u32 s1, $0xA  }
0x3f: {  	s1 =	smul.u32 $0x6, s1;
	s0 =	sand.u32 @!p1 $0xFF, s0;
	s22 =	sshrl.u32 @!p2 s22, $0xA  }
0x40: {  	p3 =	sgt.u32 s20, $0x1E83;
	s0 =	sadd.s32 @!p1 $0x7, s0;
	s22 =	smul.u32 @!p2 $0x6, s22  }
0x41: {  	s1 =	ssub.s32 s21, s1;
	s21 =	simm.s32 @!p2 $0x7A1400;
	_ =	swait.ge @!p1 [sflag:s0], $0x1000  }
0x42: {  	s1 =	sand.u32 $0xFF, s1;
	[sflag:s0] =	ssyncset.done @!p1 $0x0;
	s17 =	ssub.s32 @!p2 s17, s22  }
0x43: {  	[sflag:s0] =	ssyncadd.s32 @!p1 $0xFFFFF000;
	s22 =	simm.s32 @!p2 $0x400;
	s0 =	sand.u32 @!p2 $0xFF, s17  }
0x44: {  	s17 =	sadd.s32 @!p3 $0x1, s1;
	s20 =	sshll.u32 @!p2 s0, $0xC;
	s0 =	sadd.s32 @!p2 $0x1, s0  }
0x45: {  	[tilespmem:s20], [sflag:s0] =	stream.strided.gather @!p2 [hbm4b:s18+s22], $0x1000, s21, s22, $0x38;
	[tilespmem:$0x6000] =	vst v63  }
0x46: {  	_ =	swait.ge @!p3 [sflag:s17], $0x1000  }
0x47: {  	s0 =	simm.s32 @!p3 $0x0;
	[sflag:s17] =	ssyncset.done @!p3 $0x0  }
0x48: {  	s18 =	sshll.u32 @!p3 s1, $0xC;
	s1 =	sadd.s32 @!p3 $0x7, s1;
	[sflag:s17] =	ssyncadd.s32 @!p3 $0xFFFFF000  }
0x49: {  	[hbm4b:s19+s0] =	stream.linear.scatter @!p3 [tilespmem:s18], [sflag:s1], $0x1000, $0x38;
	[tilespmem:$0x6000] =	vst v63  }
0x4a: {  	_ =	swait.ge [sflag:s14], $0x1000  }
0x4b: {  	[sflag:s14] =	ssyncset.done $0x0  }
0x4c: {  	s16 =	sadd.s32 $0x1, s16;
	[sflag:s14] =	ssyncadd.s32 $0xFFFFF000  }
0x4d: {  	p1 =	sne.s32 s16, s7;
	_ =	swait.ge [sflag:s15], $0x1000  }
.Ltmp1:
0x4e: {  	[sflag:s15] =	ssyncset.done $0x0;
	(pc) =	sbr.rel @p1 .LBB2_1-.Ltmp1, $4  }
0x4f: {  	s0 =	simm.s32 @!p0 $0xB;
	[sflag:s15] =	ssyncadd.s32 $0xFFFFF000  }
0x50: {  	_ =	swait.ge @!p0 [sflag:s0], $0x1000  }
0x51: {  	[sflag:s0] =	ssyncset.done @!p0 $0x0  }
0x52: {  	[sflag:s0] =	ssyncadd.s32 @!p0 $0xFFFFF000  }
0x53: {  	_ =	sfence.sel $0x180000  }
0x54: {  	[bflag:$0x0] =	sbarrier.arrive $0xFFFF  }
0x55: {  	_ =	strace $0x90000047  }
0x56: {  	s0 =	stileid.u32;
	[bflag:$0x2] =	sbarrier.arrive $0xFFFF  }
0x57: {  	p0 =	sne.s32 s0, $0x0;
	s0 =	rddreg [dreg:$0x2]  }
0x58: {  	s0 =	sadd.s32 @!p0 $0x100000, s0  }
0x59: {  	[sflag:s0] =	ssyncadd.tile.s32 @!p0 $0x1;
	_ =	shalt  }
.Lfunc_end2:
_tile_overlayer_lowered:
.L_overlay_start_2:
0x5a: {  	(tag) =	ssettag $0x2  }
0x5b: {  	s0 =	rddreg [dreg:$0x0];
	s2 =	stileid.u32  }
0x5c: {  	s1 =	rddreg [dreg:$0x1];
	p0 =	sne.s32 s2, $0x0  }
0x5d: {  	s3 =	rddreg [dreg:$0x2];
	[bflag:$0x3] =	sbarrier.arrive $0xFFFF;
	s2 =	simm.s32 @!p0 $0x1C0D  }
0x5e: {  	[timem:s3], [sflag:s2] =	dma.local @!p0 [hbm:s0], s1  }
0x5f: {  	s0 =	simm.s32 @!p0 $0xD  }
0x60: {  	_ =	swait.ge @!p0 [sflag:s0], s1  }
0x61: {  	s1 =	ssub.s32 @!p0 $0x0, s1;
	[sflag:s0] =	ssyncset.done @!p0 $0x0  }
0x62: {  	[sflag:s0] =	ssyncadd.s32 @!p0 s1  }
0x63: {  	[bflag:$0x3] =	sbarrier.arrive $0xFFFF  }
0x64: {  	_ =	shalt  }

// kernel: kernel.8.cloned.1.call-start
scs
__scs_entry_jumppad:
0x0: {  	(pc) =	sbr.rel $0x88, $3  }
0x1: {  	(tag) =	ssettag $0x0;
	lr =	simm.s32 $0x1  }
0x2: {  	[smem:$0x3F9F] =	sst lr;
	_ =	strace $0xD0000000  }
0x3: {  	_ = 	snop  }
0x4: {  	_ = 	snop  }
0x5: {  	_ = 	snop  }
0x6: {  	_ = 	snop  }
0x7: {  	_ = 	snop  }
__scs_overlays_trampoline_lowered:
0x8: {  	[smem:$0x3FAE] =	sst s0  }
0x9: {  	[smem:$0x3FAF] =	sst s1  }
0xa: {  	[smem:$0x3FB0] =	sst s2  }
0xb: {  	[smem:$0x3FB1] =	sst s3  }
0xc: {  	[smem:$0x3FB2] =	sst s4  }
0xd: {  	[smem:$0x3FB3] =	sst s5  }
0xe: {  	[smem:$0x3FB4] =	sst s6  }
0xf: {  	[smem:$0x3FB5] =	sst s7  }
0x10: {  	[smem:$0x3FB6] =	sst s8  }
0x11: {  	[smem:$0x3FB7] =	sst s9;
	s0 =	simm.s32 @!p0 $0x0  }
0x12: {  	s1 =	sld [smem:$0x3F9D];
	s0 =	simm.s32 @p0 $0x1  }
0x13: {  	[smem:$0x3FB8] =	sst s0;
	s0 =	simm.s32 @!p1 $0x0  }
0x14: {  	s2 =	sld [smem:$0x3F9C];
	s0 =	simm.s32 @p1 $0x1  }
0x15: {  	[smem:$0x3FB9] =	sst s0;
	s0 =	simm.s32 @!p2 $0x0  }
0x16: {  	s3 =	sld [smem:$0x3FDB];
	s0 =	simm.s32 @p2 $0x1  }
0x17: {  	s4 =	simm.s32 $0x1BF5;
	[smem:$0x3FBB] =	sst s0  }
0x18: {  	s0 =	sld [smem:$0x3F9E];
	_ =	swait.ge [sflag:s4], $0x0  }
0x19: {  	s7 =	sld [smem:$0x3F9F]  }
0x1a: {  	s8 =	sadd.s32 $0xFFFFE003, lr  }
0x1b: {  	s9 =	sadd.s32 $0xFFFFFEF7, lr;
	s5 =	simm.s32 $0xFFFFFFFF;
	p2 =	slt.u32 s8, $0xFFFFF086  }
0x1c: {  	p1 =	slt.u32 s9, $0xF7A;
	s5 =	simm.s32 @!p2 $0x0  }
0x1d: {  	s5 =	simm.s32 @p1 $0x1;
	p0 =	seq.s32 s7, s2  }
0x1e: {  	s7 =	smul.u32 @!p0 $0xF7A, s2;
	p2 =	seq.s32 @!p0 s5, $0x0  }
0x1f: {  	s9 =	smul.u32 $0xF7A, s1;
	s8 =	simm.s32 @!p0 $0x1BF5;
	p2 =	por !p2, p0  }
0x20: {  	[sflag:s8] =	ssyncset.s32 @!p0 $0xFFFFF086;
	s6 =	sadd.s32 @!p0 s3, s7;
	s7 =	simm.s32 @!p0 $0x108  }
0x21: {  	s3 =	sadd.s32 s3, s9;
	s6 =	sadd.s32 @!p0 $0x88, s6;
	s7 =	simm.s32 @p2 $0x1082  }
0x22: {  	[simem:s7], [sflag:s8] =	dma.local @!p0 [hbm:s6], $0xF7A  }
0x23: {  	s9 =	sor.u32 $0xD0000000, s2;
	s6 =	simm.s32 $0x108;
	_ =	swait.ge @!p0 [sflag:s8], $0x0  }
0x24: {  	s3 =	sadd.s32 $0x88, s3;
	s6 =	simm.s32 @!p1 $0x1082;
	[sflag:s4] =	ssyncset.s32 $0xFFFFF086  }
0x25: {  	[simem:s6], [sflag:s4] =	dma.local [hbm:s3], $0xF7A  }
0x26: {  	[smem:$0x3F9F] =	sst s1;
	(tag) =	ssettag s2;
	_ =	strace s9  }
0x27: {  	s1 =	sld [smem:$0x3FAF]  }
0x28: {  	s2 =	sld [smem:$0x3FB0]  }
0x29: {  	s4 =	sld [smem:$0x3FB2]  }
0x2a: {  	p0 =	seq.s32 s5, $0x0;
	s5 =	sld [smem:$0x3FB3]  }
0x2b: {  	s6 =	sld [smem:$0x3FB4]  }
0x2c: {  	s7 =	sld [smem:$0x3FB5]  }
0x2d: {  	s3 =	simm.s32 $0x108;
	s8 =	sld [smem:$0x3FB6]  }
0x2e: {  	s3 =	simm.s32 @!p0 $0x1082;
	s9 =	sld [smem:$0x3FB7]  }
0x2f: {  	lr =	sadd.s32 s0, s3;
	s0 =	sld [smem:$0x3FAE]  }
0x30: {  	s3 =	sld [smem:$0x3FB1]  }
0x31: {  	[smem:$0x3FBA] =	sst s10  }
0x32: {  	s10 =	sld [smem:$0x3FB8];
	_ =	sdelay $0x3  }
0x33: {  	p0 =	seq.s32 s10, $0x1;
	s10 =	sld [smem:$0x3FBA];
	_ =	sdelay $0x3  }
0x34: {  	[smem:$0x3FBA] =	sst s10  }
0x35: {  	s10 =	sld [smem:$0x3FB9];
	_ =	sdelay $0x3  }
0x36: {  	p1 =	seq.s32 s10, $0x1;
	s10 =	sld [smem:$0x3FBA];
	_ =	sdelay $0x3  }
0x37: {  	[smem:$0x3FBA] =	sst s10  }
0x38: {  	s10 =	sld [smem:$0x3FBB]  }
0x39: {  	_ = 	snop;
	(pc) =	sbr.ind lr, $3  }
0x3a: {  	_ = 	snop  }
0x3b: {  	_ = 	snop  }
0x3c: {  	p2 =	seq.s32 s10, $0x1;
	s10 =	sld [smem:$0x3FBA]  }
0x3d: {  	_ =	shalt  }
0x3e: {  	_ =	shalt  }
0x3f: {  	_ =	shalt  }
0x40: {  	_ =	shalt  }
0x41: {  	_ =	shalt  }
0x42: {  	_ =	shalt  }
0x43: {  	_ =	shalt  }
0x44: {  	_ =	shalt  }
0x45: {  	_ =	shalt  }
0x46: {  	_ =	shalt  }
0x47: {  	_ =	shalt  }
0x48: {  	_ =	shalt  }
0x49: {  	_ =	shalt  }
0x4a: {  	_ =	shalt  }
0x4b: {  	_ =	shalt  }
0x4c: {  	_ =	shalt  }
0x4d: {  	_ =	shalt  }
0x4e: {  	_ =	shalt  }
0x4f: {  	_ =	shalt  }
0x50: {  	_ =	shalt  }
0x51: {  	_ =	shalt  }
0x52: {  	_ =	shalt  }
0x53: {  	_ =	shalt  }
0x54: {  	_ =	shalt  }
0x55: {  	_ =	shalt  }
0x56: {  	_ =	shalt  }
0x57: {  	_ =	shalt  }
0x58: {  	_ =	shalt  }
0x59: {  	_ =	shalt  }
0x5a: {  	_ =	shalt  }
0x5b: {  	_ =	shalt  }
0x5c: {  	_ =	shalt  }
0x5d: {  	_ =	shalt  }
0x5e: {  	_ =	shalt  }
0x5f: {  	_ =	shalt  }
0x60: {  	_ =	shalt  }
0x61: {  	_ =	shalt  }
0x62: {  	_ =	shalt  }
0x63: {  	_ =	shalt  }
0x64: {  	_ =	shalt  }
0x65: {  	_ =	shalt  }
0x66: {  	_ =	shalt  }
0x67: {  	_ =	shalt  }
0x68: {  	_ =	shalt  }
0x69: {  	_ =	shalt  }
0x6a: {  	_ =	shalt  }
0x6b: {  	_ =	shalt  }
0x6c: {  	_ =	shalt  }
0x6d: {  	_ =	shalt  }
0x6e: {  	_ =	shalt  }
0x6f: {  	_ =	shalt  }
0x70: {  	_ =	shalt  }
0x71: {  	_ =	shalt  }
0x72: {  	_ =	shalt  }
0x73: {  	_ =	shalt  }
0x74: {  	_ =	shalt  }
0x75: {  	_ =	shalt  }
0x76: {  	_ =	shalt  }
0x77: {  	_ =	shalt  }
0x78: {  	_ =	shalt  }
0x79: {  	_ =	shalt  }
0x7a: {  	_ =	shalt  }
0x7b: {  	_ =	shalt  }
0x7c: {  	_ =	shalt  }
0x7d: {  	_ =	shalt  }
0x7e: {  	_ =	shalt  }
0x7f: {  	_ =	shalt  }
0x80: {  	_ =	shalt  }
0x81: {  	_ =	shalt  }
0x82: {  	_ =	shalt  }
0x83: {  	_ =	shalt  }
0x84: {  	_ =	shalt  }
0x85: {  	_ =	shalt  }
0x86: {  	_ =	shalt  }
0x87: {  	_ =	shalt  }
.Lfunc_end0:
.L_simem_size_0:
called_computation.1_lowered:
.L_overlay_start_0:
0x88: {  	s2 =	sld [smem:$0x3FD9]  }
0x89: {  	s3 =	sld [smem:$0x3FFE];
	_ =	sdelay $0x1  }
0x8a: {  	s1 =	srdreg.scid  }
0x8b: {  	s0 =	sand.u32 $0x1, s1  }
0x8c: {  	s17 =	sshll.u32 s0, $0xA;
	s2 =	sadd.s32 s3, s2  }
0x8d: {  	s2 =	sadd.s32 s2, s17  }
0x8e: {  	[smem:$0x3FC6] =	sst s2  }
0x8f: {  	_ = 	snop  }
0x90: {  	s2 =	sld [smem:$0x3FD0];
	(tm) =	ssettm $0x1  }
0x91: {  	s18 =	sld [smem:$0x3FFB];
	_ =	sdelay $0x3  }
0x92: {  	_ =	strace s18  }
0x93: {  	s3 =	sld [smem:$0x3FFC];
	_ =	sdelay $0x3  }
0x94: {  	_ =	strace s3  }
0x95: {  	s3 =	sld [smem:$0x3FFD];
	_ =	sdelay $0x3  }
0x96: {  	_ =	strace s3  }
0x97: {  	_ =	strace $0x8FFFFFFF  }
0x98: {  	s19 =	sld [smem:$0x3FDB];
	_ =	sdelay $0x1  }
0x99: {  	s4 =	simm.s32 $_scs_section_size  }
0x9a: {  	s5 =	simm.s32 $_size__tile_overlayer_lowered;
	s6 =	simm.s32 $_tile_overlayer_lowered  }
0x9b: {  	s22 =	simm.s32 $0x1BFF;
	s21 =	sshll.u32 s6, $0x1;
	s3 =	sadd.s32 s4, s19  }
0x9c: {  	s7 =	simm.s32 $0x0;
	s20 =	sshll.u32 s5, $0x1;
	s5 =	sadd.s32 s21, s3  }
0x9d: {  	[timem:s7], [sflag:s22] =	dma.local [hbm:s5], s20  }
0x9e: {  	_ =	swait.ge [sflag:s22], s20  }
0x9f: {  	s4 =	ssub.s32 $0x0, s20;
	[sflag:s22] =	ssyncset.done $0x0  }
0xa0: {  	[sflag:s22] =	ssyncadd.s32 s4;
	_ =	sdelay $0x1  }
0xa1: {  	s23 =	simm.s32 $0x1B8B  }
0xa2: {  	_ =	swait.ge [sflag:s23], $0x1  }
0xa3: {  	[sflag:s23] =	ssyncset.done $0x0  }
0xa4: {  	s25 =	simm.s32 $0x1B8E;
	s24 =	sld [smem:$0x3FFE];
	[sflag:s23] =	ssyncadd.s32 $0xFFFFFFFF  }
0xa5: {  	s26 =	simm.s32 $execute0_lowered;
	[smem:$0x3FD2] =	sst s25  }
0xa6: {  	s5 =	sshll.u32 s26, $0x1;
	_ =	strace $0x80000049;
	[dreg:$0x1] =	wrdreg $0xFFFFFFFF  }
0xa7: {  	s28 =	simm.s32 $_size_execute0_lowered;
	s3 =	sadd.s32 s3, s5;
	[dreg:$0x0] =	wrdreg $0x0  }
0xa8: {  	s5 =	sshll.u32 s28, $0x1;
	[dreg:$0x2] =	wrdreg s3  }
0xa9: {  	[dreg:$0x3] =	wrdreg s5  }
0xaa: {  	[dreg:$0x4] =	wrdreg $0xC0  }
0xab: {  	_ =	task [dreg:s7], $0x5FFFF  }
0xac: {  	[dreg:$0x1] =	wrdreg $0xFFFFFFFF  }
0xad: {  	[dreg:$0x0] =	wrdreg $0x60  }
0xae: {  	[dreg:$0x2] =	wrdreg s24  }
0xaf: {  	[dreg:$0x3] =	wrdreg s2  }
0xb0: {  	[dreg:$0x4] =	wrdreg $0x9  }
0xb1: {  	_ =	task.clear_ibuf [dreg:s7], $0x5FFFF;
	_ =	strace $0x90000049  }
0xb2: {  	s29 =	simm.s32 $0x9;
	_ =	strace $0x8000004B  }
0xb3: {  	_ =	swait.ge [sflag:s29], $0x1  }
0xb4: {  	[sflag:s29] =	ssyncadd.s32 $0xFFFFFFFF  }
0xb5: {  	_ =	strace $0x9000004B  }
0xb6: {  	_ =	sfence  }
0xb7: {  	s30 =	sld [smem:$0x0];
	_ =	sdelay $0x2  }
0xb8: {  	s31 =	sshll.u32 s1, $0xD;
	s1 =	sshrl.u32 s1, $0x2  }
0xb9: {  	s3 =	sand.u32 $0x4000, s31;
	s1 =	sadd.s32 s1, s30  }
0xba: {  	s0 =	sor.u32 s3, s0;
	s1 =	sshll.u32 s1, $0x11  }
0xbb: {  	s0 =	sor.u32 s1, s0  }
0xbc: {  	s0 =	sadd.s32 $0x8F2B, s0  }
0xbd: {  	[sflag:s0] =	ssyncadd.remote.s32 $0x1  }
0xbe: {  	_ =	sfence.sel $0xFFFF  }
0xbf: {  	[dreg:$0x0] =	wrdreg $0xFFFFFFFF;
	(pc) =	sbr.abs _section_cstart, $3  }
0xc0: {  	[dreg:$0x1] =	wrdreg $0xFFFFFFFF  }
0xc1: {  	_ =	task.clear_ibuf [dreg:s7], $0x2FFFF;
	_ =	strace $0x9FFFFFFF  }
0xc2: {  	(tm) =	ssettm $0x7FFFFFFF  }
0xc3: {  	_ =	shalt  }
tec
execute0_lowered:
.L_overlay_start_1:
0x0: {  	(tag) =	ssettag $0x1  }
0x1: {  	s9 =	rddreg [dreg:$0x0]  }
0x2: {  	s2 =	rddreg [dreg:$0x1]  }
0x3: {  	s0 =	rddreg [dreg:$0x2];
	s3 =	simm.s32 $0x0  }
0x4: {  	s4 =	srdreg.scid;
	s1 =	stileid.u32;
	s12 =	simm.s32 $0x4  }
0x5: {  	s13 =	simm.s32 $0x0;
	[smem:$0x7FF] =	sst s3;
	s4 =	sand.u32 $0x1, s4  }
0x6: {  	s5 =	sshll.u32 s1, $0x1;
	s6 =	sadd.s32 $0x3D1800, s9;
	p0 =	slt.u32 s1, $0x2  }
.Ltmp0:
0x7: {  	p1 =	sgt.u32 s1, $0x1;
	_ =	strace $0x8000004A;
	(pc) =	sbr.rel .LBB2_1-.Ltmp0, $4  }
0x8: {  	v0 =	vlaneseq.u32;
	s7 =	ssub.s32 $0x2, s4;
	s4 =	sor.u32 s4, s5;
	s5 =	sadd.s32 $0xE00, s9  }
0x9: {  	v0 =	vmul.u32 $0x88, v0;
	s9 =	sadd.s32 $0x7A2000, s9;
	s8 =	sshrl.u32 s7, $0x1;
	s10 =	sshll.u32 s4, $0x9  }
0xa: {  	p2 =	sne.s32 s4, $0x1F;
	s11 =	ssub.s32 s7, s8;
	s7 =	sadd.s32 s5, s10  }
0xb: {  	v1 =	vadd.s32 $0x880, v0;
	s8 =	sadd.s32 $0x4000, s7;
	s10 =	smax.u32 s11, $0x1;
	s11 =	simm.s32 $0x6  }
.LBB2_15:
0xc: {  	s14 =	simm.s32 @!p0 $0x5  }
0xd: {  	_ =	swait.ge @!p0 [sflag:s14], $0x1000  }
0xe: {  	[sflag:s14] =	ssyncset.done @!p0 $0x0  }
0xf: {  	[sflag:s14] =	ssyncadd.s32 @!p0 $0xFFFFF000  }
0x10: {  	_ =	swait.ge [sflag:s11], $0x1000  }
0x11: {  	[sflag:s11] =	ssyncset.done $0x0  }
0x12: {  	[sflag:s11] =	ssyncadd.s32 $0xFFFFF000  }
0x13: {  	_ =	swait.ge [sflag:s12], $0x1000  }
0x14: {  	[sflag:s12] =	ssyncset.done $0x0  }
0x15: {  	s14 =	simm.s32 @!p1 $0x5;
	[sflag:s12] =	ssyncadd.s32 $0xFFFFF000  }
0x16: {  	_ =	swait.ge @!p1 [sflag:s14], $0x1000  }
0x17: {  	s15 =	simm.s32 @!p2 $0x3300;
	[sflag:s14] =	ssyncset.done @!p1 $0x0  }
0x18: {  	s16 =	simm.s32 @!p2 $0x7;
	[sflag:s14] =	ssyncadd.s32 @!p1 $0xFFFFF000;
	s14 =	simm.s32 @!p2 $0x0  }
0x19: {  	[tilespmem:s15], [sflag:$0x7] =	stream.linear.gather @!p2 [hbm4b:s2+s14], $0x800, $0x38;
	[tilespmem:$0x6300] =	vst v63  }
0x1a: {  	s13 =	sadd.s32 $0x1, s13;
	_ =	swait.ge @!p2 [sflag:s16], $0x800  }
0x1b: {  	p3 =	sne.s32 s13, s10;
	[sflag:s16] =	ssyncset.done @!p2 $0x0  }
.Ltmp1:
0x1c: {  	[sflag:s16] =	ssyncadd.s32 @!p2 $0xFFFFF800;
	(pc) =	sbr.rel @!p3 .LBB2_16-.Ltmp1, $4  }
0x1d: {  	[hbm4b:s9+s14] =	stream.linear.scatter @!p2 [tilespmem:s15], [sflag:$0x7], $0x800, $0x38;
	[tilespmem:$0x6300] =	vst v63  }
0x1e: {  	_ =	swait.ge @!p2 [sflag:s16], $0x800  }
0x1f: {  	[sflag:s16] =	ssyncset.done @!p2 $0x0  }
0x20: {  	[sflag:s16] =	ssyncadd.s32 @!p2 $0xFFFFF800  }
.LBB2_1:
0x21: {  	s14 =	simm.s32 $0x10  }
0x22: {  	s17 =	sadd.s32 $0x0, s7;
	s15 =	simm.s32 $0x88;
	s16 =	simm.s32 $0x0  }
.LBB2_2:
0x23: {  	[tilespmem:s16], [sflag:$0x1] =	stream.linear.gather [hbm4b:s17+s3], $0x80, $0x38;
	[tilespmem:$0x6300] =	vst v63  }
0x24: {  	s17 =	smov.u32 s14;
	s16 =	smov.u32 s15;
	p3 =	sne.s32 s14, $0x1F0  }
.Ltmp2:
0x25: {  	s14 =	sadd.s32 $0x10, s14;
	(pc) =	sbr.rel @p3 .LBB2_2-.Ltmp2, $2  }
0x26: {  	_ =	sdelay $0x2  }
0x27: {  	s15 =	sadd.s32 $0x88, s15;
	s17 =	sadd.s32 s17, s7  }
0x28: {  	[tilespmem:s16], [sflag:$0x1] =	stream.linear.gather [hbm4b:s17+s3], $0x80, $0x38;
	[tilespmem:$0x6300] =	vst v63  }
0x29: {  	s14 =	simm.s32 $0x0;
	s15 =	simm.s32 $0x1100;
	s16 =	simm.s32 $0x0  }
.LBB2_4:
0x2a: {  	p3 =	sne.s32 s16, $0x1F0  }
.Ltmp3:
0x2b: {  	_ = 	snop;
	(pc) =	sbr.rel @p3 .LBB2_4-.Ltmp3, $4  }
0x2c: {  	_ = 	snop  }
0x2d: {  	s17 =	sadd.s32 s16, s8  }
0x2e: {  	[tilespmem:s15], [sflag:$0x2] =	stream.linear.gather [hbm4b:s17+s14], $0x80, $0x38;
	[tilespmem:$0x6300] =	vst v63  }
0x2f: {  	s16 =	sadd.s32 $0x10, s16;
	s15 =	sadd.s32 $0x88, s15  }
.Ltmp4:
0x30: {  	(pc) =	sbr.rel .LBB2_6-.Ltmp4, $2  }
0x31: {  	_ =	sdelay $0x2  }
0x32: {  	s15 =	simm.s32 $0x2200;
	s16 =	simm.s32 $0x2;
	s17 =	simm.s32 $0x3300  }
.LBB2_14:
0x33: {  	s14 =	sadd.s32 $0x1, s14  }
0x34: {  	p3 =	sne.s32 s14, $0xF5  }
.Ltmp5:
0x35: {  	_ = 	snop;
	(pc) =	sbr.rel @!p3 .LBB2_15-.Ltmp5, $2  }
0x36: {  	_ =	sdelay $0x2  }
0x37: {  	s15 =	sadd.s32 $0x1100, s15;
	s16 =	sadd.s32 $0x1, s16;
	s17 =	sadd.s32 $0x1000, s17  }
.LBB2_6:
0x38: {  	s19 =	sadd.s32 $0x2, s14  }
0x39: {  	s18 =	sshll.u32 s19, $0x5  }
0x3a: {  	s18 =	sor.u32 s4, s18  }
0x3b: {  	p3 =	sgt.u32 s18, $0x1E83  }
.Ltmp6:
0x3c: {  	_ = 	snop;
	(pc) =	sbr.rel @p3 .LBB2_10-.Ltmp6, $1  }
0x3d: {  	_ =	sdelay $0x3  }
0x3e: {  	s20 =	sand.u32 $0xFF, s19;
	s21 =	smulhi.u32 $0xAAAAAAAB, s16  }
0x3f: {  	s20 =	smul.u32 $0xAB, s20  }
0x40: {  	s21 =	sshrl.u32 s21, $0x1  }
0x41: {  	s20 =	sshrl.u32 s20, $0x9;
	s21 =	smul.u32 $0xFFFF3400, s21  }
0x42: {  	s20 =	smul.u32 $0x3, s20  }
0x43: {  	s22 =	sshll.u32 s18, $0x9  }
0x44: {  	s30 =	sshra.s32 s21, $0x2;
	s21 =	simm.s32 $0x10;
	s29 =	ssub.s32 s19, s20  }
0x45: {  	s19 =	sadd.s32 s30, s15;
	s20 =	sadd.s32 s5, s22;
	s31 =	sand.u32 $0xFF, s29  }
0x46: {  	s23 =	sadd.s32 $0x0, s20;
	s22 =	sadd.s32 $0x88, s19;
	s18 =	sadd.s32 $0x1, s31  }
.LBB2_8:
0x47: {  	[tilespmem:s19], [sflag:s18] =	stream.linear.gather [hbm4b:s23+s3], $0x80, $0x38;
	[tilespmem:$0x6300] =	vst v63  }
0x48: {  	s23 =	smov.u32 s21;
	s19 =	smov.u32 s22;
	p3 =	sne.s32 s21, $0x1F0  }
.Ltmp7:
0x49: {  	s21 =	sadd.s32 $0x10, s21;
	(pc) =	sbr.rel @p3 .LBB2_8-.Ltmp7, $2  }
0x4a: {  	_ =	sdelay $0x2  }
0x4b: {  	s22 =	sadd.s32 $0x88, s22;
	s23 =	sadd.s32 s23, s20  }
0x4c: {  	[tilespmem:s19], [sflag:s18] =	stream.linear.gather [hbm4b:s23+s3], $0x80, $0x38;
	[tilespmem:$0x6300] =	vst v63  }
.LBB2_10:
0x4d: {  	s18 =	sshll.u32 s14, $0x5  }
0x4e: {  	s18 =	sor.u32 s4, s18  }
0x4f: {  	p3 =	sgt.u32 s18, $0x1E83  }
.Ltmp8:
0x50: {  	_ = 	snop;
	(pc) =	sbr.rel @p3 .LBB2_14-.Ltmp8, $1  }
0x51: {  	_ =	sdelay $0x3  }
0x52: {  	s19 =	smul.u32 $0xAB, s14;
	_ =	sdelay $0x1  }
0x53: {  	s19 =	sshrl.u32 s19, $0x9  }
0x54: {  	s19 =	sand.u32 $0x7F, s19  }
0x55: {  	s19 =	smul.u32 $0x3, s19;
	_ =	sdelay $0x1  }
0x56: {  	s19 =	ssub.s32 s14, s19  }
0x57: {  	s20 =	simm.s32 $0x0;
	s19 =	sand.u32 $0xFF, s19  }
0x58: {  	s24 =	simm.s32 $0x3;
	v2 =	vmov s20;
	s21 =	sadd.s32 $0x1, s19  }
0x59: {  	v3 =	vmov s24;
	v2 =	vand.u32 $0x7C, v2;
	_ =	swait.ge [sflag:s21], $0x1000  }
0x5a: {  	p3 =	slt.u32 s14, $0x3;
	v3 =	vand.u32 $0x7F, v3;
	v4 =	vadd.s32 v0, v2;
	[sflag:s21] =	ssyncset.done $0x0  }
0x5b: {  	s25 =	simm.s32 $0x2;
	v5 =	vadd.s32 v0, v3;
	s20 =	sadd.s32 @!p3 $0x4, s19;
	[sflag:s21] =	ssyncadd.s32 $0xFFFFF000  }
0x5c: {  	s23 =	simm.s32 $0x1;
	v6 =	vmov s25;
	v3 =	vadd.s32 v1, v3;
	s22 =	smul.u32 $0x4400, s19;
	_ =	swait.ge @!p3 [sflag:s20], $0x1000  }
0x5d: {  	v7 =	vmov s23;
	v6 =	vand.u32 $0x7E, v6;
	v2 =	vadd.s32 v1, v2;
	[sflag:s20] =	ssyncset.done @!p3 $0x0  }
0x5e: {  	s26 =	smulhi.u32 $0xAAAAAAAB, s14;
	v7 =	vand.u32 $0x7D, v7;
	v8 =	vadd.s32 v1, v6;
	[sflag:s20] =	ssyncadd.s32 @!p3 $0xFFFFF000;
	s20 =	sshrl.u32 s22, $0x2  }
0x5f: {  	s28 =	simm.s32 $0x4;
	v9 =	vadd.s32 v1, v7;
	v10 =	vld.idx.msk [tilespmem:v4+s20+$0x0], $0xffff  }
0x60: {  	s30 =	simm.s32 $0x7;
	v7 =	vadd.s32 v0, v7;
	s21 =	sshrl.u32 s26, $0x1;
	v4 =	vmov s28;
	v14 =	vld.idx.msk [tilespmem:v5+s20+$0x0], $0xffff  }
0x61: {  	v11 =	vadd.s32 v0, v6;
	s21 =	smul.u32 $0xFFFF4000, s21;
	v12 =	vand.u32 $0x7C, v4;
	v4 =	vld.idx.msk [tilespmem:v3+s20+$0x0], $0xffff;
	v3 =	vmov s30  }
0x62: {  	v15 =	vld.idx.msk [tilespmem:v2+s20+$0x0], $0xffff;
	v16 =	vadd.s32 v0, v12;
	v3 =	vand.u32 $0x7F, v3  }
0x63: {  	s29 =	simm.s32 $0x6;
	s21 =	sshra.s32 s21, $0x2;
	v5 =	vld.idx.msk [tilespmem:v8+s20+$0x0], $0xffff;
	v13 =	vadd.s32 v0, v3  }
0x64: {  	s24 =	simm.s32 $0x5;
	v2 =	vmov s29;
	s22 =	sadd.s32 s21, s17;
	v6 =	vld.idx.msk [tilespmem:v9+s20+$0x0], $0xffff;
	v12 =	vadd.s32 v1, v12  }
0x65: {  	v8 =	vmov s24;
	v9 =	vld.idx.msk [tilespmem:v7+s20+$0x0], $0xffff;
	v17 =	vand.u32 $0x7E, v2;
	[tilespmem:s22+$0x0] =	vst v10;
	v10 =	vadd.s32 v1, v3  }
0x66: {  	s25 =	simm.s32 $0x8;
	s31 =	sshll.u32 s19, $0xC;
	v18 =	vand.u32 $0x7D, v8;
	v8 =	vld.idx.msk [tilespmem:v11+s20+$0x0], $0xffff;
	v2 =	vadd.s32 v0, v17;
	[tilespmem:s22+$0x60] =	vst v14;
	v14 =	vadd.s32 v1, v17  }
0x67: {  	s21 =	sadd.s32 $0x3300, s31;
	s24 =	simm.s32 $0x8;
	s23 =	sadd.s32 $0x80, s22;
	v7 =	vadd.s32 v1, v18;
	v3 =	vadd.s32 v0, v18;
	[tilespmem:s22+$0x10] =	vst v15;
	v11 =	vld.idx.msk [tilespmem:v16+s20+$0x0], $0xffff  }
.LBB2_12:
0x68: {  	v15 =	vmov s25;
	s26 =	sadd.s32 $0x2, s25;
	s28 =	sadd.s32 $0x3, s25;
	s24 =	sadd.s32 $0x8, s24;
	v16 =	vld.idx.msk [tilespmem:v13+s20+$0x0], $0xffff;
	[tilespmem:s22+$0x70] =	vst v4  }
0x69: {  	s29 =	sadd.s32 $0x1, s25;
	v15 =	vand.u32 $0x7C, v15;
	v4 =	vmov s26;
	v13 =	vmov s28;
	p3 =	slt.u32 s24, $0xF8;
	v17 =	vld.idx.msk [tilespmem:v12+s20+$0x0], $0xffff;
	[tilespmem:s22+$0x50] =	vst v5  }
0x6a: {  	v18 =	vadd.s32 v0, v15;
	v19 =	vand.u32 $0x7E, v4;
	v20 =	vand.u32 $0x7F, v13;
	v4 =	vld.idx.msk [tilespmem:v10+s20+$0x0], $0xffff;
	[tilespmem:s22+$0x30] =	vst v6  }
.Ltmp9:
0x6b: {  	v6 =	vmov s29;
	v21 =	vadd.s32 v0, v19;
	v13 =	vadd.s32 v0, v20;
	v5 =	vld.idx.msk [tilespmem:v14+s20+$0x0], $0xffff;
	[tilespmem:s22+$0x40] =	vst v8;
	(pc) =	sbr.rel @p3 .LBB2_12-.Ltmp9, $4  }
0x6c: {  	v12 =	vadd.s32 v1, v15;
	v8 =	vand.u32 $0x7D, v6;
	v10 =	vadd.s32 v1, v20;
	v6 =	vld.idx.msk [tilespmem:v7+s20+$0x0], $0xffff;
	[tilespmem:s22+$0x20] =	vst v9;
	s22 =	smov.u32 s23  }
0x6d: {  	v15 =	vadd.s32 v0, v8;
	v7 =	vadd.s32 v1, v8;
	[tilespmem:s23+$0x0] =	vst v11;
	v8 =	vld.idx.msk [tilespmem:v2+s20+$0x0], $0xffff;
	v2 =	vmov v21  }
0x6e: {  	v14 =	vadd.s32 v1, v19;
	v9 =	vld.idx.msk [tilespmem:v3+s20+$0x0], $0xffff;
	[tilespmem:s23+$0x60] =	vst v16;
	v3 =	vmov v15  }
0x6f: {  	s25 =	sadd.s32 $0x4, s25;
	s23 =	sadd.s32 $0x80, s23;
	v11 =	vld.idx.msk [tilespmem:v18+s20+$0x0], $0xffff;
	[tilespmem:s22+$0x10] =	vst v17  }
0x70: {  	_ =	sdelay $0x2  }
0x71: {  	[tilespmem:s22+$0x70] =	vst v4  }
0x72: {  	v60 =	vld.idx.msk [tilespmem:v13+s20+$0x0], $0xffff;
	[tilespmem:s22+$0x50] =	vst v5  }
0x73: {  	v61 =	vld.idx.msk [tilespmem:v12+s20+$0x0], $0xffff;
	[tilespmem:s22+$0x30] =	vst v6  }
0x74: {  	v62 =	vld.idx.msk [tilespmem:v10+s20+$0x0], $0xffff;
	[tilespmem:s22+$0x40] =	vst v8  }
0x75: {  	v63 =	vld.idx.msk [tilespmem:v14+s20+$0x0], $0xffff;
	[tilespmem:s22+$0x20] =	vst v9  }
0x76: {  	v7 =	vld.idx.msk [tilespmem:v7+s20+$0x0], $0xffff;
	[tilespmem:s23+$0x0] =	vst v11  }
0x77: {  	v2 =	vld.idx.msk [tilespmem:v2+s20+$0x0], $0xffff;
	[tilespmem:s23+$0x60] =	vst v60  }
0x78: {  	v3 =	vld.idx.msk [tilespmem:v3+s20+$0x0], $0xffff;
	[tilespmem:s23+$0x10] =	vst v61  }
0x79: {  	[tilespmem:s23+$0x70] =	vst v62  }
.Ltmp10:
0x7a: {  	[tilespmem:s23+$0x50] =	vst v63;
	(pc) =	sbr.rel .LBB2_14-.Ltmp10, $4  }
0x7b: {  	[tilespmem:s23+$0x30] =	vst v7  }
0x7c: {  	s18 =	sshll.u32 s18, $0x9;
	[tilespmem:s23+$0x40] =	vst v2  }
0x7d: {  	s19 =	sadd.s32 $0x4, s19;
	s18 =	sadd.s32 s6, s18;
	[tilespmem:s23+$0x20] =	vst v3  }
0x7e: {  	[hbm4b:s18+s3] =	stream.linear.scatter [tilespmem:s21], [sflag:s19], $0x1000, $0x38;
	[tilespmem:$0x6300] =	vst v63  }
.LBB2_16:
0x7f: {  	_ =	sfence.sel $0x180000  }
0x80: {  	[bflag:$0x0] =	sbarrier.arrive $0xFFFF  }
0x81: {  	p0 =	sne.s32 s1, $0x0;
	_ =	strace $0x9000004A  }
0x82: {  	s0 =	sadd.s32 @!p0 $0x100000, s0;
	[bflag:$0x2] =	sbarrier.arrive $0xFFFF  }
0x83: {  	[sflag:s0] =	ssyncadd.tile.s32 @!p0 $0x1;
	_ =	shalt  }
.Lfunc_end2:
_tile_overlayer_lowered:
.L_overlay_start_2:
0x84: {  	(tag) =	ssettag $0x2  }
0x85: {  	s0 =	rddreg [dreg:$0x0];
	s2 =	stileid.u32  }
0x86: {  	s1 =	rddreg [dreg:$0x1];
	p0 =	sne.s32 s2, $0x0  }
0x87: {  	s3 =	rddreg [dreg:$0x2];
	[bflag:$0x3] =	sbarrier.arrive $0xFFFF;
	s2 =	simm.s32 @!p0 $0x1C07  }
0x88: {  	[timem:s3], [sflag:s2] =	dma.local @!p0 [hbm:s0], s1  }
0x89: {  	s0 =	simm.s32 @!p0 $0x7  }
0x8a: {  	_ =	swait.ge @!p0 [sflag:s0], s1  }
0x8b: {  	s1 =	ssub.s32 @!p0 $0x0, s1;
	[sflag:s0] =	ssyncset.done @!p0 $0x0  }
0x8c: {  	[sflag:s0] =	ssyncadd.s32 @!p0 s1  }
0x8d: {  	[bflag:$0x3] =	sbarrier.arrive $0xFFFF  }
0x8e: {  	_ =	shalt  }

</sc_bundles>
